<compile_context>
chip_gen: v7x
topology: tpu7x:2x2x1
jax: 0.10.2.dev20260603
libtpu: 0.0.44.dev20260713+nightly
codegen_flags: <defaults>
</compile_context>

<pallas_src>
import dataclasses
import functools

import jax
import jax.numpy as jnp
from jax import lax
from jax.experimental import pallas as pl
from jax.experimental.pallas import tpu as pltpu
from jax.experimental.pallas import tpu_sc as plsc

_LAM = 0.75
_GAMMA = 1.5
_NEG_WEIGHT = 300.0
_L2_REG_WEIGHT = 1e-4

_NC = 2
_NS = 16
_NW = _NC * _NS
_CH = 128


def _sc_gather(emb_table, beta_uD, beta_iD, cat_pad, src, pos, neg_t, topk):
    b = src.shape[0]
    nneg_total = neg_t.shape[0]
    nii_total = b * topk
    d = emb_table.shape[1]

    b_w = b // _NW
    neg_w = nneg_total // _NW
    ii_w = nii_total // _NW
    ch = _CH if neg_w % _CH == 0 else 80
    assert b_w <= _CH and neg_w % ch == 0 and ii_w % ch == 0
    assert (neg_w // ch) % 2 == 0 and (ii_w // ch) % 2 == 0

    mesh = plsc.VectorSubcoreMesh(core_axis_name="c", subcore_axis_name="s")
    f32 = jnp.float32
    DMA = pltpu.SemaphoreType.DMA
    cp = pltpu.CompilerParams()
    if "needs_layout_passes" in pltpu.CompilerParams.__dataclass_fields__:
        cp = dataclasses.replace(cp, needs_layout_passes=False)

    @functools.partial(
        pl.kernel,
        compiler_params=cp,
        out_type=[
            jax.ShapeDtypeStruct((b, d), f32),
            jax.ShapeDtypeStruct((b, d), f32),
            jax.ShapeDtypeStruct((nneg_total, d), f32),
            jax.ShapeDtypeStruct((nii_total, d), f32),
            jax.ShapeDtypeStruct((b, d), jnp.int32),
            jax.ShapeDtypeStruct((b,), f32),
            jax.ShapeDtypeStruct((b,), f32),
            jax.ShapeDtypeStruct((nneg_total,), f32),
        ],
        mesh=mesh,
        scratch_types=[
            pltpu.VMEM((_CH,), jnp.int32),
            pltpu.VMEM((_CH,), jnp.int32),
            pltpu.VMEM((_CH, 128), f32),
            pltpu.VMEM((_CH, 128), f32),
            pltpu.VMEM((_CH,), f32),
            pltpu.VMEM((_CH,), f32),
            pltpu.VMEM((ii_w,), jnp.int32),
            pltpu.VMEM((_CH, 128), jnp.int32),
            DMA, DMA,
            DMA, DMA,
            DMA, DMA,
            DMA, DMA,
        ],
    )
    def gather_kernel(emb_h, bu_h, bi_h, cat_h, src_h, pos_h, negt_h,
                      osrc_h, opos_h, oneg_h, oii_h, ocat_h,
                      obu_h, obip_h, obin_h,
                      idx0, idx1, rows0, rows1, val0, val1, nbr_v, cat_v,
                      g0, g1, v0, v1, w0, w1, x0, x1):
        wid = lax.axis_index("s") * _NC + lax.axis_index("c")
        idx = (idx0, idx1)
        rows = (rows0, rows1)
        val = (val0, val1)
        gsem = (g0, g1)
        vsem = (v0, v1)
        wsem = (w0, w1)
        xsem = (x0, x1)

        def run_job(nchunks, start, finish):
            if nchunks == 2:
                start(0, 0, False)
                start(1, 1, False)
                finish(0, 0)
                finish(1, 1)
            else:
                start(0, 0, False)
                start(1, 1, False)

                @pl.loop(0, nchunks // 2)
                def _(g):
                    for s in range(2):
                        c = 2 * g + s
                        finish(s, c)

                        @pl.when(c + 2 < nchunks)
                        def _():
                            start(s, c + 2, True)

        def drain(sems_and_waits):
            for sem, src_ref, dst_ref in sems_and_waits:
                pltpu.make_async_copy(src_ref, dst_ref, sem).wait()

        abase = wid * b_w

        idxw = [r.at[pl.ds(0, b_w)] for r in idx]
        rowsw = [r.at[pl.ds(0, b_w)] for r in rows]
        valw = [r.at[pl.ds(0, b_w)] for r in val]

        def a_start(s, c, wait_reuse):
            idx_h = src_h if c == 0 else pos_h
            beta_h = bu_h if c == 0 else bi_h
            pltpu.sync_copy(idx_h.at[pl.ds(abase, b_w)], idxw[s])
            pltpu.make_async_copy(emb_h.at[idxw[s]], rowsw[s], gsem[s]).start()
            pltpu.make_async_copy(beta_h.at[idxw[s]], valw[s], vsem[s]).start()

        def a_finish(s, c):
            orow_h = osrc_h if c == 0 else opos_h
            oval_h = obu_h if c == 0 else obip_h
            beta_h = bu_h if c == 0 else bi_h
            pltpu.make_async_copy(emb_h.at[idxw[s]], rowsw[s], gsem[s]).wait()
            pltpu.make_async_copy(rowsw[s], orow_h.at[pl.ds(abase, b_w)],
                                  wsem[s]).start()
            pltpu.make_async_copy(beta_h.at[idxw[s]], valw[s], vsem[s]).wait()
            pltpu.make_async_copy(valw[s], oval_h.at[pl.ds(abase, b_w)],
                                  xsem[s]).start()

        run_job(2, a_start, a_finish)
        drain([(wsem[0], rowsw[0], osrc_h.at[pl.ds(abase, b_w)]),
               (wsem[1], rowsw[1], opos_h.at[pl.ds(abase, b_w)]),
               (xsem[0], valw[0], obu_h.at[pl.ds(abase, b_w)]),
               (xsem[1], valw[1], obip_h.at[pl.ds(abase, b_w)])])

        idxc = [r.at[pl.ds(0, ch)] for r in idx]
        rowsc = [r.at[pl.ds(0, ch)] for r in rows]
        valc = [r.at[pl.ds(0, ch)] for r in val]

        def b_start(s, c, wait_reuse):
            nbase = wid * neg_w + c * ch
            if wait_reuse:
                pltpu.make_async_copy(rowsc[s], oneg_h.at[pl.ds(0, ch)],
                                      wsem[s]).wait()
                pltpu.make_async_copy(valc[s], obin_h.at[pl.ds(0, ch)],
                                      xsem[s]).wait()
            pltpu.sync_copy(negt_h.at[pl.ds(nbase, ch)], idxc[s])
            pltpu.make_async_copy(emb_h.at[idxc[s]], rowsc[s], gsem[s]).start()
            pltpu.make_async_copy(bi_h.at[idxc[s]], valc[s], vsem[s]).start()

        def b_finish(s, c):
            nbase = wid * neg_w + c * ch
            pltpu.make_async_copy(emb_h.at[idxc[s]], rowsc[s], gsem[s]).wait()
            pltpu.make_async_copy(rowsc[s], oneg_h.at[pl.ds(nbase, ch)],
                                  wsem[s]).start()
            pltpu.make_async_copy(bi_h.at[idxc[s]], valc[s], vsem[s]).wait()
            pltpu.make_async_copy(valc[s], obin_h.at[pl.ds(nbase, ch)],
                                  xsem[s]).start()

        run_job(neg_w // ch, b_start, b_finish)
        drain([(wsem[0], rowsc[0], oneg_h.at[pl.ds(0, ch)]),
               (wsem[1], rowsc[1], oneg_h.at[pl.ds(0, ch)]),
               (xsem[0], valc[0], obin_h.at[pl.ds(0, ch)]),
               (xsem[1], valc[1], obin_h.at[pl.ds(0, ch)])])

        catw = cat_v.at[pl.ds(0, b_w)]
        pltpu.sync_copy(pos_h.at[pl.ds(abase, b_w)], idxw[0])
        pltpu.sync_copy(cat_h.at[idxw[0]], catw)
        pltpu.make_async_copy(catw, ocat_h.at[pl.ds(abase, b_w)],
                              xsem[0]).start()
        it16 = lax.iota(jnp.int32, 16)

        @pl.loop(0, ii_w // 16)
        def _ext(t):
            jj = t * 16 + it16
            row = jj // topk
            lane = jj % topk
            nbr_v[pl.ds(t * 16, 16)] = plsc.load_gather(cat_v, [row, lane])

        pltpu.make_async_copy(catw, ocat_h.at[pl.ds(abase, b_w)],
                              xsem[0]).wait()

        def d_start(s, c, wait_reuse):
            if wait_reuse:
                pltpu.make_async_copy(rowsc[s], oii_h.at[pl.ds(0, ch)],
                                      wsem[s]).wait()
            pltpu.make_async_copy(emb_h.at[nbr_v.at[pl.ds(c * ch, ch)]],
                                  rowsc[s], gsem[s]).start()

        def d_finish(s, c):
            ibase = wid * ii_w + c * ch
            pltpu.make_async_copy(emb_h.at[nbr_v.at[pl.ds(c * ch, ch)]],
                                  rowsc[s], gsem[s]).wait()
            pltpu.make_async_copy(rowsc[s], oii_h.at[pl.ds(ibase, ch)],
                                  wsem[s]).start()

        run_job(ii_w // ch, d_start, d_finish)
        drain([(wsem[0], rowsc[0], oii_h.at[pl.ds(0, ch)]),
               (wsem[1], rowsc[1], oii_h.at[pl.ds(0, ch)])])

    return gather_kernel(emb_table, beta_uD, beta_iD, cat_pad,
                         src, pos, neg_t)


def _loss_block(src_ref, pos_ref, neg_ref, ii_ref, bu_ref, bip_ref,
                bin_ref, ocat_ref, bdn_ref, bdi_ref, one_ref, out_ref,
                *, total_b):
    b = pl.program_id(0)
    bb = src_ref.shape[1]
    d = src_ref.shape[2]
    nneg = neg_ref.shape[2] // d
    topk = ii_ref.shape[2] // d

    src = src_ref[0]
    pos = pos_ref[0]
    neg = neg_ref[0]
    ii = ii_ref[0]
    bdn = bdn_ref[...]
    bdi = bdi_ref[...]
    one = one_ref[...]

    src_n = jnp.concatenate([src] * nneg, axis=1)
    src_k = jnp.concatenate([src] * topk, axis=1)
    p_neg = src_n * neg
    p_ii = src_k * ii
    p_pos = src * pos
    neg_score = jnp.dot(p_neg, bdn)
    ii_score = jnp.dot(p_ii, bdi)
    pos_score = jnp.dot(p_pos, one)

    sq_neg = neg * neg
    sq_ii = ii * ii
    sq_sp = src * src + pos * pos
    l2n = jnp.dot(sq_neg, bdn)
    l2i = jnp.dot(sq_ii, bdi)
    l2sp = jnp.dot(sq_sp, one)

    bu = bu_ref[pl.ds(b, 1), :].reshape(bb, 1)
    bip = bip_ref[pl.ds(b, 1), :].reshape(bb, 1)
    bin_ = bin_ref[0]
    iisc = jax.lax.bitcast_convert_type(
        ocat_ref[0][:, topk:2 * topk], jnp.float32)

    def bce(x, target):
        return (jnp.maximum(x, 0.0) - x * target
                + jnp.log1p(jnp.exp(-jnp.abs(x))))

    pos_coe = 1.0 + _LAM * bu * bip
    neg_coe = 1.0 + _LAM * bu * bin_
    s_pos = jnp.sum(bce(pos_score, 1.0) * pos_coe)
    s_neg = jnp.sum(bce(neg_score, 0.0) * neg_coe)

    log_sig = jnp.minimum(ii_score, 0.0) - jnp.log1p(jnp.exp(-jnp.abs(ii_score)))
    s_i = jnp.sum(iisc * log_sig)

    s_l2 = jnp.sum(l2n) + jnp.sum(l2i) + jnp.sum(l2sp)

    n_pos = total_b
    n_neg = nneg * n_pos
    contrib = (s_pos / n_pos
               + (_NEG_WEIGHT / n_neg) * s_neg
               - _GAMMA * s_i
               + (0.5 * _L2_REG_WEIGHT) * s_l2)

    @pl.when(b == 0)
    def _():
        out_ref[0, 0] = 0.0
    out_ref[0, 0] += contrib


def _tc_loss(src_rows, pos_rows, neg_rows, ii_rows, ocat, bu, bip, bin_,
             topk, total_b):
    b, d = src_rows.shape
    nneg = neg_rows.shape[0] // b
    bb = 128
    nblk = b // bb

    src3 = src_rows.reshape(nblk, bb, d)
    pos3 = pos_rows.reshape(nblk, bb, d)
    neg4 = neg_rows.reshape(nblk, bb, nneg * d)
    ii4 = ii_rows.reshape(nblk, bb, topk * d)
    ocat3 = ocat.reshape(nblk, bb, d)
    bu2 = bu.reshape(nblk, bb)
    bip2 = bip.reshape(nblk, bb)
    bin2 = bin_.reshape(nblk, bb, nneg)

    def _bd(n):
        return (jax.lax.broadcasted_iota(jnp.int32, (n * d, n), 0) // d
                == jax.lax.broadcasted_iota(jnp.int32, (n * d, n), 1)
                ).astype(jnp.float32)

    bdn = _bd(nneg)
    bdi = _bd(topk)
    one = jnp.ones((d, 1), jnp.float32)

    out = pl.pallas_call(
        functools.partial(_loss_block, total_b=total_b),
        grid=(nblk,),
        in_specs=[
            pl.BlockSpec((1, bb, d), lambda i: (i, 0, 0)),
            pl.BlockSpec((1, bb, d), lambda i: (i, 0, 0)),
            pl.BlockSpec((1, bb, nneg * d), lambda i: (i, 0, 0)),
            pl.BlockSpec((1, bb, topk * d), lambda i: (i, 0, 0)),
            pl.BlockSpec((nblk, bb), lambda i: (0, 0)),
            pl.BlockSpec((nblk, bb), lambda i: (0, 0)),
            pl.BlockSpec((1, bb, nneg), lambda i: (i, 0, 0)),
            pl.BlockSpec((1, bb, d), lambda i: (i, 0, 0)),
            pl.BlockSpec((nneg * d, nneg), lambda i: (0, 0)),
            pl.BlockSpec((topk * d, topk), lambda i: (0, 0)),
            pl.BlockSpec((d, 1), lambda i: (0, 0)),
        ],
        out_specs=pl.BlockSpec((1, 1), lambda i: (0, 0),
                               memory_space=pltpu.SMEM),
        out_shape=jax.ShapeDtypeStruct((1, 1), jnp.float32),
    )(src3, pos3, neg4, ii4, bu2, bip2, bin2, ocat3, bdn, bdi, one)
    return out[0, 0]


def kernel(emb_table, beta_uD, beta_iD, ii_topk_similarity_scores,
           src, pos, neg, ii_topk_neighbors):
    b, nneg = neg.shape
    topk = ii_topk_neighbors.shape[1]

    d = emb_table.shape[1]

    neg_t = neg.reshape(-1).astype(jnp.int32)

    cat_pad = jnp.pad(
        jnp.concatenate(
            [ii_topk_neighbors.astype(jnp.int32),
             jax.lax.bitcast_convert_type(ii_topk_similarity_scores,
                                          jnp.int32)], axis=1),
        ((0, 0), (0, d - 2 * topk)))

    nslice = 4
    bs = b // nslice
    src_i = src.astype(jnp.int32)
    pos_i = pos.astype(jnp.int32)
    loss = jnp.float32(0.0)
    for si in range(nslice):
        sl = slice(si * bs, (si + 1) * bs)
        outs = _sc_gather(
            emb_table, beta_uD, beta_iD, cat_pad,
            src_i[sl], pos_i[sl], neg_t[si * bs * nneg:(si + 1) * bs * nneg],
            topk)
        loss = loss + _tc_loss(*outs, topk, b)
    return loss

# --- scband reference (transcript-rebuilt; emitter-appended) ---
"""Pipeline reference for scband-ultra-gcn-54674933678412 (READ-ONLY COPY).

The authoritative reference and input builder live on the scoring server;
editing this copy changes nothing except your own understanding.
"""

import jax, jax.numpy as jnp
import numpy as np

NUM_NODES = 100000
EMB_DIM = 128
B = 4096
NNEG = 50
TOPK = 10
LAM = 0.75
GAMMA = 1.5
NEG_WEIGHT = 300.0
L2_REG_WEIGHT = 1e-4


def _bce_with_logits_mean(logits, targets, weight):
    # numerically stable BCE-with-logits, elementwise weight, mean reduction
    loss = jnp.maximum(logits, 0.0) - logits * targets + jnp.log1p(jnp.exp(-jnp.abs(logits)))
    loss = loss * weight
    return jnp.mean(loss)


def setup_inputs(seed: int = 0) -> dict:
    key = jax.random.key(seed)
    ks = jax.random.split(key, 8)
    src = jax.random.randint(ks[0], (B,), 0, NUM_NODES)
    pos = jax.random.randint(ks[1], (B,), 0, NUM_NODES)
    neg = jax.random.randint(ks[2], (B, NNEG), 0, NUM_NODES)
    emb_table = jax.random.normal(ks[3], (NUM_NODES, EMB_DIM), dtype=jnp.float32) * 0.1
    beta_uD = jax.random.uniform(ks[4], (NUM_NODES,), dtype=jnp.float32)
    beta_iD = jax.random.uniform(ks[5], (NUM_NODES,), dtype=jnp.float32)
    ii_topk_neighbors = jax.random.randint(ks[6], (NUM_NODES, TOPK), 0, NUM_NODES)
    ii_topk_similarity_scores = jax.random.uniform(ks[7], (NUM_NODES, TOPK), dtype=jnp.float32)
    return {
        "emb_table": emb_table,
        "beta_uD": beta_uD,
        "beta_iD": beta_iD,
        "ii_topk_similarity_scores": ii_topk_similarity_scores,
        "src": src,
        "pos": pos,
        "neg": neg,
        "ii_topk_neighbors": ii_topk_neighbors,
    }


def reference(emb_table, beta_uD, beta_iD, ii_topk_similarity_scores, src, pos, neg, ii_topk_neighbors):
    # x = emb_table(arange(num_nodes)) -- full-table gather as in the torch code
    all_idx = jnp.arange(NUM_NODES)
    x = jnp.take(emb_table, all_idx, axis=0)

    src_emb = x[src]                      # [B, d]
    pos_emb = x[pos]                      # [B, d]
    neg_emb = x[neg]                      # [B, NNEG, d]

    pos_score = jnp.sum(src_emb * pos_emb, axis=-1)                    # [B]
    neg_score = jnp.sum(src_emb[:, None, :] * neg_emb, axis=-1)        # [B, NNEG]

    # lambda > 0 branch
    beta_pos = beta_uD[src] * beta_iD[pos]                              # [B]
    beta_neg = beta_uD[src][:, None] * beta_iD[neg]                     # [B, NNEG]
    pos_coe = 1.0 + LAM * beta_pos
    neg_coe = 1.0 + LAM * beta_neg

    pos_loss = _bce_with_logits_mean(pos_score, jnp.ones_like(pos_score), pos_coe)
    neg_loss = _bce_with_logits_mean(neg_score, jnp.zeros_like(neg_score), neg_coe)
    # torch: scalar.mean(dim=-1) is a no-op on the 0-dim mean-reduced loss
    loss_C_O = jnp.sum(pos_loss + NEG_WEIGHT * neg_loss)
    loss = loss_C_O

    # gamma > 0 branch
    ii_neighbors = ii_topk_neighbors[pos]                               # [B, TOPK]
    ii_scores = ii_topk_similarity_scores[pos]                          # [B, TOPK]
    ii_emb = x[ii_neighbors]                                            # [B, TOPK, d]
    pos_ii_score = jnp.sum(src_emb[:, None, :] * ii_emb, axis=-1)       # [B, TOPK]
    log_sig = jax.nn.log_sigmoid(pos_ii_score)
    loss_I = -jnp.sum(ii_scores * log_sig)
    loss = loss + GAMMA * loss_I

    # l2_reg_weight > 0 branch
    L2_reg_loss = 0.5 * (jnp.sum(src_emb ** 2) + jnp.sum(pos_emb ** 2) + jnp.sum(neg_emb ** 2))
    L2_reg_loss = L2_reg_loss + 0.5 * jnp.sum(ii_emb ** 2)
    loss = loss + L2_REG_WEIGHT * L2_reg_loss

    return loss

if __name__ == "__main__":
    import jax
    _d = setup_inputs()
    print(jax.jit(kernel)(*tuple(_d.values())))

</pallas_src>

<mosaic_0001>
#map = affine_map<(d0, d1) -> (0, 0)>
#map1 = affine_map<(d0, d1) -> (0)>
module attributes {stable_mosaic.version = 14 : i64} {
  func.func @gather_kernel(%arg0: i32, %arg1: i32, %arg2: memref<100000x128xf32, #tpu.memory_space<hbm>>, %arg3: memref<100000xf32, #tpu.memory_space<hbm>>, %arg4: memref<100000xf32, #tpu.memory_space<hbm>>, %arg5: memref<100000x128xi32, #tpu.memory_space<hbm>>, %arg6: memref<1024xi32, #tpu.memory_space<hbm>>, %arg7: memref<1024xi32, #tpu.memory_space<hbm>>, %arg8: memref<51200xi32, #tpu.memory_space<hbm>>, %arg9: memref<1024x128xf32, #tpu.memory_space<hbm>>, %arg10: memref<1024x128xf32, #tpu.memory_space<hbm>>, %arg11: memref<51200x128xf32, #tpu.memory_space<hbm>>, %arg12: memref<10240x128xf32, #tpu.memory_space<hbm>>, %arg13: memref<1024x128xi32, #tpu.memory_space<hbm>>, %arg14: memref<1024xf32, #tpu.memory_space<hbm>>, %arg15: memref<1024xf32, #tpu.memory_space<hbm>>, %arg16: memref<51200xf32, #tpu.memory_space<hbm>>, %arg17: memref<128xi32, #tpu.memory_space<vmem>>, %arg18: memref<128xi32, #tpu.memory_space<vmem>>, %arg19: memref<128x128xf32, #tpu.memory_space<vmem>>, %arg20: memref<128x128xf32, #tpu.memory_space<vmem>>, %arg21: memref<128xf32, #tpu.memory_space<vmem>>, %arg22: memref<128xf32, #tpu.memory_space<vmem>>, %arg23: memref<320xi32, #tpu.memory_space<vmem>>, %arg24: memref<128x128xi32, #tpu.memory_space<vmem>>, %arg25: memref<!tpu.dma_semaphore, #tpu.memory_space<semaphore_mem>>, %arg26: memref<!tpu.dma_semaphore, #tpu.memory_space<semaphore_mem>>, %arg27: memref<!tpu.dma_semaphore, #tpu.memory_space<semaphore_mem>>, %arg28: memref<!tpu.dma_semaphore, #tpu.memory_space<semaphore_mem>>, %arg29: memref<!tpu.dma_semaphore, #tpu.memory_space<semaphore_mem>>, %arg30: memref<!tpu.dma_semaphore, #tpu.memory_space<semaphore_mem>>, %arg31: memref<!tpu.dma_semaphore, #tpu.memory_space<semaphore_mem>>, %arg32: memref<!tpu.dma_semaphore, #tpu.memory_space<semaphore_mem>>) attributes {dimension_semantics = [#tpu.dimension_semantics<core_parallel>, #tpu.dimension_semantics<subcore_parallel>], iteration_bounds = array<i64: 2, 16>, scalar_prefetch = 0 : i64, scratch_operands = 16 : i64, tpu.core_type = #tpu.core_type<sc_vector_subcore>, window_params = [{transform_indices = #map}, {transform_indices = #map1}, {transform_indices = #map1}, {transform_indices = #map}, {transform_indices = #map1}, {transform_indices = #map1}, {transform_indices = #map1}, {transform_indices = #map}, {transform_indices = #map}, {transform_indices = #map}, {transform_indices = #map}, {transform_indices = #map}, {transform_indices = #map1}, {transform_indices = #map1}, {transform_indices = #map1}]} {
    %mul3A = arith.constant 2 : i32
    %mul3A_0 = arith.muli %arg1, %mul3A : i32
    %add3A = arith.addi %mul3A_0, %arg0 : i32
    %mul3A_1 = arith.constant 32 : i32
    %mul3A_2 = arith.muli %add3A, %mul3A_1 : i32
    "tpu.region"() ({
      %run_scoped3A = tpu.sem_alloc : memref<!tpu.dma_semaphore, #tpu.memory_space<semaphore_mem>>
      %dma_start3A_271 = arith.constant 0 : i32
      %dma_start3A_272 = tpu.memref_slice %arg17[%dma_start3A_271] : memref<128xi32, #tpu.memory_space<vmem>> -> memref<32xi32, #tpu.memory_space<vmem>>
      %dma_start3A_273 = tpu.memref_slice %arg6[%mul3A_2] : memref<1024xi32, #tpu.memory_space<hbm>> -> memref<32xi32, #tpu.memory_space<hbm>>
      %dma_start3A_274 = arith.constant 0 : i32
      %dma_start3A_275 = tpu.memref_slice %arg17[%dma_start3A_274] : memref<128xi32, #tpu.memory_space<vmem>> -> memref<32xi32, #tpu.memory_space<vmem>>
      %dma_start3A_276 = tpu.memref_slice %arg6[%mul3A_2] : memref<1024xi32, #tpu.memory_space<hbm>> -> memref<32xi32, #tpu.memory_space<hbm>>
      tpu.enqueue_dma source(%dma_start3A_276 : memref<32xi32, #tpu.memory_space<hbm>>) target(%dma_start3A_275 : memref<32xi32, #tpu.memory_space<vmem>>) target_semaphore(%run_scoped3A : memref<!tpu.dma_semaphore, #tpu.memory_space<semaphore_mem>>)
      %dma_wait3A_277 = arith.constant 0 : i32
      %dma_wait3A_278 = tpu.memref_slice %arg17[%dma_wait3A_277] : memref<128xi32, #tpu.memory_space<vmem>> -> memref<32xi32, #tpu.memory_space<vmem>>
      %dma_wait3A_279 = tpu.memref_slice %arg6[%mul3A_2] : memref<1024xi32, #tpu.memory_space<hbm>> -> memref<32xi32, #tpu.memory_space<hbm>>
      %dma_wait3A_280 = arith.constant 0 : i32
      %dma_wait3A_281 = tpu.memref_slice %arg17[%dma_wait3A_280] : memref<128xi32, #tpu.memory_space<vmem>> -> memref<32xi32, #tpu.memory_space<vmem>>
      %dma_wait3A_282 = tpu.memref_slice %arg6[%mul3A_2] : memref<1024xi32, #tpu.memory_space<hbm>> -> memref<32xi32, #tpu.memory_space<hbm>>
      tpu.wait_dma2 semaphore(%run_scoped3A : memref<!tpu.dma_semaphore, #tpu.memory_space<semaphore_mem>>) src(%dma_wait3A_282 : memref<32xi32, #tpu.memory_space<hbm>>) dst(%dma_wait3A_281 : memref<32xi32, #tpu.memory_space<vmem>>)
      tpu.yield
    }) : () -> ()
    %dma_start3A = arith.constant 0 : i32
    %dma_start3A_3 = arith.constant 0 : i32
    %dma_start3A_4 = tpu.memref_slice %arg19[%dma_start3A, %dma_start3A_3] : memref<128x128xf32, #tpu.memory_space<vmem>> -> memref<32x128xf32, #tpu.memory_space<vmem>>
    %dma_start3A_5 = arith.constant 0 : i32
    %dma_start3A_6 = tpu.memref_slice %arg17[%dma_start3A_5] : memref<128xi32, #tpu.memory_space<vmem>> -> memref<32xi32, #tpu.memory_space<vmem>>
    %dma_start3A_7 = arith.constant 0 : i32
    %dma_start3A_8 = arith.constant 0 : i32
    %dma_start3A_9 = tpu.memref_slice %arg2[%dma_start3A_7, %dma_start3A_8] : memref<100000x128xf32, #tpu.memory_space<hbm>> -> memref<100000x128xf32, #tpu.memory_space<hbm>>
    tpu.enqueue_indirect_dma source(%dma_start3A_9 : memref<100000x128xf32, #tpu.memory_space<hbm>>) target(%dma_start3A_4 : memref<32x128xf32, #tpu.memory_space<vmem>>) offsets(%dma_start3A_6 : memref<32xi32, #tpu.memory_space<vmem>>) semaphore(%arg25 : memref<!tpu.dma_semaphore, #tpu.memory_space<semaphore_mem>>)
    %dma_start3A_10 = arith.constant 0 : i32
    %dma_start3A_11 = tpu.memref_slice %arg21[%dma_start3A_10] : memref<128xf32, #tpu.memory_space<vmem>> -> memref<32xf32, #tpu.memory_space<vmem>>
    %dma_start3A_12 = arith.constant 0 : i32
    %dma_start3A_13 = tpu.memref_slice %arg17[%dma_start3A_12] : memref<128xi32, #tpu.memory_space<vmem>> -> memref<32xi32, #tpu.memory_space<vmem>>
    %dma_start3A_14 = arith.constant 0 : i32
    %dma_start3A_15 = tpu.memref_slice %arg3[%dma_start3A_14] : memref<100000xf32, #tpu.memory_space<hbm>> -> memref<100000xf32, #tpu.memory_space<hbm>>
    tpu.enqueue_indirect_dma source(%dma_start3A_15 : memref<100000xf32, #tpu.memory_space<hbm>>) target(%dma_start3A_11 : memref<32xf32, #tpu.memory_space<vmem>>) offsets(%dma_start3A_13 : memref<32xi32, #tpu.memory_space<vmem>>) semaphore(%arg27 : memref<!tpu.dma_semaphore, #tpu.memory_space<semaphore_mem>>)
    "tpu.region"() ({
      %run_scoped3A = tpu.sem_alloc : memref<!tpu.dma_semaphore, #tpu.memory_space<semaphore_mem>>
      %dma_start3A_271 = arith.constant 0 : i32
      %dma_start3A_272 = tpu.memref_slice %arg18[%dma_start3A_271] : memref<128xi32, #tpu.memory_space<vmem>> -> memref<32xi32, #tpu.memory_space<vmem>>
      %dma_start3A_273 = tpu.memref_slice %arg7[%mul3A_2] : memref<1024xi32, #tpu.memory_space<hbm>> -> memref<32xi32, #tpu.memory_space<hbm>>
      %dma_start3A_274 = arith.constant 0 : i32
      %dma_start3A_275 = tpu.memref_slice %arg18[%dma_start3A_274] : memref<128xi32, #tpu.memory_space<vmem>> -> memref<32xi32, #tpu.memory_space<vmem>>
      %dma_start3A_276 = tpu.memref_slice %arg7[%mul3A_2] : memref<1024xi32, #tpu.memory_space<hbm>> -> memref<32xi32, #tpu.memory_space<hbm>>
      tpu.enqueue_dma source(%dma_start3A_276 : memref<32xi32, #tpu.memory_space<hbm>>) target(%dma_start3A_275 : memref<32xi32, #tpu.memory_space<vmem>>) target_semaphore(%run_scoped3A : memref<!tpu.dma_semaphore, #tpu.memory_space<semaphore_mem>>)
      %dma_wait3A_277 = arith.constant 0 : i32
      %dma_wait3A_278 = tpu.memref_slice %arg18[%dma_wait3A_277] : memref<128xi32, #tpu.memory_space<vmem>> -> memref<32xi32, #tpu.memory_space<vmem>>
      %dma_wait3A_279 = tpu.memref_slice %arg7[%mul3A_2] : memref<1024xi32, #tpu.memory_space<hbm>> -> memref<32xi32, #tpu.memory_space<hbm>>
      %dma_wait3A_280 = arith.constant 0 : i32
      %dma_wait3A_281 = tpu.memref_slice %arg18[%dma_wait3A_280] : memref<128xi32, #tpu.memory_space<vmem>> -> memref<32xi32, #tpu.memory_space<vmem>>
      %dma_wait3A_282 = tpu.memref_slice %arg7[%mul3A_2] : memref<1024xi32, #tpu.memory_space<hbm>> -> memref<32xi32, #tpu.memory_space<hbm>>
      tpu.wait_dma2 semaphore(%run_scoped3A : memref<!tpu.dma_semaphore, #tpu.memory_space<semaphore_mem>>) src(%dma_wait3A_282 : memref<32xi32, #tpu.memory_space<hbm>>) dst(%dma_wait3A_281 : memref<32xi32, #tpu.memory_space<vmem>>)
      tpu.yield
    }) : () -> ()
    %dma_start3A_16 = arith.constant 0 : i32
    %dma_start3A_17 = arith.constant 0 : i32
    %dma_start3A_18 = tpu.memref_slice %arg20[%dma_start3A_16, %dma_start3A_17] : memref<128x128xf32, #tpu.memory_space<vmem>> -> memref<32x128xf32, #tpu.memory_space<vmem>>
    %dma_start3A_19 = arith.constant 0 : i32
    %dma_start3A_20 = tpu.memref_slice %arg18[%dma_start3A_19] : memref<128xi32, #tpu.memory_space<vmem>> -> memref<32xi32, #tpu.memory_space<vmem>>
    %dma_start3A_21 = arith.constant 0 : i32
    %dma_start3A_22 = arith.constant 0 : i32
    %dma_start3A_23 = tpu.memref_slice %arg2[%dma_start3A_21, %dma_start3A_22] : memref<100000x128xf32, #tpu.memory_space<hbm>> -> memref<100000x128xf32, #tpu.memory_space<hbm>>
    tpu.enqueue_indirect_dma source(%dma_start3A_23 : memref<100000x128xf32, #tpu.memory_space<hbm>>) target(%dma_start3A_18 : memref<32x128xf32, #tpu.memory_space<vmem>>) offsets(%dma_start3A_20 : memref<32xi32, #tpu.memory_space<vmem>>) semaphore(%arg26 : memref<!tpu.dma_semaphore, #tpu.memory_space<semaphore_mem>>)
    %dma_start3A_24 = arith.constant 0 : i32
    %dma_start3A_25 = tpu.memref_slice %arg22[%dma_start3A_24] : memref<128xf32, #tpu.memory_space<vmem>> -> memref<32xf32, #tpu.memory_space<vmem>>
    %dma_start3A_26 = arith.constant 0 : i32
    %dma_start3A_27 = tpu.memref_slice %arg18[%dma_start3A_26] : memref<128xi32, #tpu.memory_space<vmem>> -> memref<32xi32, #tpu.memory_space<vmem>>
    %dma_start3A_28 = arith.constant 0 : i32
    %dma_start3A_29 = tpu.memref_slice %arg4[%dma_start3A_28] : memref<100000xf32, #tpu.memory_space<hbm>> -> memref<100000xf32, #tpu.memory_space<hbm>>
    tpu.enqueue_indirect_dma source(%dma_start3A_29 : memref<100000xf32, #tpu.memory_space<hbm>>) target(%dma_start3A_25 : memref<32xf32, #tpu.memory_space<vmem>>) offsets(%dma_start3A_27 : memref<32xi32, #tpu.memory_space<vmem>>) semaphore(%arg28 : memref<!tpu.dma_semaphore, #tpu.memory_space<semaphore_mem>>)
    %dma_wait3A = arith.constant 0 : i32
    %dma_wait3A_30 = arith.constant 0 : i32
    %dma_wait3A_31 = tpu.memref_slice %arg19[%dma_wait3A, %dma_wait3A_30] : memref<128x128xf32, #tpu.memory_space<vmem>> -> memref<32x128xf32, #tpu.memory_space<vmem>>
    %dma_wait3A_32 = arith.constant 0 : i32
    %dma_wait3A_33 = tpu.memref_slice %arg17[%dma_wait3A_32] : memref<128xi32, #tpu.memory_space<vmem>> -> memref<32xi32, #tpu.memory_space<vmem>>
    %dma_wait3A_34 = arith.constant 0 : i32
    %dma_wait3A_35 = arith.constant 0 : i32
    %dma_wait3A_36 = tpu.memref_slice %arg2[%dma_wait3A_34, %dma_wait3A_35] : memref<100000x128xf32, #tpu.memory_space<hbm>> -> memref<100000x128xf32, #tpu.memory_space<hbm>>
    tpu.wait_indirect_dma semaphore(%arg25 : memref<!tpu.dma_semaphore, #tpu.memory_space<semaphore_mem>>) src(%dma_wait3A_36 : memref<100000x128xf32, #tpu.memory_space<hbm>>) dst(%dma_wait3A_31 : memref<32x128xf32, #tpu.memory_space<vmem>>)
    %dma_start3A_37 = arith.constant 0 : i32
    %dma_start3A_38 = arith.constant 0 : i32
    %dma_start3A_39 = tpu.memref_slice %arg19[%dma_start3A_37, %dma_start3A_38] : memref<128x128xf32, #tpu.memory_space<vmem>> -> memref<32x128xf32, #tpu.memory_space<vmem>>
    %dma_start3A_40 = arith.constant 0 : i32
    %dma_start3A_41 = tpu.memref_slice %arg9[%mul3A_2, %dma_start3A_40] : memref<1024x128xf32, #tpu.memory_space<hbm>> -> memref<32x128xf32, #tpu.memory_space<hbm>>
    %dma_start3A_42 = arith.constant 0 : i32
    %dma_start3A_43 = tpu.memref_slice %arg9[%mul3A_2, %dma_start3A_42] : memref<1024x128xf32, #tpu.memory_space<hbm>> -> memref<32x128xf32, #tpu.memory_space<hbm>>
    %dma_start3A_44 = arith.constant 0 : i32
    %dma_start3A_45 = arith.constant 0 : i32
    %dma_start3A_46 = tpu.memref_slice %arg19[%dma_start3A_44, %dma_start3A_45] : memref<128x128xf32, #tpu.memory_space<vmem>> -> memref<32x128xf32, #tpu.memory_space<vmem>>
    tpu.enqueue_dma source(%dma_start3A_46 : memref<32x128xf32, #tpu.memory_space<vmem>>) target(%dma_start3A_43 : memref<32x128xf32, #tpu.memory_space<hbm>>) target_semaphore(%arg29 : memref<!tpu.dma_semaphore, #tpu.memory_space<semaphore_mem>>)
    %dma_wait3A_47 = arith.constant 0 : i32
    %dma_wait3A_48 = tpu.memref_slice %arg21[%dma_wait3A_47] : memref<128xf32, #tpu.memory_space<vmem>> -> memref<32xf32, #tpu.memory_space<vmem>>
    %dma_wait3A_49 = arith.constant 0 : i32
    %dma_wait3A_50 = tpu.memref_slice %arg17[%dma_wait3A_49] : memref<128xi32, #tpu.memory_space<vmem>> -> memref<32xi32, #tpu.memory_space<vmem>>
    %dma_wait3A_51 = arith.constant 0 : i32
    %dma_wait3A_52 = tpu.memref_slice %arg3[%dma_wait3A_51] : memref<100000xf32, #tpu.memory_space<hbm>> -> memref<100000xf32, #tpu.memory_space<hbm>>
    tpu.wait_indirect_dma semaphore(%arg27 : memref<!tpu.dma_semaphore, #tpu.memory_space<semaphore_mem>>) src(%dma_wait3A_52 : memref<100000xf32, #tpu.memory_space<hbm>>) dst(%dma_wait3A_48 : memref<32xf32, #tpu.memory_space<vmem>>)
    %dma_start3A_53 = arith.constant 0 : i32
    %dma_start3A_54 = tpu.memref_slice %arg21[%dma_start3A_53] : memref<128xf32, #tpu.memory_space<vmem>> -> memref<32xf32, #tpu.memory_space<vmem>>
    %dma_start3A_55 = tpu.memref_slice %arg14[%mul3A_2] : memref<1024xf32, #tpu.memory_space<hbm>> -> memref<32xf32, #tpu.memory_space<hbm>>
    %dma_start3A_56 = tpu.memref_slice %arg14[%mul3A_2] : memref<1024xf32, #tpu.memory_space<hbm>> -> memref<32xf32, #tpu.memory_space<hbm>>
    %dma_start3A_57 = arith.constant 0 : i32
    %dma_start3A_58 = tpu.memref_slice %arg21[%dma_start3A_57] : memref<128xf32, #tpu.memory_space<vmem>> -> memref<32xf32, #tpu.memory_space<vmem>>
    tpu.enqueue_dma source(%dma_start3A_58 : memref<32xf32, #tpu.memory_space<vmem>>) target(%dma_start3A_56 : memref<32xf32, #tpu.memory_space<hbm>>) target_semaphore(%arg31 : memref<!tpu.dma_semaphore, #tpu.memory_space<semaphore_mem>>)
    %dma_wait3A_59 = arith.constant 0 : i32
    %dma_wait3A_60 = arith.constant 0 : i32
    %dma_wait3A_61 = tpu.memref_slice %arg20[%dma_wait3A_59, %dma_wait3A_60] : memref<128x128xf32, #tpu.memory_space<vmem>> -> memref<32x128xf32, #tpu.memory_space<vmem>>
    %dma_wait3A_62 = arith.constant 0 : i32
    %dma_wait3A_63 = tpu.memref_slice %arg18[%dma_wait3A_62] : memref<128xi32, #tpu.memory_space<vmem>> -> memref<32xi32, #tpu.memory_space<vmem>>
    %dma_wait3A_64 = arith.constant 0 : i32
    %dma_wait3A_65 = arith.constant 0 : i32
    %dma_wait3A_66 = tpu.memref_slice %arg2[%dma_wait3A_64, %dma_wait3A_65] : memref<100000x128xf32, #tpu.memory_space<hbm>> -> memref<100000x128xf32, #tpu.memory_space<hbm>>
    tpu.wait_indirect_dma semaphore(%arg26 : memref<!tpu.dma_semaphore, #tpu.memory_space<semaphore_mem>>) src(%dma_wait3A_66 : memref<100000x128xf32, #tpu.memory_space<hbm>>) dst(%dma_wait3A_61 : memref<32x128xf32, #tpu.memory_space<vmem>>)
    %dma_start3A_67 = arith.constant 0 : i32
    %dma_start3A_68 = arith.constant 0 : i32
    %dma_start3A_69 = tpu.memref_slice %arg20[%dma_start3A_67, %dma_start3A_68] : memref<128x128xf32, #tpu.memory_space<vmem>> -> memref<32x128xf32, #tpu.memory_space<vmem>>
    %dma_start3A_70 = arith.constant 0 : i32
    %dma_start3A_71 = tpu.memref_slice %arg10[%mul3A_2, %dma_start3A_70] : memref<1024x128xf32, #tpu.memory_space<hbm>> -> memref<32x128xf32, #tpu.memory_space<hbm>>
    %dma_start3A_72 = arith.constant 0 : i32
    %dma_start3A_73 = tpu.memref_slice %arg10[%mul3A_2, %dma_start3A_72] : memref<1024x128xf32, #tpu.memory_space<hbm>> -> memref<32x128xf32, #tpu.memory_space<hbm>>
    %dma_start3A_74 = arith.constant 0 : i32
    %dma_start3A_75 = arith.constant 0 : i32
    %dma_start3A_76 = tpu.memref_slice %arg20[%dma_start3A_74, %dma_start3A_75] : memref<128x128xf32, #tpu.memory_space<vmem>> -> memref<32x128xf32, #tpu.memory_space<vmem>>
    tpu.enqueue_dma source(%dma_start3A_76 : memref<32x128xf32, #tpu.memory_space<vmem>>) target(%dma_start3A_73 : memref<32x128xf32, #tpu.memory_space<hbm>>) target_semaphore(%arg30 : memref<!tpu.dma_semaphore, #tpu.memory_space<semaphore_mem>>)
    %dma_wait3A_77 = arith.constant 0 : i32
    %dma_wait3A_78 = tpu.memref_slice %arg22[%dma_wait3A_77] : memref<128xf32, #tpu.memory_space<vmem>> -> memref<32xf32, #tpu.memory_space<vmem>>
    %dma_wait3A_79 = arith.constant 0 : i32
    %dma_wait3A_80 = tpu.memref_slice %arg18[%dma_wait3A_79] : memref<128xi32, #tpu.memory_space<vmem>> -> memref<32xi32, #tpu.memory_space<vmem>>
    %dma_wait3A_81 = arith.constant 0 : i32
    %dma_wait3A_82 = tpu.memref_slice %arg4[%dma_wait3A_81] : memref<100000xf32, #tpu.memory_space<hbm>> -> memref<100000xf32, #tpu.memory_space<hbm>>
    tpu.wait_indirect_dma semaphore(%arg28 : memref<!tpu.dma_semaphore, #tpu.memory_space<semaphore_mem>>) src(%dma_wait3A_82 : memref<100000xf32, #tpu.memory_space<hbm>>) dst(%dma_wait3A_78 : memref<32xf32, #tpu.memory_space<vmem>>)
    %dma_start3A_83 = arith.constant 0 : i32
    %dma_start3A_84 = tpu.memref_slice %arg22[%dma_start3A_83] : memref<128xf32, #tpu.memory_space<vmem>> -> memref<32xf32, #tpu.memory_space<vmem>>
    %dma_start3A_85 = tpu.memref_slice %arg15[%mul3A_2] : memref<1024xf32, #tpu.memory_space<hbm>> -> memref<32xf32, #tpu.memory_space<hbm>>
    %dma_start3A_86 = tpu.memref_slice %arg15[%mul3A_2] : memref<1024xf32, #tpu.memory_space<hbm>> -> memref<32xf32, #tpu.memory_space<hbm>>
    %dma_start3A_87 = arith.constant 0 : i32
    %dma_start3A_88 = tpu.memref_slice %arg22[%dma_start3A_87] : memref<128xf32, #tpu.memory_space<vmem>> -> memref<32xf32, #tpu.memory_space<vmem>>
    tpu.enqueue_dma source(%dma_start3A_88 : memref<32xf32, #tpu.memory_space<vmem>>) target(%dma_start3A_86 : memref<32xf32, #tpu.memory_space<hbm>>) target_semaphore(%arg32 : memref<!tpu.dma_semaphore, #tpu.memory_space<semaphore_mem>>)
    %dma_wait3A_89 = arith.constant 0 : i32
    %dma_wait3A_90 = arith.constant 0 : i32
    %dma_wait3A_91 = tpu.memref_slice %arg19[%dma_wait3A_89, %dma_wait3A_90] : memref<128x128xf32, #tpu.memory_space<vmem>> -> memref<32x128xf32, #tpu.memory_space<vmem>>
    %dma_wait3A_92 = arith.constant 0 : i32
    %dma_wait3A_93 = tpu.memref_slice %arg9[%mul3A_2, %dma_wait3A_92] : memref<1024x128xf32, #tpu.memory_space<hbm>> -> memref<32x128xf32, #tpu.memory_space<hbm>>
    %dma_wait3A_94 = arith.constant 0 : i32
    %dma_wait3A_95 = tpu.memref_slice %arg9[%mul3A_2, %dma_wait3A_94] : memref<1024x128xf32, #tpu.memory_space<hbm>> -> memref<32x128xf32, #tpu.memory_space<hbm>>
    %dma_wait3A_96 = arith.constant 0 : i32
    %dma_wait3A_97 = arith.constant 0 : i32
    %dma_wait3A_98 = tpu.memref_slice %arg19[%dma_wait3A_96, %dma_wait3A_97] : memref<128x128xf32, #tpu.memory_space<vmem>> -> memref<32x128xf32, #tpu.memory_space<vmem>>
    tpu.wait_dma2 semaphore(%arg29 : memref<!tpu.dma_semaphore, #tpu.memory_space<semaphore_mem>>) src(%dma_wait3A_98 : memref<32x128xf32, #tpu.memory_space<vmem>>) dst(%dma_wait3A_95 : memref<32x128xf32, #tpu.memory_space<hbm>>)
    %dma_wait3A_99 = arith.constant 0 : i32
    %dma_wait3A_100 = arith.constant 0 : i32
    %dma_wait3A_101 = tpu.memref_slice %arg20[%dma_wait3A_99, %dma_wait3A_100] : memref<128x128xf32, #tpu.memory_space<vmem>> -> memref<32x128xf32, #tpu.memory_space<vmem>>
    %dma_wait3A_102 = arith.constant 0 : i32
    %dma_wait3A_103 = tpu.memref_slice %arg10[%mul3A_2, %dma_wait3A_102] : memref<1024x128xf32, #tpu.memory_space<hbm>> -> memref<32x128xf32, #tpu.memory_space<hbm>>
    %dma_wait3A_104 = arith.constant 0 : i32
    %dma_wait3A_105 = tpu.memref_slice %arg10[%mul3A_2, %dma_wait3A_104] : memref<1024x128xf32, #tpu.memory_space<hbm>> -> memref<32x128xf32, #tpu.memory_space<hbm>>
    %dma_wait3A_106 = arith.constant 0 : i32
    %dma_wait3A_107 = arith.constant 0 : i32
    %dma_wait3A_108 = tpu.memref_slice %arg20[%dma_wait3A_106, %dma_wait3A_107] : memref<128x128xf32, #tpu.memory_space<vmem>> -> memref<32x128xf32, #tpu.memory_space<vmem>>
    tpu.wait_dma2 semaphore(%arg30 : memref<!tpu.dma_semaphore, #tpu.memory_space<semaphore_mem>>) src(%dma_wait3A_108 : memref<32x128xf32, #tpu.memory_space<vmem>>) dst(%dma_wait3A_105 : memref<32x128xf32, #tpu.memory_space<hbm>>)
    %dma_wait3A_109 = arith.constant 0 : i32
    %dma_wait3A_110 = tpu.memref_slice %arg21[%dma_wait3A_109] : memref<128xf32, #tpu.memory_space<vmem>> -> memref<32xf32, #tpu.memory_space<vmem>>
    %dma_wait3A_111 = tpu.memref_slice %arg14[%mul3A_2] : memref<1024xf32, #tpu.memory_space<hbm>> -> memref<32xf32, #tpu.memory_space<hbm>>
    %dma_wait3A_112 = tpu.memref_slice %arg14[%mul3A_2] : memref<1024xf32, #tpu.memory_space<hbm>> -> memref<32xf32, #tpu.memory_space<hbm>>
    %dma_wait3A_113 = arith.constant 0 : i32
    %dma_wait3A_114 = tpu.memref_slice %arg21[%dma_wait3A_113] : memref<128xf32, #tpu.memory_space<vmem>> -> memref<32xf32, #tpu.memory_space<vmem>>
    tpu.wait_dma2 semaphore(%arg31 : memref<!tpu.dma_semaphore, #tpu.memory_space<semaphore_mem>>) src(%dma_wait3A_114 : memref<32xf32, #tpu.memory_space<vmem>>) dst(%dma_wait3A_112 : memref<32xf32, #tpu.memory_space<hbm>>)
    %dma_wait3A_115 = arith.constant 0 : i32
    %dma_wait3A_116 = tpu.memref_slice %arg22[%dma_wait3A_115] : memref<128xf32, #tpu.memory_space<vmem>> -> memref<32xf32, #tpu.memory_space<vmem>>
    %dma_wait3A_117 = tpu.memref_slice %arg15[%mul3A_2] : memref<1024xf32, #tpu.memory_space<hbm>> -> memref<32xf32, #tpu.memory_space<hbm>>
    %dma_wait3A_118 = tpu.memref_slice %arg15[%mul3A_2] : memref<1024xf32, #tpu.memory_space<hbm>> -> memref<32xf32, #tpu.memory_space<hbm>>
    %dma_wait3A_119 = arith.constant 0 : i32
    %dma_wait3A_120 = tpu.memref_slice %arg22[%dma_wait3A_119] : memref<128xf32, #tpu.memory_space<vmem>> -> memref<32xf32, #tpu.memory_space<vmem>>
    tpu.wait_dma2 semaphore(%arg32 : memref<!tpu.dma_semaphore, #tpu.memory_space<semaphore_mem>>) src(%dma_wait3A_120 : memref<32xf32, #tpu.memory_space<vmem>>) dst(%dma_wait3A_118 : memref<32xf32, #tpu.memory_space<hbm>>)
    %mul3A_121 = arith.constant 1600 : i32
    %mul3A_122 = arith.muli %add3A, %mul3A_121 : i32
    %add3A_123 = arith.constant 0 : i32
    %add3A_124 = arith.addi %mul3A_122, %add3A_123 : i32
    "tpu.region"() ({
      %run_scoped3A = tpu.sem_alloc : memref<!tpu.dma_semaphore, #tpu.memory_space<semaphore_mem>>
      %dma_start3A_271 = arith.constant 0 : i32
      %dma_start3A_272 = tpu.memref_slice %arg17[%dma_start3A_271] : memref<128xi32, #tpu.memory_space<vmem>> -> memref<80xi32, #tpu.memory_space<vmem>>
      %dma_start3A_273 = tpu.memref_slice %arg8[%add3A_124] : memref<51200xi32, #tpu.memory_space<hbm>> -> memref<80xi32, #tpu.memory_space<hbm>>
      %dma_start3A_274 = arith.constant 0 : i32
      %dma_start3A_275 = tpu.memref_slice %arg17[%dma_start3A_274] : memref<128xi32, #tpu.memory_space<vmem>> -> memref<80xi32, #tpu.memory_space<vmem>>
      %dma_start3A_276 = tpu.memref_slice %arg8[%add3A_124] : memref<51200xi32, #tpu.memory_space<hbm>> -> memref<80xi32, #tpu.memory_space<hbm>>
      tpu.enqueue_dma source(%dma_start3A_276 : memref<80xi32, #tpu.memory_space<hbm>>) target(%dma_start3A_275 : memref<80xi32, #tpu.memory_space<vmem>>) target_semaphore(%run_scoped3A : memref<!tpu.dma_semaphore, #tpu.memory_space<semaphore_mem>>)
      %dma_wait3A_277 = arith.constant 0 : i32
      %dma_wait3A_278 = tpu.memref_slice %arg17[%dma_wait3A_277] : memref<128xi32, #tpu.memory_space<vmem>> -> memref<80xi32, #tpu.memory_space<vmem>>
      %dma_wait3A_279 = tpu.memref_slice %arg8[%add3A_124] : memref<51200xi32, #tpu.memory_space<hbm>> -> memref<80xi32, #tpu.memory_space<hbm>>
      %dma_wait3A_280 = arith.constant 0 : i32
      %dma_wait3A_281 = tpu.memref_slice %arg17[%dma_wait3A_280] : memref<128xi32, #tpu.memory_space<vmem>> -> memref<80xi32, #tpu.memory_space<vmem>>
      %dma_wait3A_282 = tpu.memref_slice %arg8[%add3A_124] : memref<51200xi32, #tpu.memory_space<hbm>> -> memref<80xi32, #tpu.memory_space<hbm>>
      tpu.wait_dma2 semaphore(%run_scoped3A : memref<!tpu.dma_semaphore, #tpu.memory_space<semaphore_mem>>) src(%dma_wait3A_282 : memref<80xi32, #tpu.memory_space<hbm>>) dst(%dma_wait3A_281 : memref<80xi32, #tpu.memory_space<vmem>>)
      tpu.yield
    }) : () -> ()
    %dma_start3A_125 = arith.constant 0 : i32
    %dma_start3A_126 = arith.constant 0 : i32
    %dma_start3A_127 = tpu.memref_slice %arg19[%dma_start3A_125, %dma_start3A_126] : memref<128x128xf32, #tpu.memory_space<vmem>> -> memref<80x128xf32, #tpu.memory_space<vmem>>
    %dma_start3A_128 = arith.constant 0 : i32
    %dma_start3A_129 = tpu.memref_slice %arg17[%dma_start3A_128] : memref<128xi32, #tpu.memory_space<vmem>> -> memref<80xi32, #tpu.memory_space<vmem>>
    %dma_start3A_130 = arith.constant 0 : i32
    %dma_start3A_131 = arith.constant 0 : i32
    %dma_start3A_132 = tpu.memref_slice %arg2[%dma_start3A_130, %dma_start3A_131] : memref<100000x128xf32, #tpu.memory_space<hbm>> -> memref<100000x128xf32, #tpu.memory_space<hbm>>
    tpu.enqueue_indirect_dma source(%dma_start3A_132 : memref<100000x128xf32, #tpu.memory_space<hbm>>) target(%dma_start3A_127 : memref<80x128xf32, #tpu.memory_space<vmem>>) offsets(%dma_start3A_129 : memref<80xi32, #tpu.memory_space<vmem>>) semaphore(%arg25 : memref<!tpu.dma_semaphore, #tpu.memory_space<semaphore_mem>>)
    %dma_start3A_133 = arith.constant 0 : i32
    %dma_start3A_134 = tpu.memref_slice %arg21[%dma_start3A_133] : memref<128xf32, #tpu.memory_space<vmem>> -> memref<80xf32, #tpu.memory_space<vmem>>
    %dma_start3A_135 = arith.constant 0 : i32
    %dma_start3A_136 = tpu.memref_slice %arg17[%dma_start3A_135] : memref<128xi32, #tpu.memory_space<vmem>> -> memref<80xi32, #tpu.memory_space<vmem>>
    %dma_start3A_137 = arith.constant 0 : i32
    %dma_start3A_138 = tpu.memref_slice %arg4[%dma_start3A_137] : memref<100000xf32, #tpu.memory_space<hbm>> -> memref<100000xf32, #tpu.memory_space<hbm>>
    tpu.enqueue_indirect_dma source(%dma_start3A_138 : memref<100000xf32, #tpu.memory_space<hbm>>) target(%dma_start3A_134 : memref<80xf32, #tpu.memory_space<vmem>>) offsets(%dma_start3A_136 : memref<80xi32, #tpu.memory_space<vmem>>) semaphore(%arg27 : memref<!tpu.dma_semaphore, #tpu.memory_space<semaphore_mem>>)
    %mul3A_139 = arith.constant 1600 : i32
    %mul3A_140 = arith.muli %add3A, %mul3A_139 : i32
    %add3A_141 = arith.constant 80 : i32
    %add3A_142 = arith.addi %mul3A_140, %add3A_141 : i32
    "tpu.region"() ({
      %run_scoped3A = tpu.sem_alloc : memref<!tpu.dma_semaphore, #tpu.memory_space<semaphore_mem>>
      %dma_start3A_271 = arith.constant 0 : i32
      %dma_start3A_272 = tpu.memref_slice %arg18[%dma_start3A_271] : memref<128xi32, #tpu.memory_space<vmem>> -> memref<80xi32, #tpu.memory_space<vmem>>
      %dma_start3A_273 = tpu.memref_slice %arg8[%add3A_142] : memref<51200xi32, #tpu.memory_space<hbm>> -> memref<80xi32, #tpu.memory_space<hbm>>
      %dma_start3A_274 = arith.constant 0 : i32
      %dma_start3A_275 = tpu.memref_slice %arg18[%dma_start3A_274] : memref<128xi32, #tpu.memory_space<vmem>> -> memref<80xi32, #tpu.memory_space<vmem>>
      %dma_start3A_276 = tpu.memref_slice %arg8[%add3A_142] : memref<51200xi32, #tpu.memory_space<hbm>> -> memref<80xi32, #tpu.memory_space<hbm>>
      tpu.enqueue_dma source(%dma_start3A_276 : memref<80xi32, #tpu.memory_space<hbm>>) target(%dma_start3A_275 : memref<80xi32, #tpu.memory_space<vmem>>) target_semaphore(%run_scoped3A : memref<!tpu.dma_semaphore, #tpu.memory_space<semaphore_mem>>)
      %dma_wait3A_277 = arith.constant 0 : i32
      %dma_wait3A_278 = tpu.memref_slice %arg18[%dma_wait3A_277] : memref<128xi32, #tpu.memory_space<vmem>> -> memref<80xi32, #tpu.memory_space<vmem>>
      %dma_wait3A_279 = tpu.memref_slice %arg8[%add3A_142] : memref<51200xi32, #tpu.memory_space<hbm>> -> memref<80xi32, #tpu.memory_space<hbm>>
      %dma_wait3A_280 = arith.constant 0 : i32
      %dma_wait3A_281 = tpu.memref_slice %arg18[%dma_wait3A_280] : memref<128xi32, #tpu.memory_space<vmem>> -> memref<80xi32, #tpu.memory_space<vmem>>
      %dma_wait3A_282 = tpu.memref_slice %arg8[%add3A_142] : memref<51200xi32, #tpu.memory_space<hbm>> -> memref<80xi32, #tpu.memory_space<hbm>>
      tpu.wait_dma2 semaphore(%run_scoped3A : memref<!tpu.dma_semaphore, #tpu.memory_space<semaphore_mem>>) src(%dma_wait3A_282 : memref<80xi32, #tpu.memory_space<hbm>>) dst(%dma_wait3A_281 : memref<80xi32, #tpu.memory_space<vmem>>)
      tpu.yield
    }) : () -> ()
    %dma_start3A_143 = arith.constant 0 : i32
    %dma_start3A_144 = arith.constant 0 : i32
    %dma_start3A_145 = tpu.memref_slice %arg20[%dma_start3A_143, %dma_start3A_144] : memref<128x128xf32, #tpu.memory_space<vmem>> -> memref<80x128xf32, #tpu.memory_space<vmem>>
    %dma_start3A_146 = arith.constant 0 : i32
    %dma_start3A_147 = tpu.memref_slice %arg18[%dma_start3A_146] : memref<128xi32, #tpu.memory_space<vmem>> -> memref<80xi32, #tpu.memory_space<vmem>>
    %dma_start3A_148 = arith.constant 0 : i32
    %dma_start3A_149 = arith.constant 0 : i32
    %dma_start3A_150 = tpu.memref_slice %arg2[%dma_start3A_148, %dma_start3A_149] : memref<100000x128xf32, #tpu.memory_space<hbm>> -> memref<100000x128xf32, #tpu.memory_space<hbm>>
    tpu.enqueue_indirect_dma source(%dma_start3A_150 : memref<100000x128xf32, #tpu.memory_space<hbm>>) target(%dma_start3A_145 : memref<80x128xf32, #tpu.memory_space<vmem>>) offsets(%dma_start3A_147 : memref<80xi32, #tpu.memory_space<vmem>>) semaphore(%arg26 : memref<!tpu.dma_semaphore, #tpu.memory_space<semaphore_mem>>)
    %dma_start3A_151 = arith.constant 0 : i32
    %dma_start3A_152 = tpu.memref_slice %arg22[%dma_start3A_151] : memref<128xf32, #tpu.memory_space<vmem>> -> memref<80xf32, #tpu.memory_space<vmem>>
    %dma_start3A_153 = arith.constant 0 : i32
    %dma_start3A_154 = tpu.memref_slice %arg18[%dma_start3A_153] : memref<128xi32, #tpu.memory_space<vmem>> -> memref<80xi32, #tpu.memory_space<vmem>>
    %dma_start3A_155 = arith.constant 0 : i32
    %dma_start3A_156 = tpu.memref_slice %arg4[%dma_start3A_155] : memref<100000xf32, #tpu.memory_space<hbm>> -> memref<100000xf32, #tpu.memory_space<hbm>>
    tpu.enqueue_indirect_dma source(%dma_start3A_156 : memref<100000xf32, #tpu.memory_space<hbm>>) target(%dma_start3A_152 : memref<80xf32, #tpu.memory_space<vmem>>) offsets(%dma_start3A_154 : memref<80xi32, #tpu.memory_space<vmem>>) semaphore(%arg28 : memref<!tpu.dma_semaphore, #tpu.memory_space<semaphore_mem>>)
    %scan3A = arith.constant 0 : i32
    %scan3A_157 = arith.constant 10 : i32
    %scan3A_158 = arith.addi %scan3A, %scan3A_157 : i32
    %scan3A_159 = arith.constant 1 : i32
    scf.for %scan3A_271 = %scan3A to %scan3A_158 step %scan3A_159  : i32 {
      %mul3A_272 = arith.constant 1 : i32
      %mul3A_273 = arith.muli %scan3A_271, %mul3A_272 : i32
      %add3A_274 = arith.constant 0 : i32
      %add3A_275 = arith.addi %add3A_274, %mul3A_273 : i32
      %mul3A_276 = arith.constant 2 : i32
      %mul3A_277 = arith.muli %mul3A_276, %add3A_275 : i32
      %add3A_278 = arith.constant 0 : i32
      %add3A_279 = arith.addi %mul3A_277, %add3A_278 : i32
      %mul3A_280 = arith.constant 1600 : i32
      %mul3A_281 = arith.muli %add3A, %mul3A_280 : i32
      %mul3A_282 = arith.constant 80 : i32
      %mul3A_283 = arith.muli %add3A_279, %mul3A_282 : i32
      %add3A_284 = arith.addi %mul3A_281, %mul3A_283 : i32
      %dma_wait3A_285 = arith.constant 0 : i32
      %dma_wait3A_286 = arith.constant 0 : i32
      %dma_wait3A_287 = tpu.memref_slice %arg19[%dma_wait3A_285, %dma_wait3A_286] : memref<128x128xf32, #tpu.memory_space<vmem>> -> memref<80x128xf32, #tpu.memory_space<vmem>>
      %dma_wait3A_288 = arith.constant 0 : i32
      %dma_wait3A_289 = tpu.memref_slice %arg17[%dma_wait3A_288] : memref<128xi32, #tpu.memory_space<vmem>> -> memref<80xi32, #tpu.memory_space<vmem>>
      %dma_wait3A_290 = arith.constant 0 : i32
      %dma_wait3A_291 = arith.constant 0 : i32
      %dma_wait3A_292 = tpu.memref_slice %arg2[%dma_wait3A_290, %dma_wait3A_291] : memref<100000x128xf32, #tpu.memory_space<hbm>> -> memref<100000x128xf32, #tpu.memory_space<hbm>>
      tpu.wait_indirect_dma semaphore(%arg25 : memref<!tpu.dma_semaphore, #tpu.memory_space<semaphore_mem>>) src(%dma_wait3A_292 : memref<100000x128xf32, #tpu.memory_space<hbm>>) dst(%dma_wait3A_287 : memref<80x128xf32, #tpu.memory_space<vmem>>)
      %dma_start3A_293 = arith.constant 0 : i32
      %dma_start3A_294 = arith.constant 0 : i32
      %dma_start3A_295 = tpu.memref_slice %arg19[%dma_start3A_293, %dma_start3A_294] : memref<128x128xf32, #tpu.memory_space<vmem>> -> memref<80x128xf32, #tpu.memory_space<vmem>>
      %dma_start3A_296 = arith.constant 0 : i32
      %dma_start3A_297 = tpu.memref_slice %arg11[%add3A_284, %dma_start3A_296] : memref<51200x128xf32, #tpu.memory_space<hbm>> -> memref<80x128xf32, #tpu.memory_space<hbm>>
      %dma_start3A_298 = arith.constant 0 : i32
      %dma_start3A_299 = tpu.memref_slice %arg11[%add3A_284, %dma_start3A_298] : memref<51200x128xf32, #tpu.memory_space<hbm>> -> memref<80x128xf32, #tpu.memory_space<hbm>>
      %dma_start3A_300 = arith.constant 0 : i32
      %dma_start3A_301 = arith.constant 0 : i32
      %dma_start3A_302 = tpu.memref_slice %arg19[%dma_start3A_300, %dma_start3A_301] : memref<128x128xf32, #tpu.memory_space<vmem>> -> memref<80x128xf32, #tpu.memory_space<vmem>>
      tpu.enqueue_dma source(%dma_start3A_302 : memref<80x128xf32, #tpu.memory_space<vmem>>) target(%dma_start3A_299 : memref<80x128xf32, #tpu.memory_space<hbm>>) target_semaphore(%arg29 : memref<!tpu.dma_semaphore, #tpu.memory_space<semaphore_mem>>)
      %dma_wait3A_303 = arith.constant 0 : i32
      %dma_wait3A_304 = tpu.memref_slice %arg21[%dma_wait3A_303] : memref<128xf32, #tpu.memory_space<vmem>> -> memref<80xf32, #tpu.memory_space<vmem>>
      %dma_wait3A_305 = arith.constant 0 : i32
      %dma_wait3A_306 = tpu.memref_slice %arg17[%dma_wait3A_305] : memref<128xi32, #tpu.memory_space<vmem>> -> memref<80xi32, #tpu.memory_space<vmem>>
      %dma_wait3A_307 = arith.constant 0 : i32
      %dma_wait3A_308 = tpu.memref_slice %arg4[%dma_wait3A_307] : memref<100000xf32, #tpu.memory_space<hbm>> -> memref<100000xf32, #tpu.memory_space<hbm>>
      tpu.wait_indirect_dma semaphore(%arg27 : memref<!tpu.dma_semaphore, #tpu.memory_space<semaphore_mem>>) src(%dma_wait3A_308 : memref<100000xf32, #tpu.memory_space<hbm>>) dst(%dma_wait3A_304 : memref<80xf32, #tpu.memory_space<vmem>>)
      %dma_start3A_309 = arith.constant 0 : i32
      %dma_start3A_310 = tpu.memref_slice %arg21[%dma_start3A_309] : memref<128xf32, #tpu.memory_space<vmem>> -> memref<80xf32, #tpu.memory_space<vmem>>
      %dma_start3A_311 = tpu.memref_slice %arg16[%add3A_284] : memref<51200xf32, #tpu.memory_space<hbm>> -> memref<80xf32, #tpu.memory_space<hbm>>
      %dma_start3A_312 = tpu.memref_slice %arg16[%add3A_284] : memref<51200xf32, #tpu.memory_space<hbm>> -> memref<80xf32, #tpu.memory_space<hbm>>
      %dma_start3A_313 = arith.constant 0 : i32
      %dma_start3A_314 = tpu.memref_slice %arg21[%dma_start3A_313] : memref<128xf32, #tpu.memory_space<vmem>> -> memref<80xf32, #tpu.memory_space<vmem>>
      tpu.enqueue_dma source(%dma_start3A_314 : memref<80xf32, #tpu.memory_space<vmem>>) target(%dma_start3A_312 : memref<80xf32, #tpu.memory_space<hbm>>) target_semaphore(%arg31 : memref<!tpu.dma_semaphore, #tpu.memory_space<semaphore_mem>>)
      %add3A_315 = arith.constant 2 : i32
      %add3A_316 = arith.addi %add3A_279, %add3A_315 : i32
      %lt3A = arith.constant 20 : i32
      %lt3A_317 = arith.cmpi slt, %add3A_316, %lt3A : i32
      %convert_element_type3A = arith.extui %lt3A_317 : i1 to i32
      %cond3A = arith.constant 0 : i32
      %cond3A_318 = arith.cmpi ne, %convert_element_type3A, %cond3A : i32
      scf.if %cond3A_318 {
        %add3A_365 = arith.constant 2 : i32
        %add3A_366 = arith.addi %add3A_279, %add3A_365 : i32
        %mul3A_367 = arith.constant 1600 : i32
        %mul3A_368 = arith.muli %add3A, %mul3A_367 : i32
        %mul3A_369 = arith.constant 80 : i32
        %mul3A_370 = arith.muli %add3A_366, %mul3A_369 : i32
        %add3A_371 = arith.addi %mul3A_368, %mul3A_370 : i32
        %dma_wait3A_372 = arith.constant 0 : i32
        %dma_wait3A_373 = arith.constant 0 : i32
        %dma_wait3A_374 = tpu.memref_slice %arg19[%dma_wait3A_372, %dma_wait3A_373] : memref<128x128xf32, #tpu.memory_space<vmem>> -> memref<80x128xf32, #tpu.memory_space<vmem>>
        %dma_wait3A_375 = arith.constant 0 : i32
        %dma_wait3A_376 = arith.constant 0 : i32
        %dma_wait3A_377 = tpu.memref_slice %arg11[%dma_wait3A_375, %dma_wait3A_376] : memref<51200x128xf32, #tpu.memory_space<hbm>> -> memref<80x128xf32, #tpu.memory_space<hbm>>
        %dma_wait3A_378 = arith.constant 0 : i32
        %dma_wait3A_379 = arith.constant 0 : i32
        %dma_wait3A_380 = tpu.memref_slice %arg11[%dma_wait3A_378, %dma_wait3A_379] : memref<51200x128xf32, #tpu.memory_space<hbm>> -> memref<80x128xf32, #tpu.memory_space<hbm>>
        %dma_wait3A_381 = arith.constant 0 : i32
        %dma_wait3A_382 = arith.constant 0 : i32
        %dma_wait3A_383 = tpu.memref_slice %arg19[%dma_wait3A_381, %dma_wait3A_382] : memref<128x128xf32, #tpu.memory_space<vmem>> -> memref<80x128xf32, #tpu.memory_space<vmem>>
        tpu.wait_dma2 semaphore(%arg29 : memref<!tpu.dma_semaphore, #tpu.memory_space<semaphore_mem>>) src(%dma_wait3A_383 : memref<80x128xf32, #tpu.memory_space<vmem>>) dst(%dma_wait3A_380 : memref<80x128xf32, #tpu.memory_space<hbm>>)
        %dma_wait3A_384 = arith.constant 0 : i32
        %dma_wait3A_385 = tpu.memref_slice %arg21[%dma_wait3A_384] : memref<128xf32, #tpu.memory_space<vmem>> -> memref<80xf32, #tpu.memory_space<vmem>>
        %dma_wait3A_386 = arith.constant 0 : i32
        %dma_wait3A_387 = tpu.memref_slice %arg16[%dma_wait3A_386] : memref<51200xf32, #tpu.memory_space<hbm>> -> memref<80xf32, #tpu.memory_space<hbm>>
        %dma_wait3A_388 = arith.constant 0 : i32
        %dma_wait3A_389 = tpu.memref_slice %arg16[%dma_wait3A_388] : memref<51200xf32, #tpu.memory_space<hbm>> -> memref<80xf32, #tpu.memory_space<hbm>>
        %dma_wait3A_390 = arith.constant 0 : i32
        %dma_wait3A_391 = tpu.memref_slice %arg21[%dma_wait3A_390] : memref<128xf32, #tpu.memory_space<vmem>> -> memref<80xf32, #tpu.memory_space<vmem>>
        tpu.wait_dma2 semaphore(%arg31 : memref<!tpu.dma_semaphore, #tpu.memory_space<semaphore_mem>>) src(%dma_wait3A_391 : memref<80xf32, #tpu.memory_space<vmem>>) dst(%dma_wait3A_389 : memref<80xf32, #tpu.memory_space<hbm>>)
        "tpu.region"() ({
          %run_scoped3A = tpu.sem_alloc : memref<!tpu.dma_semaphore, #tpu.memory_space<semaphore_mem>>
          %dma_start3A_406 = arith.constant 0 : i32
          %dma_start3A_407 = tpu.memref_slice %arg17[%dma_start3A_406] : memref<128xi32, #tpu.memory_space<vmem>> -> memref<80xi32, #tpu.memory_space<vmem>>
          %dma_start3A_408 = tpu.memref_slice %arg8[%add3A_371] : memref<51200xi32, #tpu.memory_space<hbm>> -> memref<80xi32, #tpu.memory_space<hbm>>
          %dma_start3A_409 = arith.constant 0 : i32
          %dma_start3A_410 = tpu.memref_slice %arg17[%dma_start3A_409] : memref<128xi32, #tpu.memory_space<vmem>> -> memref<80xi32, #tpu.memory_space<vmem>>
          %dma_start3A_411 = tpu.memref_slice %arg8[%add3A_371] : memref<51200xi32, #tpu.memory_space<hbm>> -> memref<80xi32, #tpu.memory_space<hbm>>
          tpu.enqueue_dma source(%dma_start3A_411 : memref<80xi32, #tpu.memory_space<hbm>>) target(%dma_start3A_410 : memref<80xi32, #tpu.memory_space<vmem>>) target_semaphore(%run_scoped3A : memref<!tpu.dma_semaphore, #tpu.memory_space<semaphore_mem>>)
          %dma_wait3A_412 = arith.constant 0 : i32
          %dma_wait3A_413 = tpu.memref_slice %arg17[%dma_wait3A_412] : memref<128xi32, #tpu.memory_space<vmem>> -> memref<80xi32, #tpu.memory_space<vmem>>
          %dma_wait3A_414 = tpu.memref_slice %arg8[%add3A_371] : memref<51200xi32, #tpu.memory_space<hbm>> -> memref<80xi32, #tpu.memory_space<hbm>>
          %dma_wait3A_415 = arith.constant 0 : i32
          %dma_wait3A_416 = tpu.memref_slice %arg17[%dma_wait3A_415] : memref<128xi32, #tpu.memory_space<vmem>> -> memref<80xi32, #tpu.memory_space<vmem>>
          %dma_wait3A_417 = tpu.memref_slice %arg8[%add3A_371] : memref<51200xi32, #tpu.memory_space<hbm>> -> memref<80xi32, #tpu.memory_space<hbm>>
          tpu.wait_dma2 semaphore(%run_scoped3A : memref<!tpu.dma_semaphore, #tpu.memory_space<semaphore_mem>>) src(%dma_wait3A_417 : memref<80xi32, #tpu.memory_space<hbm>>) dst(%dma_wait3A_416 : memref<80xi32, #tpu.memory_space<vmem>>)
          tpu.yield
        }) : () -> ()
        %dma_start3A_392 = arith.constant 0 : i32
        %dma_start3A_393 = arith.constant 0 : i32
        %dma_start3A_394 = tpu.memref_slice %arg19[%dma_start3A_392, %dma_start3A_393] : memref<128x128xf32, #tpu.memory_space<vmem>> -> memref<80x128xf32, #tpu.memory_space<vmem>>
        %dma_start3A_395 = arith.constant 0 : i32
        %dma_start3A_396 = tpu.memref_slice %arg17[%dma_start3A_395] : memref<128xi32, #tpu.memory_space<vmem>> -> memref<80xi32, #tpu.memory_space<vmem>>
        %dma_start3A_397 = arith.constant 0 : i32
        %dma_start3A_398 = arith.constant 0 : i32
        %dma_start3A_399 = tpu.memref_slice %arg2[%dma_start3A_397, %dma_start3A_398] : memref<100000x128xf32, #tpu.memory_space<hbm>> -> memref<100000x128xf32, #tpu.memory_space<hbm>>
        tpu.enqueue_indirect_dma source(%dma_start3A_399 : memref<100000x128xf32, #tpu.memory_space<hbm>>) target(%dma_start3A_394 : memref<80x128xf32, #tpu.memory_space<vmem>>) offsets(%dma_start3A_396 : memref<80xi32, #tpu.memory_space<vmem>>) semaphore(%arg25 : memref<!tpu.dma_semaphore, #tpu.memory_space<semaphore_mem>>)
        %dma_start3A_400 = arith.constant 0 : i32
        %dma_start3A_401 = tpu.memref_slice %arg21[%dma_start3A_400] : memref<128xf32, #tpu.memory_space<vmem>> -> memref<80xf32, #tpu.memory_space<vmem>>
        %dma_start3A_402 = arith.constant 0 : i32
        %dma_start3A_403 = tpu.memref_slice %arg17[%dma_start3A_402] : memref<128xi32, #tpu.memory_space<vmem>> -> memref<80xi32, #tpu.memory_space<vmem>>
        %dma_start3A_404 = arith.constant 0 : i32
        %dma_start3A_405 = tpu.memref_slice %arg4[%dma_start3A_404] : memref<100000xf32, #tpu.memory_space<hbm>> -> memref<100000xf32, #tpu.memory_space<hbm>>
        tpu.enqueue_indirect_dma source(%dma_start3A_405 : memref<100000xf32, #tpu.memory_space<hbm>>) target(%dma_start3A_401 : memref<80xf32, #tpu.memory_space<vmem>>) offsets(%dma_start3A_403 : memref<80xi32, #tpu.memory_space<vmem>>) semaphore(%arg27 : memref<!tpu.dma_semaphore, #tpu.memory_space<semaphore_mem>>)
      } else {
      }
      %mul3A_319 = arith.constant 2 : i32
      %mul3A_320 = arith.muli %mul3A_319, %add3A_275 : i32
      %add3A_321 = arith.constant 1 : i32
      %add3A_322 = arith.addi %mul3A_320, %add3A_321 : i32
      %mul3A_323 = arith.constant 1600 : i32
      %mul3A_324 = arith.muli %add3A, %mul3A_323 : i32
      %mul3A_325 = arith.constant 80 : i32
      %mul3A_326 = arith.muli %add3A_322, %mul3A_325 : i32
      %add3A_327 = arith.addi %mul3A_324, %mul3A_326 : i32
      %dma_wait3A_328 = arith.constant 0 : i32
      %dma_wait3A_329 = arith.constant 0 : i32
      %dma_wait3A_330 = tpu.memref_slice %arg20[%dma_wait3A_328, %dma_wait3A_329] : memref<128x128xf32, #tpu.memory_space<vmem>> -> memref<80x128xf32, #tpu.memory_space<vmem>>
      %dma_wait3A_331 = arith.constant 0 : i32
      %dma_wait3A_332 = tpu.memref_slice %arg18[%dma_wait3A_331] : memref<128xi32, #tpu.memory_space<vmem>> -> memref<80xi32, #tpu.memory_space<vmem>>
      %dma_wait3A_333 = arith.constant 0 : i32
      %dma_wait3A_334 = arith.constant 0 : i32
      %dma_wait3A_335 = tpu.memref_slice %arg2[%dma_wait3A_333, %dma_wait3A_334] : memref<100000x128xf32, #tpu.memory_space<hbm>> -> memref<100000x128xf32, #tpu.memory_space<hbm>>
      tpu.wait_indirect_dma semaphore(%arg26 : memref<!tpu.dma_semaphore, #tpu.memory_space<semaphore_mem>>) src(%dma_wait3A_335 : memref<100000x128xf32, #tpu.memory_space<hbm>>) dst(%dma_wait3A_330 : memref<80x128xf32, #tpu.memory_space<vmem>>)
      %dma_start3A_336 = arith.constant 0 : i32
      %dma_start3A_337 = arith.constant 0 : i32
      %dma_start3A_338 = tpu.memref_slice %arg20[%dma_start3A_336, %dma_start3A_337] : memref<128x128xf32, #tpu.memory_space<vmem>> -> memref<80x128xf32, #tpu.memory_space<vmem>>
      %dma_start3A_339 = arith.constant 0 : i32
      %dma_start3A_340 = tpu.memref_slice %arg11[%add3A_327, %dma_start3A_339] : memref<51200x128xf32, #tpu.memory_space<hbm>> -> memref<80x128xf32, #tpu.memory_space<hbm>>
      %dma_start3A_341 = arith.constant 0 : i32
      %dma_start3A_342 = tpu.memref_slice %arg11[%add3A_327, %dma_start3A_341] : memref<51200x128xf32, #tpu.memory_space<hbm>> -> memref<80x128xf32, #tpu.memory_space<hbm>>
      %dma_start3A_343 = arith.constant 0 : i32
      %dma_start3A_344 = arith.constant 0 : i32
      %dma_start3A_345 = tpu.memref_slice %arg20[%dma_start3A_343, %dma_start3A_344] : memref<128x128xf32, #tpu.memory_space<vmem>> -> memref<80x128xf32, #tpu.memory_space<vmem>>
      tpu.enqueue_dma source(%dma_start3A_345 : memref<80x128xf32, #tpu.memory_space<vmem>>) target(%dma_start3A_342 : memref<80x128xf32, #tpu.memory_space<hbm>>) target_semaphore(%arg30 : memref<!tpu.dma_semaphore, #tpu.memory_space<semaphore_mem>>)
      %dma_wait3A_346 = arith.constant 0 : i32
      %dma_wait3A_347 = tpu.memref_slice %arg22[%dma_wait3A_346] : memref<128xf32, #tpu.memory_space<vmem>> -> memref<80xf32, #tpu.memory_space<vmem>>
      %dma_wait3A_348 = arith.constant 0 : i32
      %dma_wait3A_349 = tpu.memref_slice %arg18[%dma_wait3A_348] : memref<128xi32, #tpu.memory_space<vmem>> -> memref<80xi32, #tpu.memory_space<vmem>>
      %dma_wait3A_350 = arith.constant 0 : i32
      %dma_wait3A_351 = tpu.memref_slice %arg4[%dma_wait3A_350] : memref<100000xf32, #tpu.memory_space<hbm>> -> memref<100000xf32, #tpu.memory_space<hbm>>
      tpu.wait_indirect_dma semaphore(%arg28 : memref<!tpu.dma_semaphore, #tpu.memory_space<semaphore_mem>>) src(%dma_wait3A_351 : memref<100000xf32, #tpu.memory_space<hbm>>) dst(%dma_wait3A_347 : memref<80xf32, #tpu.memory_space<vmem>>)
      %dma_start3A_352 = arith.constant 0 : i32
      %dma_start3A_353 = tpu.memref_slice %arg22[%dma_start3A_352] : memref<128xf32, #tpu.memory_space<vmem>> -> memref<80xf32, #tpu.memory_space<vmem>>
      %dma_start3A_354 = tpu.memref_slice %arg16[%add3A_327] : memref<51200xf32, #tpu.memory_space<hbm>> -> memref<80xf32, #tpu.memory_space<hbm>>
      %dma_start3A_355 = tpu.memref_slice %arg16[%add3A_327] : memref<51200xf32, #tpu.memory_space<hbm>> -> memref<80xf32, #tpu.memory_space<hbm>>
      %dma_start3A_356 = arith.constant 0 : i32
      %dma_start3A_357 = tpu.memref_slice %arg22[%dma_start3A_356] : memref<128xf32, #tpu.memory_space<vmem>> -> memref<80xf32, #tpu.memory_space<vmem>>
      tpu.enqueue_dma source(%dma_start3A_357 : memref<80xf32, #tpu.memory_space<vmem>>) target(%dma_start3A_355 : memref<80xf32, #tpu.memory_space<hbm>>) target_semaphore(%arg32 : memref<!tpu.dma_semaphore, #tpu.memory_space<semaphore_mem>>)
      %add3A_358 = arith.constant 2 : i32
      %add3A_359 = arith.addi %add3A_322, %add3A_358 : i32
      %lt3A_360 = arith.constant 20 : i32
      %lt3A_361 = arith.cmpi slt, %add3A_359, %lt3A_360 : i32
      %convert_element_type3A_362 = arith.extui %lt3A_361 : i1 to i32
      %cond3A_363 = arith.constant 0 : i32
      %cond3A_364 = arith.cmpi ne, %convert_element_type3A_362, %cond3A_363 : i32
      scf.if %cond3A_364 {
        %add3A_365 = arith.constant 2 : i32
        %add3A_366 = arith.addi %add3A_322, %add3A_365 : i32
        %mul3A_367 = arith.constant 1600 : i32
        %mul3A_368 = arith.muli %add3A, %mul3A_367 : i32
        %mul3A_369 = arith.constant 80 : i32
        %mul3A_370 = arith.muli %add3A_366, %mul3A_369 : i32
        %add3A_371 = arith.addi %mul3A_368, %mul3A_370 : i32
        %dma_wait3A_372 = arith.constant 0 : i32
        %dma_wait3A_373 = arith.constant 0 : i32
        %dma_wait3A_374 = tpu.memref_slice %arg20[%dma_wait3A_372, %dma_wait3A_373] : memref<128x128xf32, #tpu.memory_space<vmem>> -> memref<80x128xf32, #tpu.memory_space<vmem>>
        %dma_wait3A_375 = arith.constant 0 : i32
        %dma_wait3A_376 = arith.constant 0 : i32
        %dma_wait3A_377 = tpu.memref_slice %arg11[%dma_wait3A_375, %dma_wait3A_376] : memref<51200x128xf32, #tpu.memory_space<hbm>> -> memref<80x128xf32, #tpu.memory_space<hbm>>
        %dma_wait3A_378 = arith.constant 0 : i32
        %dma_wait3A_379 = arith.constant 0 : i32
        %dma_wait3A_380 = tpu.memref_slice %arg11[%dma_wait3A_378, %dma_wait3A_379] : memref<51200x128xf32, #tpu.memory_space<hbm>> -> memref<80x128xf32, #tpu.memory_space<hbm>>
        %dma_wait3A_381 = arith.constant 0 : i32
        %dma_wait3A_382 = arith.constant 0 : i32
        %dma_wait3A_383 = tpu.memref_slice %arg20[%dma_wait3A_381, %dma_wait3A_382] : memref<128x128xf32, #tpu.memory_space<vmem>> -> memref<80x128xf32, #tpu.memory_space<vmem>>
        tpu.wait_dma2 semaphore(%arg30 : memref<!tpu.dma_semaphore, #tpu.memory_space<semaphore_mem>>) src(%dma_wait3A_383 : memref<80x128xf32, #tpu.memory_space<vmem>>) dst(%dma_wait3A_380 : memref<80x128xf32, #tpu.memory_space<hbm>>)
        %dma_wait3A_384 = arith.constant 0 : i32
        %dma_wait3A_385 = tpu.memref_slice %arg22[%dma_wait3A_384] : memref<128xf32, #tpu.memory_space<vmem>> -> memref<80xf32, #tpu.memory_space<vmem>>
        %dma_wait3A_386 = arith.constant 0 : i32
        %dma_wait3A_387 = tpu.memref_slice %arg16[%dma_wait3A_386] : memref<51200xf32, #tpu.memory_space<hbm>> -> memref<80xf32, #tpu.memory_space<hbm>>
        %dma_wait3A_388 = arith.constant 0 : i32
        %dma_wait3A_389 = tpu.memref_slice %arg16[%dma_wait3A_388] : memref<51200xf32, #tpu.memory_space<hbm>> -> memref<80xf32, #tpu.memory_space<hbm>>
        %dma_wait3A_390 = arith.constant 0 : i32
        %dma_wait3A_391 = tpu.memref_slice %arg22[%dma_wait3A_390] : memref<128xf32, #tpu.memory_space<vmem>> -> memref<80xf32, #tpu.memory_space<vmem>>
        tpu.wait_dma2 semaphore(%arg32 : memref<!tpu.dma_semaphore, #tpu.memory_space<semaphore_mem>>) src(%dma_wait3A_391 : memref<80xf32, #tpu.memory_space<vmem>>) dst(%dma_wait3A_389 : memref<80xf32, #tpu.memory_space<hbm>>)
        "tpu.region"() ({
          %run_scoped3A = tpu.sem_alloc : memref<!tpu.dma_semaphore, #tpu.memory_space<semaphore_mem>>
          %dma_start3A_406 = arith.constant 0 : i32
          %dma_start3A_407 = tpu.memref_slice %arg18[%dma_start3A_406] : memref<128xi32, #tpu.memory_space<vmem>> -> memref<80xi32, #tpu.memory_space<vmem>>
          %dma_start3A_408 = tpu.memref_slice %arg8[%add3A_371] : memref<51200xi32, #tpu.memory_space<hbm>> -> memref<80xi32, #tpu.memory_space<hbm>>
          %dma_start3A_409 = arith.constant 0 : i32
          %dma_start3A_410 = tpu.memref_slice %arg18[%dma_start3A_409] : memref<128xi32, #tpu.memory_space<vmem>> -> memref<80xi32, #tpu.memory_space<vmem>>
          %dma_start3A_411 = tpu.memref_slice %arg8[%add3A_371] : memref<51200xi32, #tpu.memory_space<hbm>> -> memref<80xi32, #tpu.memory_space<hbm>>
          tpu.enqueue_dma source(%dma_start3A_411 : memref<80xi32, #tpu.memory_space<hbm>>) target(%dma_start3A_410 : memref<80xi32, #tpu.memory_space<vmem>>) target_semaphore(%run_scoped3A : memref<!tpu.dma_semaphore, #tpu.memory_space<semaphore_mem>>)
          %dma_wait3A_412 = arith.constant 0 : i32
          %dma_wait3A_413 = tpu.memref_slice %arg18[%dma_wait3A_412] : memref<128xi32, #tpu.memory_space<vmem>> -> memref<80xi32, #tpu.memory_space<vmem>>
          %dma_wait3A_414 = tpu.memref_slice %arg8[%add3A_371] : memref<51200xi32, #tpu.memory_space<hbm>> -> memref<80xi32, #tpu.memory_space<hbm>>
          %dma_wait3A_415 = arith.constant 0 : i32
          %dma_wait3A_416 = tpu.memref_slice %arg18[%dma_wait3A_415] : memref<128xi32, #tpu.memory_space<vmem>> -> memref<80xi32, #tpu.memory_space<vmem>>
          %dma_wait3A_417 = tpu.memref_slice %arg8[%add3A_371] : memref<51200xi32, #tpu.memory_space<hbm>> -> memref<80xi32, #tpu.memory_space<hbm>>
          tpu.wait_dma2 semaphore(%run_scoped3A : memref<!tpu.dma_semaphore, #tpu.memory_space<semaphore_mem>>) src(%dma_wait3A_417 : memref<80xi32, #tpu.memory_space<hbm>>) dst(%dma_wait3A_416 : memref<80xi32, #tpu.memory_space<vmem>>)
          tpu.yield
        }) : () -> ()
        %dma_start3A_392 = arith.constant 0 : i32
        %dma_start3A_393 = arith.constant 0 : i32
        %dma_start3A_394 = tpu.memref_slice %arg20[%dma_start3A_392, %dma_start3A_393] : memref<128x128xf32, #tpu.memory_space<vmem>> -> memref<80x128xf32, #tpu.memory_space<vmem>>
        %dma_start3A_395 = arith.constant 0 : i32
        %dma_start3A_396 = tpu.memref_slice %arg18[%dma_start3A_395] : memref<128xi32, #tpu.memory_space<vmem>> -> memref<80xi32, #tpu.memory_space<vmem>>
        %dma_start3A_397 = arith.constant 0 : i32
        %dma_start3A_398 = arith.constant 0 : i32
        %dma_start3A_399 = tpu.memref_slice %arg2[%dma_start3A_397, %dma_start3A_398] : memref<100000x128xf32, #tpu.memory_space<hbm>> -> memref<100000x128xf32, #tpu.memory_space<hbm>>
        tpu.enqueue_indirect_dma source(%dma_start3A_399 : memref<100000x128xf32, #tpu.memory_space<hbm>>) target(%dma_start3A_394 : memref<80x128xf32, #tpu.memory_space<vmem>>) offsets(%dma_start3A_396 : memref<80xi32, #tpu.memory_space<vmem>>) semaphore(%arg26 : memref<!tpu.dma_semaphore, #tpu.memory_space<semaphore_mem>>)
        %dma_start3A_400 = arith.constant 0 : i32
        %dma_start3A_401 = tpu.memref_slice %arg22[%dma_start3A_400] : memref<128xf32, #tpu.memory_space<vmem>> -> memref<80xf32, #tpu.memory_space<vmem>>
        %dma_start3A_402 = arith.constant 0 : i32
        %dma_start3A_403 = tpu.memref_slice %arg18[%dma_start3A_402] : memref<128xi32, #tpu.memory_space<vmem>> -> memref<80xi32, #tpu.memory_space<vmem>>
        %dma_start3A_404 = arith.constant 0 : i32
        %dma_start3A_405 = tpu.memref_slice %arg4[%dma_start3A_404] : memref<100000xf32, #tpu.memory_space<hbm>> -> memref<100000xf32, #tpu.memory_space<hbm>>
        tpu.enqueue_indirect_dma source(%dma_start3A_405 : memref<100000xf32, #tpu.memory_space<hbm>>) target(%dma_start3A_401 : memref<80xf32, #tpu.memory_space<vmem>>) offsets(%dma_start3A_403 : memref<80xi32, #tpu.memory_space<vmem>>) semaphore(%arg28 : memref<!tpu.dma_semaphore, #tpu.memory_space<semaphore_mem>>)
      } else {
      }
    }
    %scan3A_160 = arith.constant 10 : i32
    %dma_wait3A_161 = arith.constant 0 : i32
    %dma_wait3A_162 = arith.constant 0 : i32
    %dma_wait3A_163 = tpu.memref_slice %arg19[%dma_wait3A_161, %dma_wait3A_162] : memref<128x128xf32, #tpu.memory_space<vmem>> -> memref<80x128xf32, #tpu.memory_space<vmem>>
    %dma_wait3A_164 = arith.constant 0 : i32
    %dma_wait3A_165 = arith.constant 0 : i32
    %dma_wait3A_166 = tpu.memref_slice %arg11[%dma_wait3A_164, %dma_wait3A_165] : memref<51200x128xf32, #tpu.memory_space<hbm>> -> memref<80x128xf32, #tpu.memory_space<hbm>>
    %dma_wait3A_167 = arith.constant 0 : i32
    %dma_wait3A_168 = arith.constant 0 : i32
    %dma_wait3A_169 = tpu.memref_slice %arg11[%dma_wait3A_167, %dma_wait3A_168] : memref<51200x128xf32, #tpu.memory_space<hbm>> -> memref<80x128xf32, #tpu.memory_space<hbm>>
    %dma_wait3A_170 = arith.constant 0 : i32
    %dma_wait3A_171 = arith.constant 0 : i32
    %dma_wait3A_172 = tpu.memref_slice %arg19[%dma_wait3A_170, %dma_wait3A_171] : memref<128x128xf32, #tpu.memory_space<vmem>> -> memref<80x128xf32, #tpu.memory_space<vmem>>
    tpu.wait_dma2 semaphore(%arg29 : memref<!tpu.dma_semaphore, #tpu.memory_space<semaphore_mem>>) src(%dma_wait3A_172 : memref<80x128xf32, #tpu.memory_space<vmem>>) dst(%dma_wait3A_169 : memref<80x128xf32, #tpu.memory_space<hbm>>)
    %dma_wait3A_173 = arith.constant 0 : i32
    %dma_wait3A_174 = arith.constant 0 : i32
    %dma_wait3A_175 = tpu.memref_slice %arg20[%dma_wait3A_173, %dma_wait3A_174] : memref<128x128xf32, #tpu.memory_space<vmem>> -> memref<80x128xf32, #tpu.memory_space<vmem>>
    %dma_wait3A_176 = arith.constant 0 : i32
    %dma_wait3A_177 = arith.constant 0 : i32
    %dma_wait3A_178 = tpu.memref_slice %arg11[%dma_wait3A_176, %dma_wait3A_177] : memref<51200x128xf32, #tpu.memory_space<hbm>> -> memref<80x128xf32, #tpu.memory_space<hbm>>
    %dma_wait3A_179 = arith.constant 0 : i32
    %dma_wait3A_180 = arith.constant 0 : i32
    %dma_wait3A_181 = tpu.memref_slice %arg11[%dma_wait3A_179, %dma_wait3A_180] : memref<51200x128xf32, #tpu.memory_space<hbm>> -> memref<80x128xf32, #tpu.memory_space<hbm>>
    %dma_wait3A_182 = arith.constant 0 : i32
    %dma_wait3A_183 = arith.constant 0 : i32
    %dma_wait3A_184 = tpu.memref_slice %arg20[%dma_wait3A_182, %dma_wait3A_183] : memref<128x128xf32, #tpu.memory_space<vmem>> -> memref<80x128xf32, #tpu.memory_space<vmem>>
    tpu.wait_dma2 semaphore(%arg30 : memref<!tpu.dma_semaphore, #tpu.memory_space<semaphore_mem>>) src(%dma_wait3A_184 : memref<80x128xf32, #tpu.memory_space<vmem>>) dst(%dma_wait3A_181 : memref<80x128xf32, #tpu.memory_space<hbm>>)
    %dma_wait3A_185 = arith.constant 0 : i32
    %dma_wait3A_186 = tpu.memref_slice %arg21[%dma_wait3A_185] : memref<128xf32, #tpu.memory_space<vmem>> -> memref<80xf32, #tpu.memory_space<vmem>>
    %dma_wait3A_187 = arith.constant 0 : i32
    %dma_wait3A_188 = tpu.memref_slice %arg16[%dma_wait3A_187] : memref<51200xf32, #tpu.memory_space<hbm>> -> memref<80xf32, #tpu.memory_space<hbm>>
    %dma_wait3A_189 = arith.constant 0 : i32
    %dma_wait3A_190 = tpu.memref_slice %arg16[%dma_wait3A_189] : memref<51200xf32, #tpu.memory_space<hbm>> -> memref<80xf32, #tpu.memory_space<hbm>>
    %dma_wait3A_191 = arith.constant 0 : i32
    %dma_wait3A_192 = tpu.memref_slice %arg21[%dma_wait3A_191] : memref<128xf32, #tpu.memory_space<vmem>> -> memref<80xf32, #tpu.memory_space<vmem>>
    tpu.wait_dma2 semaphore(%arg31 : memref<!tpu.dma_semaphore, #tpu.memory_space<semaphore_mem>>) src(%dma_wait3A_192 : memref<80xf32, #tpu.memory_space<vmem>>) dst(%dma_wait3A_190 : memref<80xf32, #tpu.memory_space<hbm>>)
    %dma_wait3A_193 = arith.constant 0 : i32
    %dma_wait3A_194 = tpu.memref_slice %arg22[%dma_wait3A_193] : memref<128xf32, #tpu.memory_space<vmem>> -> memref<80xf32, #tpu.memory_space<vmem>>
    %dma_wait3A_195 = arith.constant 0 : i32
    %dma_wait3A_196 = tpu.memref_slice %arg16[%dma_wait3A_195] : memref<51200xf32, #tpu.memory_space<hbm>> -> memref<80xf32, #tpu.memory_space<hbm>>
    %dma_wait3A_197 = arith.constant 0 : i32
    %dma_wait3A_198 = tpu.memref_slice %arg16[%dma_wait3A_197] : memref<51200xf32, #tpu.memory_space<hbm>> -> memref<80xf32, #tpu.memory_space<hbm>>
    %dma_wait3A_199 = arith.constant 0 : i32
    %dma_wait3A_200 = tpu.memref_slice %arg22[%dma_wait3A_199] : memref<128xf32, #tpu.memory_space<vmem>> -> memref<80xf32, #tpu.memory_space<vmem>>
    tpu.wait_dma2 semaphore(%arg32 : memref<!tpu.dma_semaphore, #tpu.memory_space<semaphore_mem>>) src(%dma_wait3A_200 : memref<80xf32, #tpu.memory_space<vmem>>) dst(%dma_wait3A_198 : memref<80xf32, #tpu.memory_space<hbm>>)
    "tpu.region"() ({
      %run_scoped3A = tpu.sem_alloc : memref<!tpu.dma_semaphore, #tpu.memory_space<semaphore_mem>>
      %dma_start3A_271 = arith.constant 0 : i32
      %dma_start3A_272 = tpu.memref_slice %arg17[%dma_start3A_271] : memref<128xi32, #tpu.memory_space<vmem>> -> memref<32xi32, #tpu.memory_space<vmem>>
      %dma_start3A_273 = tpu.memref_slice %arg7[%mul3A_2] : memref<1024xi32, #tpu.memory_space<hbm>> -> memref<32xi32, #tpu.memory_space<hbm>>
      %dma_start3A_274 = arith.constant 0 : i32
      %dma_start3A_275 = tpu.memref_slice %arg17[%dma_start3A_274] : memref<128xi32, #tpu.memory_space<vmem>> -> memref<32xi32, #tpu.memory_space<vmem>>
      %dma_start3A_276 = tpu.memref_slice %arg7[%mul3A_2] : memref<1024xi32, #tpu.memory_space<hbm>> -> memref<32xi32, #tpu.memory_space<hbm>>
      tpu.enqueue_dma source(%dma_start3A_276 : memref<32xi32, #tpu.memory_space<hbm>>) target(%dma_start3A_275 : memref<32xi32, #tpu.memory_space<vmem>>) target_semaphore(%run_scoped3A : memref<!tpu.dma_semaphore, #tpu.memory_space<semaphore_mem>>)
      %dma_wait3A_277 = arith.constant 0 : i32
      %dma_wait3A_278 = tpu.memref_slice %arg17[%dma_wait3A_277] : memref<128xi32, #tpu.memory_space<vmem>> -> memref<32xi32, #tpu.memory_space<vmem>>
      %dma_wait3A_279 = tpu.memref_slice %arg7[%mul3A_2] : memref<1024xi32, #tpu.memory_space<hbm>> -> memref<32xi32, #tpu.memory_space<hbm>>
      %dma_wait3A_280 = arith.constant 0 : i32
      %dma_wait3A_281 = tpu.memref_slice %arg17[%dma_wait3A_280] : memref<128xi32, #tpu.memory_space<vmem>> -> memref<32xi32, #tpu.memory_space<vmem>>
      %dma_wait3A_282 = tpu.memref_slice %arg7[%mul3A_2] : memref<1024xi32, #tpu.memory_space<hbm>> -> memref<32xi32, #tpu.memory_space<hbm>>
      tpu.wait_dma2 semaphore(%run_scoped3A : memref<!tpu.dma_semaphore, #tpu.memory_space<semaphore_mem>>) src(%dma_wait3A_282 : memref<32xi32, #tpu.memory_space<hbm>>) dst(%dma_wait3A_281 : memref<32xi32, #tpu.memory_space<vmem>>)
      tpu.yield
    }) : () -> ()
    "tpu.region"() ({
      %run_scoped3A = tpu.sem_alloc : memref<!tpu.dma_semaphore, #tpu.memory_space<semaphore_mem>>
      %dma_start3A_271 = arith.constant 0 : i32
      %dma_start3A_272 = arith.constant 0 : i32
      %dma_start3A_273 = tpu.memref_slice %arg24[%dma_start3A_271, %dma_start3A_272] : memref<128x128xi32, #tpu.memory_space<vmem>> -> memref<32x128xi32, #tpu.memory_space<vmem>>
      %dma_start3A_274 = arith.constant 0 : i32
      %dma_start3A_275 = tpu.memref_slice %arg17[%dma_start3A_274] : memref<128xi32, #tpu.memory_space<vmem>> -> memref<32xi32, #tpu.memory_space<vmem>>
      %dma_start3A_276 = arith.constant 0 : i32
      %dma_start3A_277 = arith.constant 0 : i32
      %dma_start3A_278 = tpu.memref_slice %arg5[%dma_start3A_276, %dma_start3A_277] : memref<100000x128xi32, #tpu.memory_space<hbm>> -> memref<100000x128xi32, #tpu.memory_space<hbm>>
      tpu.enqueue_indirect_dma source(%dma_start3A_278 : memref<100000x128xi32, #tpu.memory_space<hbm>>) target(%dma_start3A_273 : memref<32x128xi32, #tpu.memory_space<vmem>>) offsets(%dma_start3A_275 : memref<32xi32, #tpu.memory_space<vmem>>) semaphore(%run_scoped3A : memref<!tpu.dma_semaphore, #tpu.memory_space<semaphore_mem>>)
      %dma_wait3A_279 = arith.constant 0 : i32
      %dma_wait3A_280 = arith.constant 0 : i32
      %dma_wait3A_281 = tpu.memref_slice %arg24[%dma_wait3A_279, %dma_wait3A_280] : memref<128x128xi32, #tpu.memory_space<vmem>> -> memref<32x128xi32, #tpu.memory_space<vmem>>
      %dma_wait3A_282 = arith.constant 0 : i32
      %dma_wait3A_283 = tpu.memref_slice %arg17[%dma_wait3A_282] : memref<128xi32, #tpu.memory_space<vmem>> -> memref<32xi32, #tpu.memory_space<vmem>>
      %dma_wait3A_284 = arith.constant 0 : i32
      %dma_wait3A_285 = arith.constant 0 : i32
      %dma_wait3A_286 = tpu.memref_slice %arg5[%dma_wait3A_284, %dma_wait3A_285] : memref<100000x128xi32, #tpu.memory_space<hbm>> -> memref<100000x128xi32, #tpu.memory_space<hbm>>
      tpu.wait_indirect_dma semaphore(%run_scoped3A : memref<!tpu.dma_semaphore, #tpu.memory_space<semaphore_mem>>) src(%dma_wait3A_286 : memref<100000x128xi32, #tpu.memory_space<hbm>>) dst(%dma_wait3A_281 : memref<32x128xi32, #tpu.memory_space<vmem>>)
      tpu.yield
    }) : () -> ()
    %dma_start3A_201 = arith.constant 0 : i32
    %dma_start3A_202 = arith.constant 0 : i32
    %dma_start3A_203 = tpu.memref_slice %arg24[%dma_start3A_201, %dma_start3A_202] : memref<128x128xi32, #tpu.memory_space<vmem>> -> memref<32x128xi32, #tpu.memory_space<vmem>>
    %dma_start3A_204 = arith.constant 0 : i32
    %dma_start3A_205 = tpu.memref_slice %arg13[%mul3A_2, %dma_start3A_204] : memref<1024x128xi32, #tpu.memory_space<hbm>> -> memref<32x128xi32, #tpu.memory_space<hbm>>
    %dma_start3A_206 = arith.constant 0 : i32
    %dma_start3A_207 = tpu.memref_slice %arg13[%mul3A_2, %dma_start3A_206] : memref<1024x128xi32, #tpu.memory_space<hbm>> -> memref<32x128xi32, #tpu.memory_space<hbm>>
    %dma_start3A_208 = arith.constant 0 : i32
    %dma_start3A_209 = arith.constant 0 : i32
    %dma_start3A_210 = tpu.memref_slice %arg24[%dma_start3A_208, %dma_start3A_209] : memref<128x128xi32, #tpu.memory_space<vmem>> -> memref<32x128xi32, #tpu.memory_space<vmem>>
    tpu.enqueue_dma source(%dma_start3A_210 : memref<32x128xi32, #tpu.memory_space<vmem>>) target(%dma_start3A_207 : memref<32x128xi32, #tpu.memory_space<hbm>>) target_semaphore(%arg31 : memref<!tpu.dma_semaphore, #tpu.memory_space<semaphore_mem>>)
    %iota3A = tpu.iota {dimensions = array<i32: 0>} : vector<16xi32>
    %scan3A_211 = arith.constant 0 : i32
    %scan3A_212 = arith.constant 20 : i32
    %scan3A_213 = arith.addi %scan3A_211, %scan3A_212 : i32
    %scan3A_214 = arith.constant 1 : i32
    scf.for %scan3A_271 = %scan3A_211 to %scan3A_213 step %scan3A_214  : i32 {
      %mul3A_272 = arith.constant 1 : i32
      %mul3A_273 = arith.muli %scan3A_271, %mul3A_272 : i32
      %add3A_274 = arith.constant 0 : i32
      %add3A_275 = arith.addi %add3A_274, %mul3A_273 : i32
      %mul3A_276 = arith.constant 16 : i32
      %mul3A_277 = arith.muli %add3A_275, %mul3A_276 : i32
      %add3A_278 = vector.broadcast %mul3A_277 : i32 to vector<16xi32>
      %add3A_279 = arith.addi %add3A_278, %iota3A : vector<16xi32>
      %jit3A = arith.constant 10 : i32
      %div3A = vector.broadcast %jit3A : i32 to vector<16xi32>
      %div3A_280 = arith.divsi %add3A_279, %div3A : vector<16xi32>
      %sign3A = arith.constant 0 : i32
      %sign3A_281 = vector.broadcast %sign3A : i32 to vector<16xi32>
      %sign3A_282 = arith.cmpi sgt, %add3A_279, %sign3A_281 : vector<16xi32>
      %sign3A_283 = arith.extui %sign3A_282 : vector<16xi1> to vector<16xi32>
      %sign3A_284 = arith.constant 0 : i32
      %sign3A_285 = vector.broadcast %sign3A_284 : i32 to vector<16xi32>
      %sign3A_286 = arith.cmpi slt, %add3A_279, %sign3A_285 : vector<16xi32>
      %sign3A_287 = arith.extui %sign3A_286 : vector<16xi1> to vector<16xi32>
      %sign3A_288 = arith.subi %sign3A_283, %sign3A_287 : vector<16xi32>
      %sign3A_289 = arith.constant 0 : i32
      %sign3A_290 = arith.cmpi sgt, %jit3A, %sign3A_289 : i32
      %sign3A_291 = arith.extui %sign3A_290 : i1 to i32
      %sign3A_292 = arith.constant 0 : i32
      %sign3A_293 = arith.cmpi slt, %jit3A, %sign3A_292 : i32
      %sign3A_294 = arith.extui %sign3A_293 : i1 to i32
      %sign3A_295 = arith.subi %sign3A_291, %sign3A_294 : i32
      %ne3A = vector.broadcast %sign3A_295 : i32 to vector<16xi32>
      %ne3A_296 = arith.cmpi ne, %sign3A_288, %ne3A : vector<16xi32>
      %rem3A = vector.broadcast %jit3A : i32 to vector<16xi32>
      %rem3A_297 = arith.remsi %add3A_279, %rem3A : vector<16xi32>
      %ne3A_298 = arith.constant 0 : i32
      %ne3A_299 = vector.broadcast %ne3A_298 : i32 to vector<16xi32>
      %ne3A_300 = arith.cmpi ne, %rem3A_297, %ne3A_299 : vector<16xi32>
      %and3A = arith.andi %ne3A_296, %ne3A_300 : vector<16xi1>
      %sub3A = arith.constant 1 : i32
      %sub3A_301 = vector.broadcast %sub3A : i32 to vector<16xi32>
      %sub3A_302 = arith.subi %div3A_280, %sub3A_301 : vector<16xi32>
      %select_n3A = arith.select %and3A, %sub3A_302, %div3A_280 : vector<16xi1>, vector<16xi32>
      %jit3A_303 = arith.constant 10 : i32
      %eq3A = arith.constant 0 : i32
      %eq3A_304 = arith.cmpi eq, %jit3A_303, %eq3A : i32
      %jit3A_305 = arith.constant 1 : i32
      %select_n3A_306 = arith.select %eq3A_304, %jit3A_305, %jit3A_303 : i32
      %rem3A_307 = vector.broadcast %select_n3A_306 : i32 to vector<16xi32>
      %rem3A_308 = arith.remsi %add3A_279, %rem3A_307 : vector<16xi32>
      %ne3A_309 = arith.constant 0 : i32
      %ne3A_310 = vector.broadcast %ne3A_309 : i32 to vector<16xi32>
      %ne3A_311 = arith.cmpi ne, %rem3A_308, %ne3A_310 : vector<16xi32>
      %lt3A = arith.constant 0 : i32
      %lt3A_312 = vector.broadcast %lt3A : i32 to vector<16xi32>
      %lt3A_313 = arith.cmpi slt, %rem3A_308, %lt3A_312 : vector<16xi32>
      %lt3A_314 = arith.constant 0 : i32
      %lt3A_315 = arith.cmpi slt, %select_n3A_306, %lt3A_314 : i32
      %ne3A_316 = vector.broadcast %lt3A_315 : i1 to vector<16xi1>
      %ne3A_317 = vector.broadcast %ne3A_316 : vector<16xi1> to vector<16xi1>
      %ne3A_318 = arith.xori %lt3A_313, %ne3A_317 : vector<16xi1>
      %and3A_319 = arith.andi %ne3A_318, %ne3A_311 : vector<16xi1>
      %add3A_320 = vector.broadcast %select_n3A_306 : i32 to vector<16xi32>
      %add3A_321 = arith.addi %rem3A_308, %add3A_320 : vector<16xi32>
      %select_n3A_322 = arith.select %and3A_319, %add3A_321, %rem3A_308 : vector<16xi1>, vector<16xi32>
      %gather3A = tpu.vector_load_idx %arg24[%select_n3A, %select_n3A_322] : memref<128x128xi32, #tpu.memory_space<vmem>>[vector<16xi32>, vector<16xi32>], vector<16xi32>,
      %mul3A_323 = arith.constant 16 : i32
      %mul3A_324 = arith.muli %add3A_275, %mul3A_323 : i32
      %swap3A = arith.index_cast %mul3A_324 : i32 to index
      %swap3A_325 = tpu.vector_load %arg23[%swap3A] {strides = array<i32>} : memref<320xi32, #tpu.memory_space<vmem>>, vector<16xi32>,
      tpu.vector_store %arg23[%swap3A], %gather3A {strides = array<i32>} : memref<320xi32, #tpu.memory_space<vmem>>, vector<16xi32>,
    }
    %scan3A_215 = arith.constant 20 : i32
    %dma_wait3A_216 = arith.constant 0 : i32
    %dma_wait3A_217 = arith.constant 0 : i32
    %dma_wait3A_218 = tpu.memref_slice %arg24[%dma_wait3A_216, %dma_wait3A_217] : memref<128x128xi32, #tpu.memory_space<vmem>> -> memref<32x128xi32, #tpu.memory_space<vmem>>
    %dma_wait3A_219 = arith.constant 0 : i32
    %dma_wait3A_220 = tpu.memref_slice %arg13[%mul3A_2, %dma_wait3A_219] : memref<1024x128xi32, #tpu.memory_space<hbm>> -> memref<32x128xi32, #tpu.memory_space<hbm>>
    %dma_wait3A_221 = arith.constant 0 : i32
    %dma_wait3A_222 = tpu.memref_slice %arg13[%mul3A_2, %dma_wait3A_221] : memref<1024x128xi32, #tpu.memory_space<hbm>> -> memref<32x128xi32, #tpu.memory_space<hbm>>
    %dma_wait3A_223 = arith.constant 0 : i32
    %dma_wait3A_224 = arith.constant 0 : i32
    %dma_wait3A_225 = tpu.memref_slice %arg24[%dma_wait3A_223, %dma_wait3A_224] : memref<128x128xi32, #tpu.memory_space<vmem>> -> memref<32x128xi32, #tpu.memory_space<vmem>>
    tpu.wait_dma2 semaphore(%arg31 : memref<!tpu.dma_semaphore, #tpu.memory_space<semaphore_mem>>) src(%dma_wait3A_225 : memref<32x128xi32, #tpu.memory_space<vmem>>) dst(%dma_wait3A_222 : memref<32x128xi32, #tpu.memory_space<hbm>>)
    %dma_start3A_226 = arith.constant 0 : i32
    %dma_start3A_227 = arith.constant 0 : i32
    %dma_start3A_228 = tpu.memref_slice %arg19[%dma_start3A_226, %dma_start3A_227] : memref<128x128xf32, #tpu.memory_space<vmem>> -> memref<80x128xf32, #tpu.memory_space<vmem>>
    %dma_start3A_229 = arith.constant 0 : i32
    %dma_start3A_230 = tpu.memref_slice %arg23[%dma_start3A_229] : memref<320xi32, #tpu.memory_space<vmem>> -> memref<80xi32, #tpu.memory_space<vmem>>
    %dma_start3A_231 = arith.constant 0 : i32
    %dma_start3A_232 = arith.constant 0 : i32
    %dma_start3A_233 = tpu.memref_slice %arg2[%dma_start3A_231, %dma_start3A_232] : memref<100000x128xf32, #tpu.memory_space<hbm>> -> memref<100000x128xf32, #tpu.memory_space<hbm>>
    tpu.enqueue_indirect_dma source(%dma_start3A_233 : memref<100000x128xf32, #tpu.memory_space<hbm>>) target(%dma_start3A_228 : memref<80x128xf32, #tpu.memory_space<vmem>>) offsets(%dma_start3A_230 : memref<80xi32, #tpu.memory_space<vmem>>) semaphore(%arg25 : memref<!tpu.dma_semaphore, #tpu.memory_space<semaphore_mem>>)
    %dma_start3A_234 = arith.constant 0 : i32
    %dma_start3A_235 = arith.constant 0 : i32
    %dma_start3A_236 = tpu.memref_slice %arg20[%dma_start3A_234, %dma_start3A_235] : memref<128x128xf32, #tpu.memory_space<vmem>> -> memref<80x128xf32, #tpu.memory_space<vmem>>
    %dma_start3A_237 = arith.constant 80 : i32
    %dma_start3A_238 = tpu.memref_slice %arg23[%dma_start3A_237] : memref<320xi32, #tpu.memory_space<vmem>> -> memref<80xi32, #tpu.memory_space<vmem>>
    %dma_start3A_239 = arith.constant 0 : i32
    %dma_start3A_240 = arith.constant 0 : i32
    %dma_start3A_241 = tpu.memref_slice %arg2[%dma_start3A_239, %dma_start3A_240] : memref<100000x128xf32, #tpu.memory_space<hbm>> -> memref<100000x128xf32, #tpu.memory_space<hbm>>
    tpu.enqueue_indirect_dma source(%dma_start3A_241 : memref<100000x128xf32, #tpu.memory_space<hbm>>) target(%dma_start3A_236 : memref<80x128xf32, #tpu.memory_space<vmem>>) offsets(%dma_start3A_238 : memref<80xi32, #tpu.memory_space<vmem>>) semaphore(%arg26 : memref<!tpu.dma_semaphore, #tpu.memory_space<semaphore_mem>>)
    %scan3A_242 = arith.constant 0 : i32
    %scan3A_243 = arith.constant 2 : i32
    %scan3A_244 = arith.addi %scan3A_242, %scan3A_243 : i32
    %scan3A_245 = arith.constant 1 : i32
    scf.for %scan3A_271 = %scan3A_242 to %scan3A_244 step %scan3A_245  : i32 {
      %mul3A_272 = arith.constant 1 : i32
      %mul3A_273 = arith.muli %scan3A_271, %mul3A_272 : i32
      %add3A_274 = arith.constant 0 : i32
      %add3A_275 = arith.addi %add3A_274, %mul3A_273 : i32
      %mul3A_276 = arith.constant 2 : i32
      %mul3A_277 = arith.muli %mul3A_276, %add3A_275 : i32
      %add3A_278 = arith.constant 0 : i32
      %add3A_279 = arith.addi %mul3A_277, %add3A_278 : i32
      %mul3A_280 = arith.constant 320 : i32
      %mul3A_281 = arith.muli %add3A, %mul3A_280 : i32
      %mul3A_282 = arith.constant 80 : i32
      %mul3A_283 = arith.muli %add3A_279, %mul3A_282 : i32
      %add3A_284 = arith.addi %mul3A_281, %mul3A_283 : i32
      %mul3A_285 = arith.constant 80 : i32
      %mul3A_286 = arith.muli %add3A_279, %mul3A_285 : i32
      %dma_wait3A_287 = arith.constant 0 : i32
      %dma_wait3A_288 = arith.constant 0 : i32
      %dma_wait3A_289 = tpu.memref_slice %arg19[%dma_wait3A_287, %dma_wait3A_288] : memref<128x128xf32, #tpu.memory_space<vmem>> -> memref<80x128xf32, #tpu.memory_space<vmem>>
      %dma_wait3A_290 = tpu.memref_slice %arg23[%mul3A_286] : memref<320xi32, #tpu.memory_space<vmem>> -> memref<80xi32, #tpu.memory_space<vmem>>
      %dma_wait3A_291 = arith.constant 0 : i32
      %dma_wait3A_292 = arith.constant 0 : i32
      %dma_wait3A_293 = tpu.memref_slice %arg2[%dma_wait3A_291, %dma_wait3A_292] : memref<100000x128xf32, #tpu.memory_space<hbm>> -> memref<100000x128xf32, #tpu.memory_space<hbm>>
      tpu.wait_indirect_dma semaphore(%arg25 : memref<!tpu.dma_semaphore, #tpu.memory_space<semaphore_mem>>) src(%dma_wait3A_293 : memref<100000x128xf32, #tpu.memory_space<hbm>>) dst(%dma_wait3A_289 : memref<80x128xf32, #tpu.memory_space<vmem>>)
      %dma_start3A_294 = arith.constant 0 : i32
      %dma_start3A_295 = arith.constant 0 : i32
      %dma_start3A_296 = tpu.memref_slice %arg19[%dma_start3A_294, %dma_start3A_295] : memref<128x128xf32, #tpu.memory_space<vmem>> -> memref<80x128xf32, #tpu.memory_space<vmem>>
      %dma_start3A_297 = arith.constant 0 : i32
      %dma_start3A_298 = tpu.memref_slice %arg12[%add3A_284, %dma_start3A_297] : memref<10240x128xf32, #tpu.memory_space<hbm>> -> memref<80x128xf32, #tpu.memory_space<hbm>>
      %dma_start3A_299 = arith.constant 0 : i32
      %dma_start3A_300 = tpu.memref_slice %arg12[%add3A_284, %dma_start3A_299] : memref<10240x128xf32, #tpu.memory_space<hbm>> -> memref<80x128xf32, #tpu.memory_space<hbm>>
      %dma_start3A_301 = arith.constant 0 : i32
      %dma_start3A_302 = arith.constant 0 : i32
      %dma_start3A_303 = tpu.memref_slice %arg19[%dma_start3A_301, %dma_start3A_302] : memref<128x128xf32, #tpu.memory_space<vmem>> -> memref<80x128xf32, #tpu.memory_space<vmem>>
      tpu.enqueue_dma source(%dma_start3A_303 : memref<80x128xf32, #tpu.memory_space<vmem>>) target(%dma_start3A_300 : memref<80x128xf32, #tpu.memory_space<hbm>>) target_semaphore(%arg29 : memref<!tpu.dma_semaphore, #tpu.memory_space<semaphore_mem>>)
      %add3A_304 = arith.constant 2 : i32
      %add3A_305 = arith.addi %add3A_279, %add3A_304 : i32
      %lt3A = arith.constant 4 : i32
      %lt3A_306 = arith.cmpi slt, %add3A_305, %lt3A : i32
      %convert_element_type3A = arith.extui %lt3A_306 : i1 to i32
      %cond3A = arith.constant 0 : i32
      %cond3A_307 = arith.cmpi ne, %convert_element_type3A, %cond3A : i32
      scf.if %cond3A_307 {
        %add3A_343 = arith.constant 2 : i32
        %add3A_344 = arith.addi %add3A_279, %add3A_343 : i32
        %dma_wait3A_345 = arith.constant 0 : i32
        %dma_wait3A_346 = arith.constant 0 : i32
        %dma_wait3A_347 = tpu.memref_slice %arg19[%dma_wait3A_345, %dma_wait3A_346] : memref<128x128xf32, #tpu.memory_space<vmem>> -> memref<80x128xf32, #tpu.memory_space<vmem>>
        %dma_wait3A_348 = arith.constant 0 : i32
        %dma_wait3A_349 = arith.constant 0 : i32
        %dma_wait3A_350 = tpu.memref_slice %arg12[%dma_wait3A_348, %dma_wait3A_349] : memref<10240x128xf32, #tpu.memory_space<hbm>> -> memref<80x128xf32, #tpu.memory_space<hbm>>
        %dma_wait3A_351 = arith.constant 0 : i32
        %dma_wait3A_352 = arith.constant 0 : i32
        %dma_wait3A_353 = tpu.memref_slice %arg12[%dma_wait3A_351, %dma_wait3A_352] : memref<10240x128xf32, #tpu.memory_space<hbm>> -> memref<80x128xf32, #tpu.memory_space<hbm>>
        %dma_wait3A_354 = arith.constant 0 : i32
        %dma_wait3A_355 = arith.constant 0 : i32
        %dma_wait3A_356 = tpu.memref_slice %arg19[%dma_wait3A_354, %dma_wait3A_355] : memref<128x128xf32, #tpu.memory_space<vmem>> -> memref<80x128xf32, #tpu.memory_space<vmem>>
        tpu.wait_dma2 semaphore(%arg29 : memref<!tpu.dma_semaphore, #tpu.memory_space<semaphore_mem>>) src(%dma_wait3A_356 : memref<80x128xf32, #tpu.memory_space<vmem>>) dst(%dma_wait3A_353 : memref<80x128xf32, #tpu.memory_space<hbm>>)
        %mul3A_357 = arith.constant 80 : i32
        %mul3A_358 = arith.muli %add3A_344, %mul3A_357 : i32
        %dma_start3A_359 = arith.constant 0 : i32
        %dma_start3A_360 = arith.constant 0 : i32
        %dma_start3A_361 = tpu.memref_slice %arg19[%dma_start3A_359, %dma_start3A_360] : memref<128x128xf32, #tpu.memory_space<vmem>> -> memref<80x128xf32, #tpu.memory_space<vmem>>
        %dma_start3A_362 = tpu.memref_slice %arg23[%mul3A_358] : memref<320xi32, #tpu.memory_space<vmem>> -> memref<80xi32, #tpu.memory_space<vmem>>
        %dma_start3A_363 = arith.constant 0 : i32
        %dma_start3A_364 = arith.constant 0 : i32
        %dma_start3A_365 = tpu.memref_slice %arg2[%dma_start3A_363, %dma_start3A_364] : memref<100000x128xf32, #tpu.memory_space<hbm>> -> memref<100000x128xf32, #tpu.memory_space<hbm>>
        tpu.enqueue_indirect_dma source(%dma_start3A_365 : memref<100000x128xf32, #tpu.memory_space<hbm>>) target(%dma_start3A_361 : memref<80x128xf32, #tpu.memory_space<vmem>>) offsets(%dma_start3A_362 : memref<80xi32, #tpu.memory_space<vmem>>) semaphore(%arg25 : memref<!tpu.dma_semaphore, #tpu.memory_space<semaphore_mem>>)
      } else {
      }
      %mul3A_308 = arith.constant 2 : i32
      %mul3A_309 = arith.muli %mul3A_308, %add3A_275 : i32
      %add3A_310 = arith.constant 1 : i32
      %add3A_311 = arith.addi %mul3A_309, %add3A_310 : i32
      %mul3A_312 = arith.constant 320 : i32
      %mul3A_313 = arith.muli %add3A, %mul3A_312 : i32
      %mul3A_314 = arith.constant 80 : i32
      %mul3A_315 = arith.muli %add3A_311, %mul3A_314 : i32
      %add3A_316 = arith.addi %mul3A_313, %mul3A_315 : i32
      %mul3A_317 = arith.constant 80 : i32
      %mul3A_318 = arith.muli %add3A_311, %mul3A_317 : i32
      %dma_wait3A_319 = arith.constant 0 : i32
      %dma_wait3A_320 = arith.constant 0 : i32
      %dma_wait3A_321 = tpu.memref_slice %arg20[%dma_wait3A_319, %dma_wait3A_320] : memref<128x128xf32, #tpu.memory_space<vmem>> -> memref<80x128xf32, #tpu.memory_space<vmem>>
      %dma_wait3A_322 = tpu.memref_slice %arg23[%mul3A_318] : memref<320xi32, #tpu.memory_space<vmem>> -> memref<80xi32, #tpu.memory_space<vmem>>
      %dma_wait3A_323 = arith.constant 0 : i32
      %dma_wait3A_324 = arith.constant 0 : i32
      %dma_wait3A_325 = tpu.memref_slice %arg2[%dma_wait3A_323, %dma_wait3A_324] : memref<100000x128xf32, #tpu.memory_space<hbm>> -> memref<100000x128xf32, #tpu.memory_space<hbm>>
      tpu.wait_indirect_dma semaphore(%arg26 : memref<!tpu.dma_semaphore, #tpu.memory_space<semaphore_mem>>) src(%dma_wait3A_325 : memref<100000x128xf32, #tpu.memory_space<hbm>>) dst(%dma_wait3A_321 : memref<80x128xf32, #tpu.memory_space<vmem>>)
      %dma_start3A_326 = arith.constant 0 : i32
      %dma_start3A_327 = arith.constant 0 : i32
      %dma_start3A_328 = tpu.memref_slice %arg20[%dma_start3A_326, %dma_start3A_327] : memref<128x128xf32, #tpu.memory_space<vmem>> -> memref<80x128xf32, #tpu.memory_space<vmem>>
      %dma_start3A_329 = arith.constant 0 : i32
      %dma_start3A_330 = tpu.memref_slice %arg12[%add3A_316, %dma_start3A_329] : memref<10240x128xf32, #tpu.memory_space<hbm>> -> memref<80x128xf32, #tpu.memory_space<hbm>>
      %dma_start3A_331 = arith.constant 0 : i32
      %dma_start3A_332 = tpu.memref_slice %arg12[%add3A_316, %dma_start3A_331] : memref<10240x128xf32, #tpu.memory_space<hbm>> -> memref<80x128xf32, #tpu.memory_space<hbm>>
      %dma_start3A_333 = arith.constant 0 : i32
      %dma_start3A_334 = arith.constant 0 : i32
      %dma_start3A_335 = tpu.memref_slice %arg20[%dma_start3A_333, %dma_start3A_334] : memref<128x128xf32, #tpu.memory_space<vmem>> -> memref<80x128xf32, #tpu.memory_space<vmem>>
      tpu.enqueue_dma source(%dma_start3A_335 : memref<80x128xf32, #tpu.memory_space<vmem>>) target(%dma_start3A_332 : memref<80x128xf32, #tpu.memory_space<hbm>>) target_semaphore(%arg30 : memref<!tpu.dma_semaphore, #tpu.memory_space<semaphore_mem>>)
      %add3A_336 = arith.constant 2 : i32
      %add3A_337 = arith.addi %add3A_311, %add3A_336 : i32
      %lt3A_338 = arith.constant 4 : i32
      %lt3A_339 = arith.cmpi slt, %add3A_337, %lt3A_338 : i32
      %convert_element_type3A_340 = arith.extui %lt3A_339 : i1 to i32
      %cond3A_341 = arith.constant 0 : i32
      %cond3A_342 = arith.cmpi ne, %convert_element_type3A_340, %cond3A_341 : i32
      scf.if %cond3A_342 {
        %add3A_343 = arith.constant 2 : i32
        %add3A_344 = arith.addi %add3A_311, %add3A_343 : i32
        %dma_wait3A_345 = arith.constant 0 : i32
        %dma_wait3A_346 = arith.constant 0 : i32
        %dma_wait3A_347 = tpu.memref_slice %arg20[%dma_wait3A_345, %dma_wait3A_346] : memref<128x128xf32, #tpu.memory_space<vmem>> -> memref<80x128xf32, #tpu.memory_space<vmem>>
        %dma_wait3A_348 = arith.constant 0 : i32
        %dma_wait3A_349 = arith.constant 0 : i32
        %dma_wait3A_350 = tpu.memref_slice %arg12[%dma_wait3A_348, %dma_wait3A_349] : memref<10240x128xf32, #tpu.memory_space<hbm>> -> memref<80x128xf32, #tpu.memory_space<hbm>>
        %dma_wait3A_351 = arith.constant 0 : i32
        %dma_wait3A_352 = arith.constant 0 : i32
        %dma_wait3A_353 = tpu.memref_slice %arg12[%dma_wait3A_351, %dma_wait3A_352] : memref<10240x128xf32, #tpu.memory_space<hbm>> -> memref<80x128xf32, #tpu.memory_space<hbm>>
        %dma_wait3A_354 = arith.constant 0 : i32
        %dma_wait3A_355 = arith.constant 0 : i32
        %dma_wait3A_356 = tpu.memref_slice %arg20[%dma_wait3A_354, %dma_wait3A_355] : memref<128x128xf32, #tpu.memory_space<vmem>> -> memref<80x128xf32, #tpu.memory_space<vmem>>
        tpu.wait_dma2 semaphore(%arg30 : memref<!tpu.dma_semaphore, #tpu.memory_space<semaphore_mem>>) src(%dma_wait3A_356 : memref<80x128xf32, #tpu.memory_space<vmem>>) dst(%dma_wait3A_353 : memref<80x128xf32, #tpu.memory_space<hbm>>)
        %mul3A_357 = arith.constant 80 : i32
        %mul3A_358 = arith.muli %add3A_344, %mul3A_357 : i32
        %dma_start3A_359 = arith.constant 0 : i32
        %dma_start3A_360 = arith.constant 0 : i32
        %dma_start3A_361 = tpu.memref_slice %arg20[%dma_start3A_359, %dma_start3A_360] : memref<128x128xf32, #tpu.memory_space<vmem>> -> memref<80x128xf32, #tpu.memory_space<vmem>>
        %dma_start3A_362 = tpu.memref_slice %arg23[%mul3A_358] : memref<320xi32, #tpu.memory_space<vmem>> -> memref<80xi32, #tpu.memory_space<vmem>>
        %dma_start3A_363 = arith.constant 0 : i32
        %dma_start3A_364 = arith.constant 0 : i32
        %dma_start3A_365 = tpu.memref_slice %arg2[%dma_start3A_363, %dma_start3A_364] : memref<100000x128xf32, #tpu.memory_space<hbm>> -> memref<100000x128xf32, #tpu.memory_space<hbm>>
        tpu.enqueue_indirect_dma source(%dma_start3A_365 : memref<100000x128xf32, #tpu.memory_space<hbm>>) target(%dma_start3A_361 : memref<80x128xf32, #tpu.memory_space<vmem>>) offsets(%dma_start3A_362 : memref<80xi32, #tpu.memory_space<vmem>>) semaphore(%arg26 : memref<!tpu.dma_semaphore, #tpu.memory_space<semaphore_mem>>)
      } else {
      }
    }
    %scan3A_246 = arith.constant 2 : i32
    %dma_wait3A_247 = arith.constant 0 : i32
    %dma_wait3A_248 = arith.constant 0 : i32
    %dma_wait3A_249 = tpu.memref_slice %arg19[%dma_wait3A_247, %dma_wait3A_248] : memref<128x128xf32, #tpu.memory_space<vmem>> -> memref<80x128xf32, #tpu.memory_space<vmem>>
    %dma_wait3A_250 = arith.constant 0 : i32
    %dma_wait3A_251 = arith.constant 0 : i32
    %dma_wait3A_252 = tpu.memref_slice %arg12[%dma_wait3A_250, %dma_wait3A_251] : memref<10240x128xf32, #tpu.memory_space<hbm>> -> memref<80x128xf32, #tpu.memory_space<hbm>>
    %dma_wait3A_253 = arith.constant 0 : i32
    %dma_wait3A_254 = arith.constant 0 : i32
    %dma_wait3A_255 = tpu.memref_slice %arg12[%dma_wait3A_253, %dma_wait3A_254] : memref<10240x128xf32, #tpu.memory_space<hbm>> -> memref<80x128xf32, #tpu.memory_space<hbm>>
    %dma_wait3A_256 = arith.constant 0 : i32
    %dma_wait3A_257 = arith.constant 0 : i32
    %dma_wait3A_258 = tpu.memref_slice %arg19[%dma_wait3A_256, %dma_wait3A_257] : memref<128x128xf32, #tpu.memory_space<vmem>> -> memref<80x128xf32, #tpu.memory_space<vmem>>
    tpu.wait_dma2 semaphore(%arg29 : memref<!tpu.dma_semaphore, #tpu.memory_space<semaphore_mem>>) src(%dma_wait3A_258 : memref<80x128xf32, #tpu.memory_space<vmem>>) dst(%dma_wait3A_255 : memref<80x128xf32, #tpu.memory_space<hbm>>)
    %dma_wait3A_259 = arith.constant 0 : i32
    %dma_wait3A_260 = arith.constant 0 : i32
    %dma_wait3A_261 = tpu.memref_slice %arg20[%dma_wait3A_259, %dma_wait3A_260] : memref<128x128xf32, #tpu.memory_space<vmem>> -> memref<80x128xf32, #tpu.memory_space<vmem>>
    %dma_wait3A_262 = arith.constant 0 : i32
    %dma_wait3A_263 = arith.constant 0 : i32
    %dma_wait3A_264 = tpu.memref_slice %arg12[%dma_wait3A_262, %dma_wait3A_263] : memref<10240x128xf32, #tpu.memory_space<hbm>> -> memref<80x128xf32, #tpu.memory_space<hbm>>
    %dma_wait3A_265 = arith.constant 0 : i32
    %dma_wait3A_266 = arith.constant 0 : i32
    %dma_wait3A_267 = tpu.memref_slice %arg12[%dma_wait3A_265, %dma_wait3A_266] : memref<10240x128xf32, #tpu.memory_space<hbm>> -> memref<80x128xf32, #tpu.memory_space<hbm>>
    %dma_wait3A_268 = arith.constant 0 : i32
    %dma_wait3A_269 = arith.constant 0 : i32
    %dma_wait3A_270 = tpu.memref_slice %arg20[%dma_wait3A_268, %dma_wait3A_269] : memref<128x128xf32, #tpu.memory_space<vmem>> -> memref<80x128xf32, #tpu.memory_space<vmem>>
    tpu.wait_dma2 semaphore(%arg30 : memref<!tpu.dma_semaphore, #tpu.memory_space<semaphore_mem>>) src(%dma_wait3A_270 : memref<80x128xf32, #tpu.memory_space<vmem>>) dst(%dma_wait3A_267 : memref<80x128xf32, #tpu.memory_space<hbm>>)
    return
  }
}

#map = affine_map<(d0, d1) -> (0, 0)>
#map1 = affine_map<(d0, d1) -> (0)>
module attributes {stable_mosaic.version = 14 : i64} {
  func.func @gather_kernel(%arg0: i32, %arg1: i32, %arg2: memref<100000x128xf32, #tpu.memory_space<hbm>>, %arg3: memref<100000xf32, #tpu.memory_space<hbm>>, %arg4: memref<100000xf32, #tpu.memory_space<hbm>>, %arg5: memref<100000x128xi32, #tpu.memory_space<hbm>>, %arg6: memref<1024xi32, #tpu.memory_space<hbm>>, %arg7: memref<1024xi32, #tpu.memory_space<hbm>>, %arg8: memref<51200xi32, #tpu.memory_space<hbm>>, %arg9: memref<1024x128xf32, #tpu.memory_space<hbm>>, %arg10: memref<1024x128xf32, #tpu.memory_space<hbm>>, %arg11: memref<51200x128xf32, #tpu.memory_space<hbm>>, %arg12: memref<10240x128xf32, #tpu.memory_space<hbm>>, %arg13: memref<1024x128xi32, #tpu.memory_space<hbm>>, %arg14: memref<1024xf32, #tpu.memory_space<hbm>>, %arg15: memref<1024xf32, #tpu.memory_space<hbm>>, %arg16: memref<51200xf32, #tpu.memory_space<hbm>>, %arg17: memref<128xi32, #tpu.memory_space<vmem>>, %arg18: memref<128xi32, #tpu.memory_space<vmem>>, %arg19: memref<128x128xf32, #tpu.memory_space<vmem>>, %arg20: memref<128x128xf32, #tpu.memory_space<vmem>>, %arg21: memref<128xf32, #tpu.memory_space<vmem>>, %arg22: memref<128xf32, #tpu.memory_space<vmem>>, %arg23: memref<320xi32, #tpu.memory_space<vmem>>, %arg24: memref<128x128xi32, #tpu.memory_space<vmem>>, %arg25: memref<!tpu.dma_semaphore, #tpu.memory_space<semaphore_mem>>, %arg26: memref<!tpu.dma_semaphore, #tpu.memory_space<semaphore_mem>>, %arg27: memref<!tpu.dma_semaphore, #tpu.memory_space<semaphore_mem>>, %arg28: memref<!tpu.dma_semaphore, #tpu.memory_space<semaphore_mem>>, %arg29: memref<!tpu.dma_semaphore, #tpu.memory_space<semaphore_mem>>, %arg30: memref<!tpu.dma_semaphore, #tpu.memory_space<semaphore_mem>>, %arg31: memref<!tpu.dma_semaphore, #tpu.memory_space<semaphore_mem>>, %arg32: memref<!tpu.dma_semaphore, #tpu.memory_space<semaphore_mem>>) attributes {dimension_semantics = [#tpu.dimension_semantics<core_parallel>, #tpu.dimension_semantics<subcore_parallel>], iteration_bounds = array<i64: 2, 16>, scalar_prefetch = 0 : i64, scratch_operands = 16 : i64, tpu.core_type = #tpu.core_type<sc_vector_subcore>, window_params = [{transform_indices = #map}, {transform_indices = #map1}, {transform_indices = #map1}, {transform_indices = #map}, {transform_indices = #map1}, {transform_indices = #map1}, {transform_indices = #map1}, {transform_indices = #map}, {transform_indices = #map}, {transform_indices = #map}, {transform_indices = #map}, {transform_indices = #map}, {transform_indices = #map1}, {transform_indices = #map1}, {transform_indices = #map1}]} {
    %mul3A = arith.constant 2 : i32
    %mul3A_0 = arith.muli %arg1, %mul3A : i32
    %add3A = arith.addi %mul3A_0, %arg0 : i32
    %mul3A_1 = arith.constant 32 : i32
    %mul3A_2 = arith.muli %add3A, %mul3A_1 : i32
    "tpu.region"() ({
      %run_scoped3A = tpu.sem_alloc : memref<!tpu.dma_semaphore, #tpu.memory_space<semaphore_mem>>
      %dma_start3A_271 = arith.constant 0 : i32
      %dma_start3A_272 = tpu.memref_slice %arg17[%dma_start3A_271] : memref<128xi32, #tpu.memory_space<vmem>> -> memref<32xi32, #tpu.memory_space<vmem>>
      %dma_start3A_273 = tpu.memref_slice %arg6[%mul3A_2] : memref<1024xi32, #tpu.memory_space<hbm>> -> memref<32xi32, #tpu.memory_space<hbm>>
      %dma_start3A_274 = arith.constant 0 : i32
      %dma_start3A_275 = tpu.memref_slice %arg17[%dma_start3A_274] : memref<128xi32, #tpu.memory_space<vmem>> -> memref<32xi32, #tpu.memory_space<vmem>>
      %dma_start3A_276 = tpu.memref_slice %arg6[%mul3A_2] : memref<1024xi32, #tpu.memory_space<hbm>> -> memref<32xi32, #tpu.memory_space<hbm>>
      tpu.enqueue_dma source(%dma_start3A_276 : memref<32xi32, #tpu.memory_space<hbm>>) target(%dma_start3A_275 : memref<32xi32, #tpu.memory_space<vmem>>) target_semaphore(%run_scoped3A : memref<!tpu.dma_semaphore, #tpu.memory_space<semaphore_mem>>)
      %dma_wait3A_277 = arith.constant 0 : i32
      %dma_wait3A_278 = tpu.memref_slice %arg17[%dma_wait3A_277] : memref<128xi32, #tpu.memory_space<vmem>> -> memref<32xi32, #tpu.memory_space<vmem>>
      %dma_wait3A_279 = tpu.memref_slice %arg6[%mul3A_2] : memref<1024xi32, #tpu.memory_space<hbm>> -> memref<32xi32, #tpu.memory_space<hbm>>
      %dma_wait3A_280 = arith.constant 0 : i32
      %dma_wait3A_281 = tpu.memref_slice %arg17[%dma_wait3A_280] : memref<128xi32, #tpu.memory_space<vmem>> -> memref<32xi32, #tpu.memory_space<vmem>>
      %dma_wait3A_282 = tpu.memref_slice %arg6[%mul3A_2] : memref<1024xi32, #tpu.memory_space<hbm>> -> memref<32xi32, #tpu.memory_space<hbm>>
      tpu.wait_dma2 semaphore(%run_scoped3A : memref<!tpu.dma_semaphore, #tpu.memory_space<semaphore_mem>>) src(%dma_wait3A_282 : memref<32xi32, #tpu.memory_space<hbm>>) dst(%dma_wait3A_281 : memref<32xi32, #tpu.memory_space<vmem>>)
      tpu.yield
    }) : () -> ()
    %dma_start3A = arith.constant 0 : i32
    %dma_start3A_3 = arith.constant 0 : i32
    %dma_start3A_4 = tpu.memref_slice %arg19[%dma_start3A, %dma_start3A_3] : memref<128x128xf32, #tpu.memory_space<vmem>> -> memref<32x128xf32, #tpu.memory_space<vmem>>
    %dma_start3A_5 = arith.constant 0 : i32
    %dma_start3A_6 = tpu.memref_slice %arg17[%dma_start3A_5] : memref<128xi32, #tpu.memory_space<vmem>> -> memref<32xi32, #tpu.memory_space<vmem>>
    %dma_start3A_7 = arith.constant 0 : i32
    %dma_start3A_8 = arith.constant 0 : i32
    %dma_start3A_9 = tpu.memref_slice %arg2[%dma_start3A_7, %dma_start3A_8] : memref<100000x128xf32, #tpu.memory_space<hbm>> -> memref<100000x128xf32, #tpu.memory_space<hbm>>
    tpu.enqueue_indirect_dma source(%dma_start3A_9 : memref<100000x128xf32, #tpu.memory_space<hbm>>) target(%dma_start3A_4 : memref<32x128xf32, #tpu.memory_space<vmem>>) offsets(%dma_start3A_6 : memref<32xi32, #tpu.memory_space<vmem>>) semaphore(%arg25 : memref<!tpu.dma_semaphore, #tpu.memory_space<semaphore_mem>>)
    %dma_start3A_10 = arith.constant 0 : i32
    %dma_start3A_11 = tpu.memref_slice %arg21[%dma_start3A_10] : memref<128xf32, #tpu.memory_space<vmem>> -> memref<32xf32, #tpu.memory_space<vmem>>
    %dma_start3A_12 = arith.constant 0 : i32
    %dma_start3A_13 = tpu.memref_slice %arg17[%dma_start3A_12] : memref<128xi32, #tpu.memory_space<vmem>> -> memref<32xi32, #tpu.memory_space<vmem>>
    %dma_start3A_14 = arith.constant 0 : i32
    %dma_start3A_15 = tpu.memref_slice %arg3[%dma_start3A_14] : memref<100000xf32, #tpu.memory_space<hbm>> -> memref<100000xf32, #tpu.memory_space<hbm>>
    tpu.enqueue_indirect_dma source(%dma_start3A_15 : memref<100000xf32, #tpu.memory_space<hbm>>) target(%dma_start3A_11 : memref<32xf32, #tpu.memory_space<vmem>>) offsets(%dma_start3A_13 : memref<32xi32, #tpu.memory_space<vmem>>) semaphore(%arg27 : memref<!tpu.dma_semaphore, #tpu.memory_space<semaphore_mem>>)
    "tpu.region"() ({
      %run_scoped3A = tpu.sem_alloc : memref<!tpu.dma_semaphore, #tpu.memory_space<semaphore_mem>>
      %dma_start3A_271 = arith.constant 0 : i32
      %dma_start3A_272 = tpu.memref_slice %arg18[%dma_start3A_271] : memref<128xi32, #tpu.memory_space<vmem>> -> memref<32xi32, #tpu.memory_space<vmem>>
      %dma_start3A_273 = tpu.memref_slice %arg7[%mul3A_2] : memref<1024xi32, #tpu.memory_space<hbm>> -> memref<32xi32, #tpu.memory_space<hbm>>
      %dma_start3A_274 = arith.constant 0 : i32
      %dma_start3A_275 = tpu.memref_slice %arg18[%dma_start3A_274] : memref<128xi32, #tpu.memory_space<vmem>> -> memref<32xi32, #tpu.memory_space<vmem>>
      %dma_start3A_276 = tpu.memref_slice %arg7[%mul3A_2] : memref<1024xi32, #tpu.memory_space<hbm>> -> memref<32xi32, #tpu.memory_space<hbm>>
      tpu.enqueue_dma source(%dma_start3A_276 : memref<32xi32, #tpu.memory_space<hbm>>) target(%dma_start3A_275 : memref<32xi32, #tpu.memory_space<vmem>>) target_semaphore(%run_scoped3A : memref<!tpu.dma_semaphore, #tpu.memory_space<semaphore_mem>>)
      %dma_wait3A_277 = arith.constant 0 : i32
      %dma_wait3A_278 = tpu.memref_slice %arg18[%dma_wait3A_277] : memref<128xi32, #tpu.memory_space<vmem>> -> memref<32xi32, #tpu.memory_space<vmem>>
      %dma_wait3A_279 = tpu.memref_slice %arg7[%mul3A_2] : memref<1024xi32, #tpu.memory_space<hbm>> -> memref<32xi32, #tpu.memory_space<hbm>>
      %dma_wait3A_280 = arith.constant 0 : i32
      %dma_wait3A_281 = tpu.memref_slice %arg18[%dma_wait3A_280] : memref<128xi32, #tpu.memory_space<vmem>> -> memref<32xi32, #tpu.memory_space<vmem>>
      %dma_wait3A_282 = tpu.memref_slice %arg7[%mul3A_2] : memref<1024xi32, #tpu.memory_space<hbm>> -> memref<32xi32, #tpu.memory_space<hbm>>
      tpu.wait_dma2 semaphore(%run_scoped3A : memref<!tpu.dma_semaphore, #tpu.memory_space<semaphore_mem>>) src(%dma_wait3A_282 : memref<32xi32, #tpu.memory_space<hbm>>) dst(%dma_wait3A_281 : memref<32xi32, #tpu.memory_space<vmem>>)
      tpu.yield
    }) : () -> ()
    %dma_start3A_16 = arith.constant 0 : i32
    %dma_start3A_17 = arith.constant 0 : i32
    %dma_start3A_18 = tpu.memref_slice %arg20[%dma_start3A_16, %dma_start3A_17] : memref<128x128xf32, #tpu.memory_space<vmem>> -> memref<32x128xf32, #tpu.memory_space<vmem>>
    %dma_start3A_19 = arith.constant 0 : i32
    %dma_start3A_20 = tpu.memref_slice %arg18[%dma_start3A_19] : memref<128xi32, #tpu.memory_space<vmem>> -> memref<32xi32, #tpu.memory_space<vmem>>
    %dma_start3A_21 = arith.constant 0 : i32
    %dma_start3A_22 = arith.constant 0 : i32
    %dma_start3A_23 = tpu.memref_slice %arg2[%dma_start3A_21, %dma_start3A_22] : memref<100000x128xf32, #tpu.memory_space<hbm>> -> memref<100000x128xf32, #tpu.memory_space<hbm>>
    tpu.enqueue_indirect_dma source(%dma_start3A_23 : memref<100000x128xf32, #tpu.memory_space<hbm>>) target(%dma_start3A_18 : memref<32x128xf32, #tpu.memory_space<vmem>>) offsets(%dma_start3A_20 : memref<32xi32, #tpu.memory_space<vmem>>) semaphore(%arg26 : memref<!tpu.dma_semaphore, #tpu.memory_space<semaphore_mem>>)
    %dma_start3A_24 = arith.constant 0 : i32
    %dma_start3A_25 = tpu.memref_slice %arg22[%dma_start3A_24] : memref<128xf32, #tpu.memory_space<vmem>> -> memref<32xf32, #tpu.memory_space<vmem>>
    %dma_start3A_26 = arith.constant 0 : i32
    %dma_start3A_27 = tpu.memref_slice %arg18[%dma_start3A_26] : memref<128xi32, #tpu.memory_space<vmem>> -> memref<32xi32, #tpu.memory_space<vmem>>
    %dma_start3A_28 = arith.constant 0 : i32
    %dma_start3A_29 = tpu.memref_slice %arg4[%dma_start3A_28] : memref<100000xf32, #tpu.memory_space<hbm>> -> memref<100000xf32, #tpu.memory_space<hbm>>
    tpu.enqueue_indirect_dma source(%dma_start3A_29 : memref<100000xf32, #tpu.memory_space<hbm>>) target(%dma_start3A_25 : memref<32xf32, #tpu.memory_space<vmem>>) offsets(%dma_start3A_27 : memref<32xi32, #tpu.memory_space<vmem>>) semaphore(%arg28 : memref<!tpu.dma_semaphore, #tpu.memory_space<semaphore_mem>>)
    %dma_wait3A = arith.constant 0 : i32
    %dma_wait3A_30 = arith.constant 0 : i32
    %dma_wait3A_31 = tpu.memref_slice %arg19[%dma_wait3A, %dma_wait3A_30] : memref<128x128xf32, #tpu.memory_space<vmem>> -> memref<32x128xf32, #tpu.memory_space<vmem>>
    %dma_wait3A_32 = arith.constant 0 : i32
    %dma_wait3A_33 = tpu.memref_slice %arg17[%dma_wait3A_32] : memref<128xi32, #tpu.memory_space<vmem>> -> memref<32xi32, #tpu.memory_space<vmem>>
    %dma_wait3A_34 = arith.constant 0 : i32
    %dma_wait3A_35 = arith.constant 0 : i32
    %dma_wait3A_36 = tpu.memref_slice %arg2[%dma_wait3A_34, %dma_wait3A_35] : memref<100000x128xf32, #tpu.memory_space<hbm>> -> memref<100000x128xf32, #tpu.memory_space<hbm>>
    tpu.wait_indirect_dma semaphore(%arg25 : memref<!tpu.dma_semaphore, #tpu.memory_space<semaphore_mem>>) src(%dma_wait3A_36 : memref<100000x128xf32, #tpu.memory_space<hbm>>) dst(%dma_wait3A_31 : memref<32x128xf32, #tpu.memory_space<vmem>>)
    %dma_start3A_37 = arith.constant 0 : i32
    %dma_start3A_38 = arith.constant 0 : i32
    %dma_start3A_39 = tpu.memref_slice %arg19[%dma_start3A_37, %dma_start3A_38] : memref<128x128xf32, #tpu.memory_space<vmem>> -> memref<32x128xf32, #tpu.memory_space<vmem>>
    %dma_start3A_40 = arith.constant 0 : i32
    %dma_start3A_41 = tpu.memref_slice %arg9[%mul3A_2, %dma_start3A_40] : memref<1024x128xf32, #tpu.memory_space<hbm>> -> memref<32x128xf32, #tpu.memory_space<hbm>>
    %dma_start3A_42 = arith.constant 0 : i32
    %dma_start3A_43 = tpu.memref_slice %arg9[%mul3A_2, %dma_start3A_42] : memref<1024x128xf32, #tpu.memory_space<hbm>> -> memref<32x128xf32, #tpu.memory_space<hbm>>
    %dma_start3A_44 = arith.constant 0 : i32
    %dma_start3A_45 = arith.constant 0 : i32
    %dma_start3A_46 = tpu.memref_slice %arg19[%dma_start3A_44, %dma_start3A_45] : memref<128x128xf32, #tpu.memory_space<vmem>> -> memref<32x128xf32, #tpu.memory_space<vmem>>
    tpu.enqueue_dma source(%dma_start3A_46 : memref<32x128xf32, #tpu.memory_space<vmem>>) target(%dma_start3A_43 : memref<32x128xf32, #tpu.memory_space<hbm>>) target_semaphore(%arg29 : memref<!tpu.dma_semaphore, #tpu.memory_space<semaphore_mem>>)
    %dma_wait3A_47 = arith.constant 0 : i32
    %dma_wait3A_48 = tpu.memref_slice %arg21[%dma_wait3A_47] : memref<128xf32, #tpu.memory_space<vmem>> -> memref<32xf32, #tpu.memory_space<vmem>>
    %dma_wait3A_49 = arith.constant 0 : i32
    %dma_wait3A_50 = tpu.memref_slice %arg17[%dma_wait3A_49] : memref<128xi32, #tpu.memory_space<vmem>> -> memref<32xi32, #tpu.memory_space<vmem>>
    %dma_wait3A_51 = arith.constant 0 : i32
    %dma_wait3A_52 = tpu.memref_slice %arg3[%dma_wait3A_51] : memref<100000xf32, #tpu.memory_space<hbm>> -> memref<100000xf32, #tpu.memory_space<hbm>>
    tpu.wait_indirect_dma semaphore(%arg27 : memref<!tpu.dma_semaphore, #tpu.memory_space<semaphore_mem>>) src(%dma_wait3A_52 : memref<100000xf32, #tpu.memory_space<hbm>>) dst(%dma_wait3A_48 : memref<32xf32, #tpu.memory_space<vmem>>)
    %dma_start3A_53 = arith.constant 0 : i32
    %dma_start3A_54 = tpu.memref_slice %arg21[%dma_start3A_53] : memref<128xf32, #tpu.memory_space<vmem>> -> memref<32xf32, #tpu.memory_space<vmem>>
    %dma_start3A_55 = tpu.memref_slice %arg14[%mul3A_2] : memref<1024xf32, #tpu.memory_space<hbm>> -> memref<32xf32, #tpu.memory_space<hbm>>
    %dma_start3A_56 = tpu.memref_slice %arg14[%mul3A_2] : memref<1024xf32, #tpu.memory_space<hbm>> -> memref<32xf32, #tpu.memory_space<hbm>>
    %dma_start3A_57 = arith.constant 0 : i32
    %dma_start3A_58 = tpu.memref_slice %arg21[%dma_start3A_57] : memref<128xf32, #tpu.memory_space<vmem>> -> memref<32xf32, #tpu.memory_space<vmem>>
    tpu.enqueue_dma source(%dma_start3A_58 : memref<32xf32, #tpu.memory_space<vmem>>) target(%dma_start3A_56 : memref<32xf32, #tpu.memory_space<hbm>>) target_semaphore(%arg31 : memref<!tpu.dma_semaphore, #tpu.memory_space<semaphore_mem>>)
    %dma_wait3A_59 = arith.constant 0 : i32
    %dma_wait3A_60 = arith.constant 0 : i32
    %dma_wait3A_61 = tpu.memref_slice %arg20[%dma_wait3A_59, %dma_wait3A_60] : memref<128x128xf32, #tpu.memory_space<vmem>> -> memref<32x128xf32, #tpu.memory_space<vmem>>
    %dma_wait3A_62 = arith.constant 0 : i32
    %dma_wait3A_63 = tpu.memref_slice %arg18[%dma_wait3A_62] : memref<128xi32, #tpu.memory_space<vmem>> -> memref<32xi32, #tpu.memory_space<vmem>>
    %dma_wait3A_64 = arith.constant 0 : i32
    %dma_wait3A_65 = arith.constant 0 : i32
    %dma_wait3A_66 = tpu.memref_slice %arg2[%dma_wait3A_64, %dma_wait3A_65] : memref<100000x128xf32, #tpu.memory_space<hbm>> -> memref<100000x128xf32, #tpu.memory_space<hbm>>
    tpu.wait_indirect_dma semaphore(%arg26 : memref<!tpu.dma_semaphore, #tpu.memory_space<semaphore_mem>>) src(%dma_wait3A_66 : memref<100000x128xf32, #tpu.memory_space<hbm>>) dst(%dma_wait3A_61 : memref<32x128xf32, #tpu.memory_space<vmem>>)
    %dma_start3A_67 = arith.constant 0 : i32
    %dma_start3A_68 = arith.constant 0 : i32
    %dma_start3A_69 = tpu.memref_slice %arg20[%dma_start3A_67, %dma_start3A_68] : memref<128x128xf32, #tpu.memory_space<vmem>> -> memref<32x128xf32, #tpu.memory_space<vmem>>
    %dma_start3A_70 = arith.constant 0 : i32
    %dma_start3A_71 = tpu.memref_slice %arg10[%mul3A_2, %dma_start3A_70] : memref<1024x128xf32, #tpu.memory_space<hbm>> -> memref<32x128xf32, #tpu.memory_space<hbm>>
    %dma_start3A_72 = arith.constant 0 : i32
    %dma_start3A_73 = tpu.memref_slice %arg10[%mul3A_2, %dma_start3A_72] : memref<1024x128xf32, #tpu.memory_space<hbm>> -> memref<32x128xf32, #tpu.memory_space<hbm>>
    %dma_start3A_74 = arith.constant 0 : i32
    %dma_start3A_75 = arith.constant 0 : i32
    %dma_start3A_76 = tpu.memref_slice %arg20[%dma_start3A_74, %dma_start3A_75] : memref<128x128xf32, #tpu.memory_space<vmem>> -> memref<32x128xf32, #tpu.memory_space<vmem>>
    tpu.enqueue_dma source(%dma_start3A_76 : memref<32x128xf32, #tpu.memory_space<vmem>>) target(%dma_start3A_73 : memref<32x128xf32, #tpu.memory_space<hbm>>) target_semaphore(%arg30 : memref<!tpu.dma_semaphore, #tpu.memory_space<semaphore_mem>>)
    %dma_wait3A_77 = arith.constant 0 : i32
    %dma_wait3A_78 = tpu.memref_slice %arg22[%dma_wait3A_77] : memref<128xf32, #tpu.memory_space<vmem>> -> memref<32xf32, #tpu.memory_space<vmem>>
    %dma_wait3A_79 = arith.constant 0 : i32
    %dma_wait3A_80 = tpu.memref_slice %arg18[%dma_wait3A_79] : memref<128xi32, #tpu.memory_space<vmem>> -> memref<32xi32, #tpu.memory_space<vmem>>
    %dma_wait3A_81 = arith.constant 0 : i32
    %dma_wait3A_82 = tpu.memref_slice %arg4[%dma_wait3A_81] : memref<100000xf32, #tpu.memory_space<hbm>> -> memref<100000xf32, #tpu.memory_space<hbm>>
    tpu.wait_indirect_dma semaphore(%arg28 : memref<!tpu.dma_semaphore, #tpu.memory_space<semaphore_mem>>) src(%dma_wait3A_82 : memref<100000xf32, #tpu.memory_space<hbm>>) dst(%dma_wait3A_78 : memref<32xf32, #tpu.memory_space<vmem>>)
    %dma_start3A_83 = arith.constant 0 : i32
    %dma_start3A_84 = tpu.memref_slice %arg22[%dma_start3A_83] : memref<128xf32, #tpu.memory_space<vmem>> -> memref<32xf32, #tpu.memory_space<vmem>>
    %dma_start3A_85 = tpu.memref_slice %arg15[%mul3A_2] : memref<1024xf32, #tpu.memory_space<hbm>> -> memref<32xf32, #tpu.memory_space<hbm>>
    %dma_start3A_86 = tpu.memref_slice %arg15[%mul3A_2] : memref<1024xf32, #tpu.memory_space<hbm>> -> memref<32xf32, #tpu.memory_space<hbm>>
    %dma_start3A_87 = arith.constant 0 : i32
    %dma_start3A_88 = tpu.memref_slice %arg22[%dma_start3A_87] : memref<128xf32, #tpu.memory_space<vmem>> -> memref<32xf32, #tpu.memory_space<vmem>>
    tpu.enqueue_dma source(%dma_start3A_88 : memref<32xf32, #tpu.memory_space<vmem>>) target(%dma_start3A_86 : memref<32xf32, #tpu.memory_space<hbm>>) target_semaphore(%arg32 : memref<!tpu.dma_semaphore, #tpu.memory_space<semaphore_mem>>)
    %dma_wait3A_89 = arith.constant 0 : i32
    %dma_wait3A_90 = arith.constant 0 : i32
    %dma_wait3A_91 = tpu.memref_slice %arg19[%dma_wait3A_89, %dma_wait3A_90] : memref<128x128xf32, #tpu.memory_space<vmem>> -> memref<32x128xf32, #tpu.memory_space<vmem>>
    %dma_wait3A_92 = arith.constant 0 : i32
    %dma_wait3A_93 = tpu.memref_slice %arg9[%mul3A_2, %dma_wait3A_92] : memref<1024x128xf32, #tpu.memory_space<hbm>> -> memref<32x128xf32, #tpu.memory_space<hbm>>
    %dma_wait3A_94 = arith.constant 0 : i32
    %dma_wait3A_95 = tpu.memref_slice %arg9[%mul3A_2, %dma_wait3A_94] : memref<1024x128xf32, #tpu.memory_space<hbm>> -> memref<32x128xf32, #tpu.memory_space<hbm>>
    %dma_wait3A_96 = arith.constant 0 : i32
    %dma_wait3A_97 = arith.constant 0 : i32
    %dma_wait3A_98 = tpu.memref_slice %arg19[%dma_wait3A_96, %dma_wait3A_97] : memref<128x128xf32, #tpu.memory_space<vmem>> -> memref<32x128xf32, #tpu.memory_space<vmem>>
    tpu.wait_dma2 semaphore(%arg29 : memref<!tpu.dma_semaphore, #tpu.memory_space<semaphore_mem>>) src(%dma_wait3A_98 : memref<32x128xf32, #tpu.memory_space<vmem>>) dst(%dma_wait3A_95 : memref<32x128xf32, #tpu.memory_space<hbm>>)
    %dma_wait3A_99 = arith.constant 0 : i32
    %dma_wait3A_100 = arith.constant 0 : i32
    %dma_wait3A_101 = tpu.memref_slice %arg20[%dma_wait3A_99, %dma_wait3A_100] : memref<128x128xf32, #tpu.memory_space<vmem>> -> memref<32x128xf32, #tpu.memory_space<vmem>>
    %dma_wait3A_102 = arith.constant 0 : i32
    %dma_wait3A_103 = tpu.memref_slice %arg10[%mul3A_2, %dma_wait3A_102] : memref<1024x128xf32, #tpu.memory_space<hbm>> -> memref<32x128xf32, #tpu.memory_space<hbm>>
    %dma_wait3A_104 = arith.constant 0 : i32
    %dma_wait3A_105 = tpu.memref_slice %arg10[%mul3A_2, %dma_wait3A_104] : memref<1024x128xf32, #tpu.memory_space<hbm>> -> memref<32x128xf32, #tpu.memory_space<hbm>>
    %dma_wait3A_106 = arith.constant 0 : i32
    %dma_wait3A_107 = arith.constant 0 : i32
    %dma_wait3A_108 = tpu.memref_slice %arg20[%dma_wait3A_106, %dma_wait3A_107] : memref<128x128xf32, #tpu.memory_space<vmem>> -> memref<32x128xf32, #tpu.memory_space<vmem>>
    tpu.wait_dma2 semaphore(%arg30 : memref<!tpu.dma_semaphore, #tpu.memory_space<semaphore_mem>>) src(%dma_wait3A_108 : memref<32x128xf32, #tpu.memory_space<vmem>>) dst(%dma_wait3A_105 : memref<32x128xf32, #tpu.memory_space<hbm>>)
    %dma_wait3A_109 = arith.constant 0 : i32
    %dma_wait3A_110 = tpu.memref_slice %arg21[%dma_wait3A_109] : memref<128xf32, #tpu.memory_space<vmem>> -> memref<32xf32, #tpu.memory_space<vmem>>
    %dma_wait3A_111 = tpu.memref_slice %arg14[%mul3A_2] : memref<1024xf32, #tpu.memory_space<hbm>> -> memref<32xf32, #tpu.memory_space<hbm>>
    %dma_wait3A_112 = tpu.memref_slice %arg14[%mul3A_2] : memref<1024xf32, #tpu.memory_space<hbm>> -> memref<32xf32, #tpu.memory_space<hbm>>
    %dma_wait3A_113 = arith.constant 0 : i32
    %dma_wait3A_114 = tpu.memref_slice %arg21[%dma_wait3A_113] : memref<128xf32, #tpu.memory_space<vmem>> -> memref<32xf32, #tpu.memory_space<vmem>>
    tpu.wait_dma2 semaphore(%arg31 : memref<!tpu.dma_semaphore, #tpu.memory_space<semaphore_mem>>) src(%dma_wait3A_114 : memref<32xf32, #tpu.memory_space<vmem>>) dst(%dma_wait3A_112 : memref<32xf32, #tpu.memory_space<hbm>>)
    %dma_wait3A_115 = arith.constant 0 : i32
    %dma_wait3A_116 = tpu.memref_slice %arg22[%dma_wait3A_115] : memref<128xf32, #tpu.memory_space<vmem>> -> memref<32xf32, #tpu.memory_space<vmem>>
    %dma_wait3A_117 = tpu.memref_slice %arg15[%mul3A_2] : memref<1024xf32, #tpu.memory_space<hbm>> -> memref<32xf32, #tpu.memory_space<hbm>>
    %dma_wait3A_118 = tpu.memref_slice %arg15[%mul3A_2] : memref<1024xf32, #tpu.memory_space<hbm>> -> memref<32xf32, #tpu.memory_space<hbm>>
    %dma_wait3A_119 = arith.constant 0 : i32
    %dma_wait3A_120 = tpu.memref_slice %arg22[%dma_wait3A_119] : memref<128xf32, #tpu.memory_space<vmem>> -> memref<32xf32, #tpu.memory_space<vmem>>
    tpu.wait_dma2 semaphore(%arg32 : memref<!tpu.dma_semaphore, #tpu.memory_space<semaphore_mem>>) src(%dma_wait3A_120 : memref<32xf32, #tpu.memory_space<vmem>>) dst(%dma_wait3A_118 : memref<32xf32, #tpu.memory_space<hbm>>)
    %mul3A_121 = arith.constant 1600 : i32
    %mul3A_122 = arith.muli %add3A, %mul3A_121 : i32
    %add3A_123 = arith.constant 0 : i32
    %add3A_124 = arith.addi %mul3A_122, %add3A_123 : i32
    "tpu.region"() ({
      %run_scoped3A = tpu.sem_alloc : memref<!tpu.dma_semaphore, #tpu.memory_space<semaphore_mem>>
      %dma_start3A_271 = arith.constant 0 : i32
      %dma_start3A_272 = tpu.memref_slice %arg17[%dma_start3A_271] : memref<128xi32, #tpu.memory_space<vmem>> -> memref<80xi32, #tpu.memory_space<vmem>>
      %dma_start3A_273 = tpu.memref_slice %arg8[%add3A_124] : memref<51200xi32, #tpu.memory_space<hbm>> -> memref<80xi32, #tpu.memory_space<hbm>>
      %dma_start3A_274 = arith.constant 0 : i32
      %dma_start3A_275 = tpu.memref_slice %arg17[%dma_start3A_274] : memref<128xi32, #tpu.memory_space<vmem>> -> memref<80xi32, #tpu.memory_space<vmem>>
      %dma_start3A_276 = tpu.memref_slice %arg8[%add3A_124] : memref<51200xi32, #tpu.memory_space<hbm>> -> memref<80xi32, #tpu.memory_space<hbm>>
      tpu.enqueue_dma source(%dma_start3A_276 : memref<80xi32, #tpu.memory_space<hbm>>) target(%dma_start3A_275 : memref<80xi32, #tpu.memory_space<vmem>>) target_semaphore(%run_scoped3A : memref<!tpu.dma_semaphore, #tpu.memory_space<semaphore_mem>>)
      %dma_wait3A_277 = arith.constant 0 : i32
      %dma_wait3A_278 = tpu.memref_slice %arg17[%dma_wait3A_277] : memref<128xi32, #tpu.memory_space<vmem>> -> memref<80xi32, #tpu.memory_space<vmem>>
      %dma_wait3A_279 = tpu.memref_slice %arg8[%add3A_124] : memref<51200xi32, #tpu.memory_space<hbm>> -> memref<80xi32, #tpu.memory_space<hbm>>
      %dma_wait3A_280 = arith.constant 0 : i32
      %dma_wait3A_281 = tpu.memref_slice %arg17[%dma_wait3A_280] : memref<128xi32, #tpu.memory_space<vmem>> -> memref<80xi32, #tpu.memory_space<vmem>>
      %dma_wait3A_282 = tpu.memref_slice %arg8[%add3A_124] : memref<51200xi32, #tpu.memory_space<hbm>> -> memref<80xi32, #tpu.memory_space<hbm>>
      tpu.wait_dma2 semaphore(%run_scoped3A : memref<!tpu.dma_semaphore, #tpu.memory_space<semaphore_mem>>) src(%dma_wait3A_282 : memref<80xi32, #tpu.memory_space<hbm>>) dst(%dma_wait3A_281 : memref<80xi32, #tpu.memory_space<vmem>>)
      tpu.yield
    }) : () -> ()
    %dma_start3A_125 = arith.constant 0 : i32
    %dma_start3A_126 = arith.constant 0 : i32
    %dma_start3A_127 = tpu.memref_slice %arg19[%dma_start3A_125, %dma_start3A_126] : memref<128x128xf32, #tpu.memory_space<vmem>> -> memref<80x128xf32, #tpu.memory_space<vmem>>
    %dma_start3A_128 = arith.constant 0 : i32
    %dma_start3A_129 = tpu.memref_slice %arg17[%dma_start3A_128] : memref<128xi32, #tpu.memory_space<vmem>> -> memref<80xi32, #tpu.memory_space<vmem>>
    %dma_start3A_130 = arith.constant 0 : i32
    %dma_start3A_131 = arith.constant 0 : i32
    %dma_start3A_132 = tpu.memref_slice %arg2[%dma_start3A_130, %dma_start3A_131] : memref<100000x128xf32, #tpu.memory_space<hbm>> -> memref<100000x128xf32, #tpu.memory_space<hbm>>
    tpu.enqueue_indirect_dma source(%dma_start3A_132 : memref<100000x128xf32, #tpu.memory_space<hbm>>) target(%dma_start3A_127 : memref<80x128xf32, #tpu.memory_space<vmem>>) offsets(%dma_start3A_129 : memref<80xi32, #tpu.memory_space<vmem>>) semaphore(%arg25 : memref<!tpu.dma_semaphore, #tpu.memory_space<semaphore_mem>>)
    %dma_start3A_133 = arith.constant 0 : i32
    %dma_start3A_134 = tpu.memref_slice %arg21[%dma_start3A_133] : memref<128xf32, #tpu.memory_space<vmem>> -> memref<80xf32, #tpu.memory_space<vmem>>
    %dma_start3A_135 = arith.constant 0 : i32
    %dma_start3A_136 = tpu.memref_slice %arg17[%dma_start3A_135] : memref<128xi32, #tpu.memory_space<vmem>> -> memref<80xi32, #tpu.memory_space<vmem>>
    %dma_start3A_137 = arith.constant 0 : i32
    %dma_start3A_138 = tpu.memref_slice %arg4[%dma_start3A_137] : memref<100000xf32, #tpu.memory_space<hbm>> -> memref<100000xf32, #tpu.memory_space<hbm>>
    tpu.enqueue_indirect_dma source(%dma_start3A_138 : memref<100000xf32, #tpu.memory_space<hbm>>) target(%dma_start3A_134 : memref<80xf32, #tpu.memory_space<vmem>>) offsets(%dma_start3A_136 : memref<80xi32, #tpu.memory_space<vmem>>) semaphore(%arg27 : memref<!tpu.dma_semaphore, #tpu.memory_space<semaphore_mem>>)
    %mul3A_139 = arith.constant 1600 : i32
    %mul3A_140 = arith.muli %add3A, %mul3A_139 : i32
    %add3A_141 = arith.constant 80 : i32
    %add3A_142 = arith.addi %mul3A_140, %add3A_141 : i32
    "tpu.region"() ({
      %run_scoped3A = tpu.sem_alloc : memref<!tpu.dma_semaphore, #tpu.memory_space<semaphore_mem>>
      %dma_start3A_271 = arith.constant 0 : i32
      %dma_start3A_272 = tpu.memref_slice %arg18[%dma_start3A_271] : memref<128xi32, #tpu.memory_space<vmem>> -> memref<80xi32, #tpu.memory_space<vmem>>
      %dma_start3A_273 = tpu.memref_slice %arg8[%add3A_142] : memref<51200xi32, #tpu.memory_space<hbm>> -> memref<80xi32, #tpu.memory_space<hbm>>
      %dma_start3A_274 = arith.constant 0 : i32
      %dma_start3A_275 = tpu.memref_slice %arg18[%dma_start3A_274] : memref<128xi32, #tpu.memory_space<vmem>> -> memref<80xi32, #tpu.memory_space<vmem>>
      %dma_start3A_276 = tpu.memref_slice %arg8[%add3A_142] : memref<51200xi32, #tpu.memory_space<hbm>> -> memref<80xi32, #tpu.memory_space<hbm>>
      tpu.enqueue_dma source(%dma_start3A_276 : memref<80xi32, #tpu.memory_space<hbm>>) target(%dma_start3A_275 : memref<80xi32, #tpu.memory_space<vmem>>) target_semaphore(%run_scoped3A : memref<!tpu.dma_semaphore, #tpu.memory_space<semaphore_mem>>)
      %dma_wait3A_277 = arith.constant 0 : i32
      %dma_wait3A_278 = tpu.memref_slice %arg18[%dma_wait3A_277] : memref<128xi32, #tpu.memory_space<vmem>> -> memref<80xi32, #tpu.memory_space<vmem>>
      %dma_wait3A_279 = tpu.memref_slice %arg8[%add3A_142] : memref<51200xi32, #tpu.memory_space<hbm>> -> memref<80xi32, #tpu.memory_space<hbm>>
      %dma_wait3A_280 = arith.constant 0 : i32
      %dma_wait3A_281 = tpu.memref_slice %arg18[%dma_wait3A_280] : memref<128xi32, #tpu.memory_space<vmem>> -> memref<80xi32, #tpu.memory_space<vmem>>
      %dma_wait3A_282 = tpu.memref_slice %arg8[%add3A_142] : memref<51200xi32, #tpu.memory_space<hbm>> -> memref<80xi32, #tpu.memory_space<hbm>>
      tpu.wait_dma2 semaphore(%run_scoped3A : memref<!tpu.dma_semaphore, #tpu.memory_space<semaphore_mem>>) src(%dma_wait3A_282 : memref<80xi32, #tpu.memory_space<hbm>>) dst(%dma_wait3A_281 : memref<80xi32, #tpu.memory_space<vmem>>)
      tpu.yield
    }) : () -> ()
    %dma_start3A_143 = arith.constant 0 : i32
    %dma_start3A_144 = arith.constant 0 : i32
    %dma_start3A_145 = tpu.memref_slice %arg20[%dma_start3A_143, %dma_start3A_144] : memref<128x128xf32, #tpu.memory_space<vmem>> -> memref<80x128xf32, #tpu.memory_space<vmem>>
    %dma_start3A_146 = arith.constant 0 : i32
    %dma_start3A_147 = tpu.memref_slice %arg18[%dma_start3A_146] : memref<128xi32, #tpu.memory_space<vmem>> -> memref<80xi32, #tpu.memory_space<vmem>>
    %dma_start3A_148 = arith.constant 0 : i32
    %dma_start3A_149 = arith.constant 0 : i32
    %dma_start3A_150 = tpu.memref_slice %arg2[%dma_start3A_148, %dma_start3A_149] : memref<100000x128xf32, #tpu.memory_space<hbm>> -> memref<100000x128xf32, #tpu.memory_space<hbm>>
    tpu.enqueue_indirect_dma source(%dma_start3A_150 : memref<100000x128xf32, #tpu.memory_space<hbm>>) target(%dma_start3A_145 : memref<80x128xf32, #tpu.memory_space<vmem>>) offsets(%dma_start3A_147 : memref<80xi32, #tpu.memory_space<vmem>>) semaphore(%arg26 : memref<!tpu.dma_semaphore, #tpu.memory_space<semaphore_mem>>)
    %dma_start3A_151 = arith.constant 0 : i32
    %dma_start3A_152 = tpu.memref_slice %arg22[%dma_start3A_151] : memref<128xf32, #tpu.memory_space<vmem>> -> memref<80xf32, #tpu.memory_space<vmem>>
    %dma_start3A_153 = arith.constant 0 : i32
    %dma_start3A_154 = tpu.memref_slice %arg18[%dma_start3A_153] : memref<128xi32, #tpu.memory_space<vmem>> -> memref<80xi32, #tpu.memory_space<vmem>>
    %dma_start3A_155 = arith.constant 0 : i32
    %dma_start3A_156 = tpu.memref_slice %arg4[%dma_start3A_155] : memref<100000xf32, #tpu.memory_space<hbm>> -> memref<100000xf32, #tpu.memory_space<hbm>>
    tpu.enqueue_indirect_dma source(%dma_start3A_156 : memref<100000xf32, #tpu.memory_space<hbm>>) target(%dma_start3A_152 : memref<80xf32, #tpu.memory_space<vmem>>) offsets(%dma_start3A_154 : memref<80xi32, #tpu.memory_space<vmem>>) semaphore(%arg28 : memref<!tpu.dma_semaphore, #tpu.memory_space<semaphore_mem>>)
    %scan3A = arith.constant 0 : i32
    %scan3A_157 = arith.constant 10 : i32
    %scan3A_158 = arith.addi %scan3A, %scan3A_157 : i32
    %scan3A_159 = arith.constant 1 : i32
    scf.for %scan3A_271 = %scan3A to %scan3A_158 step %scan3A_159  : i32 {
      %mul3A_272 = arith.constant 1 : i32
      %mul3A_273 = arith.muli %scan3A_271, %mul3A_272 : i32
      %add3A_274 = arith.constant 0 : i32
      %add3A_275 = arith.addi %add3A_274, %mul3A_273 : i32
      %mul3A_276 = arith.constant 2 : i32
      %mul3A_277 = arith.muli %mul3A_276, %add3A_275 : i32
      %add3A_278 = arith.constant 0 : i32
      %add3A_279 = arith.addi %mul3A_277, %add3A_278 : i32
      %mul3A_280 = arith.constant 1600 : i32
      %mul3A_281 = arith.muli %add3A, %mul3A_280 : i32
      %mul3A_282 = arith.constant 80 : i32
      %mul3A_283 = arith.muli %add3A_279, %mul3A_282 : i32
      %add3A_284 = arith.addi %mul3A_281, %mul3A_283 : i32
      %dma_wait3A_285 = arith.constant 0 : i32
      %dma_wait3A_286 = arith.constant 0 : i32
      %dma_wait3A_287 = tpu.memref_slice %arg19[%dma_wait3A_285, %dma_wait3A_286] : memref<128x128xf32, #tpu.memory_space<vmem>> -> memref<80x128xf32, #tpu.memory_space<vmem>>
      %dma_wait3A_288 = arith.constant 0 : i32
      %dma_wait3A_289 = tpu.memref_slice %arg17[%dma_wait3A_288] : memref<128xi32, #tpu.memory_space<vmem>> -> memref<80xi32, #tpu.memory_space<vmem>>
      %dma_wait3A_290 = arith.constant 0 : i32
      %dma_wait3A_291 = arith.constant 0 : i32
      %dma_wait3A_292 = tpu.memref_slice %arg2[%dma_wait3A_290, %dma_wait3A_291] : memref<100000x128xf32, #tpu.memory_space<hbm>> -> memref<100000x128xf32, #tpu.memory_space<hbm>>
      tpu.wait_indirect_dma semaphore(%arg25 : memref<!tpu.dma_semaphore, #tpu.memory_space<semaphore_mem>>) src(%dma_wait3A_292 : memref<100000x128xf32, #tpu.memory_space<hbm>>) dst(%dma_wait3A_287 : memref<80x128xf32, #tpu.memory_space<vmem>>)
      %dma_start3A_293 = arith.constant 0 : i32
      %dma_start3A_294 = arith.constant 0 : i32
      %dma_start3A_295 = tpu.memref_slice %arg19[%dma_start3A_293, %dma_start3A_294] : memref<128x128xf32, #tpu.memory_space<vmem>> -> memref<80x128xf32, #tpu.memory_space<vmem>>
      %dma_start3A_296 = arith.constant 0 : i32
      %dma_start3A_297 = tpu.memref_slice %arg11[%add3A_284, %dma_start3A_296] : memref<51200x128xf32, #tpu.memory_space<hbm>> -> memref<80x128xf32, #tpu.memory_space<hbm>>
      %dma_start3A_298 = arith.constant 0 : i32
      %dma_start3A_299 = tpu.memref_slice %arg11[%add3A_284, %dma_start3A_298] : memref<51200x128xf32, #tpu.memory_space<hbm>> -> memref<80x128xf32, #tpu.memory_space<hbm>>
      %dma_start3A_300 = arith.constant 0 : i32
      %dma_start3A_301 = arith.constant 0 : i32
      %dma_start3A_302 = tpu.memref_slice %arg19[%dma_start3A_300, %dma_start3A_301] : memref<128x128xf32, #tpu.memory_space<vmem>> -> memref<80x128xf32, #tpu.memory_space<vmem>>
      tpu.enqueue_dma source(%dma_start3A_302 : memref<80x128xf32, #tpu.memory_space<vmem>>) target(%dma_start3A_299 : memref<80x128xf32, #tpu.memory_space<hbm>>) target_semaphore(%arg29 : memref<!tpu.dma_semaphore, #tpu.memory_space<semaphore_mem>>)
      %dma_wait3A_303 = arith.constant 0 : i32
      %dma_wait3A_304 = tpu.memref_slice %arg21[%dma_wait3A_303] : memref<128xf32, #tpu.memory_space<vmem>> -> memref<80xf32, #tpu.memory_space<vmem>>
      %dma_wait3A_305 = arith.constant 0 : i32
      %dma_wait3A_306 = tpu.memref_slice %arg17[%dma_wait3A_305] : memref<128xi32, #tpu.memory_space<vmem>> -> memref<80xi32, #tpu.memory_space<vmem>>
      %dma_wait3A_307 = arith.constant 0 : i32
      %dma_wait3A_308 = tpu.memref_slice %arg4[%dma_wait3A_307] : memref<100000xf32, #tpu.memory_space<hbm>> -> memref<100000xf32, #tpu.memory_space<hbm>>
      tpu.wait_indirect_dma semaphore(%arg27 : memref<!tpu.dma_semaphore, #tpu.memory_space<semaphore_mem>>) src(%dma_wait3A_308 : memref<100000xf32, #tpu.memory_space<hbm>>) dst(%dma_wait3A_304 : memref<80xf32, #tpu.memory_space<vmem>>)
      %dma_start3A_309 = arith.constant 0 : i32
      %dma_start3A_310 = tpu.memref_slice %arg21[%dma_start3A_309] : memref<128xf32, #tpu.memory_space<vmem>> -> memref<80xf32, #tpu.memory_space<vmem>>
      %dma_start3A_311 = tpu.memref_slice %arg16[%add3A_284] : memref<51200xf32, #tpu.memory_space<hbm>> -> memref<80xf32, #tpu.memory_space<hbm>>
      %dma_start3A_312 = tpu.memref_slice %arg16[%add3A_284] : memref<51200xf32, #tpu.memory_space<hbm>> -> memref<80xf32, #tpu.memory_space<hbm>>
      %dma_start3A_313 = arith.constant 0 : i32
      %dma_start3A_314 = tpu.memref_slice %arg21[%dma_start3A_313] : memref<128xf32, #tpu.memory_space<vmem>> -> memref<80xf32, #tpu.memory_space<vmem>>
      tpu.enqueue_dma source(%dma_start3A_314 : memref<80xf32, #tpu.memory_space<vmem>>) target(%dma_start3A_312 : memref<80xf32, #tpu.memory_space<hbm>>) target_semaphore(%arg31 : memref<!tpu.dma_semaphore, #tpu.memory_space<semaphore_mem>>)
      %add3A_315 = arith.constant 2 : i32
      %add3A_316 = arith.addi %add3A_279, %add3A_315 : i32
      %lt3A = arith.constant 20 : i32
      %lt3A_317 = arith.cmpi slt, %add3A_316, %lt3A : i32
      %convert_element_type3A = arith.extui %lt3A_317 : i1 to i32
      %cond3A = arith.constant 0 : i32
      %cond3A_318 = arith.cmpi ne, %convert_element_type3A, %cond3A : i32
      scf.if %cond3A_318 {
        %add3A_365 = arith.constant 2 : i32
        %add3A_366 = arith.addi %add3A_279, %add3A_365 : i32
        %mul3A_367 = arith.constant 1600 : i32
        %mul3A_368 = arith.muli %add3A, %mul3A_367 : i32
        %mul3A_369 = arith.constant 80 : i32
        %mul3A_370 = arith.muli %add3A_366, %mul3A_369 : i32
        %add3A_371 = arith.addi %mul3A_368, %mul3A_370 : i32
        %dma_wait3A_372 = arith.constant 0 : i32
        %dma_wait3A_373 = arith.constant 0 : i32
        %dma_wait3A_374 = tpu.memref_slice %arg19[%dma_wait3A_372, %dma_wait3A_373] : memref<128x128xf32, #tpu.memory_space<vmem>> -> memref<80x128xf32, #tpu.memory_space<vmem>>
        %dma_wait3A_375 = arith.constant 0 : i32
        %dma_wait3A_376 = arith.constant 0 : i32
        %dma_wait3A_377 = tpu.memref_slice %arg11[%dma_wait3A_375, %dma_wait3A_376] : memref<51200x128xf32, #tpu.memory_space<hbm>> -> memref<80x128xf32, #tpu.memory_space<hbm>>
        %dma_wait3A_378 = arith.constant 0 : i32
        %dma_wait3A_379 = arith.constant 0 : i32
        %dma_wait3A_380 = tpu.memref_slice %arg11[%dma_wait3A_378, %dma_wait3A_379] : memref<51200x128xf32, #tpu.memory_space<hbm>> -> memref<80x128xf32, #tpu.memory_space<hbm>>
        %dma_wait3A_381 = arith.constant 0 : i32
        %dma_wait3A_382 = arith.constant 0 : i32
        %dma_wait3A_383 = tpu.memref_slice %arg19[%dma_wait3A_381, %dma_wait3A_382] : memref<128x128xf32, #tpu.memory_space<vmem>> -> memref<80x128xf32, #tpu.memory_space<vmem>>
        tpu.wait_dma2 semaphore(%arg29 : memref<!tpu.dma_semaphore, #tpu.memory_space<semaphore_mem>>) src(%dma_wait3A_383 : memref<80x128xf32, #tpu.memory_space<vmem>>) dst(%dma_wait3A_380 : memref<80x128xf32, #tpu.memory_space<hbm>>)
        %dma_wait3A_384 = arith.constant 0 : i32
        %dma_wait3A_385 = tpu.memref_slice %arg21[%dma_wait3A_384] : memref<128xf32, #tpu.memory_space<vmem>> -> memref<80xf32, #tpu.memory_space<vmem>>
        %dma_wait3A_386 = arith.constant 0 : i32
        %dma_wait3A_387 = tpu.memref_slice %arg16[%dma_wait3A_386] : memref<51200xf32, #tpu.memory_space<hbm>> -> memref<80xf32, #tpu.memory_space<hbm>>
        %dma_wait3A_388 = arith.constant 0 : i32
        %dma_wait3A_389 = tpu.memref_slice %arg16[%dma_wait3A_388] : memref<51200xf32, #tpu.memory_space<hbm>> -> memref<80xf32, #tpu.memory_space<hbm>>
        %dma_wait3A_390 = arith.constant 0 : i32
        %dma_wait3A_391 = tpu.memref_slice %arg21[%dma_wait3A_390] : memref<128xf32, #tpu.memory_space<vmem>> -> memref<80xf32, #tpu.memory_space<vmem>>
        tpu.wait_dma2 semaphore(%arg31 : memref<!tpu.dma_semaphore, #tpu.memory_space<semaphore_mem>>) src(%dma_wait3A_391 : memref<80xf32, #tpu.memory_space<vmem>>) dst(%dma_wait3A_389 : memref<80xf32, #tpu.memory_space<hbm>>)
        "tpu.region"() ({
          %run_scoped3A = tpu.sem_alloc : memref<!tpu.dma_semaphore, #tpu.memory_space<semaphore_mem>>
          %dma_start3A_406 = arith.constant 0 : i32
          %dma_start3A_407 = tpu.memref_slice %arg17[%dma_start3A_406] : memref<128xi32, #tpu.memory_space<vmem>> -> memref<80xi32, #tpu.memory_space<vmem>>
          %dma_start3A_408 = tpu.memref_slice %arg8[%add3A_371] : memref<51200xi32, #tpu.memory_space<hbm>> -> memref<80xi32, #tpu.memory_space<hbm>>
          %dma_start3A_409 = arith.constant 0 : i32
          %dma_start3A_410 = tpu.memref_slice %arg17[%dma_start3A_409] : memref<128xi32, #tpu.memory_space<vmem>> -> memref<80xi32, #tpu.memory_space<vmem>>
          %dma_start3A_411 = tpu.memref_slice %arg8[%add3A_371] : memref<51200xi32, #tpu.memory_space<hbm>> -> memref<80xi32, #tpu.memory_space<hbm>>
          tpu.enqueue_dma source(%dma_start3A_411 : memref<80xi32, #tpu.memory_space<hbm>>) target(%dma_start3A_410 : memref<80xi32, #tpu.memory_space<vmem>>) target_semaphore(%run_scoped3A : memref<!tpu.dma_semaphore, #tpu.memory_space<semaphore_mem>>)
          %dma_wait3A_412 = arith.constant 0 : i32
          %dma_wait3A_413 = tpu.memref_slice %arg17[%dma_wait3A_412] : memref<128xi32, #tpu.memory_space<vmem>> -> memref<80xi32, #tpu.memory_space<vmem>>
          %dma_wait3A_414 = tpu.memref_slice %arg8[%add3A_371] : memref<51200xi32, #tpu.memory_space<hbm>> -> memref<80xi32, #tpu.memory_space<hbm>>
          %dma_wait3A_415 = arith.constant 0 : i32
          %dma_wait3A_416 = tpu.memref_slice %arg17[%dma_wait3A_415] : memref<128xi32, #tpu.memory_space<vmem>> -> memref<80xi32, #tpu.memory_space<vmem>>
          %dma_wait3A_417 = tpu.memref_slice %arg8[%add3A_371] : memref<51200xi32, #tpu.memory_space<hbm>> -> memref<80xi32, #tpu.memory_space<hbm>>
          tpu.wait_dma2 semaphore(%run_scoped3A : memref<!tpu.dma_semaphore, #tpu.memory_space<semaphore_mem>>) src(%dma_wait3A_417 : memref<80xi32, #tpu.memory_space<hbm>>) dst(%dma_wait3A_416 : memref<80xi32, #tpu.memory_space<vmem>>)
          tpu.yield
        }) : () -> ()
        %dma_start3A_392 = arith.constant 0 : i32
        %dma_start3A_393 = arith.constant 0 : i32
        %dma_start3A_394 = tpu.memref_slice %arg19[%dma_start3A_392, %dma_start3A_393] : memref<128x128xf32, #tpu.memory_space<vmem>> -> memref<80x128xf32, #tpu.memory_space<vmem>>
        %dma_start3A_395 = arith.constant 0 : i32
        %dma_start3A_396 = tpu.memref_slice %arg17[%dma_start3A_395] : memref<128xi32, #tpu.memory_space<vmem>> -> memref<80xi32, #tpu.memory_space<vmem>>
        %dma_start3A_397 = arith.constant 0 : i32
        %dma_start3A_398 = arith.constant 0 : i32
        %dma_start3A_399 = tpu.memref_slice %arg2[%dma_start3A_397, %dma_start3A_398] : memref<100000x128xf32, #tpu.memory_space<hbm>> -> memref<100000x128xf32, #tpu.memory_space<hbm>>
        tpu.enqueue_indirect_dma source(%dma_start3A_399 : memref<100000x128xf32, #tpu.memory_space<hbm>>) target(%dma_start3A_394 : memref<80x128xf32, #tpu.memory_space<vmem>>) offsets(%dma_start3A_396 : memref<80xi32, #tpu.memory_space<vmem>>) semaphore(%arg25 : memref<!tpu.dma_semaphore, #tpu.memory_space<semaphore_mem>>)
        %dma_start3A_400 = arith.constant 0 : i32
        %dma_start3A_401 = tpu.memref_slice %arg21[%dma_start3A_400] : memref<128xf32, #tpu.memory_space<vmem>> -> memref<80xf32, #tpu.memory_space<vmem>>
        %dma_start3A_402 = arith.constant 0 : i32
        %dma_start3A_403 = tpu.memref_slice %arg17[%dma_start3A_402] : memref<128xi32, #tpu.memory_space<vmem>> -> memref<80xi32, #tpu.memory_space<vmem>>
        %dma_start3A_404 = arith.constant 0 : i32
        %dma_start3A_405 = tpu.memref_slice %arg4[%dma_start3A_404] : memref<100000xf32, #tpu.memory_space<hbm>> -> memref<100000xf32, #tpu.memory_space<hbm>>
        tpu.enqueue_indirect_dma source(%dma_start3A_405 : memref<100000xf32, #tpu.memory_space<hbm>>) target(%dma_start3A_401 : memref<80xf32, #tpu.memory_space<vmem>>) offsets(%dma_start3A_403 : memref<80xi32, #tpu.memory_space<vmem>>) semaphore(%arg27 : memref<!tpu.dma_semaphore, #tpu.memory_space<semaphore_mem>>)
      } else {
      }
      %mul3A_319 = arith.constant 2 : i32
      %mul3A_320 = arith.muli %mul3A_319, %add3A_275 : i32
      %add3A_321 = arith.constant 1 : i32
      %add3A_322 = arith.addi %mul3A_320, %add3A_321 : i32
      %mul3A_323 = arith.constant 1600 : i32
      %mul3A_324 = arith.muli %add3A, %mul3A_323 : i32
      %mul3A_325 = arith.constant 80 : i32
      %mul3A_326 = arith.muli %add3A_322, %mul3A_325 : i32
      %add3A_327 = arith.addi %mul3A_324, %mul3A_326 : i32
      %dma_wait3A_328 = arith.constant 0 : i32
      %dma_wait3A_329 = arith.constant 0 : i32
      %dma_wait3A_330 = tpu.memref_slice %arg20[%dma_wait3A_328, %dma_wait3A_329] : memref<128x128xf32, #tpu.memory_space<vmem>> -> memref<80x128xf32, #tpu.memory_space<vmem>>
      %dma_wait3A_331 = arith.constant 0 : i32
      %dma_wait3A_332 = tpu.memref_slice %arg18[%dma_wait3A_331] : memref<128xi32, #tpu.memory_space<vmem>> -> memref<80xi32, #tpu.memory_space<vmem>>
      %dma_wait3A_333 = arith.constant 0 : i32
      %dma_wait3A_334 = arith.constant 0 : i32
      %dma_wait3A_335 = tpu.memref_slice %arg2[%dma_wait3A_333, %dma_wait3A_334] : memref<100000x128xf32, #tpu.memory_space<hbm>> -> memref<100000x128xf32, #tpu.memory_space<hbm>>
      tpu.wait_indirect_dma semaphore(%arg26 : memref<!tpu.dma_semaphore, #tpu.memory_space<semaphore_mem>>) src(%dma_wait3A_335 : memref<100000x128xf32, #tpu.memory_space<hbm>>) dst(%dma_wait3A_330 : memref<80x128xf32, #tpu.memory_space<vmem>>)
      %dma_start3A_336 = arith.constant 0 : i32
      %dma_start3A_337 = arith.constant 0 : i32
      %dma_start3A_338 = tpu.memref_slice %arg20[%dma_start3A_336, %dma_start3A_337] : memref<128x128xf32, #tpu.memory_space<vmem>> -> memref<80x128xf32, #tpu.memory_space<vmem>>
      %dma_start3A_339 = arith.constant 0 : i32
      %dma_start3A_340 = tpu.memref_slice %arg11[%add3A_327, %dma_start3A_339] : memref<51200x128xf32, #tpu.memory_space<hbm>> -> memref<80x128xf32, #tpu.memory_space<hbm>>
      %dma_start3A_341 = arith.constant 0 : i32
      %dma_start3A_342 = tpu.memref_slice %arg11[%add3A_327, %dma_start3A_341] : memref<51200x128xf32, #tpu.memory_space<hbm>> -> memref<80x128xf32, #tpu.memory_space<hbm>>
      %dma_start3A_343 = arith.constant 0 : i32
      %dma_start3A_344 = arith.constant 0 : i32
      %dma_start3A_345 = tpu.memref_slice %arg20[%dma_start3A_343, %dma_start3A_344] : memref<128x128xf32, #tpu.memory_space<vmem>> -> memref<80x128xf32, #tpu.memory_space<vmem>>
      tpu.enqueue_dma source(%dma_start3A_345 : memref<80x128xf32, #tpu.memory_space<vmem>>) target(%dma_start3A_342 : memref<80x128xf32, #tpu.memory_space<hbm>>) target_semaphore(%arg30 : memref<!tpu.dma_semaphore, #tpu.memory_space<semaphore_mem>>)
      %dma_wait3A_346 = arith.constant 0 : i32
      %dma_wait3A_347 = tpu.memref_slice %arg22[%dma_wait3A_346] : memref<128xf32, #tpu.memory_space<vmem>> -> memref<80xf32, #tpu.memory_space<vmem>>
      %dma_wait3A_348 = arith.constant 0 : i32
      %dma_wait3A_349 = tpu.memref_slice %arg18[%dma_wait3A_348] : memref<128xi32, #tpu.memory_space<vmem>> -> memref<80xi32, #tpu.memory_space<vmem>>
      %dma_wait3A_350 = arith.constant 0 : i32
      %dma_wait3A_351 = tpu.memref_slice %arg4[%dma_wait3A_350] : memref<100000xf32, #tpu.memory_space<hbm>> -> memref<100000xf32, #tpu.memory_space<hbm>>
      tpu.wait_indirect_dma semaphore(%arg28 : memref<!tpu.dma_semaphore, #tpu.memory_space<semaphore_mem>>) src(%dma_wait3A_351 : memref<100000xf32, #tpu.memory_space<hbm>>) dst(%dma_wait3A_347 : memref<80xf32, #tpu.memory_space<vmem>>)
      %dma_start3A_352 = arith.constant 0 : i32
      %dma_start3A_353 = tpu.memref_slice %arg22[%dma_start3A_352] : memref<128xf32, #tpu.memory_space<vmem>> -> memref<80xf32, #tpu.memory_space<vmem>>
      %dma_start3A_354 = tpu.memref_slice %arg16[%add3A_327] : memref<51200xf32, #tpu.memory_space<hbm>> -> memref<80xf32, #tpu.memory_space<hbm>>
      %dma_start3A_355 = tpu.memref_slice %arg16[%add3A_327] : memref<51200xf32, #tpu.memory_space<hbm>> -> memref<80xf32, #tpu.memory_space<hbm>>
      %dma_start3A_356 = arith.constant 0 : i32
      %dma_start3A_357 = tpu.memref_slice %arg22[%dma_start3A_356] : memref<128xf32, #tpu.memory_space<vmem>> -> memref<80xf32, #tpu.memory_space<vmem>>
      tpu.enqueue_dma source(%dma_start3A_357 : memref<80xf32, #tpu.memory_space<vmem>>) target(%dma_start3A_355 : memref<80xf32, #tpu.memory_space<hbm>>) target_semaphore(%arg32 : memref<!tpu.dma_semaphore, #tpu.memory_space<semaphore_mem>>)
      %add3A_358 = arith.constant 2 : i32
      %add3A_359 = arith.addi %add3A_322, %add3A_358 : i32
      %lt3A_360 = arith.constant 20 : i32
      %lt3A_361 = arith.cmpi slt, %add3A_359, %lt3A_360 : i32
      %convert_element_type3A_362 = arith.extui %lt3A_361 : i1 to i32
      %cond3A_363 = arith.constant 0 : i32
      %cond3A_364 = arith.cmpi ne, %convert_element_type3A_362, %cond3A_363 : i32
      scf.if %cond3A_364 {
        %add3A_365 = arith.constant 2 : i32
        %add3A_366 = arith.addi %add3A_322, %add3A_365 : i32
        %mul3A_367 = arith.constant 1600 : i32
        %mul3A_368 = arith.muli %add3A, %mul3A_367 : i32
        %mul3A_369 = arith.constant 80 : i32
        %mul3A_370 = arith.muli %add3A_366, %mul3A_369 : i32
        %add3A_371 = arith.addi %mul3A_368, %mul3A_370 : i32
        %dma_wait3A_372 = arith.constant 0 : i32
        %dma_wait3A_373 = arith.constant 0 : i32
        %dma_wait3A_374 = tpu.memref_slice %arg20[%dma_wait3A_372, %dma_wait3A_373] : memref<128x128xf32, #tpu.memory_space<vmem>> -> memref<80x128xf32, #tpu.memory_space<vmem>>
        %dma_wait3A_375 = arith.constant 0 : i32
        %dma_wait3A_376 = arith.constant 0 : i32
        %dma_wait3A_377 = tpu.memref_slice %arg11[%dma_wait3A_375, %dma_wait3A_376] : memref<51200x128xf32, #tpu.memory_space<hbm>> -> memref<80x128xf32, #tpu.memory_space<hbm>>
        %dma_wait3A_378 = arith.constant 0 : i32
        %dma_wait3A_379 = arith.constant 0 : i32
        %dma_wait3A_380 = tpu.memref_slice %arg11[%dma_wait3A_378, %dma_wait3A_379] : memref<51200x128xf32, #tpu.memory_space<hbm>> -> memref<80x128xf32, #tpu.memory_space<hbm>>
        %dma_wait3A_381 = arith.constant 0 : i32
        %dma_wait3A_382 = arith.constant 0 : i32
        %dma_wait3A_383 = tpu.memref_slice %arg20[%dma_wait3A_381, %dma_wait3A_382] : memref<128x128xf32, #tpu.memory_space<vmem>> -> memref<80x128xf32, #tpu.memory_space<vmem>>
        tpu.wait_dma2 semaphore(%arg30 : memref<!tpu.dma_semaphore, #tpu.memory_space<semaphore_mem>>) src(%dma_wait3A_383 : memref<80x128xf32, #tpu.memory_space<vmem>>) dst(%dma_wait3A_380 : memref<80x128xf32, #tpu.memory_space<hbm>>)
        %dma_wait3A_384 = arith.constant 0 : i32
        %dma_wait3A_385 = tpu.memref_slice %arg22[%dma_wait3A_384] : memref<128xf32, #tpu.memory_space<vmem>> -> memref<80xf32, #tpu.memory_space<vmem>>
        %dma_wait3A_386 = arith.constant 0 : i32
        %dma_wait3A_387 = tpu.memref_slice %arg16[%dma_wait3A_386] : memref<51200xf32, #tpu.memory_space<hbm>> -> memref<80xf32, #tpu.memory_space<hbm>>
        %dma_wait3A_388 = arith.constant 0 : i32
        %dma_wait3A_389 = tpu.memref_slice %arg16[%dma_wait3A_388] : memref<51200xf32, #tpu.memory_space<hbm>> -> memref<80xf32, #tpu.memory_space<hbm>>
        %dma_wait3A_390 = arith.constant 0 : i32
        %dma_wait3A_391 = tpu.memref_slice %arg22[%dma_wait3A_390] : memref<128xf32, #tpu.memory_space<vmem>> -> memref<80xf32, #tpu.memory_space<vmem>>
        tpu.wait_dma2 semaphore(%arg32 : memref<!tpu.dma_semaphore, #tpu.memory_space<semaphore_mem>>) src(%dma_wait3A_391 : memref<80xf32, #tpu.memory_space<vmem>>) dst(%dma_wait3A_389 : memref<80xf32, #tpu.memory_space<hbm>>)
        "tpu.region"() ({
          %run_scoped3A = tpu.sem_alloc : memref<!tpu.dma_semaphore, #tpu.memory_space<semaphore_mem>>
          %dma_start3A_406 = arith.constant 0 : i32
          %dma_start3A_407 = tpu.memref_slice %arg18[%dma_start3A_406] : memref<128xi32, #tpu.memory_space<vmem>> -> memref<80xi32, #tpu.memory_space<vmem>>
          %dma_start3A_408 = tpu.memref_slice %arg8[%add3A_371] : memref<51200xi32, #tpu.memory_space<hbm>> -> memref<80xi32, #tpu.memory_space<hbm>>
          %dma_start3A_409 = arith.constant 0 : i32
          %dma_start3A_410 = tpu.memref_slice %arg18[%dma_start3A_409] : memref<128xi32, #tpu.memory_space<vmem>> -> memref<80xi32, #tpu.memory_space<vmem>>
          %dma_start3A_411 = tpu.memref_slice %arg8[%add3A_371] : memref<51200xi32, #tpu.memory_space<hbm>> -> memref<80xi32, #tpu.memory_space<hbm>>
          tpu.enqueue_dma source(%dma_start3A_411 : memref<80xi32, #tpu.memory_space<hbm>>) target(%dma_start3A_410 : memref<80xi32, #tpu.memory_space<vmem>>) target_semaphore(%run_scoped3A : memref<!tpu.dma_semaphore, #tpu.memory_space<semaphore_mem>>)
          %dma_wait3A_412 = arith.constant 0 : i32
          %dma_wait3A_413 = tpu.memref_slice %arg18[%dma_wait3A_412] : memref<128xi32, #tpu.memory_space<vmem>> -> memref<80xi32, #tpu.memory_space<vmem>>
          %dma_wait3A_414 = tpu.memref_slice %arg8[%add3A_371] : memref<51200xi32, #tpu.memory_space<hbm>> -> memref<80xi32, #tpu.memory_space<hbm>>
          %dma_wait3A_415 = arith.constant 0 : i32
          %dma_wait3A_416 = tpu.memref_slice %arg18[%dma_wait3A_415] : memref<128xi32, #tpu.memory_space<vmem>> -> memref<80xi32, #tpu.memory_space<vmem>>
          %dma_wait3A_417 = tpu.memref_slice %arg8[%add3A_371] : memref<51200xi32, #tpu.memory_space<hbm>> -> memref<80xi32, #tpu.memory_space<hbm>>
          tpu.wait_dma2 semaphore(%run_scoped3A : memref<!tpu.dma_semaphore, #tpu.memory_space<semaphore_mem>>) src(%dma_wait3A_417 : memref<80xi32, #tpu.memory_space<hbm>>) dst(%dma_wait3A_416 : memref<80xi32, #tpu.memory_space<vmem>>)
          tpu.yield
        }) : () -> ()
        %dma_start3A_392 = arith.constant 0 : i32
        %dma_start3A_393 = arith.constant 0 : i32
        %dma_start3A_394 = tpu.memref_slice %arg20[%dma_start3A_392, %dma_start3A_393] : memref<128x128xf32, #tpu.memory_space<vmem>> -> memref<80x128xf32, #tpu.memory_space<vmem>>
        %dma_start3A_395 = arith.constant 0 : i32
        %dma_start3A_396 = tpu.memref_slice %arg18[%dma_start3A_395] : memref<128xi32, #tpu.memory_space<vmem>> -> memref<80xi32, #tpu.memory_space<vmem>>
        %dma_start3A_397 = arith.constant 0 : i32
        %dma_start3A_398 = arith.constant 0 : i32
        %dma_start3A_399 = tpu.memref_slice %arg2[%dma_start3A_397, %dma_start3A_398] : memref<100000x128xf32, #tpu.memory_space<hbm>> -> memref<100000x128xf32, #tpu.memory_space<hbm>>
        tpu.enqueue_indirect_dma source(%dma_start3A_399 : memref<100000x128xf32, #tpu.memory_space<hbm>>) target(%dma_start3A_394 : memref<80x128xf32, #tpu.memory_space<vmem>>) offsets(%dma_start3A_396 : memref<80xi32, #tpu.memory_space<vmem>>) semaphore(%arg26 : memref<!tpu.dma_semaphore, #tpu.memory_space<semaphore_mem>>)
        %dma_start3A_400 = arith.constant 0 : i32
        %dma_start3A_401 = tpu.memref_slice %arg22[%dma_start3A_400] : memref<128xf32, #tpu.memory_space<vmem>> -> memref<80xf32, #tpu.memory_space<vmem>>
        %dma_start3A_402 = arith.constant 0 : i32
        %dma_start3A_403 = tpu.memref_slice %arg18[%dma_start3A_402] : memref<128xi32, #tpu.memory_space<vmem>> -> memref<80xi32, #tpu.memory_space<vmem>>
        %dma_start3A_404 = arith.constant 0 : i32
        %dma_start3A_405 = tpu.memref_slice %arg4[%dma_start3A_404] : memref<100000xf32, #tpu.memory_space<hbm>> -> memref<100000xf32, #tpu.memory_space<hbm>>
        tpu.enqueue_indirect_dma source(%dma_start3A_405 : memref<100000xf32, #tpu.memory_space<hbm>>) target(%dma_start3A_401 : memref<80xf32, #tpu.memory_space<vmem>>) offsets(%dma_start3A_403 : memref<80xi32, #tpu.memory_space<vmem>>) semaphore(%arg28 : memref<!tpu.dma_semaphore, #tpu.memory_space<semaphore_mem>>)
      } else {
      }
    }
    %scan3A_160 = arith.constant 10 : i32
    %dma_wait3A_161 = arith.constant 0 : i32
    %dma_wait3A_162 = arith.constant 0 : i32
    %dma_wait3A_163 = tpu.memref_slice %arg19[%dma_wait3A_161, %dma_wait3A_162] : memref<128x128xf32, #tpu.memory_space<vmem>> -> memref<80x128xf32, #tpu.memory_space<vmem>>
    %dma_wait3A_164 = arith.constant 0 : i32
    %dma_wait3A_165 = arith.constant 0 : i32
    %dma_wait3A_166 = tpu.memref_slice %arg11[%dma_wait3A_164, %dma_wait3A_165] : memref<51200x128xf32, #tpu.memory_space<hbm>> -> memref<80x128xf32, #tpu.memory_space<hbm>>
    %dma_wait3A_167 = arith.constant 0 : i32
    %dma_wait3A_168 = arith.constant 0 : i32
    %dma_wait3A_169 = tpu.memref_slice %arg11[%dma_wait3A_167, %dma_wait3A_168] : memref<51200x128xf32, #tpu.memory_space<hbm>> -> memref<80x128xf32, #tpu.memory_space<hbm>>
    %dma_wait3A_170 = arith.constant 0 : i32
    %dma_wait3A_171 = arith.constant 0 : i32
    %dma_wait3A_172 = tpu.memref_slice %arg19[%dma_wait3A_170, %dma_wait3A_171] : memref<128x128xf32, #tpu.memory_space<vmem>> -> memref<80x128xf32, #tpu.memory_space<vmem>>
    tpu.wait_dma2 semaphore(%arg29 : memref<!tpu.dma_semaphore, #tpu.memory_space<semaphore_mem>>) src(%dma_wait3A_172 : memref<80x128xf32, #tpu.memory_space<vmem>>) dst(%dma_wait3A_169 : memref<80x128xf32, #tpu.memory_space<hbm>>)
    %dma_wait3A_173 = arith.constant 0 : i32
    %dma_wait3A_174 = arith.constant 0 : i32
    %dma_wait3A_175 = tpu.memref_slice %arg20[%dma_wait3A_173, %dma_wait3A_174] : memref<128x128xf32, #tpu.memory_space<vmem>> -> memref<80x128xf32, #tpu.memory_space<vmem>>
    %dma_wait3A_176 = arith.constant 0 : i32
    %dma_wait3A_177 = arith.constant 0 : i32
    %dma_wait3A_178 = tpu.memref_slice %arg11[%dma_wait3A_176, %dma_wait3A_177] : memref<51200x128xf32, #tpu.memory_space<hbm>> -> memref<80x128xf32, #tpu.memory_space<hbm>>
    %dma_wait3A_179 = arith.constant 0 : i32
    %dma_wait3A_180 = arith.constant 0 : i32
    %dma_wait3A_181 = tpu.memref_slice %arg11[%dma_wait3A_179, %dma_wait3A_180] : memref<51200x128xf32, #tpu.memory_space<hbm>> -> memref<80x128xf32, #tpu.memory_space<hbm>>
    %dma_wait3A_182 = arith.constant 0 : i32
    %dma_wait3A_183 = arith.constant 0 : i32
    %dma_wait3A_184 = tpu.memref_slice %arg20[%dma_wait3A_182, %dma_wait3A_183] : memref<128x128xf32, #tpu.memory_space<vmem>> -> memref<80x128xf32, #tpu.memory_space<vmem>>
    tpu.wait_dma2 semaphore(%arg30 : memref<!tpu.dma_semaphore, #tpu.memory_space<semaphore_mem>>) src(%dma_wait3A_184 : memref<80x128xf32, #tpu.memory_space<vmem>>) dst(%dma_wait3A_181 : memref<80x128xf32, #tpu.memory_space<hbm>>)
    %dma_wait3A_185 = arith.constant 0 : i32
    %dma_wait3A_186 = tpu.memref_slice %arg21[%dma_wait3A_185] : memref<128xf32, #tpu.memory_space<vmem>> -> memref<80xf32, #tpu.memory_space<vmem>>
    %dma_wait3A_187 = arith.constant 0 : i32
    %dma_wait3A_188 = tpu.memref_slice %arg16[%dma_wait3A_187] : memref<51200xf32, #tpu.memory_space<hbm>> -> memref<80xf32, #tpu.memory_space<hbm>>
    %dma_wait3A_189 = arith.constant 0 : i32
    %dma_wait3A_190 = tpu.memref_slice %arg16[%dma_wait3A_189] : memref<51200xf32, #tpu.memory_space<hbm>> -> memref<80xf32, #tpu.memory_space<hbm>>
    %dma_wait3A_191 = arith.constant 0 : i32
    %dma_wait3A_192 = tpu.memref_slice %arg21[%dma_wait3A_191] : memref<128xf32, #tpu.memory_space<vmem>> -> memref<80xf32, #tpu.memory_space<vmem>>
    tpu.wait_dma2 semaphore(%arg31 : memref<!tpu.dma_semaphore, #tpu.memory_space<semaphore_mem>>) src(%dma_wait3A_192 : memref<80xf32, #tpu.memory_space<vmem>>) dst(%dma_wait3A_190 : memref<80xf32, #tpu.memory_space<hbm>>)
    %dma_wait3A_193 = arith.constant 0 : i32
    %dma_wait3A_194 = tpu.memref_slice %arg22[%dma_wait3A_193] : memref<128xf32, #tpu.memory_space<vmem>> -> memref<80xf32, #tpu.memory_space<vmem>>
    %dma_wait3A_195 = arith.constant 0 : i32
    %dma_wait3A_196 = tpu.memref_slice %arg16[%dma_wait3A_195] : memref<51200xf32, #tpu.memory_space<hbm>> -> memref<80xf32, #tpu.memory_space<hbm>>
    %dma_wait3A_197 = arith.constant 0 : i32
    %dma_wait3A_198 = tpu.memref_slice %arg16[%dma_wait3A_197] : memref<51200xf32, #tpu.memory_space<hbm>> -> memref<80xf32, #tpu.memory_space<hbm>>
    %dma_wait3A_199 = arith.constant 0 : i32
    %dma_wait3A_200 = tpu.memref_slice %arg22[%dma_wait3A_199] : memref<128xf32, #tpu.memory_space<vmem>> -> memref<80xf32, #tpu.memory_space<vmem>>
    tpu.wait_dma2 semaphore(%arg32 : memref<!tpu.dma_semaphore, #tpu.memory_space<semaphore_mem>>) src(%dma_wait3A_200 : memref<80xf32, #tpu.memory_space<vmem>>) dst(%dma_wait3A_198 : memref<80xf32, #tpu.memory_space<hbm>>)
    "tpu.region"() ({
      %run_scoped3A = tpu.sem_alloc : memref<!tpu.dma_semaphore, #tpu.memory_space<semaphore_mem>>
      %dma_start3A_271 = arith.constant 0 : i32
      %dma_start3A_272 = tpu.memref_slice %arg17[%dma_start3A_271] : memref<128xi32, #tpu.memory_space<vmem>> -> memref<32xi32, #tpu.memory_space<vmem>>
      %dma_start3A_273 = tpu.memref_slice %arg7[%mul3A_2] : memref<1024xi32, #tpu.memory_space<hbm>> -> memref<32xi32, #tpu.memory_space<hbm>>
      %dma_start3A_274 = arith.constant 0 : i32
      %dma_start3A_275 = tpu.memref_slice %arg17[%dma_start3A_274] : memref<128xi32, #tpu.memory_space<vmem>> -> memref<32xi32, #tpu.memory_space<vmem>>
      %dma_start3A_276 = tpu.memref_slice %arg7[%mul3A_2] : memref<1024xi32, #tpu.memory_space<hbm>> -> memref<32xi32, #tpu.memory_space<hbm>>
      tpu.enqueue_dma source(%dma_start3A_276 : memref<32xi32, #tpu.memory_space<hbm>>) target(%dma_start3A_275 : memref<32xi32, #tpu.memory_space<vmem>>) target_semaphore(%run_scoped3A : memref<!tpu.dma_semaphore, #tpu.memory_space<semaphore_mem>>)
      %dma_wait3A_277 = arith.constant 0 : i32
      %dma_wait3A_278 = tpu.memref_slice %arg17[%dma_wait3A_277] : memref<128xi32, #tpu.memory_space<vmem>> -> memref<32xi32, #tpu.memory_space<vmem>>
      %dma_wait3A_279 = tpu.memref_slice %arg7[%mul3A_2] : memref<1024xi32, #tpu.memory_space<hbm>> -> memref<32xi32, #tpu.memory_space<hbm>>
      %dma_wait3A_280 = arith.constant 0 : i32
      %dma_wait3A_281 = tpu.memref_slice %arg17[%dma_wait3A_280] : memref<128xi32, #tpu.memory_space<vmem>> -> memref<32xi32, #tpu.memory_space<vmem>>
      %dma_wait3A_282 = tpu.memref_slice %arg7[%mul3A_2] : memref<1024xi32, #tpu.memory_space<hbm>> -> memref<32xi32, #tpu.memory_space<hbm>>
      tpu.wait_dma2 semaphore(%run_scoped3A : memref<!tpu.dma_semaphore, #tpu.memory_space<semaphore_mem>>) src(%dma_wait3A_282 : memref<32xi32, #tpu.memory_space<hbm>>) dst(%dma_wait3A_281 : memref<32xi32, #tpu.memory_space<vmem>>)
      tpu.yield
    }) : () -> ()
    "tpu.region"() ({
      %run_scoped3A = tpu.sem_alloc : memref<!tpu.dma_semaphore, #tpu.memory_space<semaphore_mem>>
      %dma_start3A_271 = arith.constant 0 : i32
      %dma_start3A_272 = arith.constant 0 : i32
      %dma_start3A_273 = tpu.memref_slice %arg24[%dma_start3A_271, %dma_start3A_272] : memref<128x128xi32, #tpu.memory_space<vmem>> -> memref<32x128xi32, #tpu.memory_space<vmem>>
      %dma_start3A_274 = arith.constant 0 : i32
      %dma_start3A_275 = tpu.memref_slice %arg17[%dma_start3A_274] : memref<128xi32, #tpu.memory_space<vmem>> -> memref<32xi32, #tpu.memory_space<vmem>>
      %dma_start3A_276 = arith.constant 0 : i32
      %dma_start3A_277 = arith.constant 0 : i32
      %dma_start3A_278 = tpu.memref_slice %arg5[%dma_start3A_276, %dma_start3A_277] : memref<100000x128xi32, #tpu.memory_space<hbm>> -> memref<100000x128xi32, #tpu.memory_space<hbm>>
      tpu.enqueue_indirect_dma source(%dma_start3A_278 : memref<100000x128xi32, #tpu.memory_space<hbm>>) target(%dma_start3A_273 : memref<32x128xi32, #tpu.memory_space<vmem>>) offsets(%dma_start3A_275 : memref<32xi32, #tpu.memory_space<vmem>>) semaphore(%run_scoped3A : memref<!tpu.dma_semaphore, #tpu.memory_space<semaphore_mem>>)
      %dma_wait3A_279 = arith.constant 0 : i32
      %dma_wait3A_280 = arith.constant 0 : i32
      %dma_wait3A_281 = tpu.memref_slice %arg24[%dma_wait3A_279, %dma_wait3A_280] : memref<128x128xi32, #tpu.memory_space<vmem>> -> memref<32x128xi32, #tpu.memory_space<vmem>>
      %dma_wait3A_282 = arith.constant 0 : i32
      %dma_wait3A_283 = tpu.memref_slice %arg17[%dma_wait3A_282] : memref<128xi32, #tpu.memory_space<vmem>> -> memref<32xi32, #tpu.memory_space<vmem>>
      %dma_wait3A_284 = arith.constant 0 : i32
      %dma_wait3A_285 = arith.constant 0 : i32
      %dma_wait3A_286 = tpu.memref_slice %arg5[%dma_wait3A_284, %dma_wait3A_285] : memref<100000x128xi32, #tpu.memory_space<hbm>> -> memref<100000x128xi32, #tpu.memory_space<hbm>>
      tpu.wait_indirect_dma semaphore(%run_scoped3A : memref<!tpu.dma_semaphore, #tpu.memory_space<semaphore_mem>>) src(%dma_wait3A_286 : memref<100000x128xi32, #tpu.memory_space<hbm>>) dst(%dma_wait3A_281 : memref<32x128xi32, #tpu.memory_space<vmem>>)
      tpu.yield
    }) : () -> ()
    %dma_start3A_201 = arith.constant 0 : i32
    %dma_start3A_202 = arith.constant 0 : i32
    %dma_start3A_203 = tpu.memref_slice %arg24[%dma_start3A_201, %dma_start3A_202] : memref<128x128xi32, #tpu.memory_space<vmem>> -> memref<32x128xi32, #tpu.memory_space<vmem>>
    %dma_start3A_204 = arith.constant 0 : i32
    %dma_start3A_205 = tpu.memref_slice %arg13[%mul3A_2, %dma_start3A_204] : memref<1024x128xi32, #tpu.memory_space<hbm>> -> memref<32x128xi32, #tpu.memory_space<hbm>>
    %dma_start3A_206 = arith.constant 0 : i32
    %dma_start3A_207 = tpu.memref_slice %arg13[%mul3A_2, %dma_start3A_206] : memref<1024x128xi32, #tpu.memory_space<hbm>> -> memref<32x128xi32, #tpu.memory_space<hbm>>
    %dma_start3A_208 = arith.constant 0 : i32
    %dma_start3A_209 = arith.constant 0 : i32
    %dma_start3A_210 = tpu.memref_slice %arg24[%dma_start3A_208, %dma_start3A_209] : memref<128x128xi32, #tpu.memory_space<vmem>> -> memref<32x128xi32, #tpu.memory_space<vmem>>
    tpu.enqueue_dma source(%dma_start3A_210 : memref<32x128xi32, #tpu.memory_space<vmem>>) target(%dma_start3A_207 : memref<32x128xi32, #tpu.memory_space<hbm>>) target_semaphore(%arg31 : memref<!tpu.dma_semaphore, #tpu.memory_space<semaphore_mem>>)
    %iota3A = tpu.iota {dimensions = array<i32: 0>} : vector<16xi32>
    %scan3A_211 = arith.constant 0 : i32
    %scan3A_212 = arith.constant 20 : i32
    %scan3A_213 = arith.addi %scan3A_211, %scan3A_212 : i32
    %scan3A_214 = arith.constant 1 : i32
    scf.for %scan3A_271 = %scan3A_211 to %scan3A_213 step %scan3A_214  : i32 {
      %mul3A_272 = arith.constant 1 : i32
      %mul3A_273 = arith.muli %scan3A_271, %mul3A_272 : i32
      %add3A_274 = arith.constant 0 : i32
      %add3A_275 = arith.addi %add3A_274, %mul3A_273 : i32
      %mul3A_276 = arith.constant 16 : i32
      %mul3A_277 = arith.muli %add3A_275, %mul3A_276 : i32
      %add3A_278 = vector.broadcast %mul3A_277 : i32 to vector<16xi32>
      %add3A_279 = arith.addi %add3A_278, %iota3A : vector<16xi32>
      %jit3A = arith.constant 10 : i32
      %div3A = vector.broadcast %jit3A : i32 to vector<16xi32>
      %div3A_280 = arith.divsi %add3A_279, %div3A : vector<16xi32>
      %sign3A = arith.constant 0 : i32
      %sign3A_281 = vector.broadcast %sign3A : i32 to vector<16xi32>
      %sign3A_282 = arith.cmpi sgt, %add3A_279, %sign3A_281 : vector<16xi32>
      %sign3A_283 = arith.extui %sign3A_282 : vector<16xi1> to vector<16xi32>
      %sign3A_284 = arith.constant 0 : i32
      %sign3A_285 = vector.broadcast %sign3A_284 : i32 to vector<16xi32>
      %sign3A_286 = arith.cmpi slt, %add3A_279, %sign3A_285 : vector<16xi32>
      %sign3A_287 = arith.extui %sign3A_286 : vector<16xi1> to vector<16xi32>
      %sign3A_288 = arith.subi %sign3A_283, %sign3A_287 : vector<16xi32>
      %sign3A_289 = arith.constant 0 : i32
      %sign3A_290 = arith.cmpi sgt, %jit3A, %sign3A_289 : i32
      %sign3A_291 = arith.extui %sign3A_290 : i1 to i32
      %sign3A_292 = arith.constant 0 : i32
      %sign3A_293 = arith.cmpi slt, %jit3A, %sign3A_292 : i32
      %sign3A_294 = arith.extui %sign3A_293 : i1 to i32
      %sign3A_295 = arith.subi %sign3A_291, %sign3A_294 : i32
      %ne3A = vector.broadcast %sign3A_295 : i32 to vector<16xi32>
      %ne3A_296 = arith.cmpi ne, %sign3A_288, %ne3A : vector<16xi32>
      %rem3A = vector.broadcast %jit3A : i32 to vector<16xi32>
      %rem3A_297 = arith.remsi %add3A_279, %rem3A : vector<16xi32>
      %ne3A_298 = arith.constant 0 : i32
      %ne3A_299 = vector.broadcast %ne3A_298 : i32 to vector<16xi32>
      %ne3A_300 = arith.cmpi ne, %rem3A_297, %ne3A_299 : vector<16xi32>
      %and3A = arith.andi %ne3A_296, %ne3A_300 : vector<16xi1>
      %sub3A = arith.constant 1 : i32
      %sub3A_301 = vector.broadcast %sub3A : i32 to vector<16xi32>
      %sub3A_302 = arith.subi %div3A_280, %sub3A_301 : vector<16xi32>
      %select_n3A = arith.select %and3A, %sub3A_302, %div3A_280 : vector<16xi1>, vector<16xi32>
      %jit3A_303 = arith.constant 10 : i32
      %eq3A = arith.constant 0 : i32
      %eq3A_304 = arith.cmpi eq, %jit3A_303, %eq3A : i32
      %jit3A_305 = arith.constant 1 : i32
      %select_n3A_306 = arith.select %eq3A_304, %jit3A_305, %jit3A_303 : i32
      %rem3A_307 = vector.broadcast %select_n3A_306 : i32 to vector<16xi32>
      %rem3A_308 = arith.remsi %add3A_279, %rem3A_307 : vector<16xi32>
      %ne3A_309 = arith.constant 0 : i32
      %ne3A_310 = vector.broadcast %ne3A_309 : i32 to vector<16xi32>
      %ne3A_311 = arith.cmpi ne, %rem3A_308, %ne3A_310 : vector<16xi32>
      %lt3A = arith.constant 0 : i32
      %lt3A_312 = vector.broadcast %lt3A : i32 to vector<16xi32>
      %lt3A_313 = arith.cmpi slt, %rem3A_308, %lt3A_312 : vector<16xi32>
      %lt3A_314 = arith.constant 0 : i32
      %lt3A_315 = arith.cmpi slt, %select_n3A_306, %lt3A_314 : i32
      %ne3A_316 = vector.broadcast %lt3A_315 : i1 to vector<16xi1>
      %ne3A_317 = vector.broadcast %ne3A_316 : vector<16xi1> to vector<16xi1>
      %ne3A_318 = arith.xori %lt3A_313, %ne3A_317 : vector<16xi1>
      %and3A_319 = arith.andi %ne3A_318, %ne3A_311 : vector<16xi1>
      %add3A_320 = vector.broadcast %select_n3A_306 : i32 to vector<16xi32>
      %add3A_321 = arith.addi %rem3A_308, %add3A_320 : vector<16xi32>
      %select_n3A_322 = arith.select %and3A_319, %add3A_321, %rem3A_308 : vector<16xi1>, vector<16xi32>
      %gather3A = tpu.vector_load_idx %arg24[%select_n3A, %select_n3A_322] : memref<128x128xi32, #tpu.memory_space<vmem>>[vector<16xi32>, vector<16xi32>], vector<16xi32>,
      %mul3A_323 = arith.constant 16 : i32
      %mul3A_324 = arith.muli %add3A_275, %mul3A_323 : i32
      %swap3A = arith.index_cast %mul3A_324 : i32 to index
      %swap3A_325 = tpu.vector_load %arg23[%swap3A] {strides = array<i32>} : memref<320xi32, #tpu.memory_space<vmem>>, vector<16xi32>,
      tpu.vector_store %arg23[%swap3A], %gather3A {strides = array<i32>} : memref<320xi32, #tpu.memory_space<vmem>>, vector<16xi32>,
    }
    %scan3A_215 = arith.constant 20 : i32
    %dma_wait3A_216 = arith.constant 0 : i32
    %dma_wait3A_217 = arith.constant 0 : i32
    %dma_wait3A_218 = tpu.memref_slice %arg24[%dma_wait3A_216, %dma_wait3A_217] : memref<128x128xi32, #tpu.memory_space<vmem>> -> memref<32x128xi32, #tpu.memory_space<vmem>>
    %dma_wait3A_219 = arith.constant 0 : i32
    %dma_wait3A_220 = tpu.memref_slice %arg13[%mul3A_2, %dma_wait3A_219] : memref<1024x128xi32, #tpu.memory_space<hbm>> -> memref<32x128xi32, #tpu.memory_space<hbm>>
    %dma_wait3A_221 = arith.constant 0 : i32
    %dma_wait3A_222 = tpu.memref_slice %arg13[%mul3A_2, %dma_wait3A_221] : memref<1024x128xi32, #tpu.memory_space<hbm>> -> memref<32x128xi32, #tpu.memory_space<hbm>>
    %dma_wait3A_223 = arith.constant 0 : i32
    %dma_wait3A_224 = arith.constant 0 : i32
    %dma_wait3A_225 = tpu.memref_slice %arg24[%dma_wait3A_223, %dma_wait3A_224] : memref<128x128xi32, #tpu.memory_space<vmem>> -> memref<32x128xi32, #tpu.memory_space<vmem>>
    tpu.wait_dma2 semaphore(%arg31 : memref<!tpu.dma_semaphore, #tpu.memory_space<semaphore_mem>>) src(%dma_wait3A_225 : memref<32x128xi32, #tpu.memory_space<vmem>>) dst(%dma_wait3A_222 : memref<32x128xi32, #tpu.memory_space<hbm>>)
    %dma_start3A_226 = arith.constant 0 : i32
    %dma_start3A_227 = arith.constant 0 : i32
    %dma_start3A_228 = tpu.memref_slice %arg19[%dma_start3A_226, %dma_start3A_227] : memref<128x128xf32, #tpu.memory_space<vmem>> -> memref<80x128xf32, #tpu.memory_space<vmem>>
    %dma_start3A_229 = arith.constant 0 : i32
    %dma_start3A_230 = tpu.memref_slice %arg23[%dma_start3A_229] : memref<320xi32, #tpu.memory_space<vmem>> -> memref<80xi32, #tpu.memory_space<vmem>>
    %dma_start3A_231 = arith.constant 0 : i32
    %dma_start3A_232 = arith.constant 0 : i32
    %dma_start3A_233 = tpu.memref_slice %arg2[%dma_start3A_231, %dma_start3A_232] : memref<100000x128xf32, #tpu.memory_space<hbm>> -> memref<100000x128xf32, #tpu.memory_space<hbm>>
    tpu.enqueue_indirect_dma source(%dma_start3A_233 : memref<100000x128xf32, #tpu.memory_space<hbm>>) target(%dma_start3A_228 : memref<80x128xf32, #tpu.memory_space<vmem>>) offsets(%dma_start3A_230 : memref<80xi32, #tpu.memory_space<vmem>>) semaphore(%arg25 : memref<!tpu.dma_semaphore, #tpu.memory_space<semaphore_mem>>)
    %dma_start3A_234 = arith.constant 0 : i32
    %dma_start3A_235 = arith.constant 0 : i32
    %dma_start3A_236 = tpu.memref_slice %arg20[%dma_start3A_234, %dma_start3A_235] : memref<128x128xf32, #tpu.memory_space<vmem>> -> memref<80x128xf32, #tpu.memory_space<vmem>>
    %dma_start3A_237 = arith.constant 80 : i32
    %dma_start3A_238 = tpu.memref_slice %arg23[%dma_start3A_237] : memref<320xi32, #tpu.memory_space<vmem>> -> memref<80xi32, #tpu.memory_space<vmem>>
    %dma_start3A_239 = arith.constant 0 : i32
    %dma_start3A_240 = arith.constant 0 : i32
    %dma_start3A_241 = tpu.memref_slice %arg2[%dma_start3A_239, %dma_start3A_240] : memref<100000x128xf32, #tpu.memory_space<hbm>> -> memref<100000x128xf32, #tpu.memory_space<hbm>>
    tpu.enqueue_indirect_dma source(%dma_start3A_241 : memref<100000x128xf32, #tpu.memory_space<hbm>>) target(%dma_start3A_236 : memref<80x128xf32, #tpu.memory_space<vmem>>) offsets(%dma_start3A_238 : memref<80xi32, #tpu.memory_space<vmem>>) semaphore(%arg26 : memref<!tpu.dma_semaphore, #tpu.memory_space<semaphore_mem>>)
    %scan3A_242 = arith.constant 0 : i32
    %scan3A_243 = arith.constant 2 : i32
    %scan3A_244 = arith.addi %scan3A_242, %scan3A_243 : i32
    %scan3A_245 = arith.constant 1 : i32
    scf.for %scan3A_271 = %scan3A_242 to %scan3A_244 step %scan3A_245  : i32 {
      %mul3A_272 = arith.constant 1 : i32
      %mul3A_273 = arith.muli %scan3A_271, %mul3A_272 : i32
      %add3A_274 = arith.constant 0 : i32
      %add3A_275 = arith.addi %add3A_274, %mul3A_273 : i32
      %mul3A_276 = arith.constant 2 : i32
      %mul3A_277 = arith.muli %mul3A_276, %add3A_275 : i32
      %add3A_278 = arith.constant 0 : i32
      %add3A_279 = arith.addi %mul3A_277, %add3A_278 : i32
      %mul3A_280 = arith.constant 320 : i32
      %mul3A_281 = arith.muli %add3A, %mul3A_280 : i32
      %mul3A_282 = arith.constant 80 : i32
      %mul3A_283 = arith.muli %add3A_279, %mul3A_282 : i32
      %add3A_284 = arith.addi %mul3A_281, %mul3A_283 : i32
      %mul3A_285 = arith.constant 80 : i32
      %mul3A_286 = arith.muli %add3A_279, %mul3A_285 : i32
      %dma_wait3A_287 = arith.constant 0 : i32
      %dma_wait3A_288 = arith.constant 0 : i32
      %dma_wait3A_289 = tpu.memref_slice %arg19[%dma_wait3A_287, %dma_wait3A_288] : memref<128x128xf32, #tpu.memory_space<vmem>> -> memref<80x128xf32, #tpu.memory_space<vmem>>
      %dma_wait3A_290 = tpu.memref_slice %arg23[%mul3A_286] : memref<320xi32, #tpu.memory_space<vmem>> -> memref<80xi32, #tpu.memory_space<vmem>>
      %dma_wait3A_291 = arith.constant 0 : i32
      %dma_wait3A_292 = arith.constant 0 : i32
      %dma_wait3A_293 = tpu.memref_slice %arg2[%dma_wait3A_291, %dma_wait3A_292] : memref<100000x128xf32, #tpu.memory_space<hbm>> -> memref<100000x128xf32, #tpu.memory_space<hbm>>
      tpu.wait_indirect_dma semaphore(%arg25 : memref<!tpu.dma_semaphore, #tpu.memory_space<semaphore_mem>>) src(%dma_wait3A_293 : memref<100000x128xf32, #tpu.memory_space<hbm>>) dst(%dma_wait3A_289 : memref<80x128xf32, #tpu.memory_space<vmem>>)
      %dma_start3A_294 = arith.constant 0 : i32
      %dma_start3A_295 = arith.constant 0 : i32
      %dma_start3A_296 = tpu.memref_slice %arg19[%dma_start3A_294, %dma_start3A_295] : memref<128x128xf32, #tpu.memory_space<vmem>> -> memref<80x128xf32, #tpu.memory_space<vmem>>
      %dma_start3A_297 = arith.constant 0 : i32
      %dma_start3A_298 = tpu.memref_slice %arg12[%add3A_284, %dma_start3A_297] : memref<10240x128xf32, #tpu.memory_space<hbm>> -> memref<80x128xf32, #tpu.memory_space<hbm>>
      %dma_start3A_299 = arith.constant 0 : i32
      %dma_start3A_300 = tpu.memref_slice %arg12[%add3A_284, %dma_start3A_299] : memref<10240x128xf32, #tpu.memory_space<hbm>> -> memref<80x128xf32, #tpu.memory_space<hbm>>
      %dma_start3A_301 = arith.constant 0 : i32
      %dma_start3A_302 = arith.constant 0 : i32
      %dma_start3A_303 = tpu.memref_slice %arg19[%dma_start3A_301, %dma_start3A_302] : memref<128x128xf32, #tpu.memory_space<vmem>> -> memref<80x128xf32, #tpu.memory_space<vmem>>
      tpu.enqueue_dma source(%dma_start3A_303 : memref<80x128xf32, #tpu.memory_space<vmem>>) target(%dma_start3A_300 : memref<80x128xf32, #tpu.memory_space<hbm>>) target_semaphore(%arg29 : memref<!tpu.dma_semaphore, #tpu.memory_space<semaphore_mem>>)
      %add3A_304 = arith.constant 2 : i32
      %add3A_305 = arith.addi %add3A_279, %add3A_304 : i32
      %lt3A = arith.constant 4 : i32
      %lt3A_306 = arith.cmpi slt, %add3A_305, %lt3A : i32
      %convert_element_type3A = arith.extui %lt3A_306 : i1 to i32
      %cond3A = arith.constant 0 : i32
      %cond3A_307 = arith.cmpi ne, %convert_element_type3A, %cond3A : i32
      scf.if %cond3A_307 {
        %add3A_343 = arith.constant 2 : i32
        %add3A_344 = arith.addi %add3A_279, %add3A_343 : i32
        %dma_wait3A_345 = arith.constant 0 : i32
        %dma_wait3A_346 = arith.constant 0 : i32
        %dma_wait3A_347 = tpu.memref_slice %arg19[%dma_wait3A_345, %dma_wait3A_346] : memref<128x128xf32, #tpu.memory_space<vmem>> -> memref<80x128xf32, #tpu.memory_space<vmem>>
        %dma_wait3A_348 = arith.constant 0 : i32
        %dma_wait3A_349 = arith.constant 0 : i32
        %dma_wait3A_350 = tpu.memref_slice %arg12[%dma_wait3A_348, %dma_wait3A_349] : memref<10240x128xf32, #tpu.memory_space<hbm>> -> memref<80x128xf32, #tpu.memory_space<hbm>>
        %dma_wait3A_351 = arith.constant 0 : i32
        %dma_wait3A_352 = arith.constant 0 : i32
        %dma_wait3A_353 = tpu.memref_slice %arg12[%dma_wait3A_351, %dma_wait3A_352] : memref<10240x128xf32, #tpu.memory_space<hbm>> -> memref<80x128xf32, #tpu.memory_space<hbm>>
        %dma_wait3A_354 = arith.constant 0 : i32
        %dma_wait3A_355 = arith.constant 0 : i32
        %dma_wait3A_356 = tpu.memref_slice %arg19[%dma_wait3A_354, %dma_wait3A_355] : memref<128x128xf32, #tpu.memory_space<vmem>> -> memref<80x128xf32, #tpu.memory_space<vmem>>
        tpu.wait_dma2 semaphore(%arg29 : memref<!tpu.dma_semaphore, #tpu.memory_space<semaphore_mem>>) src(%dma_wait3A_356 : memref<80x128xf32, #tpu.memory_space<vmem>>) dst(%dma_wait3A_353 : memref<80x128xf32, #tpu.memory_space<hbm>>)
        %mul3A_357 = arith.constant 80 : i32
        %mul3A_358 = arith.muli %add3A_344, %mul3A_357 : i32
        %dma_start3A_359 = arith.constant 0 : i32
        %dma_start3A_360 = arith.constant 0 : i32
        %dma_start3A_361 = tpu.memref_slice %arg19[%dma_start3A_359, %dma_start3A_360] : memref<128x128xf32, #tpu.memory_space<vmem>> -> memref<80x128xf32, #tpu.memory_space<vmem>>
        %dma_start3A_362 = tpu.memref_slice %arg23[%mul3A_358] : memref<320xi32, #tpu.memory_space<vmem>> -> memref<80xi32, #tpu.memory_space<vmem>>
        %dma_start3A_363 = arith.constant 0 : i32
        %dma_start3A_364 = arith.constant 0 : i32
        %dma_start3A_365 = tpu.memref_slice %arg2[%dma_start3A_363, %dma_start3A_364] : memref<100000x128xf32, #tpu.memory_space<hbm>> -> memref<100000x128xf32, #tpu.memory_space<hbm>>
        tpu.enqueue_indirect_dma source(%dma_start3A_365 : memref<100000x128xf32, #tpu.memory_space<hbm>>) target(%dma_start3A_361 : memref<80x128xf32, #tpu.memory_space<vmem>>) offsets(%dma_start3A_362 : memref<80xi32, #tpu.memory_space<vmem>>) semaphore(%arg25 : memref<!tpu.dma_semaphore, #tpu.memory_space<semaphore_mem>>)
      } else {
      }
      %mul3A_308 = arith.constant 2 : i32
      %mul3A_309 = arith.muli %mul3A_308, %add3A_275 : i32
      %add3A_310 = arith.constant 1 : i32
      %add3A_311 = arith.addi %mul3A_309, %add3A_310 : i32
      %mul3A_312 = arith.constant 320 : i32
      %mul3A_313 = arith.muli %add3A, %mul3A_312 : i32
      %mul3A_314 = arith.constant 80 : i32
      %mul3A_315 = arith.muli %add3A_311, %mul3A_314 : i32
      %add3A_316 = arith.addi %mul3A_313, %mul3A_315 : i32
      %mul3A_317 = arith.constant 80 : i32
      %mul3A_318 = arith.muli %add3A_311, %mul3A_317 : i32
      %dma_wait3A_319 = arith.constant 0 : i32
      %dma_wait3A_320 = arith.constant 0 : i32
      %dma_wait3A_321 = tpu.memref_slice %arg20[%dma_wait3A_319, %dma_wait3A_320] : memref<128x128xf32, #tpu.memory_space<vmem>> -> memref<80x128xf32, #tpu.memory_space<vmem>>
      %dma_wait3A_322 = tpu.memref_slice %arg23[%mul3A_318] : memref<320xi32, #tpu.memory_space<vmem>> -> memref<80xi32, #tpu.memory_space<vmem>>
      %dma_wait3A_323 = arith.constant 0 : i32
      %dma_wait3A_324 = arith.constant 0 : i32
      %dma_wait3A_325 = tpu.memref_slice %arg2[%dma_wait3A_323, %dma_wait3A_324] : memref<100000x128xf32, #tpu.memory_space<hbm>> -> memref<100000x128xf32, #tpu.memory_space<hbm>>
      tpu.wait_indirect_dma semaphore(%arg26 : memref<!tpu.dma_semaphore, #tpu.memory_space<semaphore_mem>>) src(%dma_wait3A_325 : memref<100000x128xf32, #tpu.memory_space<hbm>>) dst(%dma_wait3A_321 : memref<80x128xf32, #tpu.memory_space<vmem>>)
      %dma_start3A_326 = arith.constant 0 : i32
      %dma_start3A_327 = arith.constant 0 : i32
      %dma_start3A_328 = tpu.memref_slice %arg20[%dma_start3A_326, %dma_start3A_327] : memref<128x128xf32, #tpu.memory_space<vmem>> -> memref<80x128xf32, #tpu.memory_space<vmem>>
      %dma_start3A_329 = arith.constant 0 : i32
      %dma_start3A_330 = tpu.memref_slice %arg12[%add3A_316, %dma_start3A_329] : memref<10240x128xf32, #tpu.memory_space<hbm>> -> memref<80x128xf32, #tpu.memory_space<hbm>>
      %dma_start3A_331 = arith.constant 0 : i32
      %dma_start3A_332 = tpu.memref_slice %arg12[%add3A_316, %dma_start3A_331] : memref<10240x128xf32, #tpu.memory_space<hbm>> -> memref<80x128xf32, #tpu.memory_space<hbm>>
      %dma_start3A_333 = arith.constant 0 : i32
      %dma_start3A_334 = arith.constant 0 : i32
      %dma_start3A_335 = tpu.memref_slice %arg20[%dma_start3A_333, %dma_start3A_334] : memref<128x128xf32, #tpu.memory_space<vmem>> -> memref<80x128xf32, #tpu.memory_space<vmem>>
      tpu.enqueue_dma source(%dma_start3A_335 : memref<80x128xf32, #tpu.memory_space<vmem>>) target(%dma_start3A_332 : memref<80x128xf32, #tpu.memory_space<hbm>>) target_semaphore(%arg30 : memref<!tpu.dma_semaphore, #tpu.memory_space<semaphore_mem>>)
      %add3A_336 = arith.constant 2 : i32
      %add3A_337 = arith.addi %add3A_311, %add3A_336 : i32
      %lt3A_338 = arith.constant 4 : i32
      %lt3A_339 = arith.cmpi slt, %add3A_337, %lt3A_338 : i32
      %convert_element_type3A_340 = arith.extui %lt3A_339 : i1 to i32
      %cond3A_341 = arith.constant 0 : i32
      %cond3A_342 = arith.cmpi ne, %convert_element_type3A_340, %cond3A_341 : i32
      scf.if %cond3A_342 {
        %add3A_343 = arith.constant 2 : i32
        %add3A_344 = arith.addi %add3A_311, %add3A_343 : i32
        %dma_wait3A_345 = arith.constant 0 : i32
        %dma_wait3A_346 = arith.constant 0 : i32
        %dma_wait3A_347 = tpu.memref_slice %arg20[%dma_wait3A_345, %dma_wait3A_346] : memref<128x128xf32, #tpu.memory_space<vmem>> -> memref<80x128xf32, #tpu.memory_space<vmem>>
        %dma_wait3A_348 = arith.constant 0 : i32
        %dma_wait3A_349 = arith.constant 0 : i32
        %dma_wait3A_350 = tpu.memref_slice %arg12[%dma_wait3A_348, %dma_wait3A_349] : memref<10240x128xf32, #tpu.memory_space<hbm>> -> memref<80x128xf32, #tpu.memory_space<hbm>>
        %dma_wait3A_351 = arith.constant 0 : i32
        %dma_wait3A_352 = arith.constant 0 : i32
        %dma_wait3A_353 = tpu.memref_slice %arg12[%dma_wait3A_351, %dma_wait3A_352] : memref<10240x128xf32, #tpu.memory_space<hbm>> -> memref<80x128xf32, #tpu.memory_space<hbm>>
        %dma_wait3A_354 = arith.constant 0 : i32
        %dma_wait3A_355 = arith.constant 0 : i32
        %dma_wait3A_356 = tpu.memref_slice %arg20[%dma_wait3A_354, %dma_wait3A_355] : memref<128x128xf32, #tpu.memory_space<vmem>> -> memref<80x128xf32, #tpu.memory_space<vmem>>
        tpu.wait_dma2 semaphore(%arg30 : memref<!tpu.dma_semaphore, #tpu.memory_space<semaphore_mem>>) src(%dma_wait3A_356 : memref<80x128xf32, #tpu.memory_space<vmem>>) dst(%dma_wait3A_353 : memref<80x128xf32, #tpu.memory_space<hbm>>)
        %mul3A_357 = arith.constant 80 : i32
        %mul3A_358 = arith.muli %add3A_344, %mul3A_357 : i32
        %dma_start3A_359 = arith.constant 0 : i32
        %dma_start3A_360 = arith.constant 0 : i32
        %dma_start3A_361 = tpu.memref_slice %arg20[%dma_start3A_359, %dma_start3A_360] : memref<128x128xf32, #tpu.memory_space<vmem>> -> memref<80x128xf32, #tpu.memory_space<vmem>>
        %dma_start3A_362 = tpu.memref_slice %arg23[%mul3A_358] : memref<320xi32, #tpu.memory_space<vmem>> -> memref<80xi32, #tpu.memory_space<vmem>>
        %dma_start3A_363 = arith.constant 0 : i32
        %dma_start3A_364 = arith.constant 0 : i32
        %dma_start3A_365 = tpu.memref_slice %arg2[%dma_start3A_363, %dma_start3A_364] : memref<100000x128xf32, #tpu.memory_space<hbm>> -> memref<100000x128xf32, #tpu.memory_space<hbm>>
        tpu.enqueue_indirect_dma source(%dma_start3A_365 : memref<100000x128xf32, #tpu.memory_space<hbm>>) target(%dma_start3A_361 : memref<80x128xf32, #tpu.memory_space<vmem>>) offsets(%dma_start3A_362 : memref<80xi32, #tpu.memory_space<vmem>>) semaphore(%arg26 : memref<!tpu.dma_semaphore, #tpu.memory_space<semaphore_mem>>)
      } else {
      }
    }
    %scan3A_246 = arith.constant 2 : i32
    %dma_wait3A_247 = arith.constant 0 : i32
    %dma_wait3A_248 = arith.constant 0 : i32
    %dma_wait3A_249 = tpu.memref_slice %arg19[%dma_wait3A_247, %dma_wait3A_248] : memref<128x128xf32, #tpu.memory_space<vmem>> -> memref<80x128xf32, #tpu.memory_space<vmem>>
    %dma_wait3A_250 = arith.constant 0 : i32
    %dma_wait3A_251 = arith.constant 0 : i32
    %dma_wait3A_252 = tpu.memref_slice %arg12[%dma_wait3A_250, %dma_wait3A_251] : memref<10240x128xf32, #tpu.memory_space<hbm>> -> memref<80x128xf32, #tpu.memory_space<hbm>>
    %dma_wait3A_253 = arith.constant 0 : i32
    %dma_wait3A_254 = arith.constant 0 : i32
    %dma_wait3A_255 = tpu.memref_slice %arg12[%dma_wait3A_253, %dma_wait3A_254] : memref<10240x128xf32, #tpu.memory_space<hbm>> -> memref<80x128xf32, #tpu.memory_space<hbm>>
    %dma_wait3A_256 = arith.constant 0 : i32
    %dma_wait3A_257 = arith.constant 0 : i32
    %dma_wait3A_258 = tpu.memref_slice %arg19[%dma_wait3A_256, %dma_wait3A_257] : memref<128x128xf32, #tpu.memory_space<vmem>> -> memref<80x128xf32, #tpu.memory_space<vmem>>
    tpu.wait_dma2 semaphore(%arg29 : memref<!tpu.dma_semaphore, #tpu.memory_space<semaphore_mem>>) src(%dma_wait3A_258 : memref<80x128xf32, #tpu.memory_space<vmem>>) dst(%dma_wait3A_255 : memref<80x128xf32, #tpu.memory_space<hbm>>)
    %dma_wait3A_259 = arith.constant 0 : i32
    %dma_wait3A_260 = arith.constant 0 : i32
    %dma_wait3A_261 = tpu.memref_slice %arg20[%dma_wait3A_259, %dma_wait3A_260] : memref<128x128xf32, #tpu.memory_space<vmem>> -> memref<80x128xf32, #tpu.memory_space<vmem>>
    %dma_wait3A_262 = arith.constant 0 : i32
    %dma_wait3A_263 = arith.constant 0 : i32
    %dma_wait3A_264 = tpu.memref_slice %arg12[%dma_wait3A_262, %dma_wait3A_263] : memref<10240x128xf32, #tpu.memory_space<hbm>> -> memref<80x128xf32, #tpu.memory_space<hbm>>
    %dma_wait3A_265 = arith.constant 0 : i32
    %dma_wait3A_266 = arith.constant 0 : i32
    %dma_wait3A_267 = tpu.memref_slice %arg12[%dma_wait3A_265, %dma_wait3A_266] : memref<10240x128xf32, #tpu.memory_space<hbm>> -> memref<80x128xf32, #tpu.memory_space<hbm>>
    %dma_wait3A_268 = arith.constant 0 : i32
    %dma_wait3A_269 = arith.constant 0 : i32
    %dma_wait3A_270 = tpu.memref_slice %arg20[%dma_wait3A_268, %dma_wait3A_269] : memref<128x128xf32, #tpu.memory_space<vmem>> -> memref<80x128xf32, #tpu.memory_space<vmem>>
    tpu.wait_dma2 semaphore(%arg30 : memref<!tpu.dma_semaphore, #tpu.memory_space<semaphore_mem>>) src(%dma_wait3A_270 : memref<80x128xf32, #tpu.memory_space<vmem>>) dst(%dma_wait3A_267 : memref<80x128xf32, #tpu.memory_space<hbm>>)
    return
  }
}

#map = affine_map<(d0, d1) -> (0, 0)>
#map1 = affine_map<(d0, d1) -> (0)>
module attributes {stable_mosaic.version = 14 : i64} {
  func.func @gather_kernel(%arg0: i32, %arg1: i32, %arg2: memref<100000x128xf32, #tpu.memory_space<hbm>>, %arg3: memref<100000xf32, #tpu.memory_space<hbm>>, %arg4: memref<100000xf32, #tpu.memory_space<hbm>>, %arg5: memref<100000x128xi32, #tpu.memory_space<hbm>>, %arg6: memref<1024xi32, #tpu.memory_space<hbm>>, %arg7: memref<1024xi32, #tpu.memory_space<hbm>>, %arg8: memref<51200xi32, #tpu.memory_space<hbm>>, %arg9: memref<1024x128xf32, #tpu.memory_space<hbm>>, %arg10: memref<1024x128xf32, #tpu.memory_space<hbm>>, %arg11: memref<51200x128xf32, #tpu.memory_space<hbm>>, %arg12: memref<10240x128xf32, #tpu.memory_space<hbm>>, %arg13: memref<1024x128xi32, #tpu.memory_space<hbm>>, %arg14: memref<1024xf32, #tpu.memory_space<hbm>>, %arg15: memref<1024xf32, #tpu.memory_space<hbm>>, %arg16: memref<51200xf32, #tpu.memory_space<hbm>>, %arg17: memref<128xi32, #tpu.memory_space<vmem>>, %arg18: memref<128xi32, #tpu.memory_space<vmem>>, %arg19: memref<128x128xf32, #tpu.memory_space<vmem>>, %arg20: memref<128x128xf32, #tpu.memory_space<vmem>>, %arg21: memref<128xf32, #tpu.memory_space<vmem>>, %arg22: memref<128xf32, #tpu.memory_space<vmem>>, %arg23: memref<320xi32, #tpu.memory_space<vmem>>, %arg24: memref<128x128xi32, #tpu.memory_space<vmem>>, %arg25: memref<!tpu.dma_semaphore, #tpu.memory_space<semaphore_mem>>, %arg26: memref<!tpu.dma_semaphore, #tpu.memory_space<semaphore_mem>>, %arg27: memref<!tpu.dma_semaphore, #tpu.memory_space<semaphore_mem>>, %arg28: memref<!tpu.dma_semaphore, #tpu.memory_space<semaphore_mem>>, %arg29: memref<!tpu.dma_semaphore, #tpu.memory_space<semaphore_mem>>, %arg30: memref<!tpu.dma_semaphore, #tpu.memory_space<semaphore_mem>>, %arg31: memref<!tpu.dma_semaphore, #tpu.memory_space<semaphore_mem>>, %arg32: memref<!tpu.dma_semaphore, #tpu.memory_space<semaphore_mem>>) attributes {dimension_semantics = [#tpu.dimension_semantics<core_parallel>, #tpu.dimension_semantics<subcore_parallel>], iteration_bounds = array<i64: 2, 16>, scalar_prefetch = 0 : i64, scratch_operands = 16 : i64, tpu.core_type = #tpu.core_type<sc_vector_subcore>, window_params = [{transform_indices = #map}, {transform_indices = #map1}, {transform_indices = #map1}, {transform_indices = #map}, {transform_indices = #map1}, {transform_indices = #map1}, {transform_indices = #map1}, {transform_indices = #map}, {transform_indices = #map}, {transform_indices = #map}, {transform_indices = #map}, {transform_indices = #map}, {transform_indices = #map1}, {transform_indices = #map1}, {transform_indices = #map1}]} {
    %mul3A = arith.constant 2 : i32
    %mul3A_0 = arith.muli %arg1, %mul3A : i32
    %add3A = arith.addi %mul3A_0, %arg0 : i32
    %mul3A_1 = arith.constant 32 : i32
    %mul3A_2 = arith.muli %add3A, %mul3A_1 : i32
    "tpu.region"() ({
      %run_scoped3A = tpu.sem_alloc : memref<!tpu.dma_semaphore, #tpu.memory_space<semaphore_mem>>
      %dma_start3A_271 = arith.constant 0 : i32
      %dma_start3A_272 = tpu.memref_slice %arg17[%dma_start3A_271] : memref<128xi32, #tpu.memory_space<vmem>> -> memref<32xi32, #tpu.memory_space<vmem>>
      %dma_start3A_273 = tpu.memref_slice %arg6[%mul3A_2] : memref<1024xi32, #tpu.memory_space<hbm>> -> memref<32xi32, #tpu.memory_space<hbm>>
      %dma_start3A_274 = arith.constant 0 : i32
      %dma_start3A_275 = tpu.memref_slice %arg17[%dma_start3A_274] : memref<128xi32, #tpu.memory_space<vmem>> -> memref<32xi32, #tpu.memory_space<vmem>>
      %dma_start3A_276 = tpu.memref_slice %arg6[%mul3A_2] : memref<1024xi32, #tpu.memory_space<hbm>> -> memref<32xi32, #tpu.memory_space<hbm>>
      tpu.enqueue_dma source(%dma_start3A_276 : memref<32xi32, #tpu.memory_space<hbm>>) target(%dma_start3A_275 : memref<32xi32, #tpu.memory_space<vmem>>) target_semaphore(%run_scoped3A : memref<!tpu.dma_semaphore, #tpu.memory_space<semaphore_mem>>)
      %dma_wait3A_277 = arith.constant 0 : i32
      %dma_wait3A_278 = tpu.memref_slice %arg17[%dma_wait3A_277] : memref<128xi32, #tpu.memory_space<vmem>> -> memref<32xi32, #tpu.memory_space<vmem>>
      %dma_wait3A_279 = tpu.memref_slice %arg6[%mul3A_2] : memref<1024xi32, #tpu.memory_space<hbm>> -> memref<32xi32, #tpu.memory_space<hbm>>
      %dma_wait3A_280 = arith.constant 0 : i32
      %dma_wait3A_281 = tpu.memref_slice %arg17[%dma_wait3A_280] : memref<128xi32, #tpu.memory_space<vmem>> -> memref<32xi32, #tpu.memory_space<vmem>>
      %dma_wait3A_282 = tpu.memref_slice %arg6[%mul3A_2] : memref<1024xi32, #tpu.memory_space<hbm>> -> memref<32xi32, #tpu.memory_space<hbm>>
      tpu.wait_dma2 semaphore(%run_scoped3A : memref<!tpu.dma_semaphore, #tpu.memory_space<semaphore_mem>>) src(%dma_wait3A_282 : memref<32xi32, #tpu.memory_space<hbm>>) dst(%dma_wait3A_281 : memref<32xi32, #tpu.memory_space<vmem>>)
      tpu.yield
    }) : () -> ()
    %dma_start3A = arith.constant 0 : i32
    %dma_start3A_3 = arith.constant 0 : i32
    %dma_start3A_4 = tpu.memref_slice %arg19[%dma_start3A, %dma_start3A_3] : memref<128x128xf32, #tpu.memory_space<vmem>> -> memref<32x128xf32, #tpu.memory_space<vmem>>
    %dma_start3A_5 = arith.constant 0 : i32
    %dma_start3A_6 = tpu.memref_slice %arg17[%dma_start3A_5] : memref<128xi32, #tpu.memory_space<vmem>> -> memref<32xi32, #tpu.memory_space<vmem>>
    %dma_start3A_7 = arith.constant 0 : i32
    %dma_start3A_8 = arith.constant 0 : i32
    %dma_start3A_9 = tpu.memref_slice %arg2[%dma_start3A_7, %dma_start3A_8] : memref<100000x128xf32, #tpu.memory_space<hbm>> -> memref<100000x128xf32, #tpu.memory_space<hbm>>
    tpu.enqueue_indirect_dma source(%dma_start3A_9 : memref<100000x128xf32, #tpu.memory_space<hbm>>) target(%dma_start3A_4 : memref<32x128xf32, #tpu.memory_space<vmem>>) offsets(%dma_start3A_6 : memref<32xi32, #tpu.memory_space<vmem>>) semaphore(%arg25 : memref<!tpu.dma_semaphore, #tpu.memory_space<semaphore_mem>>)
    %dma_start3A_10 = arith.constant 0 : i32
    %dma_start3A_11 = tpu.memref_slice %arg21[%dma_start3A_10] : memref<128xf32, #tpu.memory_space<vmem>> -> memref<32xf32, #tpu.memory_space<vmem>>
    %dma_start3A_12 = arith.constant 0 : i32
    %dma_start3A_13 = tpu.memref_slice %arg17[%dma_start3A_12] : memref<128xi32, #tpu.memory_space<vmem>> -> memref<32xi32, #tpu.memory_space<vmem>>
    %dma_start3A_14 = arith.constant 0 : i32
    %dma_start3A_15 = tpu.memref_slice %arg3[%dma_start3A_14] : memref<100000xf32, #tpu.memory_space<hbm>> -> memref<100000xf32, #tpu.memory_space<hbm>>
    tpu.enqueue_indirect_dma source(%dma_start3A_15 : memref<100000xf32, #tpu.memory_space<hbm>>) target(%dma_start3A_11 : memref<32xf32, #tpu.memory_space<vmem>>) offsets(%dma_start3A_13 : memref<32xi32, #tpu.memory_space<vmem>>) semaphore(%arg27 : memref<!tpu.dma_semaphore, #tpu.memory_space<semaphore_mem>>)
    "tpu.region"() ({
      %run_scoped3A = tpu.sem_alloc : memref<!tpu.dma_semaphore, #tpu.memory_space<semaphore_mem>>
      %dma_start3A_271 = arith.constant 0 : i32
      %dma_start3A_272 = tpu.memref_slice %arg18[%dma_start3A_271] : memref<128xi32, #tpu.memory_space<vmem>> -> memref<32xi32, #tpu.memory_space<vmem>>
      %dma_start3A_273 = tpu.memref_slice %arg7[%mul3A_2] : memref<1024xi32, #tpu.memory_space<hbm>> -> memref<32xi32, #tpu.memory_space<hbm>>
      %dma_start3A_274 = arith.constant 0 : i32
      %dma_start3A_275 = tpu.memref_slice %arg18[%dma_start3A_274] : memref<128xi32, #tpu.memory_space<vmem>> -> memref<32xi32, #tpu.memory_space<vmem>>
      %dma_start3A_276 = tpu.memref_slice %arg7[%mul3A_2] : memref<1024xi32, #tpu.memory_space<hbm>> -> memref<32xi32, #tpu.memory_space<hbm>>
      tpu.enqueue_dma source(%dma_start3A_276 : memref<32xi32, #tpu.memory_space<hbm>>) target(%dma_start3A_275 : memref<32xi32, #tpu.memory_space<vmem>>) target_semaphore(%run_scoped3A : memref<!tpu.dma_semaphore, #tpu.memory_space<semaphore_mem>>)
      %dma_wait3A_277 = arith.constant 0 : i32
      %dma_wait3A_278 = tpu.memref_slice %arg18[%dma_wait3A_277] : memref<128xi32, #tpu.memory_space<vmem>> -> memref<32xi32, #tpu.memory_space<vmem>>
      %dma_wait3A_279 = tpu.memref_slice %arg7[%mul3A_2] : memref<1024xi32, #tpu.memory_space<hbm>> -> memref<32xi32, #tpu.memory_space<hbm>>
      %dma_wait3A_280 = arith.constant 0 : i32
      %dma_wait3A_281 = tpu.memref_slice %arg18[%dma_wait3A_280] : memref<128xi32, #tpu.memory_space<vmem>> -> memref<32xi32, #tpu.memory_space<vmem>>
      %dma_wait3A_282 = tpu.memref_slice %arg7[%mul3A_2] : memref<1024xi32, #tpu.memory_space<hbm>> -> memref<32xi32, #tpu.memory_space<hbm>>
      tpu.wait_dma2 semaphore(%run_scoped3A : memref<!tpu.dma_semaphore, #tpu.memory_space<semaphore_mem>>) src(%dma_wait3A_282 : memref<32xi32, #tpu.memory_space<hbm>>) dst(%dma_wait3A_281 : memref<32xi32, #tpu.memory_space<vmem>>)
      tpu.yield
    }) : () -> ()
    %dma_start3A_16 = arith.constant 0 : i32
    %dma_start3A_17 = arith.constant 0 : i32
    %dma_start3A_18 = tpu.memref_slice %arg20[%dma_start3A_16, %dma_start3A_17] : memref<128x128xf32, #tpu.memory_space<vmem>> -> memref<32x128xf32, #tpu.memory_space<vmem>>
    %dma_start3A_19 = arith.constant 0 : i32
    %dma_start3A_20 = tpu.memref_slice %arg18[%dma_start3A_19] : memref<128xi32, #tpu.memory_space<vmem>> -> memref<32xi32, #tpu.memory_space<vmem>>
    %dma_start3A_21 = arith.constant 0 : i32
    %dma_start3A_22 = arith.constant 0 : i32
    %dma_start3A_23 = tpu.memref_slice %arg2[%dma_start3A_21, %dma_start3A_22] : memref<100000x128xf32, #tpu.memory_space<hbm>> -> memref<100000x128xf32, #tpu.memory_space<hbm>>
    tpu.enqueue_indirect_dma source(%dma_start3A_23 : memref<100000x128xf32, #tpu.memory_space<hbm>>) target(%dma_start3A_18 : memref<32x128xf32, #tpu.memory_space<vmem>>) offsets(%dma_start3A_20 : memref<32xi32, #tpu.memory_space<vmem>>) semaphore(%arg26 : memref<!tpu.dma_semaphore, #tpu.memory_space<semaphore_mem>>)
    %dma_start3A_24 = arith.constant 0 : i32
    %dma_start3A_25 = tpu.memref_slice %arg22[%dma_start3A_24] : memref<128xf32, #tpu.memory_space<vmem>> -> memref<32xf32, #tpu.memory_space<vmem>>
    %dma_start3A_26 = arith.constant 0 : i32
    %dma_start3A_27 = tpu.memref_slice %arg18[%dma_start3A_26] : memref<128xi32, #tpu.memory_space<vmem>> -> memref<32xi32, #tpu.memory_space<vmem>>
    %dma_start3A_28 = arith.constant 0 : i32
    %dma_start3A_29 = tpu.memref_slice %arg4[%dma_start3A_28] : memref<100000xf32, #tpu.memory_space<hbm>> -> memref<100000xf32, #tpu.memory_space<hbm>>
    tpu.enqueue_indirect_dma source(%dma_start3A_29 : memref<100000xf32, #tpu.memory_space<hbm>>) target(%dma_start3A_25 : memref<32xf32, #tpu.memory_space<vmem>>) offsets(%dma_start3A_27 : memref<32xi32, #tpu.memory_space<vmem>>) semaphore(%arg28 : memref<!tpu.dma_semaphore, #tpu.memory_space<semaphore_mem>>)
    %dma_wait3A = arith.constant 0 : i32
    %dma_wait3A_30 = arith.constant 0 : i32
    %dma_wait3A_31 = tpu.memref_slice %arg19[%dma_wait3A, %dma_wait3A_30] : memref<128x128xf32, #tpu.memory_space<vmem>> -> memref<32x128xf32, #tpu.memory_space<vmem>>
    %dma_wait3A_32 = arith.constant 0 : i32
    %dma_wait3A_33 = tpu.memref_slice %arg17[%dma_wait3A_32] : memref<128xi32, #tpu.memory_space<vmem>> -> memref<32xi32, #tpu.memory_space<vmem>>
    %dma_wait3A_34 = arith.constant 0 : i32
    %dma_wait3A_35 = arith.constant 0 : i32
    %dma_wait3A_36 = tpu.memref_slice %arg2[%dma_wait3A_34, %dma_wait3A_35] : memref<100000x128xf32, #tpu.memory_space<hbm>> -> memref<100000x128xf32, #tpu.memory_space<hbm>>
    tpu.wait_indirect_dma semaphore(%arg25 : memref<!tpu.dma_semaphore, #tpu.memory_space<semaphore_mem>>) src(%dma_wait3A_36 : memref<100000x128xf32, #tpu.memory_space<hbm>>) dst(%dma_wait3A_31 : memref<32x128xf32, #tpu.memory_space<vmem>>)
    %dma_start3A_37 = arith.constant 0 : i32
    %dma_start3A_38 = arith.constant 0 : i32
    %dma_start3A_39 = tpu.memref_slice %arg19[%dma_start3A_37, %dma_start3A_38] : memref<128x128xf32, #tpu.memory_space<vmem>> -> memref<32x128xf32, #tpu.memory_space<vmem>>
    %dma_start3A_40 = arith.constant 0 : i32
    %dma_start3A_41 = tpu.memref_slice %arg9[%mul3A_2, %dma_start3A_40] : memref<1024x128xf32, #tpu.memory_space<hbm>> -> memref<32x128xf32, #tpu.memory_space<hbm>>
    %dma_start3A_42 = arith.constant 0 : i32
    %dma_start3A_43 = tpu.memref_slice %arg9[%mul3A_2, %dma_start3A_42] : memref<1024x128xf32, #tpu.memory_space<hbm>> -> memref<32x128xf32, #tpu.memory_space<hbm>>
    %dma_start3A_44 = arith.constant 0 : i32
    %dma_start3A_45 = arith.constant 0 : i32
    %dma_start3A_46 = tpu.memref_slice %arg19[%dma_start3A_44, %dma_start3A_45] : memref<128x128xf32, #tpu.memory_space<vmem>> -> memref<32x128xf32, #tpu.memory_space<vmem>>
    tpu.enqueue_dma source(%dma_start3A_46 : memref<32x128xf32, #tpu.memory_space<vmem>>) target(%dma_start3A_43 : memref<32x128xf32, #tpu.memory_space<hbm>>) target_semaphore(%arg29 : memref<!tpu.dma_semaphore, #tpu.memory_space<semaphore_mem>>)
    %dma_wait3A_47 = arith.constant 0 : i32
    %dma_wait3A_48 = tpu.memref_slice %arg21[%dma_wait3A_47] : memref<128xf32, #tpu.memory_space<vmem>> -> memref<32xf32, #tpu.memory_space<vmem>>
    %dma_wait3A_49 = arith.constant 0 : i32
    %dma_wait3A_50 = tpu.memref_slice %arg17[%dma_wait3A_49] : memref<128xi32, #tpu.memory_space<vmem>> -> memref<32xi32, #tpu.memory_space<vmem>>
    %dma_wait3A_51 = arith.constant 0 : i32
    %dma_wait3A_52 = tpu.memref_slice %arg3[%dma_wait3A_51] : memref<100000xf32, #tpu.memory_space<hbm>> -> memref<100000xf32, #tpu.memory_space<hbm>>
    tpu.wait_indirect_dma semaphore(%arg27 : memref<!tpu.dma_semaphore, #tpu.memory_space<semaphore_mem>>) src(%dma_wait3A_52 : memref<100000xf32, #tpu.memory_space<hbm>>) dst(%dma_wait3A_48 : memref<32xf32, #tpu.memory_space<vmem>>)
    %dma_start3A_53 = arith.constant 0 : i32
    %dma_start3A_54 = tpu.memref_slice %arg21[%dma_start3A_53] : memref<128xf32, #tpu.memory_space<vmem>> -> memref<32xf32, #tpu.memory_space<vmem>>
    %dma_start3A_55 = tpu.memref_slice %arg14[%mul3A_2] : memref<1024xf32, #tpu.memory_space<hbm>> -> memref<32xf32, #tpu.memory_space<hbm>>
    %dma_start3A_56 = tpu.memref_slice %arg14[%mul3A_2] : memref<1024xf32, #tpu.memory_space<hbm>> -> memref<32xf32, #tpu.memory_space<hbm>>
    %dma_start3A_57 = arith.constant 0 : i32
    %dma_start3A_58 = tpu.memref_slice %arg21[%dma_start3A_57] : memref<128xf32, #tpu.memory_space<vmem>> -> memref<32xf32, #tpu.memory_space<vmem>>
    tpu.enqueue_dma source(%dma_start3A_58 : memref<32xf32, #tpu.memory_space<vmem>>) target(%dma_start3A_56 : memref<32xf32, #tpu.memory_space<hbm>>) target_semaphore(%arg31 : memref<!tpu.dma_semaphore, #tpu.memory_space<semaphore_mem>>)
    %dma_wait3A_59 = arith.constant 0 : i32
    %dma_wait3A_60 = arith.constant 0 : i32
    %dma_wait3A_61 = tpu.memref_slice %arg20[%dma_wait3A_59, %dma_wait3A_60] : memref<128x128xf32, #tpu.memory_space<vmem>> -> memref<32x128xf32, #tpu.memory_space<vmem>>
    %dma_wait3A_62 = arith.constant 0 : i32
    %dma_wait3A_63 = tpu.memref_slice %arg18[%dma_wait3A_62] : memref<128xi32, #tpu.memory_space<vmem>> -> memref<32xi32, #tpu.memory_space<vmem>>
    %dma_wait3A_64 = arith.constant 0 : i32
    %dma_wait3A_65 = arith.constant 0 : i32
    %dma_wait3A_66 = tpu.memref_slice %arg2[%dma_wait3A_64, %dma_wait3A_65] : memref<100000x128xf32, #tpu.memory_space<hbm>> -> memref<100000x128xf32, #tpu.memory_space<hbm>>
    tpu.wait_indirect_dma semaphore(%arg26 : memref<!tpu.dma_semaphore, #tpu.memory_space<semaphore_mem>>) src(%dma_wait3A_66 : memref<100000x128xf32, #tpu.memory_space<hbm>>) dst(%dma_wait3A_61 : memref<32x128xf32, #tpu.memory_space<vmem>>)
    %dma_start3A_67 = arith.constant 0 : i32
    %dma_start3A_68 = arith.constant 0 : i32
    %dma_start3A_69 = tpu.memref_slice %arg20[%dma_start3A_67, %dma_start3A_68] : memref<128x128xf32, #tpu.memory_space<vmem>> -> memref<32x128xf32, #tpu.memory_space<vmem>>
    %dma_start3A_70 = arith.constant 0 : i32
    %dma_start3A_71 = tpu.memref_slice %arg10[%mul3A_2, %dma_start3A_70] : memref<1024x128xf32, #tpu.memory_space<hbm>> -> memref<32x128xf32, #tpu.memory_space<hbm>>
    %dma_start3A_72 = arith.constant 0 : i32
    %dma_start3A_73 = tpu.memref_slice %arg10[%mul3A_2, %dma_start3A_72] : memref<1024x128xf32, #tpu.memory_space<hbm>> -> memref<32x128xf32, #tpu.memory_space<hbm>>
    %dma_start3A_74 = arith.constant 0 : i32
    %dma_start3A_75 = arith.constant 0 : i32
    %dma_start3A_76 = tpu.memref_slice %arg20[%dma_start3A_74, %dma_start3A_75] : memref<128x128xf32, #tpu.memory_space<vmem>> -> memref<32x128xf32, #tpu.memory_space<vmem>>
    tpu.enqueue_dma source(%dma_start3A_76 : memref<32x128xf32, #tpu.memory_space<vmem>>) target(%dma_start3A_73 : memref<32x128xf32, #tpu.memory_space<hbm>>) target_semaphore(%arg30 : memref<!tpu.dma_semaphore, #tpu.memory_space<semaphore_mem>>)
    %dma_wait3A_77 = arith.constant 0 : i32
    %dma_wait3A_78 = tpu.memref_slice %arg22[%dma_wait3A_77] : memref<128xf32, #tpu.memory_space<vmem>> -> memref<32xf32, #tpu.memory_space<vmem>>
    %dma_wait3A_79 = arith.constant 0 : i32
    %dma_wait3A_80 = tpu.memref_slice %arg18[%dma_wait3A_79] : memref<128xi32, #tpu.memory_space<vmem>> -> memref<32xi32, #tpu.memory_space<vmem>>
    %dma_wait3A_81 = arith.constant 0 : i32
    %dma_wait3A_82 = tpu.memref_slice %arg4[%dma_wait3A_81] : memref<100000xf32, #tpu.memory_space<hbm>> -> memref<100000xf32, #tpu.memory_space<hbm>>
    tpu.wait_indirect_dma semaphore(%arg28 : memref<!tpu.dma_semaphore, #tpu.memory_space<semaphore_mem>>) src(%dma_wait3A_82 : memref<100000xf32, #tpu.memory_space<hbm>>) dst(%dma_wait3A_78 : memref<32xf32, #tpu.memory_space<vmem>>)
    %dma_start3A_83 = arith.constant 0 : i32
    %dma_start3A_84 = tpu.memref_slice %arg22[%dma_start3A_83] : memref<128xf32, #tpu.memory_space<vmem>> -> memref<32xf32, #tpu.memory_space<vmem>>
    %dma_start3A_85 = tpu.memref_slice %arg15[%mul3A_2] : memref<1024xf32, #tpu.memory_space<hbm>> -> memref<32xf32, #tpu.memory_space<hbm>>
    %dma_start3A_86 = tpu.memref_slice %arg15[%mul3A_2] : memref<1024xf32, #tpu.memory_space<hbm>> -> memref<32xf32, #tpu.memory_space<hbm>>
    %dma_start3A_87 = arith.constant 0 : i32
    %dma_start3A_88 = tpu.memref_slice %arg22[%dma_start3A_87] : memref<128xf32, #tpu.memory_space<vmem>> -> memref<32xf32, #tpu.memory_space<vmem>>
    tpu.enqueue_dma source(%dma_start3A_88 : memref<32xf32, #tpu.memory_space<vmem>>) target(%dma_start3A_86 : memref<32xf32, #tpu.memory_space<hbm>>) target_semaphore(%arg32 : memref<!tpu.dma_semaphore, #tpu.memory_space<semaphore_mem>>)
    %dma_wait3A_89 = arith.constant 0 : i32
    %dma_wait3A_90 = arith.constant 0 : i32
    %dma_wait3A_91 = tpu.memref_slice %arg19[%dma_wait3A_89, %dma_wait3A_90] : memref<128x128xf32, #tpu.memory_space<vmem>> -> memref<32x128xf32, #tpu.memory_space<vmem>>
    %dma_wait3A_92 = arith.constant 0 : i32
    %dma_wait3A_93 = tpu.memref_slice %arg9[%mul3A_2, %dma_wait3A_92] : memref<1024x128xf32, #tpu.memory_space<hbm>> -> memref<32x128xf32, #tpu.memory_space<hbm>>
    %dma_wait3A_94 = arith.constant 0 : i32
    %dma_wait3A_95 = tpu.memref_slice %arg9[%mul3A_2, %dma_wait3A_94] : memref<1024x128xf32, #tpu.memory_space<hbm>> -> memref<32x128xf32, #tpu.memory_space<hbm>>
    %dma_wait3A_96 = arith.constant 0 : i32
    %dma_wait3A_97 = arith.constant 0 : i32
    %dma_wait3A_98 = tpu.memref_slice %arg19[%dma_wait3A_96, %dma_wait3A_97] : memref<128x128xf32, #tpu.memory_space<vmem>> -> memref<32x128xf32, #tpu.memory_space<vmem>>
    tpu.wait_dma2 semaphore(%arg29 : memref<!tpu.dma_semaphore, #tpu.memory_space<semaphore_mem>>) src(%dma_wait3A_98 : memref<32x128xf32, #tpu.memory_space<vmem>>) dst(%dma_wait3A_95 : memref<32x128xf32, #tpu.memory_space<hbm>>)
    %dma_wait3A_99 = arith.constant 0 : i32
    %dma_wait3A_100 = arith.constant 0 : i32
    %dma_wait3A_101 = tpu.memref_slice %arg20[%dma_wait3A_99, %dma_wait3A_100] : memref<128x128xf32, #tpu.memory_space<vmem>> -> memref<32x128xf32, #tpu.memory_space<vmem>>
    %dma_wait3A_102 = arith.constant 0 : i32
    %dma_wait3A_103 = tpu.memref_slice %arg10[%mul3A_2, %dma_wait3A_102] : memref<1024x128xf32, #tpu.memory_space<hbm>> -> memref<32x128xf32, #tpu.memory_space<hbm>>
    %dma_wait3A_104 = arith.constant 0 : i32
    %dma_wait3A_105 = tpu.memref_slice %arg10[%mul3A_2, %dma_wait3A_104] : memref<1024x128xf32, #tpu.memory_space<hbm>> -> memref<32x128xf32, #tpu.memory_space<hbm>>
    %dma_wait3A_106 = arith.constant 0 : i32
    %dma_wait3A_107 = arith.constant 0 : i32
    %dma_wait3A_108 = tpu.memref_slice %arg20[%dma_wait3A_106, %dma_wait3A_107] : memref<128x128xf32, #tpu.memory_space<vmem>> -> memref<32x128xf32, #tpu.memory_space<vmem>>
    tpu.wait_dma2 semaphore(%arg30 : memref<!tpu.dma_semaphore, #tpu.memory_space<semaphore_mem>>) src(%dma_wait3A_108 : memref<32x128xf32, #tpu.memory_space<vmem>>) dst(%dma_wait3A_105 : memref<32x128xf32, #tpu.memory_space<hbm>>)
    %dma_wait3A_109 = arith.constant 0 : i32
    %dma_wait3A_110 = tpu.memref_slice %arg21[%dma_wait3A_109] : memref<128xf32, #tpu.memory_space<vmem>> -> memref<32xf32, #tpu.memory_space<vmem>>
    %dma_wait3A_111 = tpu.memref_slice %arg14[%mul3A_2] : memref<1024xf32, #tpu.memory_space<hbm>> -> memref<32xf32, #tpu.memory_space<hbm>>
    %dma_wait3A_112 = tpu.memref_slice %arg14[%mul3A_2] : memref<1024xf32, #tpu.memory_space<hbm>> -> memref<32xf32, #tpu.memory_space<hbm>>
    %dma_wait3A_113 = arith.constant 0 : i32
    %dma_wait3A_114 = tpu.memref_slice %arg21[%dma_wait3A_113] : memref<128xf32, #tpu.memory_space<vmem>> -> memref<32xf32, #tpu.memory_space<vmem>>
    tpu.wait_dma2 semaphore(%arg31 : memref<!tpu.dma_semaphore, #tpu.memory_space<semaphore_mem>>) src(%dma_wait3A_114 : memref<32xf32, #tpu.memory_space<vmem>>) dst(%dma_wait3A_112 : memref<32xf32, #tpu.memory_space<hbm>>)
    %dma_wait3A_115 = arith.constant 0 : i32
    %dma_wait3A_116 = tpu.memref_slice %arg22[%dma_wait3A_115] : memref<128xf32, #tpu.memory_space<vmem>> -> memref<32xf32, #tpu.memory_space<vmem>>
    %dma_wait3A_117 = tpu.memref_slice %arg15[%mul3A_2] : memref<1024xf32, #tpu.memory_space<hbm>> -> memref<32xf32, #tpu.memory_space<hbm>>
    %dma_wait3A_118 = tpu.memref_slice %arg15[%mul3A_2] : memref<1024xf32, #tpu.memory_space<hbm>> -> memref<32xf32, #tpu.memory_space<hbm>>
    %dma_wait3A_119 = arith.constant 0 : i32
    %dma_wait3A_120 = tpu.memref_slice %arg22[%dma_wait3A_119] : memref<128xf32, #tpu.memory_space<vmem>> -> memref<32xf32, #tpu.memory_space<vmem>>
    tpu.wait_dma2 semaphore(%arg32 : memref<!tpu.dma_semaphore, #tpu.memory_space<semaphore_mem>>) src(%dma_wait3A_120 : memref<32xf32, #tpu.memory_space<vmem>>) dst(%dma_wait3A_118 : memref<32xf32, #tpu.memory_space<hbm>>)
    %mul3A_121 = arith.constant 1600 : i32
    %mul3A_122 = arith.muli %add3A, %mul3A_121 : i32
    %add3A_123 = arith.constant 0 : i32
    %add3A_124 = arith.addi %mul3A_122, %add3A_123 : i32
    "tpu.region"() ({
      %run_scoped3A = tpu.sem_alloc : memref<!tpu.dma_semaphore, #tpu.memory_space<semaphore_mem>>
      %dma_start3A_271 = arith.constant 0 : i32
      %dma_start3A_272 = tpu.memref_slice %arg17[%dma_start3A_271] : memref<128xi32, #tpu.memory_space<vmem>> -> memref<80xi32, #tpu.memory_space<vmem>>
      %dma_start3A_273 = tpu.memref_slice %arg8[%add3A_124] : memref<51200xi32, #tpu.memory_space<hbm>> -> memref<80xi32, #tpu.memory_space<hbm>>
      %dma_start3A_274 = arith.constant 0 : i32
      %dma_start3A_275 = tpu.memref_slice %arg17[%dma_start3A_274] : memref<128xi32, #tpu.memory_space<vmem>> -> memref<80xi32, #tpu.memory_space<vmem>>
      %dma_start3A_276 = tpu.memref_slice %arg8[%add3A_124] : memref<51200xi32, #tpu.memory_space<hbm>> -> memref<80xi32, #tpu.memory_space<hbm>>
      tpu.enqueue_dma source(%dma_start3A_276 : memref<80xi32, #tpu.memory_space<hbm>>) target(%dma_start3A_275 : memref<80xi32, #tpu.memory_space<vmem>>) target_semaphore(%run_scoped3A : memref<!tpu.dma_semaphore, #tpu.memory_space<semaphore_mem>>)
      %dma_wait3A_277 = arith.constant 0 : i32
      %dma_wait3A_278 = tpu.memref_slice %arg17[%dma_wait3A_277] : memref<128xi32, #tpu.memory_space<vmem>> -> memref<80xi32, #tpu.memory_space<vmem>>
      %dma_wait3A_279 = tpu.memref_slice %arg8[%add3A_124] : memref<51200xi32, #tpu.memory_space<hbm>> -> memref<80xi32, #tpu.memory_space<hbm>>
      %dma_wait3A_280 = arith.constant 0 : i32
      %dma_wait3A_281 = tpu.memref_slice %arg17[%dma_wait3A_280] : memref<128xi32, #tpu.memory_space<vmem>> -> memref<80xi32, #tpu.memory_space<vmem>>
      %dma_wait3A_282 = tpu.memref_slice %arg8[%add3A_124] : memref<51200xi32, #tpu.memory_space<hbm>> -> memref<80xi32, #tpu.memory_space<hbm>>
      tpu.wait_dma2 semaphore(%run_scoped3A : memref<!tpu.dma_semaphore, #tpu.memory_space<semaphore_mem>>) src(%dma_wait3A_282 : memref<80xi32, #tpu.memory_space<hbm>>) dst(%dma_wait3A_281 : memref<80xi32, #tpu.memory_space<vmem>>)
      tpu.yield
    }) : () -> ()
    %dma_start3A_125 = arith.constant 0 : i32
    %dma_start3A_126 = arith.constant 0 : i32
    %dma_start3A_127 = tpu.memref_slice %arg19[%dma_start3A_125, %dma_start3A_126] : memref<128x128xf32, #tpu.memory_space<vmem>> -> memref<80x128xf32, #tpu.memory_space<vmem>>
    %dma_start3A_128 = arith.constant 0 : i32
    %dma_start3A_129 = tpu.memref_slice %arg17[%dma_start3A_128] : memref<128xi32, #tpu.memory_space<vmem>> -> memref<80xi32, #tpu.memory_space<vmem>>
    %dma_start3A_130 = arith.constant 0 : i32
    %dma_start3A_131 = arith.constant 0 : i32
    %dma_start3A_132 = tpu.memref_slice %arg2[%dma_start3A_130, %dma_start3A_131] : memref<100000x128xf32, #tpu.memory_space<hbm>> -> memref<100000x128xf32, #tpu.memory_space<hbm>>
    tpu.enqueue_indirect_dma source(%dma_start3A_132 : memref<100000x128xf32, #tpu.memory_space<hbm>>) target(%dma_start3A_127 : memref<80x128xf32, #tpu.memory_space<vmem>>) offsets(%dma_start3A_129 : memref<80xi32, #tpu.memory_space<vmem>>) semaphore(%arg25 : memref<!tpu.dma_semaphore, #tpu.memory_space<semaphore_mem>>)
    %dma_start3A_133 = arith.constant 0 : i32
    %dma_start3A_134 = tpu.memref_slice %arg21[%dma_start3A_133] : memref<128xf32, #tpu.memory_space<vmem>> -> memref<80xf32, #tpu.memory_space<vmem>>
    %dma_start3A_135 = arith.constant 0 : i32
    %dma_start3A_136 = tpu.memref_slice %arg17[%dma_start3A_135] : memref<128xi32, #tpu.memory_space<vmem>> -> memref<80xi32, #tpu.memory_space<vmem>>
    %dma_start3A_137 = arith.constant 0 : i32
    %dma_start3A_138 = tpu.memref_slice %arg4[%dma_start3A_137] : memref<100000xf32, #tpu.memory_space<hbm>> -> memref<100000xf32, #tpu.memory_space<hbm>>
    tpu.enqueue_indirect_dma source(%dma_start3A_138 : memref<100000xf32, #tpu.memory_space<hbm>>) target(%dma_start3A_134 : memref<80xf32, #tpu.memory_space<vmem>>) offsets(%dma_start3A_136 : memref<80xi32, #tpu.memory_space<vmem>>) semaphore(%arg27 : memref<!tpu.dma_semaphore, #tpu.memory_space<semaphore_mem>>)
    %mul3A_139 = arith.constant 1600 : i32
    %mul3A_140 = arith.muli %add3A, %mul3A_139 : i32
    %add3A_141 = arith.constant 80 : i32
    %add3A_142 = arith.addi %mul3A_140, %add3A_141 : i32
    "tpu.region"() ({
      %run_scoped3A = tpu.sem_alloc : memref<!tpu.dma_semaphore, #tpu.memory_space<semaphore_mem>>
      %dma_start3A_271 = arith.constant 0 : i32
      %dma_start3A_272 = tpu.memref_slice %arg18[%dma_start3A_271] : memref<128xi32, #tpu.memory_space<vmem>> -> memref<80xi32, #tpu.memory_space<vmem>>
      %dma_start3A_273 = tpu.memref_slice %arg8[%add3A_142] : memref<51200xi32, #tpu.memory_space<hbm>> -> memref<80xi32, #tpu.memory_space<hbm>>
      %dma_start3A_274 = arith.constant 0 : i32
      %dma_start3A_275 = tpu.memref_slice %arg18[%dma_start3A_274] : memref<128xi32, #tpu.memory_space<vmem>> -> memref<80xi32, #tpu.memory_space<vmem>>
      %dma_start3A_276 = tpu.memref_slice %arg8[%add3A_142] : memref<51200xi32, #tpu.memory_space<hbm>> -> memref<80xi32, #tpu.memory_space<hbm>>
      tpu.enqueue_dma source(%dma_start3A_276 : memref<80xi32, #tpu.memory_space<hbm>>) target(%dma_start3A_275 : memref<80xi32, #tpu.memory_space<vmem>>) target_semaphore(%run_scoped3A : memref<!tpu.dma_semaphore, #tpu.memory_space<semaphore_mem>>)
      %dma_wait3A_277 = arith.constant 0 : i32
      %dma_wait3A_278 = tpu.memref_slice %arg18[%dma_wait3A_277] : memref<128xi32, #tpu.memory_space<vmem>> -> memref<80xi32, #tpu.memory_space<vmem>>
      %dma_wait3A_279 = tpu.memref_slice %arg8[%add3A_142] : memref<51200xi32, #tpu.memory_space<hbm>> -> memref<80xi32, #tpu.memory_space<hbm>>
      %dma_wait3A_280 = arith.constant 0 : i32
      %dma_wait3A_281 = tpu.memref_slice %arg18[%dma_wait3A_280] : memref<128xi32, #tpu.memory_space<vmem>> -> memref<80xi32, #tpu.memory_space<vmem>>
      %dma_wait3A_282 = tpu.memref_slice %arg8[%add3A_142] : memref<51200xi32, #tpu.memory_space<hbm>> -> memref<80xi32, #tpu.memory_space<hbm>>
      tpu.wait_dma2 semaphore(%run_scoped3A : memref<!tpu.dma_semaphore, #tpu.memory_space<semaphore_mem>>) src(%dma_wait3A_282 : memref<80xi32, #tpu.memory_space<hbm>>) dst(%dma_wait3A_281 : memref<80xi32, #tpu.memory_space<vmem>>)
      tpu.yield
    }) : () -> ()
    %dma_start3A_143 = arith.constant 0 : i32
    %dma_start3A_144 = arith.constant 0 : i32
    %dma_start3A_145 = tpu.memref_slice %arg20[%dma_start3A_143, %dma_start3A_144] : memref<128x128xf32, #tpu.memory_space<vmem>> -> memref<80x128xf32, #tpu.memory_space<vmem>>
    %dma_start3A_146 = arith.constant 0 : i32
    %dma_start3A_147 = tpu.memref_slice %arg18[%dma_start3A_146] : memref<128xi32, #tpu.memory_space<vmem>> -> memref<80xi32, #tpu.memory_space<vmem>>
    %dma_start3A_148 = arith.constant 0 : i32
    %dma_start3A_149 = arith.constant 0 : i32
    %dma_start3A_150 = tpu.memref_slice %arg2[%dma_start3A_148, %dma_start3A_149] : memref<100000x128xf32, #tpu.memory_space<hbm>> -> memref<100000x128xf32, #tpu.memory_space<hbm>>
    tpu.enqueue_indirect_dma source(%dma_start3A_150 : memref<100000x128xf32, #tpu.memory_space<hbm>>) target(%dma_start3A_145 : memref<80x128xf32, #tpu.memory_space<vmem>>) offsets(%dma_start3A_147 : memref<80xi32, #tpu.memory_space<vmem>>) semaphore(%arg26 : memref<!tpu.dma_semaphore, #tpu.memory_space<semaphore_mem>>)
    %dma_start3A_151 = arith.constant 0 : i32
    %dma_start3A_152 = tpu.memref_slice %arg22[%dma_start3A_151] : memref<128xf32, #tpu.memory_space<vmem>> -> memref<80xf32, #tpu.memory_space<vmem>>
    %dma_start3A_153 = arith.constant 0 : i32
    %dma_start3A_154 = tpu.memref_slice %arg18[%dma_start3A_153] : memref<128xi32, #tpu.memory_space<vmem>> -> memref<80xi32, #tpu.memory_space<vmem>>
    %dma_start3A_155 = arith.constant 0 : i32
    %dma_start3A_156 = tpu.memref_slice %arg4[%dma_start3A_155] : memref<100000xf32, #tpu.memory_space<hbm>> -> memref<100000xf32, #tpu.memory_space<hbm>>
    tpu.enqueue_indirect_dma source(%dma_start3A_156 : memref<100000xf32, #tpu.memory_space<hbm>>) target(%dma_start3A_152 : memref<80xf32, #tpu.memory_space<vmem>>) offsets(%dma_start3A_154 : memref<80xi32, #tpu.memory_space<vmem>>) semaphore(%arg28 : memref<!tpu.dma_semaphore, #tpu.memory_space<semaphore_mem>>)
    %scan3A = arith.constant 0 : i32
    %scan3A_157 = arith.constant 10 : i32
    %scan3A_158 = arith.addi %scan3A, %scan3A_157 : i32
    %scan3A_159 = arith.constant 1 : i32
    scf.for %scan3A_271 = %scan3A to %scan3A_158 step %scan3A_159  : i32 {
      %mul3A_272 = arith.constant 1 : i32
      %mul3A_273 = arith.muli %scan3A_271, %mul3A_272 : i32
      %add3A_274 = arith.constant 0 : i32
      %add3A_275 = arith.addi %add3A_274, %mul3A_273 : i32
      %mul3A_276 = arith.constant 2 : i32
      %mul3A_277 = arith.muli %mul3A_276, %add3A_275 : i32
      %add3A_278 = arith.constant 0 : i32
      %add3A_279 = arith.addi %mul3A_277, %add3A_278 : i32
      %mul3A_280 = arith.constant 1600 : i32
      %mul3A_281 = arith.muli %add3A, %mul3A_280 : i32
      %mul3A_282 = arith.constant 80 : i32
      %mul3A_283 = arith.muli %add3A_279, %mul3A_282 : i32
      %add3A_284 = arith.addi %mul3A_281, %mul3A_283 : i32
      %dma_wait3A_285 = arith.constant 0 : i32
      %dma_wait3A_286 = arith.constant 0 : i32
      %dma_wait3A_287 = tpu.memref_slice %arg19[%dma_wait3A_285, %dma_wait3A_286] : memref<128x128xf32, #tpu.memory_space<vmem>> -> memref<80x128xf32, #tpu.memory_space<vmem>>
      %dma_wait3A_288 = arith.constant 0 : i32
      %dma_wait3A_289 = tpu.memref_slice %arg17[%dma_wait3A_288] : memref<128xi32, #tpu.memory_space<vmem>> -> memref<80xi32, #tpu.memory_space<vmem>>
      %dma_wait3A_290 = arith.constant 0 : i32
      %dma_wait3A_291 = arith.constant 0 : i32
      %dma_wait3A_292 = tpu.memref_slice %arg2[%dma_wait3A_290, %dma_wait3A_291] : memref<100000x128xf32, #tpu.memory_space<hbm>> -> memref<100000x128xf32, #tpu.memory_space<hbm>>
      tpu.wait_indirect_dma semaphore(%arg25 : memref<!tpu.dma_semaphore, #tpu.memory_space<semaphore_mem>>) src(%dma_wait3A_292 : memref<100000x128xf32, #tpu.memory_space<hbm>>) dst(%dma_wait3A_287 : memref<80x128xf32, #tpu.memory_space<vmem>>)
      %dma_start3A_293 = arith.constant 0 : i32
      %dma_start3A_294 = arith.constant 0 : i32
      %dma_start3A_295 = tpu.memref_slice %arg19[%dma_start3A_293, %dma_start3A_294] : memref<128x128xf32, #tpu.memory_space<vmem>> -> memref<80x128xf32, #tpu.memory_space<vmem>>
      %dma_start3A_296 = arith.constant 0 : i32
      %dma_start3A_297 = tpu.memref_slice %arg11[%add3A_284, %dma_start3A_296] : memref<51200x128xf32, #tpu.memory_space<hbm>> -> memref<80x128xf32, #tpu.memory_space<hbm>>
      %dma_start3A_298 = arith.constant 0 : i32
      %dma_start3A_299 = tpu.memref_slice %arg11[%add3A_284, %dma_start3A_298] : memref<51200x128xf32, #tpu.memory_space<hbm>> -> memref<80x128xf32, #tpu.memory_space<hbm>>
      %dma_start3A_300 = arith.constant 0 : i32
      %dma_start3A_301 = arith.constant 0 : i32
      %dma_start3A_302 = tpu.memref_slice %arg19[%dma_start3A_300, %dma_start3A_301] : memref<128x128xf32, #tpu.memory_space<vmem>> -> memref<80x128xf32, #tpu.memory_space<vmem>>
      tpu.enqueue_dma source(%dma_start3A_302 : memref<80x128xf32, #tpu.memory_space<vmem>>) target(%dma_start3A_299 : memref<80x128xf32, #tpu.memory_space<hbm>>) target_semaphore(%arg29 : memref<!tpu.dma_semaphore, #tpu.memory_space<semaphore_mem>>)
      %dma_wait3A_303 = arith.constant 0 : i32
      %dma_wait3A_304 = tpu.memref_slice %arg21[%dma_wait3A_303] : memref<128xf32, #tpu.memory_space<vmem>> -> memref<80xf32, #tpu.memory_space<vmem>>
      %dma_wait3A_305 = arith.constant 0 : i32
      %dma_wait3A_306 = tpu.memref_slice %arg17[%dma_wait3A_305] : memref<128xi32, #tpu.memory_space<vmem>> -> memref<80xi32, #tpu.memory_space<vmem>>
      %dma_wait3A_307 = arith.constant 0 : i32
      %dma_wait3A_308 = tpu.memref_slice %arg4[%dma_wait3A_307] : memref<100000xf32, #tpu.memory_space<hbm>> -> memref<100000xf32, #tpu.memory_space<hbm>>
      tpu.wait_indirect_dma semaphore(%arg27 : memref<!tpu.dma_semaphore, #tpu.memory_space<semaphore_mem>>) src(%dma_wait3A_308 : memref<100000xf32, #tpu.memory_space<hbm>>) dst(%dma_wait3A_304 : memref<80xf32, #tpu.memory_space<vmem>>)
      %dma_start3A_309 = arith.constant 0 : i32
      %dma_start3A_310 = tpu.memref_slice %arg21[%dma_start3A_309] : memref<128xf32, #tpu.memory_space<vmem>> -> memref<80xf32, #tpu.memory_space<vmem>>
      %dma_start3A_311 = tpu.memref_slice %arg16[%add3A_284] : memref<51200xf32, #tpu.memory_space<hbm>> -> memref<80xf32, #tpu.memory_space<hbm>>
      %dma_start3A_312 = tpu.memref_slice %arg16[%add3A_284] : memref<51200xf32, #tpu.memory_space<hbm>> -> memref<80xf32, #tpu.memory_space<hbm>>
      %dma_start3A_313 = arith.constant 0 : i32
      %dma_start3A_314 = tpu.memref_slice %arg21[%dma_start3A_313] : memref<128xf32, #tpu.memory_space<vmem>> -> memref<80xf32, #tpu.memory_space<vmem>>
      tpu.enqueue_dma source(%dma_start3A_314 : memref<80xf32, #tpu.memory_space<vmem>>) target(%dma_start3A_312 : memref<80xf32, #tpu.memory_space<hbm>>) target_semaphore(%arg31 : memref<!tpu.dma_semaphore, #tpu.memory_space<semaphore_mem>>)
      %add3A_315 = arith.constant 2 : i32
      %add3A_316 = arith.addi %add3A_279, %add3A_315 : i32
      %lt3A = arith.constant 20 : i32
      %lt3A_317 = arith.cmpi slt, %add3A_316, %lt3A : i32
      %convert_element_type3A = arith.extui %lt3A_317 : i1 to i32
      %cond3A = arith.constant 0 : i32
      %cond3A_318 = arith.cmpi ne, %convert_element_type3A, %cond3A : i32
      scf.if %cond3A_318 {
        %add3A_365 = arith.constant 2 : i32
        %add3A_366 = arith.addi %add3A_279, %add3A_365 : i32
        %mul3A_367 = arith.constant 1600 : i32
        %mul3A_368 = arith.muli %add3A, %mul3A_367 : i32
        %mul3A_369 = arith.constant 80 : i32
        %mul3A_370 = arith.muli %add3A_366, %mul3A_369 : i32
        %add3A_371 = arith.addi %mul3A_368, %mul3A_370 : i32
        %dma_wait3A_372 = arith.constant 0 : i32
        %dma_wait3A_373 = arith.constant 0 : i32
        %dma_wait3A_374 = tpu.memref_slice %arg19[%dma_wait3A_372, %dma_wait3A_373] : memref<128x128xf32, #tpu.memory_space<vmem>> -> memref<80x128xf32, #tpu.memory_space<vmem>>
        %dma_wait3A_375 = arith.constant 0 : i32
        %dma_wait3A_376 = arith.constant 0 : i32
        %dma_wait3A_377 = tpu.memref_slice %arg11[%dma_wait3A_375, %dma_wait3A_376] : memref<51200x128xf32, #tpu.memory_space<hbm>> -> memref<80x128xf32, #tpu.memory_space<hbm>>
        %dma_wait3A_378 = arith.constant 0 : i32
        %dma_wait3A_379 = arith.constant 0 : i32
        %dma_wait3A_380 = tpu.memref_slice %arg11[%dma_wait3A_378, %dma_wait3A_379] : memref<51200x128xf32, #tpu.memory_space<hbm>> -> memref<80x128xf32, #tpu.memory_space<hbm>>
        %dma_wait3A_381 = arith.constant 0 : i32
        %dma_wait3A_382 = arith.constant 0 : i32
        %dma_wait3A_383 = tpu.memref_slice %arg19[%dma_wait3A_381, %dma_wait3A_382] : memref<128x128xf32, #tpu.memory_space<vmem>> -> memref<80x128xf32, #tpu.memory_space<vmem>>
        tpu.wait_dma2 semaphore(%arg29 : memref<!tpu.dma_semaphore, #tpu.memory_space<semaphore_mem>>) src(%dma_wait3A_383 : memref<80x128xf32, #tpu.memory_space<vmem>>) dst(%dma_wait3A_380 : memref<80x128xf32, #tpu.memory_space<hbm>>)
        %dma_wait3A_384 = arith.constant 0 : i32
        %dma_wait3A_385 = tpu.memref_slice %arg21[%dma_wait3A_384] : memref<128xf32, #tpu.memory_space<vmem>> -> memref<80xf32, #tpu.memory_space<vmem>>
        %dma_wait3A_386 = arith.constant 0 : i32
        %dma_wait3A_387 = tpu.memref_slice %arg16[%dma_wait3A_386] : memref<51200xf32, #tpu.memory_space<hbm>> -> memref<80xf32, #tpu.memory_space<hbm>>
        %dma_wait3A_388 = arith.constant 0 : i32
        %dma_wait3A_389 = tpu.memref_slice %arg16[%dma_wait3A_388] : memref<51200xf32, #tpu.memory_space<hbm>> -> memref<80xf32, #tpu.memory_space<hbm>>
        %dma_wait3A_390 = arith.constant 0 : i32
        %dma_wait3A_391 = tpu.memref_slice %arg21[%dma_wait3A_390] : memref<128xf32, #tpu.memory_space<vmem>> -> memref<80xf32, #tpu.memory_space<vmem>>
        tpu.wait_dma2 semaphore(%arg31 : memref<!tpu.dma_semaphore, #tpu.memory_space<semaphore_mem>>) src(%dma_wait3A_391 : memref<80xf32, #tpu.memory_space<vmem>>) dst(%dma_wait3A_389 : memref<80xf32, #tpu.memory_space<hbm>>)
        "tpu.region"() ({
          %run_scoped3A = tpu.sem_alloc : memref<!tpu.dma_semaphore, #tpu.memory_space<semaphore_mem>>
          %dma_start3A_406 = arith.constant 0 : i32
          %dma_start3A_407 = tpu.memref_slice %arg17[%dma_start3A_406] : memref<128xi32, #tpu.memory_space<vmem>> -> memref<80xi32, #tpu.memory_space<vmem>>
          %dma_start3A_408 = tpu.memref_slice %arg8[%add3A_371] : memref<51200xi32, #tpu.memory_space<hbm>> -> memref<80xi32, #tpu.memory_space<hbm>>
          %dma_start3A_409 = arith.constant 0 : i32
          %dma_start3A_410 = tpu.memref_slice %arg17[%dma_start3A_409] : memref<128xi32, #tpu.memory_space<vmem>> -> memref<80xi32, #tpu.memory_space<vmem>>
          %dma_start3A_411 = tpu.memref_slice %arg8[%add3A_371] : memref<51200xi32, #tpu.memory_space<hbm>> -> memref<80xi32, #tpu.memory_space<hbm>>
          tpu.enqueue_dma source(%dma_start3A_411 : memref<80xi32, #tpu.memory_space<hbm>>) target(%dma_start3A_410 : memref<80xi32, #tpu.memory_space<vmem>>) target_semaphore(%run_scoped3A : memref<!tpu.dma_semaphore, #tpu.memory_space<semaphore_mem>>)
          %dma_wait3A_412 = arith.constant 0 : i32
          %dma_wait3A_413 = tpu.memref_slice %arg17[%dma_wait3A_412] : memref<128xi32, #tpu.memory_space<vmem>> -> memref<80xi32, #tpu.memory_space<vmem>>
          %dma_wait3A_414 = tpu.memref_slice %arg8[%add3A_371] : memref<51200xi32, #tpu.memory_space<hbm>> -> memref<80xi32, #tpu.memory_space<hbm>>
          %dma_wait3A_415 = arith.constant 0 : i32
          %dma_wait3A_416 = tpu.memref_slice %arg17[%dma_wait3A_415] : memref<128xi32, #tpu.memory_space<vmem>> -> memref<80xi32, #tpu.memory_space<vmem>>
          %dma_wait3A_417 = tpu.memref_slice %arg8[%add3A_371] : memref<51200xi32, #tpu.memory_space<hbm>> -> memref<80xi32, #tpu.memory_space<hbm>>
          tpu.wait_dma2 semaphore(%run_scoped3A : memref<!tpu.dma_semaphore, #tpu.memory_space<semaphore_mem>>) src(%dma_wait3A_417 : memref<80xi32, #tpu.memory_space<hbm>>) dst(%dma_wait3A_416 : memref<80xi32, #tpu.memory_space<vmem>>)
          tpu.yield
        }) : () -> ()
        %dma_start3A_392 = arith.constant 0 : i32
        %dma_start3A_393 = arith.constant 0 : i32
        %dma_start3A_394 = tpu.memref_slice %arg19[%dma_start3A_392, %dma_start3A_393] : memref<128x128xf32, #tpu.memory_space<vmem>> -> memref<80x128xf32, #tpu.memory_space<vmem>>
        %dma_start3A_395 = arith.constant 0 : i32
        %dma_start3A_396 = tpu.memref_slice %arg17[%dma_start3A_395] : memref<128xi32, #tpu.memory_space<vmem>> -> memref<80xi32, #tpu.memory_space<vmem>>
        %dma_start3A_397 = arith.constant 0 : i32
        %dma_start3A_398 = arith.constant 0 : i32
        %dma_start3A_399 = tpu.memref_slice %arg2[%dma_start3A_397, %dma_start3A_398] : memref<100000x128xf32, #tpu.memory_space<hbm>> -> memref<100000x128xf32, #tpu.memory_space<hbm>>
        tpu.enqueue_indirect_dma source(%dma_start3A_399 : memref<100000x128xf32, #tpu.memory_space<hbm>>) target(%dma_start3A_394 : memref<80x128xf32, #tpu.memory_space<vmem>>) offsets(%dma_start3A_396 : memref<80xi32, #tpu.memory_space<vmem>>) semaphore(%arg25 : memref<!tpu.dma_semaphore, #tpu.memory_space<semaphore_mem>>)
        %dma_start3A_400 = arith.constant 0 : i32
        %dma_start3A_401 = tpu.memref_slice %arg21[%dma_start3A_400] : memref<128xf32, #tpu.memory_space<vmem>> -> memref<80xf32, #tpu.memory_space<vmem>>
        %dma_start3A_402 = arith.constant 0 : i32
        %dma_start3A_403 = tpu.memref_slice %arg17[%dma_start3A_402] : memref<128xi32, #tpu.memory_space<vmem>> -> memref<80xi32, #tpu.memory_space<vmem>>
        %dma_start3A_404 = arith.constant 0 : i32
        %dma_start3A_405 = tpu.memref_slice %arg4[%dma_start3A_404] : memref<100000xf32, #tpu.memory_space<hbm>> -> memref<100000xf32, #tpu.memory_space<hbm>>
        tpu.enqueue_indirect_dma source(%dma_start3A_405 : memref<100000xf32, #tpu.memory_space<hbm>>) target(%dma_start3A_401 : memref<80xf32, #tpu.memory_space<vmem>>) offsets(%dma_start3A_403 : memref<80xi32, #tpu.memory_space<vmem>>) semaphore(%arg27 : memref<!tpu.dma_semaphore, #tpu.memory_space<semaphore_mem>>)
      } else {
      }
      %mul3A_319 = arith.constant 2 : i32
      %mul3A_320 = arith.muli %mul3A_319, %add3A_275 : i32
      %add3A_321 = arith.constant 1 : i32
      %add3A_322 = arith.addi %mul3A_320, %add3A_321 : i32
      %mul3A_323 = arith.constant 1600 : i32
      %mul3A_324 = arith.muli %add3A, %mul3A_323 : i32
      %mul3A_325 = arith.constant 80 : i32
      %mul3A_326 = arith.muli %add3A_322, %mul3A_325 : i32
      %add3A_327 = arith.addi %mul3A_324, %mul3A_326 : i32
      %dma_wait3A_328 = arith.constant 0 : i32
      %dma_wait3A_329 = arith.constant 0 : i32
      %dma_wait3A_330 = tpu.memref_slice %arg20[%dma_wait3A_328, %dma_wait3A_329] : memref<128x128xf32, #tpu.memory_space<vmem>> -> memref<80x128xf32, #tpu.memory_space<vmem>>
      %dma_wait3A_331 = arith.constant 0 : i32
      %dma_wait3A_332 = tpu.memref_slice %arg18[%dma_wait3A_331] : memref<128xi32, #tpu.memory_space<vmem>> -> memref<80xi32, #tpu.memory_space<vmem>>
      %dma_wait3A_333 = arith.constant 0 : i32
      %dma_wait3A_334 = arith.constant 0 : i32
      %dma_wait3A_335 = tpu.memref_slice %arg2[%dma_wait3A_333, %dma_wait3A_334] : memref<100000x128xf32, #tpu.memory_space<hbm>> -> memref<100000x128xf32, #tpu.memory_space<hbm>>
      tpu.wait_indirect_dma semaphore(%arg26 : memref<!tpu.dma_semaphore, #tpu.memory_space<semaphore_mem>>) src(%dma_wait3A_335 : memref<100000x128xf32, #tpu.memory_space<hbm>>) dst(%dma_wait3A_330 : memref<80x128xf32, #tpu.memory_space<vmem>>)
      %dma_start3A_336 = arith.constant 0 : i32
      %dma_start3A_337 = arith.constant 0 : i32
      %dma_start3A_338 = tpu.memref_slice %arg20[%dma_start3A_336, %dma_start3A_337] : memref<128x128xf32, #tpu.memory_space<vmem>> -> memref<80x128xf32, #tpu.memory_space<vmem>>
      %dma_start3A_339 = arith.constant 0 : i32
      %dma_start3A_340 = tpu.memref_slice %arg11[%add3A_327, %dma_start3A_339] : memref<51200x128xf32, #tpu.memory_space<hbm>> -> memref<80x128xf32, #tpu.memory_space<hbm>>
      %dma_start3A_341 = arith.constant 0 : i32
      %dma_start3A_342 = tpu.memref_slice %arg11[%add3A_327, %dma_start3A_341] : memref<51200x128xf32, #tpu.memory_space<hbm>> -> memref<80x128xf32, #tpu.memory_space<hbm>>
      %dma_start3A_343 = arith.constant 0 : i32
      %dma_start3A_344 = arith.constant 0 : i32
      %dma_start3A_345 = tpu.memref_slice %arg20[%dma_start3A_343, %dma_start3A_344] : memref<128x128xf32, #tpu.memory_space<vmem>> -> memref<80x128xf32, #tpu.memory_space<vmem>>
      tpu.enqueue_dma source(%dma_start3A_345 : memref<80x128xf32, #tpu.memory_space<vmem>>) target(%dma_start3A_342 : memref<80x128xf32, #tpu.memory_space<hbm>>) target_semaphore(%arg30 : memref<!tpu.dma_semaphore, #tpu.memory_space<semaphore_mem>>)
      %dma_wait3A_346 = arith.constant 0 : i32
      %dma_wait3A_347 = tpu.memref_slice %arg22[%dma_wait3A_346] : memref<128xf32, #tpu.memory_space<vmem>> -> memref<80xf32, #tpu.memory_space<vmem>>
      %dma_wait3A_348 = arith.constant 0 : i32
      %dma_wait3A_349 = tpu.memref_slice %arg18[%dma_wait3A_348] : memref<128xi32, #tpu.memory_space<vmem>> -> memref<80xi32, #tpu.memory_space<vmem>>
      %dma_wait3A_350 = arith.constant 0 : i32
      %dma_wait3A_351 = tpu.memref_slice %arg4[%dma_wait3A_350] : memref<100000xf32, #tpu.memory_space<hbm>> -> memref<100000xf32, #tpu.memory_space<hbm>>
      tpu.wait_indirect_dma semaphore(%arg28 : memref<!tpu.dma_semaphore, #tpu.memory_space<semaphore_mem>>) src(%dma_wait3A_351 : memref<100000xf32, #tpu.memory_space<hbm>>) dst(%dma_wait3A_347 : memref<80xf32, #tpu.memory_space<vmem>>)
      %dma_start3A_352 = arith.constant 0 : i32
      %dma_start3A_353 = tpu.memref_slice %arg22[%dma_start3A_352] : memref<128xf32, #tpu.memory_space<vmem>> -> memref<80xf32, #tpu.memory_space<vmem>>
      %dma_start3A_354 = tpu.memref_slice %arg16[%add3A_327] : memref<51200xf32, #tpu.memory_space<hbm>> -> memref<80xf32, #tpu.memory_space<hbm>>
      %dma_start3A_355 = tpu.memref_slice %arg16[%add3A_327] : memref<51200xf32, #tpu.memory_space<hbm>> -> memref<80xf32, #tpu.memory_space<hbm>>
      %dma_start3A_356 = arith.constant 0 : i32
      %dma_start3A_357 = tpu.memref_slice %arg22[%dma_start3A_356] : memref<128xf32, #tpu.memory_space<vmem>> -> memref<80xf32, #tpu.memory_space<vmem>>
      tpu.enqueue_dma source(%dma_start3A_357 : memref<80xf32, #tpu.memory_space<vmem>>) target(%dma_start3A_355 : memref<80xf32, #tpu.memory_space<hbm>>) target_semaphore(%arg32 : memref<!tpu.dma_semaphore, #tpu.memory_space<semaphore_mem>>)
      %add3A_358 = arith.constant 2 : i32
      %add3A_359 = arith.addi %add3A_322, %add3A_358 : i32
      %lt3A_360 = arith.constant 20 : i32
      %lt3A_361 = arith.cmpi slt, %add3A_359, %lt3A_360 : i32
      %convert_element_type3A_362 = arith.extui %lt3A_361 : i1 to i32
      %cond3A_363 = arith.constant 0 : i32
      %cond3A_364 = arith.cmpi ne, %convert_element_type3A_362, %cond3A_363 : i32
      scf.if %cond3A_364 {
        %add3A_365 = arith.constant 2 : i32
        %add3A_366 = arith.addi %add3A_322, %add3A_365 : i32
        %mul3A_367 = arith.constant 1600 : i32
        %mul3A_368 = arith.muli %add3A, %mul3A_367 : i32
        %mul3A_369 = arith.constant 80 : i32
        %mul3A_370 = arith.muli %add3A_366, %mul3A_369 : i32
        %add3A_371 = arith.addi %mul3A_368, %mul3A_370 : i32
        %dma_wait3A_372 = arith.constant 0 : i32
        %dma_wait3A_373 = arith.constant 0 : i32
        %dma_wait3A_374 = tpu.memref_slice %arg20[%dma_wait3A_372, %dma_wait3A_373] : memref<128x128xf32, #tpu.memory_space<vmem>> -> memref<80x128xf32, #tpu.memory_space<vmem>>
        %dma_wait3A_375 = arith.constant 0 : i32
        %dma_wait3A_376 = arith.constant 0 : i32
        %dma_wait3A_377 = tpu.memref_slice %arg11[%dma_wait3A_375, %dma_wait3A_376] : memref<51200x128xf32, #tpu.memory_space<hbm>> -> memref<80x128xf32, #tpu.memory_space<hbm>>
        %dma_wait3A_378 = arith.constant 0 : i32
        %dma_wait3A_379 = arith.constant 0 : i32
        %dma_wait3A_380 = tpu.memref_slice %arg11[%dma_wait3A_378, %dma_wait3A_379] : memref<51200x128xf32, #tpu.memory_space<hbm>> -> memref<80x128xf32, #tpu.memory_space<hbm>>
        %dma_wait3A_381 = arith.constant 0 : i32
        %dma_wait3A_382 = arith.constant 0 : i32
        %dma_wait3A_383 = tpu.memref_slice %arg20[%dma_wait3A_381, %dma_wait3A_382] : memref<128x128xf32, #tpu.memory_space<vmem>> -> memref<80x128xf32, #tpu.memory_space<vmem>>
        tpu.wait_dma2 semaphore(%arg30 : memref<!tpu.dma_semaphore, #tpu.memory_space<semaphore_mem>>) src(%dma_wait3A_383 : memref<80x128xf32, #tpu.memory_space<vmem>>) dst(%dma_wait3A_380 : memref<80x128xf32, #tpu.memory_space<hbm>>)
        %dma_wait3A_384 = arith.constant 0 : i32
        %dma_wait3A_385 = tpu.memref_slice %arg22[%dma_wait3A_384] : memref<128xf32, #tpu.memory_space<vmem>> -> memref<80xf32, #tpu.memory_space<vmem>>
        %dma_wait3A_386 = arith.constant 0 : i32
        %dma_wait3A_387 = tpu.memref_slice %arg16[%dma_wait3A_386] : memref<51200xf32, #tpu.memory_space<hbm>> -> memref<80xf32, #tpu.memory_space<hbm>>
        %dma_wait3A_388 = arith.constant 0 : i32
        %dma_wait3A_389 = tpu.memref_slice %arg16[%dma_wait3A_388] : memref<51200xf32, #tpu.memory_space<hbm>> -> memref<80xf32, #tpu.memory_space<hbm>>
        %dma_wait3A_390 = arith.constant 0 : i32
        %dma_wait3A_391 = tpu.memref_slice %arg22[%dma_wait3A_390] : memref<128xf32, #tpu.memory_space<vmem>> -> memref<80xf32, #tpu.memory_space<vmem>>
        tpu.wait_dma2 semaphore(%arg32 : memref<!tpu.dma_semaphore, #tpu.memory_space<semaphore_mem>>) src(%dma_wait3A_391 : memref<80xf32, #tpu.memory_space<vmem>>) dst(%dma_wait3A_389 : memref<80xf32, #tpu.memory_space<hbm>>)
        "tpu.region"() ({
          %run_scoped3A = tpu.sem_alloc : memref<!tpu.dma_semaphore, #tpu.memory_space<semaphore_mem>>
          %dma_start3A_406 = arith.constant 0 : i32
          %dma_start3A_407 = tpu.memref_slice %arg18[%dma_start3A_406] : memref<128xi32, #tpu.memory_space<vmem>> -> memref<80xi32, #tpu.memory_space<vmem>>
          %dma_start3A_408 = tpu.memref_slice %arg8[%add3A_371] : memref<51200xi32, #tpu.memory_space<hbm>> -> memref<80xi32, #tpu.memory_space<hbm>>
          %dma_start3A_409 = arith.constant 0 : i32
          %dma_start3A_410 = tpu.memref_slice %arg18[%dma_start3A_409] : memref<128xi32, #tpu.memory_space<vmem>> -> memref<80xi32, #tpu.memory_space<vmem>>
          %dma_start3A_411 = tpu.memref_slice %arg8[%add3A_371] : memref<51200xi32, #tpu.memory_space<hbm>> -> memref<80xi32, #tpu.memory_space<hbm>>
          tpu.enqueue_dma source(%dma_start3A_411 : memref<80xi32, #tpu.memory_space<hbm>>) target(%dma_start3A_410 : memref<80xi32, #tpu.memory_space<vmem>>) target_semaphore(%run_scoped3A : memref<!tpu.dma_semaphore, #tpu.memory_space<semaphore_mem>>)
          %dma_wait3A_412 = arith.constant 0 : i32
          %dma_wait3A_413 = tpu.memref_slice %arg18[%dma_wait3A_412] : memref<128xi32, #tpu.memory_space<vmem>> -> memref<80xi32, #tpu.memory_space<vmem>>
          %dma_wait3A_414 = tpu.memref_slice %arg8[%add3A_371] : memref<51200xi32, #tpu.memory_space<hbm>> -> memref<80xi32, #tpu.memory_space<hbm>>
          %dma_wait3A_415 = arith.constant 0 : i32
          %dma_wait3A_416 = tpu.memref_slice %arg18[%dma_wait3A_415] : memref<128xi32, #tpu.memory_space<vmem>> -> memref<80xi32, #tpu.memory_space<vmem>>
          %dma_wait3A_417 = tpu.memref_slice %arg8[%add3A_371] : memref<51200xi32, #tpu.memory_space<hbm>> -> memref<80xi32, #tpu.memory_space<hbm>>
          tpu.wait_dma2 semaphore(%run_scoped3A : memref<!tpu.dma_semaphore, #tpu.memory_space<semaphore_mem>>) src(%dma_wait3A_417 : memref<80xi32, #tpu.memory_space<hbm>>) dst(%dma_wait3A_416 : memref<80xi32, #tpu.memory_space<vmem>>)
          tpu.yield
        }) : () -> ()
        %dma_start3A_392 = arith.constant 0 : i32
        %dma_start3A_393 = arith.constant 0 : i32
        %dma_start3A_394 = tpu.memref_slice %arg20[%dma_start3A_392, %dma_start3A_393] : memref<128x128xf32, #tpu.memory_space<vmem>> -> memref<80x128xf32, #tpu.memory_space<vmem>>
        %dma_start3A_395 = arith.constant 0 : i32
        %dma_start3A_396 = tpu.memref_slice %arg18[%dma_start3A_395] : memref<128xi32, #tpu.memory_space<vmem>> -> memref<80xi32, #tpu.memory_space<vmem>>
        %dma_start3A_397 = arith.constant 0 : i32
        %dma_start3A_398 = arith.constant 0 : i32
        %dma_start3A_399 = tpu.memref_slice %arg2[%dma_start3A_397, %dma_start3A_398] : memref<100000x128xf32, #tpu.memory_space<hbm>> -> memref<100000x128xf32, #tpu.memory_space<hbm>>
        tpu.enqueue_indirect_dma source(%dma_start3A_399 : memref<100000x128xf32, #tpu.memory_space<hbm>>) target(%dma_start3A_394 : memref<80x128xf32, #tpu.memory_space<vmem>>) offsets(%dma_start3A_396 : memref<80xi32, #tpu.memory_space<vmem>>) semaphore(%arg26 : memref<!tpu.dma_semaphore, #tpu.memory_space<semaphore_mem>>)
        %dma_start3A_400 = arith.constant 0 : i32
        %dma_start3A_401 = tpu.memref_slice %arg22[%dma_start3A_400] : memref<128xf32, #tpu.memory_space<vmem>> -> memref<80xf32, #tpu.memory_space<vmem>>
        %dma_start3A_402 = arith.constant 0 : i32
        %dma_start3A_403 = tpu.memref_slice %arg18[%dma_start3A_402] : memref<128xi32, #tpu.memory_space<vmem>> -> memref<80xi32, #tpu.memory_space<vmem>>
        %dma_start3A_404 = arith.constant 0 : i32
        %dma_start3A_405 = tpu.memref_slice %arg4[%dma_start3A_404] : memref<100000xf32, #tpu.memory_space<hbm>> -> memref<100000xf32, #tpu.memory_space<hbm>>
        tpu.enqueue_indirect_dma source(%dma_start3A_405 : memref<100000xf32, #tpu.memory_space<hbm>>) target(%dma_start3A_401 : memref<80xf32, #tpu.memory_space<vmem>>) offsets(%dma_start3A_403 : memref<80xi32, #tpu.memory_space<vmem>>) semaphore(%arg28 : memref<!tpu.dma_semaphore, #tpu.memory_space<semaphore_mem>>)
      } else {
      }
    }
    %scan3A_160 = arith.constant 10 : i32
    %dma_wait3A_161 = arith.constant 0 : i32
    %dma_wait3A_162 = arith.constant 0 : i32
    %dma_wait3A_163 = tpu.memref_slice %arg19[%dma_wait3A_161, %dma_wait3A_162] : memref<128x128xf32, #tpu.memory_space<vmem>> -> memref<80x128xf32, #tpu.memory_space<vmem>>
    %dma_wait3A_164 = arith.constant 0 : i32
    %dma_wait3A_165 = arith.constant 0 : i32
    %dma_wait3A_166 = tpu.memref_slice %arg11[%dma_wait3A_164, %dma_wait3A_165] : memref<51200x128xf32, #tpu.memory_space<hbm>> -> memref<80x128xf32, #tpu.memory_space<hbm>>
    %dma_wait3A_167 = arith.constant 0 : i32
    %dma_wait3A_168 = arith.constant 0 : i32
    %dma_wait3A_169 = tpu.memref_slice %arg11[%dma_wait3A_167, %dma_wait3A_168] : memref<51200x128xf32, #tpu.memory_space<hbm>> -> memref<80x128xf32, #tpu.memory_space<hbm>>
    %dma_wait3A_170 = arith.constant 0 : i32
    %dma_wait3A_171 = arith.constant 0 : i32
    %dma_wait3A_172 = tpu.memref_slice %arg19[%dma_wait3A_170, %dma_wait3A_171] : memref<128x128xf32, #tpu.memory_space<vmem>> -> memref<80x128xf32, #tpu.memory_space<vmem>>
    tpu.wait_dma2 semaphore(%arg29 : memref<!tpu.dma_semaphore, #tpu.memory_space<semaphore_mem>>) src(%dma_wait3A_172 : memref<80x128xf32, #tpu.memory_space<vmem>>) dst(%dma_wait3A_169 : memref<80x128xf32, #tpu.memory_space<hbm>>)
    %dma_wait3A_173 = arith.constant 0 : i32
    %dma_wait3A_174 = arith.constant 0 : i32
    %dma_wait3A_175 = tpu.memref_slice %arg20[%dma_wait3A_173, %dma_wait3A_174] : memref<128x128xf32, #tpu.memory_space<vmem>> -> memref<80x128xf32, #tpu.memory_space<vmem>>
    %dma_wait3A_176 = arith.constant 0 : i32
    %dma_wait3A_177 = arith.constant 0 : i32
    %dma_wait3A_178 = tpu.memref_slice %arg11[%dma_wait3A_176, %dma_wait3A_177] : memref<51200x128xf32, #tpu.memory_space<hbm>> -> memref<80x128xf32, #tpu.memory_space<hbm>>
    %dma_wait3A_179 = arith.constant 0 : i32
    %dma_wait3A_180 = arith.constant 0 : i32
    %dma_wait3A_181 = tpu.memref_slice %arg11[%dma_wait3A_179, %dma_wait3A_180] : memref<51200x128xf32, #tpu.memory_space<hbm>> -> memref<80x128xf32, #tpu.memory_space<hbm>>
    %dma_wait3A_182 = arith.constant 0 : i32
    %dma_wait3A_183 = arith.constant 0 : i32
    %dma_wait3A_184 = tpu.memref_slice %arg20[%dma_wait3A_182, %dma_wait3A_183] : memref<128x128xf32, #tpu.memory_space<vmem>> -> memref<80x128xf32, #tpu.memory_space<vmem>>
    tpu.wait_dma2 semaphore(%arg30 : memref<!tpu.dma_semaphore, #tpu.memory_space<semaphore_mem>>) src(%dma_wait3A_184 : memref<80x128xf32, #tpu.memory_space<vmem>>) dst(%dma_wait3A_181 : memref<80x128xf32, #tpu.memory_space<hbm>>)
    %dma_wait3A_185 = arith.constant 0 : i32
    %dma_wait3A_186 = tpu.memref_slice %arg21[%dma_wait3A_185] : memref<128xf32, #tpu.memory_space<vmem>> -> memref<80xf32, #tpu.memory_space<vmem>>
    %dma_wait3A_187 = arith.constant 0 : i32
    %dma_wait3A_188 = tpu.memref_slice %arg16[%dma_wait3A_187] : memref<51200xf32, #tpu.memory_space<hbm>> -> memref<80xf32, #tpu.memory_space<hbm>>
    %dma_wait3A_189 = arith.constant 0 : i32
    %dma_wait3A_190 = tpu.memref_slice %arg16[%dma_wait3A_189] : memref<51200xf32, #tpu.memory_space<hbm>> -> memref<80xf32, #tpu.memory_space<hbm>>
    %dma_wait3A_191 = arith.constant 0 : i32
    %dma_wait3A_192 = tpu.memref_slice %arg21[%dma_wait3A_191] : memref<128xf32, #tpu.memory_space<vmem>> -> memref<80xf32, #tpu.memory_space<vmem>>
    tpu.wait_dma2 semaphore(%arg31 : memref<!tpu.dma_semaphore, #tpu.memory_space<semaphore_mem>>) src(%dma_wait3A_192 : memref<80xf32, #tpu.memory_space<vmem>>) dst(%dma_wait3A_190 : memref<80xf32, #tpu.memory_space<hbm>>)
    %dma_wait3A_193 = arith.constant 0 : i32
    %dma_wait3A_194 = tpu.memref_slice %arg22[%dma_wait3A_193] : memref<128xf32, #tpu.memory_space<vmem>> -> memref<80xf32, #tpu.memory_space<vmem>>
    %dma_wait3A_195 = arith.constant 0 : i32
    %dma_wait3A_196 = tpu.memref_slice %arg16[%dma_wait3A_195] : memref<51200xf32, #tpu.memory_space<hbm>> -> memref<80xf32, #tpu.memory_space<hbm>>
    %dma_wait3A_197 = arith.constant 0 : i32
    %dma_wait3A_198 = tpu.memref_slice %arg16[%dma_wait3A_197] : memref<51200xf32, #tpu.memory_space<hbm>> -> memref<80xf32, #tpu.memory_space<hbm>>
    %dma_wait3A_199 = arith.constant 0 : i32
    %dma_wait3A_200 = tpu.memref_slice %arg22[%dma_wait3A_199] : memref<128xf32, #tpu.memory_space<vmem>> -> memref<80xf32, #tpu.memory_space<vmem>>
    tpu.wait_dma2 semaphore(%arg32 : memref<!tpu.dma_semaphore, #tpu.memory_space<semaphore_mem>>) src(%dma_wait3A_200 : memref<80xf32, #tpu.memory_space<vmem>>) dst(%dma_wait3A_198 : memref<80xf32, #tpu.memory_space<hbm>>)
    "tpu.region"() ({
      %run_scoped3A = tpu.sem_alloc : memref<!tpu.dma_semaphore, #tpu.memory_space<semaphore_mem>>
      %dma_start3A_271 = arith.constant 0 : i32
      %dma_start3A_272 = tpu.memref_slice %arg17[%dma_start3A_271] : memref<128xi32, #tpu.memory_space<vmem>> -> memref<32xi32, #tpu.memory_space<vmem>>
      %dma_start3A_273 = tpu.memref_slice %arg7[%mul3A_2] : memref<1024xi32, #tpu.memory_space<hbm>> -> memref<32xi32, #tpu.memory_space<hbm>>
      %dma_start3A_274 = arith.constant 0 : i32
      %dma_start3A_275 = tpu.memref_slice %arg17[%dma_start3A_274] : memref<128xi32, #tpu.memory_space<vmem>> -> memref<32xi32, #tpu.memory_space<vmem>>
      %dma_start3A_276 = tpu.memref_slice %arg7[%mul3A_2] : memref<1024xi32, #tpu.memory_space<hbm>> -> memref<32xi32, #tpu.memory_space<hbm>>
      tpu.enqueue_dma source(%dma_start3A_276 : memref<32xi32, #tpu.memory_space<hbm>>) target(%dma_start3A_275 : memref<32xi32, #tpu.memory_space<vmem>>) target_semaphore(%run_scoped3A : memref<!tpu.dma_semaphore, #tpu.memory_space<semaphore_mem>>)
      %dma_wait3A_277 = arith.constant 0 : i32
      %dma_wait3A_278 = tpu.memref_slice %arg17[%dma_wait3A_277] : memref<128xi32, #tpu.memory_space<vmem>> -> memref<32xi32, #tpu.memory_space<vmem>>
      %dma_wait3A_279 = tpu.memref_slice %arg7[%mul3A_2] : memref<1024xi32, #tpu.memory_space<hbm>> -> memref<32xi32, #tpu.memory_space<hbm>>
      %dma_wait3A_280 = arith.constant 0 : i32
      %dma_wait3A_281 = tpu.memref_slice %arg17[%dma_wait3A_280] : memref<128xi32, #tpu.memory_space<vmem>> -> memref<32xi32, #tpu.memory_space<vmem>>
      %dma_wait3A_282 = tpu.memref_slice %arg7[%mul3A_2] : memref<1024xi32, #tpu.memory_space<hbm>> -> memref<32xi32, #tpu.memory_space<hbm>>
      tpu.wait_dma2 semaphore(%run_scoped3A : memref<!tpu.dma_semaphore, #tpu.memory_space<semaphore_mem>>) src(%dma_wait3A_282 : memref<32xi32, #tpu.memory_space<hbm>>) dst(%dma_wait3A_281 : memref<32xi32, #tpu.memory_space<vmem>>)
      tpu.yield
    }) : () -> ()
    "tpu.region"() ({
      %run_scoped3A = tpu.sem_alloc : memref<!tpu.dma_semaphore, #tpu.memory_space<semaphore_mem>>
      %dma_start3A_271 = arith.constant 0 : i32
      %dma_start3A_272 = arith.constant 0 : i32
      %dma_start3A_273 = tpu.memref_slice %arg24[%dma_start3A_271, %dma_start3A_272] : memref<128x128xi32, #tpu.memory_space<vmem>> -> memref<32x128xi32, #tpu.memory_space<vmem>>
      %dma_start3A_274 = arith.constant 0 : i32
      %dma_start3A_275 = tpu.memref_slice %arg17[%dma_start3A_274] : memref<128xi32, #tpu.memory_space<vmem>> -> memref<32xi32, #tpu.memory_space<vmem>>
      %dma_start3A_276 = arith.constant 0 : i32
      %dma_start3A_277 = arith.constant 0 : i32
      %dma_start3A_278 = tpu.memref_slice %arg5[%dma_start3A_276, %dma_start3A_277] : memref<100000x128xi32, #tpu.memory_space<hbm>> -> memref<100000x128xi32, #tpu.memory_space<hbm>>
      tpu.enqueue_indirect_dma source(%dma_start3A_278 : memref<100000x128xi32, #tpu.memory_space<hbm>>) target(%dma_start3A_273 : memref<32x128xi32, #tpu.memory_space<vmem>>) offsets(%dma_start3A_275 : memref<32xi32, #tpu.memory_space<vmem>>) semaphore(%run_scoped3A : memref<!tpu.dma_semaphore, #tpu.memory_space<semaphore_mem>>)
      %dma_wait3A_279 = arith.constant 0 : i32
      %dma_wait3A_280 = arith.constant 0 : i32
      %dma_wait3A_281 = tpu.memref_slice %arg24[%dma_wait3A_279, %dma_wait3A_280] : memref<128x128xi32, #tpu.memory_space<vmem>> -> memref<32x128xi32, #tpu.memory_space<vmem>>
      %dma_wait3A_282 = arith.constant 0 : i32
      %dma_wait3A_283 = tpu.memref_slice %arg17[%dma_wait3A_282] : memref<128xi32, #tpu.memory_space<vmem>> -> memref<32xi32, #tpu.memory_space<vmem>>
      %dma_wait3A_284 = arith.constant 0 : i32
      %dma_wait3A_285 = arith.constant 0 : i32
      %dma_wait3A_286 = tpu.memref_slice %arg5[%dma_wait3A_284, %dma_wait3A_285] : memref<100000x128xi32, #tpu.memory_space<hbm>> -> memref<100000x128xi32, #tpu.memory_space<hbm>>
      tpu.wait_indirect_dma semaphore(%run_scoped3A : memref<!tpu.dma_semaphore, #tpu.memory_space<semaphore_mem>>) src(%dma_wait3A_286 : memref<100000x128xi32, #tpu.memory_space<hbm>>) dst(%dma_wait3A_281 : memref<32x128xi32, #tpu.memory_space<vmem>>)
      tpu.yield
    }) : () -> ()
    %dma_start3A_201 = arith.constant 0 : i32
    %dma_start3A_202 = arith.constant 0 : i32
    %dma_start3A_203 = tpu.memref_slice %arg24[%dma_start3A_201, %dma_start3A_202] : memref<128x128xi32, #tpu.memory_space<vmem>> -> memref<32x128xi32, #tpu.memory_space<vmem>>
    %dma_start3A_204 = arith.constant 0 : i32
    %dma_start3A_205 = tpu.memref_slice %arg13[%mul3A_2, %dma_start3A_204] : memref<1024x128xi32, #tpu.memory_space<hbm>> -> memref<32x128xi32, #tpu.memory_space<hbm>>
    %dma_start3A_206 = arith.constant 0 : i32
    %dma_start3A_207 = tpu.memref_slice %arg13[%mul3A_2, %dma_start3A_206] : memref<1024x128xi32, #tpu.memory_space<hbm>> -> memref<32x128xi32, #tpu.memory_space<hbm>>
    %dma_start3A_208 = arith.constant 0 : i32
    %dma_start3A_209 = arith.constant 0 : i32
    %dma_start3A_210 = tpu.memref_slice %arg24[%dma_start3A_208, %dma_start3A_209] : memref<128x128xi32, #tpu.memory_space<vmem>> -> memref<32x128xi32, #tpu.memory_space<vmem>>
    tpu.enqueue_dma source(%dma_start3A_210 : memref<32x128xi32, #tpu.memory_space<vmem>>) target(%dma_start3A_207 : memref<32x128xi32, #tpu.memory_space<hbm>>) target_semaphore(%arg31 : memref<!tpu.dma_semaphore, #tpu.memory_space<semaphore_mem>>)
    %iota3A = tpu.iota {dimensions = array<i32: 0>} : vector<16xi32>
    %scan3A_211 = arith.constant 0 : i32
    %scan3A_212 = arith.constant 20 : i32
    %scan3A_213 = arith.addi %scan3A_211, %scan3A_212 : i32
    %scan3A_214 = arith.constant 1 : i32
    scf.for %scan3A_271 = %scan3A_211 to %scan3A_213 step %scan3A_214  : i32 {
      %mul3A_272 = arith.constant 1 : i32
      %mul3A_273 = arith.muli %scan3A_271, %mul3A_272 : i32
      %add3A_274 = arith.constant 0 : i32
      %add3A_275 = arith.addi %add3A_274, %mul3A_273 : i32
      %mul3A_276 = arith.constant 16 : i32
      %mul3A_277 = arith.muli %add3A_275, %mul3A_276 : i32
      %add3A_278 = vector.broadcast %mul3A_277 : i32 to vector<16xi32>
      %add3A_279 = arith.addi %add3A_278, %iota3A : vector<16xi32>
      %jit3A = arith.constant 10 : i32
      %div3A = vector.broadcast %jit3A : i32 to vector<16xi32>
      %div3A_280 = arith.divsi %add3A_279, %div3A : vector<16xi32>
      %sign3A = arith.constant 0 : i32
      %sign3A_281 = vector.broadcast %sign3A : i32 to vector<16xi32>
      %sign3A_282 = arith.cmpi sgt, %add3A_279, %sign3A_281 : vector<16xi32>
      %sign3A_283 = arith.extui %sign3A_282 : vector<16xi1> to vector<16xi32>
      %sign3A_284 = arith.constant 0 : i32
      %sign3A_285 = vector.broadcast %sign3A_284 : i32 to vector<16xi32>
      %sign3A_286 = arith.cmpi slt, %add3A_279, %sign3A_285 : vector<16xi32>
      %sign3A_287 = arith.extui %sign3A_286 : vector<16xi1> to vector<16xi32>
      %sign3A_288 = arith.subi %sign3A_283, %sign3A_287 : vector<16xi32>
      %sign3A_289 = arith.constant 0 : i32
      %sign3A_290 = arith.cmpi sgt, %jit3A, %sign3A_289 : i32
      %sign3A_291 = arith.extui %sign3A_290 : i1 to i32
      %sign3A_292 = arith.constant 0 : i32
      %sign3A_293 = arith.cmpi slt, %jit3A, %sign3A_292 : i32
      %sign3A_294 = arith.extui %sign3A_293 : i1 to i32
      %sign3A_295 = arith.subi %sign3A_291, %sign3A_294 : i32
      %ne3A = vector.broadcast %sign3A_295 : i32 to vector<16xi32>
      %ne3A_296 = arith.cmpi ne, %sign3A_288, %ne3A : vector<16xi32>
      %rem3A = vector.broadcast %jit3A : i32 to vector<16xi32>
      %rem3A_297 = arith.remsi %add3A_279, %rem3A : vector<16xi32>
      %ne3A_298 = arith.constant 0 : i32
      %ne3A_299 = vector.broadcast %ne3A_298 : i32 to vector<16xi32>
      %ne3A_300 = arith.cmpi ne, %rem3A_297, %ne3A_299 : vector<16xi32>
      %and3A = arith.andi %ne3A_296, %ne3A_300 : vector<16xi1>
      %sub3A = arith.constant 1 : i32
      %sub3A_301 = vector.broadcast %sub3A : i32 to vector<16xi32>
      %sub3A_302 = arith.subi %div3A_280, %sub3A_301 : vector<16xi32>
      %select_n3A = arith.select %and3A, %sub3A_302, %div3A_280 : vector<16xi1>, vector<16xi32>
      %jit3A_303 = arith.constant 10 : i32
      %eq3A = arith.constant 0 : i32
      %eq3A_304 = arith.cmpi eq, %jit3A_303, %eq3A : i32
      %jit3A_305 = arith.constant 1 : i32
      %select_n3A_306 = arith.select %eq3A_304, %jit3A_305, %jit3A_303 : i32
      %rem3A_307 = vector.broadcast %select_n3A_306 : i32 to vector<16xi32>
      %rem3A_308 = arith.remsi %add3A_279, %rem3A_307 : vector<16xi32>
      %ne3A_309 = arith.constant 0 : i32
      %ne3A_310 = vector.broadcast %ne3A_309 : i32 to vector<16xi32>
      %ne3A_311 = arith.cmpi ne, %rem3A_308, %ne3A_310 : vector<16xi32>
      %lt3A = arith.constant 0 : i32
      %lt3A_312 = vector.broadcast %lt3A : i32 to vector<16xi32>
      %lt3A_313 = arith.cmpi slt, %rem3A_308, %lt3A_312 : vector<16xi32>
      %lt3A_314 = arith.constant 0 : i32
      %lt3A_315 = arith.cmpi slt, %select_n3A_306, %lt3A_314 : i32
      %ne3A_316 = vector.broadcast %lt3A_315 : i1 to vector<16xi1>
      %ne3A_317 = vector.broadcast %ne3A_316 : vector<16xi1> to vector<16xi1>
      %ne3A_318 = arith.xori %lt3A_313, %ne3A_317 : vector<16xi1>
      %and3A_319 = arith.andi %ne3A_318, %ne3A_311 : vector<16xi1>
      %add3A_320 = vector.broadcast %select_n3A_306 : i32 to vector<16xi32>
      %add3A_321 = arith.addi %rem3A_308, %add3A_320 : vector<16xi32>
      %select_n3A_322 = arith.select %and3A_319, %add3A_321, %rem3A_308 : vector<16xi1>, vector<16xi32>
      %gather3A = tpu.vector_load_idx %arg24[%select_n3A, %select_n3A_322] : memref<128x128xi32, #tpu.memory_space<vmem>>[vector<16xi32>, vector<16xi32>], vector<16xi32>,
      %mul3A_323 = arith.constant 16 : i32
      %mul3A_324 = arith.muli %add3A_275, %mul3A_323 : i32
      %swap3A = arith.index_cast %mul3A_324 : i32 to index
      %swap3A_325 = tpu.vector_load %arg23[%swap3A] {strides = array<i32>} : memref<320xi32, #tpu.memory_space<vmem>>, vector<16xi32>,
      tpu.vector_store %arg23[%swap3A], %gather3A {strides = array<i32>} : memref<320xi32, #tpu.memory_space<vmem>>, vector<16xi32>,
    }
    %scan3A_215 = arith.constant 20 : i32
    %dma_wait3A_216 = arith.constant 0 : i32
    %dma_wait3A_217 = arith.constant 0 : i32
    %dma_wait3A_218 = tpu.memref_slice %arg24[%dma_wait3A_216, %dma_wait3A_217] : memref<128x128xi32, #tpu.memory_space<vmem>> -> memref<32x128xi32, #tpu.memory_space<vmem>>
    %dma_wait3A_219 = arith.constant 0 : i32
    %dma_wait3A_220 = tpu.memref_slice %arg13[%mul3A_2, %dma_wait3A_219] : memref<1024x128xi32, #tpu.memory_space<hbm>> -> memref<32x128xi32, #tpu.memory_space<hbm>>
    %dma_wait3A_221 = arith.constant 0 : i32
    %dma_wait3A_222 = tpu.memref_slice %arg13[%mul3A_2, %dma_wait3A_221] : memref<1024x128xi32, #tpu.memory_space<hbm>> -> memref<32x128xi32, #tpu.memory_space<hbm>>
    %dma_wait3A_223 = arith.constant 0 : i32
    %dma_wait3A_224 = arith.constant 0 : i32
    %dma_wait3A_225 = tpu.memref_slice %arg24[%dma_wait3A_223, %dma_wait3A_224] : memref<128x128xi32, #tpu.memory_space<vmem>> -> memref<32x128xi32, #tpu.memory_space<vmem>>
    tpu.wait_dma2 semaphore(%arg31 : memref<!tpu.dma_semaphore, #tpu.memory_space<semaphore_mem>>) src(%dma_wait3A_225 : memref<32x128xi32, #tpu.memory_space<vmem>>) dst(%dma_wait3A_222 : memref<32x128xi32, #tpu.memory_space<hbm>>)
    %dma_start3A_226 = arith.constant 0 : i32
    %dma_start3A_227 = arith.constant 0 : i32
    %dma_start3A_228 = tpu.memref_slice %arg19[%dma_start3A_226, %dma_start3A_227] : memref<128x128xf32, #tpu.memory_space<vmem>> -> memref<80x128xf32, #tpu.memory_space<vmem>>
    %dma_start3A_229 = arith.constant 0 : i32
    %dma_start3A_230 = tpu.memref_slice %arg23[%dma_start3A_229] : memref<320xi32, #tpu.memory_space<vmem>> -> memref<80xi32, #tpu.memory_space<vmem>>
    %dma_start3A_231 = arith.constant 0 : i32
    %dma_start3A_232 = arith.constant 0 : i32
    %dma_start3A_233 = tpu.memref_slice %arg2[%dma_start3A_231, %dma_start3A_232] : memref<100000x128xf32, #tpu.memory_space<hbm>> -> memref<100000x128xf32, #tpu.memory_space<hbm>>
    tpu.enqueue_indirect_dma source(%dma_start3A_233 : memref<100000x128xf32, #tpu.memory_space<hbm>>) target(%dma_start3A_228 : memref<80x128xf32, #tpu.memory_space<vmem>>) offsets(%dma_start3A_230 : memref<80xi32, #tpu.memory_space<vmem>>) semaphore(%arg25 : memref<!tpu.dma_semaphore, #tpu.memory_space<semaphore_mem>>)
    %dma_start3A_234 = arith.constant 0 : i32
    %dma_start3A_235 = arith.constant 0 : i32
    %dma_start3A_236 = tpu.memref_slice %arg20[%dma_start3A_234, %dma_start3A_235] : memref<128x128xf32, #tpu.memory_space<vmem>> -> memref<80x128xf32, #tpu.memory_space<vmem>>
    %dma_start3A_237 = arith.constant 80 : i32
    %dma_start3A_238 = tpu.memref_slice %arg23[%dma_start3A_237] : memref<320xi32, #tpu.memory_space<vmem>> -> memref<80xi32, #tpu.memory_space<vmem>>
    %dma_start3A_239 = arith.constant 0 : i32
    %dma_start3A_240 = arith.constant 0 : i32
    %dma_start3A_241 = tpu.memref_slice %arg2[%dma_start3A_239, %dma_start3A_240] : memref<100000x128xf32, #tpu.memory_space<hbm>> -> memref<100000x128xf32, #tpu.memory_space<hbm>>
    tpu.enqueue_indirect_dma source(%dma_start3A_241 : memref<100000x128xf32, #tpu.memory_space<hbm>>) target(%dma_start3A_236 : memref<80x128xf32, #tpu.memory_space<vmem>>) offsets(%dma_start3A_238 : memref<80xi32, #tpu.memory_space<vmem>>) semaphore(%arg26 : memref<!tpu.dma_semaphore, #tpu.memory_space<semaphore_mem>>)
    %scan3A_242 = arith.constant 0 : i32
    %scan3A_243 = arith.constant 2 : i32
    %scan3A_244 = arith.addi %scan3A_242, %scan3A_243 : i32
    %scan3A_245 = arith.constant 1 : i32
    scf.for %scan3A_271 = %scan3A_242 to %scan3A_244 step %scan3A_245  : i32 {
      %mul3A_272 = arith.constant 1 : i32
      %mul3A_273 = arith.muli %scan3A_271, %mul3A_272 : i32
      %add3A_274 = arith.constant 0 : i32
      %add3A_275 = arith.addi %add3A_274, %mul3A_273 : i32
      %mul3A_276 = arith.constant 2 : i32
      %mul3A_277 = arith.muli %mul3A_276, %add3A_275 : i32
      %add3A_278 = arith.constant 0 : i32
      %add3A_279 = arith.addi %mul3A_277, %add3A_278 : i32
      %mul3A_280 = arith.constant 320 : i32
      %mul3A_281 = arith.muli %add3A, %mul3A_280 : i32
      %mul3A_282 = arith.constant 80 : i32
      %mul3A_283 = arith.muli %add3A_279, %mul3A_282 : i32
      %add3A_284 = arith.addi %mul3A_281, %mul3A_283 : i32
      %mul3A_285 = arith.constant 80 : i32
      %mul3A_286 = arith.muli %add3A_279, %mul3A_285 : i32
      %dma_wait3A_287 = arith.constant 0 : i32
      %dma_wait3A_288 = arith.constant 0 : i32
      %dma_wait3A_289 = tpu.memref_slice %arg19[%dma_wait3A_287, %dma_wait3A_288] : memref<128x128xf32, #tpu.memory_space<vmem>> -> memref<80x128xf32, #tpu.memory_space<vmem>>
      %dma_wait3A_290 = tpu.memref_slice %arg23[%mul3A_286] : memref<320xi32, #tpu.memory_space<vmem>> -> memref<80xi32, #tpu.memory_space<vmem>>
      %dma_wait3A_291 = arith.constant 0 : i32
      %dma_wait3A_292 = arith.constant 0 : i32
      %dma_wait3A_293 = tpu.memref_slice %arg2[%dma_wait3A_291, %dma_wait3A_292] : memref<100000x128xf32, #tpu.memory_space<hbm>> -> memref<100000x128xf32, #tpu.memory_space<hbm>>
      tpu.wait_indirect_dma semaphore(%arg25 : memref<!tpu.dma_semaphore, #tpu.memory_space<semaphore_mem>>) src(%dma_wait3A_293 : memref<100000x128xf32, #tpu.memory_space<hbm>>) dst(%dma_wait3A_289 : memref<80x128xf32, #tpu.memory_space<vmem>>)
      %dma_start3A_294 = arith.constant 0 : i32
      %dma_start3A_295 = arith.constant 0 : i32
      %dma_start3A_296 = tpu.memref_slice %arg19[%dma_start3A_294, %dma_start3A_295] : memref<128x128xf32, #tpu.memory_space<vmem>> -> memref<80x128xf32, #tpu.memory_space<vmem>>
      %dma_start3A_297 = arith.constant 0 : i32
      %dma_start3A_298 = tpu.memref_slice %arg12[%add3A_284, %dma_start3A_297] : memref<10240x128xf32, #tpu.memory_space<hbm>> -> memref<80x128xf32, #tpu.memory_space<hbm>>
      %dma_start3A_299 = arith.constant 0 : i32
      %dma_start3A_300 = tpu.memref_slice %arg12[%add3A_284, %dma_start3A_299] : memref<10240x128xf32, #tpu.memory_space<hbm>> -> memref<80x128xf32, #tpu.memory_space<hbm>>
      %dma_start3A_301 = arith.constant 0 : i32
      %dma_start3A_302 = arith.constant 0 : i32
      %dma_start3A_303 = tpu.memref_slice %arg19[%dma_start3A_301, %dma_start3A_302] : memref<128x128xf32, #tpu.memory_space<vmem>> -> memref<80x128xf32, #tpu.memory_space<vmem>>
      tpu.enqueue_dma source(%dma_start3A_303 : memref<80x128xf32, #tpu.memory_space<vmem>>) target(%dma_start3A_300 : memref<80x128xf32, #tpu.memory_space<hbm>>) target_semaphore(%arg29 : memref<!tpu.dma_semaphore, #tpu.memory_space<semaphore_mem>>)
      %add3A_304 = arith.constant 2 : i32
      %add3A_305 = arith.addi %add3A_279, %add3A_304 : i32
      %lt3A = arith.constant 4 : i32
      %lt3A_306 = arith.cmpi slt, %add3A_305, %lt3A : i32
      %convert_element_type3A = arith.extui %lt3A_306 : i1 to i32
      %cond3A = arith.constant 0 : i32
      %cond3A_307 = arith.cmpi ne, %convert_element_type3A, %cond3A : i32
      scf.if %cond3A_307 {
        %add3A_343 = arith.constant 2 : i32
        %add3A_344 = arith.addi %add3A_279, %add3A_343 : i32
        %dma_wait3A_345 = arith.constant 0 : i32
        %dma_wait3A_346 = arith.constant 0 : i32
        %dma_wait3A_347 = tpu.memref_slice %arg19[%dma_wait3A_345, %dma_wait3A_346] : memref<128x128xf32, #tpu.memory_space<vmem>> -> memref<80x128xf32, #tpu.memory_space<vmem>>
        %dma_wait3A_348 = arith.constant 0 : i32
        %dma_wait3A_349 = arith.constant 0 : i32
        %dma_wait3A_350 = tpu.memref_slice %arg12[%dma_wait3A_348, %dma_wait3A_349] : memref<10240x128xf32, #tpu.memory_space<hbm>> -> memref<80x128xf32, #tpu.memory_space<hbm>>
        %dma_wait3A_351 = arith.constant 0 : i32
        %dma_wait3A_352 = arith.constant 0 : i32
        %dma_wait3A_353 = tpu.memref_slice %arg12[%dma_wait3A_351, %dma_wait3A_352] : memref<10240x128xf32, #tpu.memory_space<hbm>> -> memref<80x128xf32, #tpu.memory_space<hbm>>
        %dma_wait3A_354 = arith.constant 0 : i32
        %dma_wait3A_355 = arith.constant 0 : i32
        %dma_wait3A_356 = tpu.memref_slice %arg19[%dma_wait3A_354, %dma_wait3A_355] : memref<128x128xf32, #tpu.memory_space<vmem>> -> memref<80x128xf32, #tpu.memory_space<vmem>>
        tpu.wait_dma2 semaphore(%arg29 : memref<!tpu.dma_semaphore, #tpu.memory_space<semaphore_mem>>) src(%dma_wait3A_356 : memref<80x128xf32, #tpu.memory_space<vmem>>) dst(%dma_wait3A_353 : memref<80x128xf32, #tpu.memory_space<hbm>>)
        %mul3A_357 = arith.constant 80 : i32
        %mul3A_358 = arith.muli %add3A_344, %mul3A_357 : i32
        %dma_start3A_359 = arith.constant 0 : i32
        %dma_start3A_360 = arith.constant 0 : i32
        %dma_start3A_361 = tpu.memref_slice %arg19[%dma_start3A_359, %dma_start3A_360] : memref<128x128xf32, #tpu.memory_space<vmem>> -> memref<80x128xf32, #tpu.memory_space<vmem>>
        %dma_start3A_362 = tpu.memref_slice %arg23[%mul3A_358] : memref<320xi32, #tpu.memory_space<vmem>> -> memref<80xi32, #tpu.memory_space<vmem>>
        %dma_start3A_363 = arith.constant 0 : i32
        %dma_start3A_364 = arith.constant 0 : i32
        %dma_start3A_365 = tpu.memref_slice %arg2[%dma_start3A_363, %dma_start3A_364] : memref<100000x128xf32, #tpu.memory_space<hbm>> -> memref<100000x128xf32, #tpu.memory_space<hbm>>
        tpu.enqueue_indirect_dma source(%dma_start3A_365 : memref<100000x128xf32, #tpu.memory_space<hbm>>) target(%dma_start3A_361 : memref<80x128xf32, #tpu.memory_space<vmem>>) offsets(%dma_start3A_362 : memref<80xi32, #tpu.memory_space<vmem>>) semaphore(%arg25 : memref<!tpu.dma_semaphore, #tpu.memory_space<semaphore_mem>>)
      } else {
      }
      %mul3A_308 = arith.constant 2 : i32
      %mul3A_309 = arith.muli %mul3A_308, %add3A_275 : i32
      %add3A_310 = arith.constant 1 : i32
      %add3A_311 = arith.addi %mul3A_309, %add3A_310 : i32
      %mul3A_312 = arith.constant 320 : i32
      %mul3A_313 = arith.muli %add3A, %mul3A_312 : i32
      %mul3A_314 = arith.constant 80 : i32
      %mul3A_315 = arith.muli %add3A_311, %mul3A_314 : i32
      %add3A_316 = arith.addi %mul3A_313, %mul3A_315 : i32
      %mul3A_317 = arith.constant 80 : i32
      %mul3A_318 = arith.muli %add3A_311, %mul3A_317 : i32
      %dma_wait3A_319 = arith.constant 0 : i32
      %dma_wait3A_320 = arith.constant 0 : i32
      %dma_wait3A_321 = tpu.memref_slice %arg20[%dma_wait3A_319, %dma_wait3A_320] : memref<128x128xf32, #tpu.memory_space<vmem>> -> memref<80x128xf32, #tpu.memory_space<vmem>>
      %dma_wait3A_322 = tpu.memref_slice %arg23[%mul3A_318] : memref<320xi32, #tpu.memory_space<vmem>> -> memref<80xi32, #tpu.memory_space<vmem>>
      %dma_wait3A_323 = arith.constant 0 : i32
      %dma_wait3A_324 = arith.constant 0 : i32
      %dma_wait3A_325 = tpu.memref_slice %arg2[%dma_wait3A_323, %dma_wait3A_324] : memref<100000x128xf32, #tpu.memory_space<hbm>> -> memref<100000x128xf32, #tpu.memory_space<hbm>>
      tpu.wait_indirect_dma semaphore(%arg26 : memref<!tpu.dma_semaphore, #tpu.memory_space<semaphore_mem>>) src(%dma_wait3A_325 : memref<100000x128xf32, #tpu.memory_space<hbm>>) dst(%dma_wait3A_321 : memref<80x128xf32, #tpu.memory_space<vmem>>)
      %dma_start3A_326 = arith.constant 0 : i32
      %dma_start3A_327 = arith.constant 0 : i32
      %dma_start3A_328 = tpu.memref_slice %arg20[%dma_start3A_326, %dma_start3A_327] : memref<128x128xf32, #tpu.memory_space<vmem>> -> memref<80x128xf32, #tpu.memory_space<vmem>>
      %dma_start3A_329 = arith.constant 0 : i32
      %dma_start3A_330 = tpu.memref_slice %arg12[%add3A_316, %dma_start3A_329] : memref<10240x128xf32, #tpu.memory_space<hbm>> -> memref<80x128xf32, #tpu.memory_space<hbm>>
      %dma_start3A_331 = arith.constant 0 : i32
      %dma_start3A_332 = tpu.memref_slice %arg12[%add3A_316, %dma_start3A_331] : memref<10240x128xf32, #tpu.memory_space<hbm>> -> memref<80x128xf32, #tpu.memory_space<hbm>>
      %dma_start3A_333 = arith.constant 0 : i32
      %dma_start3A_334 = arith.constant 0 : i32
      %dma_start3A_335 = tpu.memref_slice %arg20[%dma_start3A_333, %dma_start3A_334] : memref<128x128xf32, #tpu.memory_space<vmem>> -> memref<80x128xf32, #tpu.memory_space<vmem>>
      tpu.enqueue_dma source(%dma_start3A_335 : memref<80x128xf32, #tpu.memory_space<vmem>>) target(%dma_start3A_332 : memref<80x128xf32, #tpu.memory_space<hbm>>) target_semaphore(%arg30 : memref<!tpu.dma_semaphore, #tpu.memory_space<semaphore_mem>>)
      %add3A_336 = arith.constant 2 : i32
      %add3A_337 = arith.addi %add3A_311, %add3A_336 : i32
      %lt3A_338 = arith.constant 4 : i32
      %lt3A_339 = arith.cmpi slt, %add3A_337, %lt3A_338 : i32
      %convert_element_type3A_340 = arith.extui %lt3A_339 : i1 to i32
      %cond3A_341 = arith.constant 0 : i32
      %cond3A_342 = arith.cmpi ne, %convert_element_type3A_340, %cond3A_341 : i32
      scf.if %cond3A_342 {
        %add3A_343 = arith.constant 2 : i32
        %add3A_344 = arith.addi %add3A_311, %add3A_343 : i32
        %dma_wait3A_345 = arith.constant 0 : i32
        %dma_wait3A_346 = arith.constant 0 : i32
        %dma_wait3A_347 = tpu.memref_slice %arg20[%dma_wait3A_345, %dma_wait3A_346] : memref<128x128xf32, #tpu.memory_space<vmem>> -> memref<80x128xf32, #tpu.memory_space<vmem>>
        %dma_wait3A_348 = arith.constant 0 : i32
        %dma_wait3A_349 = arith.constant 0 : i32
        %dma_wait3A_350 = tpu.memref_slice %arg12[%dma_wait3A_348, %dma_wait3A_349] : memref<10240x128xf32, #tpu.memory_space<hbm>> -> memref<80x128xf32, #tpu.memory_space<hbm>>
        %dma_wait3A_351 = arith.constant 0 : i32
        %dma_wait3A_352 = arith.constant 0 : i32
        %dma_wait3A_353 = tpu.memref_slice %arg12[%dma_wait3A_351, %dma_wait3A_352] : memref<10240x128xf32, #tpu.memory_space<hbm>> -> memref<80x128xf32, #tpu.memory_space<hbm>>
        %dma_wait3A_354 = arith.constant 0 : i32
        %dma_wait3A_355 = arith.constant 0 : i32
        %dma_wait3A_356 = tpu.memref_slice %arg20[%dma_wait3A_354, %dma_wait3A_355] : memref<128x128xf32, #tpu.memory_space<vmem>> -> memref<80x128xf32, #tpu.memory_space<vmem>>
        tpu.wait_dma2 semaphore(%arg30 : memref<!tpu.dma_semaphore, #tpu.memory_space<semaphore_mem>>) src(%dma_wait3A_356 : memref<80x128xf32, #tpu.memory_space<vmem>>) dst(%dma_wait3A_353 : memref<80x128xf32, #tpu.memory_space<hbm>>)
        %mul3A_357 = arith.constant 80 : i32
        %mul3A_358 = arith.muli %add3A_344, %mul3A_357 : i32
        %dma_start3A_359 = arith.constant 0 : i32
        %dma_start3A_360 = arith.constant 0 : i32
        %dma_start3A_361 = tpu.memref_slice %arg20[%dma_start3A_359, %dma_start3A_360] : memref<128x128xf32, #tpu.memory_space<vmem>> -> memref<80x128xf32, #tpu.memory_space<vmem>>
        %dma_start3A_362 = tpu.memref_slice %arg23[%mul3A_358] : memref<320xi32, #tpu.memory_space<vmem>> -> memref<80xi32, #tpu.memory_space<vmem>>
        %dma_start3A_363 = arith.constant 0 : i32
        %dma_start3A_364 = arith.constant 0 : i32
        %dma_start3A_365 = tpu.memref_slice %arg2[%dma_start3A_363, %dma_start3A_364] : memref<100000x128xf32, #tpu.memory_space<hbm>> -> memref<100000x128xf32, #tpu.memory_space<hbm>>
        tpu.enqueue_indirect_dma source(%dma_start3A_365 : memref<100000x128xf32, #tpu.memory_space<hbm>>) target(%dma_start3A_361 : memref<80x128xf32, #tpu.memory_space<vmem>>) offsets(%dma_start3A_362 : memref<80xi32, #tpu.memory_space<vmem>>) semaphore(%arg26 : memref<!tpu.dma_semaphore, #tpu.memory_space<semaphore_mem>>)
      } else {
      }
    }
    %scan3A_246 = arith.constant 2 : i32
    %dma_wait3A_247 = arith.constant 0 : i32
    %dma_wait3A_248 = arith.constant 0 : i32
    %dma_wait3A_249 = tpu.memref_slice %arg19[%dma_wait3A_247, %dma_wait3A_248] : memref<128x128xf32, #tpu.memory_space<vmem>> -> memref<80x128xf32, #tpu.memory_space<vmem>>
    %dma_wait3A_250 = arith.constant 0 : i32
    %dma_wait3A_251 = arith.constant 0 : i32
    %dma_wait3A_252 = tpu.memref_slice %arg12[%dma_wait3A_250, %dma_wait3A_251] : memref<10240x128xf32, #tpu.memory_space<hbm>> -> memref<80x128xf32, #tpu.memory_space<hbm>>
    %dma_wait3A_253 = arith.constant 0 : i32
    %dma_wait3A_254 = arith.constant 0 : i32
    %dma_wait3A_255 = tpu.memref_slice %arg12[%dma_wait3A_253, %dma_wait3A_254] : memref<10240x128xf32, #tpu.memory_space<hbm>> -> memref<80x128xf32, #tpu.memory_space<hbm>>
    %dma_wait3A_256 = arith.constant 0 : i32
    %dma_wait3A_257 = arith.constant 0 : i32
    %dma_wait3A_258 = tpu.memref_slice %arg19[%dma_wait3A_256, %dma_wait3A_257] : memref<128x128xf32, #tpu.memory_space<vmem>> -> memref<80x128xf32, #tpu.memory_space<vmem>>
    tpu.wait_dma2 semaphore(%arg29 : memref<!tpu.dma_semaphore, #tpu.memory_space<semaphore_mem>>) src(%dma_wait3A_258 : memref<80x128xf32, #tpu.memory_space<vmem>>) dst(%dma_wait3A_255 : memref<80x128xf32, #tpu.memory_space<hbm>>)
    %dma_wait3A_259 = arith.constant 0 : i32
    %dma_wait3A_260 = arith.constant 0 : i32
    %dma_wait3A_261 = tpu.memref_slice %arg20[%dma_wait3A_259, %dma_wait3A_260] : memref<128x128xf32, #tpu.memory_space<vmem>> -> memref<80x128xf32, #tpu.memory_space<vmem>>
    %dma_wait3A_262 = arith.constant 0 : i32
    %dma_wait3A_263 = arith.constant 0 : i32
    %dma_wait3A_264 = tpu.memref_slice %arg12[%dma_wait3A_262, %dma_wait3A_263] : memref<10240x128xf32, #tpu.memory_space<hbm>> -> memref<80x128xf32, #tpu.memory_space<hbm>>
    %dma_wait3A_265 = arith.constant 0 : i32
    %dma_wait3A_266 = arith.constant 0 : i32
    %dma_wait3A_267 = tpu.memref_slice %arg12[%dma_wait3A_265, %dma_wait3A_266] : memref<10240x128xf32, #tpu.memory_space<hbm>> -> memref<80x128xf32, #tpu.memory_space<hbm>>
    %dma_wait3A_268 = arith.constant 0 : i32
    %dma_wait3A_269 = arith.constant 0 : i32
    %dma_wait3A_270 = tpu.memref_slice %arg20[%dma_wait3A_268, %dma_wait3A_269] : memref<128x128xf32, #tpu.memory_space<vmem>> -> memref<80x128xf32, #tpu.memory_space<vmem>>
    tpu.wait_dma2 semaphore(%arg30 : memref<!tpu.dma_semaphore, #tpu.memory_space<semaphore_mem>>) src(%dma_wait3A_270 : memref<80x128xf32, #tpu.memory_space<vmem>>) dst(%dma_wait3A_267 : memref<80x128xf32, #tpu.memory_space<hbm>>)
    return
  }
}

#map = affine_map<(d0, d1) -> (0, 0)>
#map1 = affine_map<(d0, d1) -> (0)>
module attributes {stable_mosaic.version = 14 : i64} {
  func.func @gather_kernel(%arg0: i32, %arg1: i32, %arg2: memref<100000x128xf32, #tpu.memory_space<hbm>>, %arg3: memref<100000xf32, #tpu.memory_space<hbm>>, %arg4: memref<100000xf32, #tpu.memory_space<hbm>>, %arg5: memref<100000x128xi32, #tpu.memory_space<hbm>>, %arg6: memref<1024xi32, #tpu.memory_space<hbm>>, %arg7: memref<1024xi32, #tpu.memory_space<hbm>>, %arg8: memref<51200xi32, #tpu.memory_space<hbm>>, %arg9: memref<1024x128xf32, #tpu.memory_space<hbm>>, %arg10: memref<1024x128xf32, #tpu.memory_space<hbm>>, %arg11: memref<51200x128xf32, #tpu.memory_space<hbm>>, %arg12: memref<10240x128xf32, #tpu.memory_space<hbm>>, %arg13: memref<1024x128xi32, #tpu.memory_space<hbm>>, %arg14: memref<1024xf32, #tpu.memory_space<hbm>>, %arg15: memref<1024xf32, #tpu.memory_space<hbm>>, %arg16: memref<51200xf32, #tpu.memory_space<hbm>>, %arg17: memref<128xi32, #tpu.memory_space<vmem>>, %arg18: memref<128xi32, #tpu.memory_space<vmem>>, %arg19: memref<128x128xf32, #tpu.memory_space<vmem>>, %arg20: memref<128x128xf32, #tpu.memory_space<vmem>>, %arg21: memref<128xf32, #tpu.memory_space<vmem>>, %arg22: memref<128xf32, #tpu.memory_space<vmem>>, %arg23: memref<320xi32, #tpu.memory_space<vmem>>, %arg24: memref<128x128xi32, #tpu.memory_space<vmem>>, %arg25: memref<!tpu.dma_semaphore, #tpu.memory_space<semaphore_mem>>, %arg26: memref<!tpu.dma_semaphore, #tpu.memory_space<semaphore_mem>>, %arg27: memref<!tpu.dma_semaphore, #tpu.memory_space<semaphore_mem>>, %arg28: memref<!tpu.dma_semaphore, #tpu.memory_space<semaphore_mem>>, %arg29: memref<!tpu.dma_semaphore, #tpu.memory_space<semaphore_mem>>, %arg30: memref<!tpu.dma_semaphore, #tpu.memory_space<semaphore_mem>>, %arg31: memref<!tpu.dma_semaphore, #tpu.memory_space<semaphore_mem>>, %arg32: memref<!tpu.dma_semaphore, #tpu.memory_space<semaphore_mem>>) attributes {dimension_semantics = [#tpu.dimension_semantics<core_parallel>, #tpu.dimension_semantics<subcore_parallel>], iteration_bounds = array<i64: 2, 16>, scalar_prefetch = 0 : i64, scratch_operands = 16 : i64, tpu.core_type = #tpu.core_type<sc_vector_subcore>, window_params = [{transform_indices = #map}, {transform_indices = #map1}, {transform_indices = #map1}, {transform_indices = #map}, {transform_indices = #map1}, {transform_indices = #map1}, {transform_indices = #map1}, {transform_indices = #map}, {transform_indices = #map}, {transform_indices = #map}, {transform_indices = #map}, {transform_indices = #map}, {transform_indices = #map1}, {transform_indices = #map1}, {transform_indices = #map1}]} {
    %mul3A = arith.constant 2 : i32
    %mul3A_0 = arith.muli %arg1, %mul3A : i32
    %add3A = arith.addi %mul3A_0, %arg0 : i32
    %mul3A_1 = arith.constant 32 : i32
    %mul3A_2 = arith.muli %add3A, %mul3A_1 : i32
    "tpu.region"() ({
      %run_scoped3A = tpu.sem_alloc : memref<!tpu.dma_semaphore, #tpu.memory_space<semaphore_mem>>
      %dma_start3A_271 = arith.constant 0 : i32
      %dma_start3A_272 = tpu.memref_slice %arg17[%dma_start3A_271] : memref<128xi32, #tpu.memory_space<vmem>> -> memref<32xi32, #tpu.memory_space<vmem>>
      %dma_start3A_273 = tpu.memref_slice %arg6[%mul3A_2] : memref<1024xi32, #tpu.memory_space<hbm>> -> memref<32xi32, #tpu.memory_space<hbm>>
      %dma_start3A_274 = arith.constant 0 : i32
      %dma_start3A_275 = tpu.memref_slice %arg17[%dma_start3A_274] : memref<128xi32, #tpu.memory_space<vmem>> -> memref<32xi32, #tpu.memory_space<vmem>>
      %dma_start3A_276 = tpu.memref_slice %arg6[%mul3A_2] : memref<1024xi32, #tpu.memory_space<hbm>> -> memref<32xi32, #tpu.memory_space<hbm>>
      tpu.enqueue_dma source(%dma_start3A_276 : memref<32xi32, #tpu.memory_space<hbm>>) target(%dma_start3A_275 : memref<32xi32, #tpu.memory_space<vmem>>) target_semaphore(%run_scoped3A : memref<!tpu.dma_semaphore, #tpu.memory_space<semaphore_mem>>)
      %dma_wait3A_277 = arith.constant 0 : i32
      %dma_wait3A_278 = tpu.memref_slice %arg17[%dma_wait3A_277] : memref<128xi32, #tpu.memory_space<vmem>> -> memref<32xi32, #tpu.memory_space<vmem>>
      %dma_wait3A_279 = tpu.memref_slice %arg6[%mul3A_2] : memref<1024xi32, #tpu.memory_space<hbm>> -> memref<32xi32, #tpu.memory_space<hbm>>
      %dma_wait3A_280 = arith.constant 0 : i32
      %dma_wait3A_281 = tpu.memref_slice %arg17[%dma_wait3A_280] : memref<128xi32, #tpu.memory_space<vmem>> -> memref<32xi32, #tpu.memory_space<vmem>>
      %dma_wait3A_282 = tpu.memref_slice %arg6[%mul3A_2] : memref<1024xi32, #tpu.memory_space<hbm>> -> memref<32xi32, #tpu.memory_space<hbm>>
      tpu.wait_dma2 semaphore(%run_scoped3A : memref<!tpu.dma_semaphore, #tpu.memory_space<semaphore_mem>>) src(%dma_wait3A_282 : memref<32xi32, #tpu.memory_space<hbm>>) dst(%dma_wait3A_281 : memref<32xi32, #tpu.memory_space<vmem>>)
      tpu.yield
    }) : () -> ()
    %dma_start3A = arith.constant 0 : i32
    %dma_start3A_3 = arith.constant 0 : i32
    %dma_start3A_4 = tpu.memref_slice %arg19[%dma_start3A, %dma_start3A_3] : memref<128x128xf32, #tpu.memory_space<vmem>> -> memref<32x128xf32, #tpu.memory_space<vmem>>
    %dma_start3A_5 = arith.constant 0 : i32
    %dma_start3A_6 = tpu.memref_slice %arg17[%dma_start3A_5] : memref<128xi32, #tpu.memory_space<vmem>> -> memref<32xi32, #tpu.memory_space<vmem>>
    %dma_start3A_7 = arith.constant 0 : i32
    %dma_start3A_8 = arith.constant 0 : i32
    %dma_start3A_9 = tpu.memref_slice %arg2[%dma_start3A_7, %dma_start3A_8] : memref<100000x128xf32, #tpu.memory_space<hbm>> -> memref<100000x128xf32, #tpu.memory_space<hbm>>
    tpu.enqueue_indirect_dma source(%dma_start3A_9 : memref<100000x128xf32, #tpu.memory_space<hbm>>) target(%dma_start3A_4 : memref<32x128xf32, #tpu.memory_space<vmem>>) offsets(%dma_start3A_6 : memref<32xi32, #tpu.memory_space<vmem>>) semaphore(%arg25 : memref<!tpu.dma_semaphore, #tpu.memory_space<semaphore_mem>>)
    %dma_start3A_10 = arith.constant 0 : i32
    %dma_start3A_11 = tpu.memref_slice %arg21[%dma_start3A_10] : memref<128xf32, #tpu.memory_space<vmem>> -> memref<32xf32, #tpu.memory_space<vmem>>
    %dma_start3A_12 = arith.constant 0 : i32
    %dma_start3A_13 = tpu.memref_slice %arg17[%dma_start3A_12] : memref<128xi32, #tpu.memory_space<vmem>> -> memref<32xi32, #tpu.memory_space<vmem>>
    %dma_start3A_14 = arith.constant 0 : i32
    %dma_start3A_15 = tpu.memref_slice %arg3[%dma_start3A_14] : memref<100000xf32, #tpu.memory_space<hbm>> -> memref<100000xf32, #tpu.memory_space<hbm>>
    tpu.enqueue_indirect_dma source(%dma_start3A_15 : memref<100000xf32, #tpu.memory_space<hbm>>) target(%dma_start3A_11 : memref<32xf32, #tpu.memory_space<vmem>>) offsets(%dma_start3A_13 : memref<32xi32, #tpu.memory_space<vmem>>) semaphore(%arg27 : memref<!tpu.dma_semaphore, #tpu.memory_space<semaphore_mem>>)
    "tpu.region"() ({
      %run_scoped3A = tpu.sem_alloc : memref<!tpu.dma_semaphore, #tpu.memory_space<semaphore_mem>>
      %dma_start3A_271 = arith.constant 0 : i32
      %dma_start3A_272 = tpu.memref_slice %arg18[%dma_start3A_271] : memref<128xi32, #tpu.memory_space<vmem>> -> memref<32xi32, #tpu.memory_space<vmem>>
      %dma_start3A_273 = tpu.memref_slice %arg7[%mul3A_2] : memref<1024xi32, #tpu.memory_space<hbm>> -> memref<32xi32, #tpu.memory_space<hbm>>
      %dma_start3A_274 = arith.constant 0 : i32
      %dma_start3A_275 = tpu.memref_slice %arg18[%dma_start3A_274] : memref<128xi32, #tpu.memory_space<vmem>> -> memref<32xi32, #tpu.memory_space<vmem>>
      %dma_start3A_276 = tpu.memref_slice %arg7[%mul3A_2] : memref<1024xi32, #tpu.memory_space<hbm>> -> memref<32xi32, #tpu.memory_space<hbm>>
      tpu.enqueue_dma source(%dma_start3A_276 : memref<32xi32, #tpu.memory_space<hbm>>) target(%dma_start3A_275 : memref<32xi32, #tpu.memory_space<vmem>>) target_semaphore(%run_scoped3A : memref<!tpu.dma_semaphore, #tpu.memory_space<semaphore_mem>>)
      %dma_wait3A_277 = arith.constant 0 : i32
      %dma_wait3A_278 = tpu.memref_slice %arg18[%dma_wait3A_277] : memref<128xi32, #tpu.memory_space<vmem>> -> memref<32xi32, #tpu.memory_space<vmem>>
      %dma_wait3A_279 = tpu.memref_slice %arg7[%mul3A_2] : memref<1024xi32, #tpu.memory_space<hbm>> -> memref<32xi32, #tpu.memory_space<hbm>>
      %dma_wait3A_280 = arith.constant 0 : i32
      %dma_wait3A_281 = tpu.memref_slice %arg18[%dma_wait3A_280] : memref<128xi32, #tpu.memory_space<vmem>> -> memref<32xi32, #tpu.memory_space<vmem>>
      %dma_wait3A_282 = tpu.memref_slice %arg7[%mul3A_2] : memref<1024xi32, #tpu.memory_space<hbm>> -> memref<32xi32, #tpu.memory_space<hbm>>
      tpu.wait_dma2 semaphore(%run_scoped3A : memref<!tpu.dma_semaphore, #tpu.memory_space<semaphore_mem>>) src(%dma_wait3A_282 : memref<32xi32, #tpu.memory_space<hbm>>) dst(%dma_wait3A_281 : memref<32xi32, #tpu.memory_space<vmem>>)
      tpu.yield
    }) : () -> ()
    %dma_start3A_16 = arith.constant 0 : i32
    %dma_start3A_17 = arith.constant 0 : i32
    %dma_start3A_18 = tpu.memref_slice %arg20[%dma_start3A_16, %dma_start3A_17] : memref<128x128xf32, #tpu.memory_space<vmem>> -> memref<32x128xf32, #tpu.memory_space<vmem>>
    %dma_start3A_19 = arith.constant 0 : i32
    %dma_start3A_20 = tpu.memref_slice %arg18[%dma_start3A_19] : memref<128xi32, #tpu.memory_space<vmem>> -> memref<32xi32, #tpu.memory_space<vmem>>
    %dma_start3A_21 = arith.constant 0 : i32
    %dma_start3A_22 = arith.constant 0 : i32
    %dma_start3A_23 = tpu.memref_slice %arg2[%dma_start3A_21, %dma_start3A_22] : memref<100000x128xf32, #tpu.memory_space<hbm>> -> memref<100000x128xf32, #tpu.memory_space<hbm>>
    tpu.enqueue_indirect_dma source(%dma_start3A_23 : memref<100000x128xf32, #tpu.memory_space<hbm>>) target(%dma_start3A_18 : memref<32x128xf32, #tpu.memory_space<vmem>>) offsets(%dma_start3A_20 : memref<32xi32, #tpu.memory_space<vmem>>) semaphore(%arg26 : memref<!tpu.dma_semaphore, #tpu.memory_space<semaphore_mem>>)
    %dma_start3A_24 = arith.constant 0 : i32
    %dma_start3A_25 = tpu.memref_slice %arg22[%dma_start3A_24] : memref<128xf32, #tpu.memory_space<vmem>> -> memref<32xf32, #tpu.memory_space<vmem>>
    %dma_start3A_26 = arith.constant 0 : i32
    %dma_start3A_27 = tpu.memref_slice %arg18[%dma_start3A_26] : memref<128xi32, #tpu.memory_space<vmem>> -> memref<32xi32, #tpu.memory_space<vmem>>
    %dma_start3A_28 = arith.constant 0 : i32
    %dma_start3A_29 = tpu.memref_slice %arg4[%dma_start3A_28] : memref<100000xf32, #tpu.memory_space<hbm>> -> memref<100000xf32, #tpu.memory_space<hbm>>
    tpu.enqueue_indirect_dma source(%dma_start3A_29 : memref<100000xf32, #tpu.memory_space<hbm>>) target(%dma_start3A_25 : memref<32xf32, #tpu.memory_space<vmem>>) offsets(%dma_start3A_27 : memref<32xi32, #tpu.memory_space<vmem>>) semaphore(%arg28 : memref<!tpu.dma_semaphore, #tpu.memory_space<semaphore_mem>>)
    %dma_wait3A = arith.constant 0 : i32
    %dma_wait3A_30 = arith.constant 0 : i32
    %dma_wait3A_31 = tpu.memref_slice %arg19[%dma_wait3A, %dma_wait3A_30] : memref<128x128xf32, #tpu.memory_space<vmem>> -> memref<32x128xf32, #tpu.memory_space<vmem>>
    %dma_wait3A_32 = arith.constant 0 : i32
    %dma_wait3A_33 = tpu.memref_slice %arg17[%dma_wait3A_32] : memref<128xi32, #tpu.memory_space<vmem>> -> memref<32xi32, #tpu.memory_space<vmem>>
    %dma_wait3A_34 = arith.constant 0 : i32
    %dma_wait3A_35 = arith.constant 0 : i32
    %dma_wait3A_36 = tpu.memref_slice %arg2[%dma_wait3A_34, %dma_wait3A_35] : memref<100000x128xf32, #tpu.memory_space<hbm>> -> memref<100000x128xf32, #tpu.memory_space<hbm>>
    tpu.wait_indirect_dma semaphore(%arg25 : memref<!tpu.dma_semaphore, #tpu.memory_space<semaphore_mem>>) src(%dma_wait3A_36 : memref<100000x128xf32, #tpu.memory_space<hbm>>) dst(%dma_wait3A_31 : memref<32x128xf32, #tpu.memory_space<vmem>>)
    %dma_start3A_37 = arith.constant 0 : i32
    %dma_start3A_38 = arith.constant 0 : i32
    %dma_start3A_39 = tpu.memref_slice %arg19[%dma_start3A_37, %dma_start3A_38] : memref<128x128xf32, #tpu.memory_space<vmem>> -> memref<32x128xf32, #tpu.memory_space<vmem>>
    %dma_start3A_40 = arith.constant 0 : i32
    %dma_start3A_41 = tpu.memref_slice %arg9[%mul3A_2, %dma_start3A_40] : memref<1024x128xf32, #tpu.memory_space<hbm>> -> memref<32x128xf32, #tpu.memory_space<hbm>>
    %dma_start3A_42 = arith.constant 0 : i32
    %dma_start3A_43 = tpu.memref_slice %arg9[%mul3A_2, %dma_start3A_42] : memref<1024x128xf32, #tpu.memory_space<hbm>> -> memref<32x128xf32, #tpu.memory_space<hbm>>
    %dma_start3A_44 = arith.constant 0 : i32
    %dma_start3A_45 = arith.constant 0 : i32
    %dma_start3A_46 = tpu.memref_slice %arg19[%dma_start3A_44, %dma_start3A_45] : memref<128x128xf32, #tpu.memory_space<vmem>> -> memref<32x128xf32, #tpu.memory_space<vmem>>
    tpu.enqueue_dma source(%dma_start3A_46 : memref<32x128xf32, #tpu.memory_space<vmem>>) target(%dma_start3A_43 : memref<32x128xf32, #tpu.memory_space<hbm>>) target_semaphore(%arg29 : memref<!tpu.dma_semaphore, #tpu.memory_space<semaphore_mem>>)
    %dma_wait3A_47 = arith.constant 0 : i32
    %dma_wait3A_48 = tpu.memref_slice %arg21[%dma_wait3A_47] : memref<128xf32, #tpu.memory_space<vmem>> -> memref<32xf32, #tpu.memory_space<vmem>>
    %dma_wait3A_49 = arith.constant 0 : i32
    %dma_wait3A_50 = tpu.memref_slice %arg17[%dma_wait3A_49] : memref<128xi32, #tpu.memory_space<vmem>> -> memref<32xi32, #tpu.memory_space<vmem>>
    %dma_wait3A_51 = arith.constant 0 : i32
    %dma_wait3A_52 = tpu.memref_slice %arg3[%dma_wait3A_51] : memref<100000xf32, #tpu.memory_space<hbm>> -> memref<100000xf32, #tpu.memory_space<hbm>>
    tpu.wait_indirect_dma semaphore(%arg27 : memref<!tpu.dma_semaphore, #tpu.memory_space<semaphore_mem>>) src(%dma_wait3A_52 : memref<100000xf32, #tpu.memory_space<hbm>>) dst(%dma_wait3A_48 : memref<32xf32, #tpu.memory_space<vmem>>)
    %dma_start3A_53 = arith.constant 0 : i32
    %dma_start3A_54 = tpu.memref_slice %arg21[%dma_start3A_53] : memref<128xf32, #tpu.memory_space<vmem>> -> memref<32xf32, #tpu.memory_space<vmem>>
    %dma_start3A_55 = tpu.memref_slice %arg14[%mul3A_2] : memref<1024xf32, #tpu.memory_space<hbm>> -> memref<32xf32, #tpu.memory_space<hbm>>
    %dma_start3A_56 = tpu.memref_slice %arg14[%mul3A_2] : memref<1024xf32, #tpu.memory_space<hbm>> -> memref<32xf32, #tpu.memory_space<hbm>>
    %dma_start3A_57 = arith.constant 0 : i32
    %dma_start3A_58 = tpu.memref_slice %arg21[%dma_start3A_57] : memref<128xf32, #tpu.memory_space<vmem>> -> memref<32xf32, #tpu.memory_space<vmem>>
    tpu.enqueue_dma source(%dma_start3A_58 : memref<32xf32, #tpu.memory_space<vmem>>) target(%dma_start3A_56 : memref<32xf32, #tpu.memory_space<hbm>>) target_semaphore(%arg31 : memref<!tpu.dma_semaphore, #tpu.memory_space<semaphore_mem>>)
    %dma_wait3A_59 = arith.constant 0 : i32
    %dma_wait3A_60 = arith.constant 0 : i32
    %dma_wait3A_61 = tpu.memref_slice %arg20[%dma_wait3A_59, %dma_wait3A_60] : memref<128x128xf32, #tpu.memory_space<vmem>> -> memref<32x128xf32, #tpu.memory_space<vmem>>
    %dma_wait3A_62 = arith.constant 0 : i32
    %dma_wait3A_63 = tpu.memref_slice %arg18[%dma_wait3A_62] : memref<128xi32, #tpu.memory_space<vmem>> -> memref<32xi32, #tpu.memory_space<vmem>>
    %dma_wait3A_64 = arith.constant 0 : i32
    %dma_wait3A_65 = arith.constant 0 : i32
    %dma_wait3A_66 = tpu.memref_slice %arg2[%dma_wait3A_64, %dma_wait3A_65] : memref<100000x128xf32, #tpu.memory_space<hbm>> -> memref<100000x128xf32, #tpu.memory_space<hbm>>
    tpu.wait_indirect_dma semaphore(%arg26 : memref<!tpu.dma_semaphore, #tpu.memory_space<semaphore_mem>>) src(%dma_wait3A_66 : memref<100000x128xf32, #tpu.memory_space<hbm>>) dst(%dma_wait3A_61 : memref<32x128xf32, #tpu.memory_space<vmem>>)
    %dma_start3A_67 = arith.constant 0 : i32
    %dma_start3A_68 = arith.constant 0 : i32
    %dma_start3A_69 = tpu.memref_slice %arg20[%dma_start3A_67, %dma_start3A_68] : memref<128x128xf32, #tpu.memory_space<vmem>> -> memref<32x128xf32, #tpu.memory_space<vmem>>
    %dma_start3A_70 = arith.constant 0 : i32
    %dma_start3A_71 = tpu.memref_slice %arg10[%mul3A_2, %dma_start3A_70] : memref<1024x128xf32, #tpu.memory_space<hbm>> -> memref<32x128xf32, #tpu.memory_space<hbm>>
    %dma_start3A_72 = arith.constant 0 : i32
    %dma_start3A_73 = tpu.memref_slice %arg10[%mul3A_2, %dma_start3A_72] : memref<1024x128xf32, #tpu.memory_space<hbm>> -> memref<32x128xf32, #tpu.memory_space<hbm>>
    %dma_start3A_74 = arith.constant 0 : i32
    %dma_start3A_75 = arith.constant 0 : i32
    %dma_start3A_76 = tpu.memref_slice %arg20[%dma_start3A_74, %dma_start3A_75] : memref<128x128xf32, #tpu.memory_space<vmem>> -> memref<32x128xf32, #tpu.memory_space<vmem>>
    tpu.enqueue_dma source(%dma_start3A_76 : memref<32x128xf32, #tpu.memory_space<vmem>>) target(%dma_start3A_73 : memref<32x128xf32, #tpu.memory_space<hbm>>) target_semaphore(%arg30 : memref<!tpu.dma_semaphore, #tpu.memory_space<semaphore_mem>>)
    %dma_wait3A_77 = arith.constant 0 : i32
    %dma_wait3A_78 = tpu.memref_slice %arg22[%dma_wait3A_77] : memref<128xf32, #tpu.memory_space<vmem>> -> memref<32xf32, #tpu.memory_space<vmem>>
    %dma_wait3A_79 = arith.constant 0 : i32
    %dma_wait3A_80 = tpu.memref_slice %arg18[%dma_wait3A_79] : memref<128xi32, #tpu.memory_space<vmem>> -> memref<32xi32, #tpu.memory_space<vmem>>
    %dma_wait3A_81 = arith.constant 0 : i32
    %dma_wait3A_82 = tpu.memref_slice %arg4[%dma_wait3A_81] : memref<100000xf32, #tpu.memory_space<hbm>> -> memref<100000xf32, #tpu.memory_space<hbm>>
    tpu.wait_indirect_dma semaphore(%arg28 : memref<!tpu.dma_semaphore, #tpu.memory_space<semaphore_mem>>) src(%dma_wait3A_82 : memref<100000xf32, #tpu.memory_space<hbm>>) dst(%dma_wait3A_78 : memref<32xf32, #tpu.memory_space<vmem>>)
    %dma_start3A_83 = arith.constant 0 : i32
    %dma_start3A_84 = tpu.memref_slice %arg22[%dma_start3A_83] : memref<128xf32, #tpu.memory_space<vmem>> -> memref<32xf32, #tpu.memory_space<vmem>>
    %dma_start3A_85 = tpu.memref_slice %arg15[%mul3A_2] : memref<1024xf32, #tpu.memory_space<hbm>> -> memref<32xf32, #tpu.memory_space<hbm>>
    %dma_start3A_86 = tpu.memref_slice %arg15[%mul3A_2] : memref<1024xf32, #tpu.memory_space<hbm>> -> memref<32xf32, #tpu.memory_space<hbm>>
    %dma_start3A_87 = arith.constant 0 : i32
    %dma_start3A_88 = tpu.memref_slice %arg22[%dma_start3A_87] : memref<128xf32, #tpu.memory_space<vmem>> -> memref<32xf32, #tpu.memory_space<vmem>>
    tpu.enqueue_dma source(%dma_start3A_88 : memref<32xf32, #tpu.memory_space<vmem>>) target(%dma_start3A_86 : memref<32xf32, #tpu.memory_space<hbm>>) target_semaphore(%arg32 : memref<!tpu.dma_semaphore, #tpu.memory_space<semaphore_mem>>)
    %dma_wait3A_89 = arith.constant 0 : i32
    %dma_wait3A_90 = arith.constant 0 : i32
    %dma_wait3A_91 = tpu.memref_slice %arg19[%dma_wait3A_89, %dma_wait3A_90] : memref<128x128xf32, #tpu.memory_space<vmem>> -> memref<32x128xf32, #tpu.memory_space<vmem>>
    %dma_wait3A_92 = arith.constant 0 : i32
    %dma_wait3A_93 = tpu.memref_slice %arg9[%mul3A_2, %dma_wait3A_92] : memref<1024x128xf32, #tpu.memory_space<hbm>> -> memref<32x128xf32, #tpu.memory_space<hbm>>
    %dma_wait3A_94 = arith.constant 0 : i32
    %dma_wait3A_95 = tpu.memref_slice %arg9[%mul3A_2, %dma_wait3A_94] : memref<1024x128xf32, #tpu.memory_space<hbm>> -> memref<32x128xf32, #tpu.memory_space<hbm>>
    %dma_wait3A_96 = arith.constant 0 : i32
    %dma_wait3A_97 = arith.constant 0 : i32
    %dma_wait3A_98 = tpu.memref_slice %arg19[%dma_wait3A_96, %dma_wait3A_97] : memref<128x128xf32, #tpu.memory_space<vmem>> -> memref<32x128xf32, #tpu.memory_space<vmem>>
    tpu.wait_dma2 semaphore(%arg29 : memref<!tpu.dma_semaphore, #tpu.memory_space<semaphore_mem>>) src(%dma_wait3A_98 : memref<32x128xf32, #tpu.memory_space<vmem>>) dst(%dma_wait3A_95 : memref<32x128xf32, #tpu.memory_space<hbm>>)
    %dma_wait3A_99 = arith.constant 0 : i32
    %dma_wait3A_100 = arith.constant 0 : i32
    %dma_wait3A_101 = tpu.memref_slice %arg20[%dma_wait3A_99, %dma_wait3A_100] : memref<128x128xf32, #tpu.memory_space<vmem>> -> memref<32x128xf32, #tpu.memory_space<vmem>>
    %dma_wait3A_102 = arith.constant 0 : i32
    %dma_wait3A_103 = tpu.memref_slice %arg10[%mul3A_2, %dma_wait3A_102] : memref<1024x128xf32, #tpu.memory_space<hbm>> -> memref<32x128xf32, #tpu.memory_space<hbm>>
    %dma_wait3A_104 = arith.constant 0 : i32
    %dma_wait3A_105 = tpu.memref_slice %arg10[%mul3A_2, %dma_wait3A_104] : memref<1024x128xf32, #tpu.memory_space<hbm>> -> memref<32x128xf32, #tpu.memory_space<hbm>>
    %dma_wait3A_106 = arith.constant 0 : i32
    %dma_wait3A_107 = arith.constant 0 : i32
    %dma_wait3A_108 = tpu.memref_slice %arg20[%dma_wait3A_106, %dma_wait3A_107] : memref<128x128xf32, #tpu.memory_space<vmem>> -> memref<32x128xf32, #tpu.memory_space<vmem>>
    tpu.wait_dma2 semaphore(%arg30 : memref<!tpu.dma_semaphore, #tpu.memory_space<semaphore_mem>>) src(%dma_wait3A_108 : memref<32x128xf32, #tpu.memory_space<vmem>>) dst(%dma_wait3A_105 : memref<32x128xf32, #tpu.memory_space<hbm>>)
    %dma_wait3A_109 = arith.constant 0 : i32
    %dma_wait3A_110 = tpu.memref_slice %arg21[%dma_wait3A_109] : memref<128xf32, #tpu.memory_space<vmem>> -> memref<32xf32, #tpu.memory_space<vmem>>
    %dma_wait3A_111 = tpu.memref_slice %arg14[%mul3A_2] : memref<1024xf32, #tpu.memory_space<hbm>> -> memref<32xf32, #tpu.memory_space<hbm>>
    %dma_wait3A_112 = tpu.memref_slice %arg14[%mul3A_2] : memref<1024xf32, #tpu.memory_space<hbm>> -> memref<32xf32, #tpu.memory_space<hbm>>
    %dma_wait3A_113 = arith.constant 0 : i32
    %dma_wait3A_114 = tpu.memref_slice %arg21[%dma_wait3A_113] : memref<128xf32, #tpu.memory_space<vmem>> -> memref<32xf32, #tpu.memory_space<vmem>>
    tpu.wait_dma2 semaphore(%arg31 : memref<!tpu.dma_semaphore, #tpu.memory_space<semaphore_mem>>) src(%dma_wait3A_114 : memref<32xf32, #tpu.memory_space<vmem>>) dst(%dma_wait3A_112 : memref<32xf32, #tpu.memory_space<hbm>>)
    %dma_wait3A_115 = arith.constant 0 : i32
    %dma_wait3A_116 = tpu.memref_slice %arg22[%dma_wait3A_115] : memref<128xf32, #tpu.memory_space<vmem>> -> memref<32xf32, #tpu.memory_space<vmem>>
    %dma_wait3A_117 = tpu.memref_slice %arg15[%mul3A_2] : memref<1024xf32, #tpu.memory_space<hbm>> -> memref<32xf32, #tpu.memory_space<hbm>>
    %dma_wait3A_118 = tpu.memref_slice %arg15[%mul3A_2] : memref<1024xf32, #tpu.memory_space<hbm>> -> memref<32xf32, #tpu.memory_space<hbm>>
    %dma_wait3A_119 = arith.constant 0 : i32
    %dma_wait3A_120 = tpu.memref_slice %arg22[%dma_wait3A_119] : memref<128xf32, #tpu.memory_space<vmem>> -> memref<32xf32, #tpu.memory_space<vmem>>
    tpu.wait_dma2 semaphore(%arg32 : memref<!tpu.dma_semaphore, #tpu.memory_space<semaphore_mem>>) src(%dma_wait3A_120 : memref<32xf32, #tpu.memory_space<vmem>>) dst(%dma_wait3A_118 : memref<32xf32, #tpu.memory_space<hbm>>)
    %mul3A_121 = arith.constant 1600 : i32
    %mul3A_122 = arith.muli %add3A, %mul3A_121 : i32
    %add3A_123 = arith.constant 0 : i32
    %add3A_124 = arith.addi %mul3A_122, %add3A_123 : i32
    "tpu.region"() ({
      %run_scoped3A = tpu.sem_alloc : memref<!tpu.dma_semaphore, #tpu.memory_space<semaphore_mem>>
      %dma_start3A_271 = arith.constant 0 : i32
      %dma_start3A_272 = tpu.memref_slice %arg17[%dma_start3A_271] : memref<128xi32, #tpu.memory_space<vmem>> -> memref<80xi32, #tpu.memory_space<vmem>>
      %dma_start3A_273 = tpu.memref_slice %arg8[%add3A_124] : memref<51200xi32, #tpu.memory_space<hbm>> -> memref<80xi32, #tpu.memory_space<hbm>>
      %dma_start3A_274 = arith.constant 0 : i32
      %dma_start3A_275 = tpu.memref_slice %arg17[%dma_start3A_274] : memref<128xi32, #tpu.memory_space<vmem>> -> memref<80xi32, #tpu.memory_space<vmem>>
      %dma_start3A_276 = tpu.memref_slice %arg8[%add3A_124] : memref<51200xi32, #tpu.memory_space<hbm>> -> memref<80xi32, #tpu.memory_space<hbm>>
      tpu.enqueue_dma source(%dma_start3A_276 : memref<80xi32, #tpu.memory_space<hbm>>) target(%dma_start3A_275 : memref<80xi32, #tpu.memory_space<vmem>>) target_semaphore(%run_scoped3A : memref<!tpu.dma_semaphore, #tpu.memory_space<semaphore_mem>>)
      %dma_wait3A_277 = arith.constant 0 : i32
      %dma_wait3A_278 = tpu.memref_slice %arg17[%dma_wait3A_277] : memref<128xi32, #tpu.memory_space<vmem>> -> memref<80xi32, #tpu.memory_space<vmem>>
      %dma_wait3A_279 = tpu.memref_slice %arg8[%add3A_124] : memref<51200xi32, #tpu.memory_space<hbm>> -> memref<80xi32, #tpu.memory_space<hbm>>
      %dma_wait3A_280 = arith.constant 0 : i32
      %dma_wait3A_281 = tpu.memref_slice %arg17[%dma_wait3A_280] : memref<128xi32, #tpu.memory_space<vmem>> -> memref<80xi32, #tpu.memory_space<vmem>>
      %dma_wait3A_282 = tpu.memref_slice %arg8[%add3A_124] : memref<51200xi32, #tpu.memory_space<hbm>> -> memref<80xi32, #tpu.memory_space<hbm>>
      tpu.wait_dma2 semaphore(%run_scoped3A : memref<!tpu.dma_semaphore, #tpu.memory_space<semaphore_mem>>) src(%dma_wait3A_282 : memref<80xi32, #tpu.memory_space<hbm>>) dst(%dma_wait3A_281 : memref<80xi32, #tpu.memory_space<vmem>>)
      tpu.yield
    }) : () -> ()
    %dma_start3A_125 = arith.constant 0 : i32
    %dma_start3A_126 = arith.constant 0 : i32
    %dma_start3A_127 = tpu.memref_slice %arg19[%dma_start3A_125, %dma_start3A_126] : memref<128x128xf32, #tpu.memory_space<vmem>> -> memref<80x128xf32, #tpu.memory_space<vmem>>
    %dma_start3A_128 = arith.constant 0 : i32
    %dma_start3A_129 = tpu.memref_slice %arg17[%dma_start3A_128] : memref<128xi32, #tpu.memory_space<vmem>> -> memref<80xi32, #tpu.memory_space<vmem>>
    %dma_start3A_130 = arith.constant 0 : i32
    %dma_start3A_131 = arith.constant 0 : i32
    %dma_start3A_132 = tpu.memref_slice %arg2[%dma_start3A_130, %dma_start3A_131] : memref<100000x128xf32, #tpu.memory_space<hbm>> -> memref<100000x128xf32, #tpu.memory_space<hbm>>
    tpu.enqueue_indirect_dma source(%dma_start3A_132 : memref<100000x128xf32, #tpu.memory_space<hbm>>) target(%dma_start3A_127 : memref<80x128xf32, #tpu.memory_space<vmem>>) offsets(%dma_start3A_129 : memref<80xi32, #tpu.memory_space<vmem>>) semaphore(%arg25 : memref<!tpu.dma_semaphore, #tpu.memory_space<semaphore_mem>>)
    %dma_start3A_133 = arith.constant 0 : i32
    %dma_start3A_134 = tpu.memref_slice %arg21[%dma_start3A_133] : memref<128xf32, #tpu.memory_space<vmem>> -> memref<80xf32, #tpu.memory_space<vmem>>
    %dma_start3A_135 = arith.constant 0 : i32
    %dma_start3A_136 = tpu.memref_slice %arg17[%dma_start3A_135] : memref<128xi32, #tpu.memory_space<vmem>> -> memref<80xi32, #tpu.memory_space<vmem>>
    %dma_start3A_137 = arith.constant 0 : i32
    %dma_start3A_138 = tpu.memref_slice %arg4[%dma_start3A_137] : memref<100000xf32, #tpu.memory_space<hbm>> -> memref<100000xf32, #tpu.memory_space<hbm>>
    tpu.enqueue_indirect_dma source(%dma_start3A_138 : memref<100000xf32, #tpu.memory_space<hbm>>) target(%dma_start3A_134 : memref<80xf32, #tpu.memory_space<vmem>>) offsets(%dma_start3A_136 : memref<80xi32, #tpu.memory_space<vmem>>) semaphore(%arg27 : memref<!tpu.dma_semaphore, #tpu.memory_space<semaphore_mem>>)
    %mul3A_139 = arith.constant 1600 : i32
    %mul3A_140 = arith.muli %add3A, %mul3A_139 : i32
    %add3A_141 = arith.constant 80 : i32
    %add3A_142 = arith.addi %mul3A_140, %add3A_141 : i32
    "tpu.region"() ({
      %run_scoped3A = tpu.sem_alloc : memref<!tpu.dma_semaphore, #tpu.memory_space<semaphore_mem>>
      %dma_start3A_271 = arith.constant 0 : i32
      %dma_start3A_272 = tpu.memref_slice %arg18[%dma_start3A_271] : memref<128xi32, #tpu.memory_space<vmem>> -> memref<80xi32, #tpu.memory_space<vmem>>
      %dma_start3A_273 = tpu.memref_slice %arg8[%add3A_142] : memref<51200xi32, #tpu.memory_space<hbm>> -> memref<80xi32, #tpu.memory_space<hbm>>
      %dma_start3A_274 = arith.constant 0 : i32
      %dma_start3A_275 = tpu.memref_slice %arg18[%dma_start3A_274] : memref<128xi32, #tpu.memory_space<vmem>> -> memref<80xi32, #tpu.memory_space<vmem>>
      %dma_start3A_276 = tpu.memref_slice %arg8[%add3A_142] : memref<51200xi32, #tpu.memory_space<hbm>> -> memref<80xi32, #tpu.memory_space<hbm>>
      tpu.enqueue_dma source(%dma_start3A_276 : memref<80xi32, #tpu.memory_space<hbm>>) target(%dma_start3A_275 : memref<80xi32, #tpu.memory_space<vmem>>) target_semaphore(%run_scoped3A : memref<!tpu.dma_semaphore, #tpu.memory_space<semaphore_mem>>)
      %dma_wait3A_277 = arith.constant 0 : i32
      %dma_wait3A_278 = tpu.memref_slice %arg18[%dma_wait3A_277] : memref<128xi32, #tpu.memory_space<vmem>> -> memref<80xi32, #tpu.memory_space<vmem>>
      %dma_wait3A_279 = tpu.memref_slice %arg8[%add3A_142] : memref<51200xi32, #tpu.memory_space<hbm>> -> memref<80xi32, #tpu.memory_space<hbm>>
      %dma_wait3A_280 = arith.constant 0 : i32
      %dma_wait3A_281 = tpu.memref_slice %arg18[%dma_wait3A_280] : memref<128xi32, #tpu.memory_space<vmem>> -> memref<80xi32, #tpu.memory_space<vmem>>
      %dma_wait3A_282 = tpu.memref_slice %arg8[%add3A_142] : memref<51200xi32, #tpu.memory_space<hbm>> -> memref<80xi32, #tpu.memory_space<hbm>>
      tpu.wait_dma2 semaphore(%run_scoped3A : memref<!tpu.dma_semaphore, #tpu.memory_space<semaphore_mem>>) src(%dma_wait3A_282 : memref<80xi32, #tpu.memory_space<hbm>>) dst(%dma_wait3A_281 : memref<80xi32, #tpu.memory_space<vmem>>)
      tpu.yield
    }) : () -> ()
    %dma_start3A_143 = arith.constant 0 : i32
    %dma_start3A_144 = arith.constant 0 : i32
    %dma_start3A_145 = tpu.memref_slice %arg20[%dma_start3A_143, %dma_start3A_144] : memref<128x128xf32, #tpu.memory_space<vmem>> -> memref<80x128xf32, #tpu.memory_space<vmem>>
    %dma_start3A_146 = arith.constant 0 : i32
    %dma_start3A_147 = tpu.memref_slice %arg18[%dma_start3A_146] : memref<128xi32, #tpu.memory_space<vmem>> -> memref<80xi32, #tpu.memory_space<vmem>>
    %dma_start3A_148 = arith.constant 0 : i32
    %dma_start3A_149 = arith.constant 0 : i32
    %dma_start3A_150 = tpu.memref_slice %arg2[%dma_start3A_148, %dma_start3A_149] : memref<100000x128xf32, #tpu.memory_space<hbm>> -> memref<100000x128xf32, #tpu.memory_space<hbm>>
    tpu.enqueue_indirect_dma source(%dma_start3A_150 : memref<100000x128xf32, #tpu.memory_space<hbm>>) target(%dma_start3A_145 : memref<80x128xf32, #tpu.memory_space<vmem>>) offsets(%dma_start3A_147 : memref<80xi32, #tpu.memory_space<vmem>>) semaphore(%arg26 : memref<!tpu.dma_semaphore, #tpu.memory_space<semaphore_mem>>)
    %dma_start3A_151 = arith.constant 0 : i32
    %dma_start3A_152 = tpu.memref_slice %arg22[%dma_start3A_151] : memref<128xf32, #tpu.memory_space<vmem>> -> memref<80xf32, #tpu.memory_space<vmem>>
    %dma_start3A_153 = arith.constant 0 : i32
    %dma_start3A_154 = tpu.memref_slice %arg18[%dma_start3A_153] : memref<128xi32, #tpu.memory_space<vmem>> -> memref<80xi32, #tpu.memory_space<vmem>>
    %dma_start3A_155 = arith.constant 0 : i32
    %dma_start3A_156 = tpu.memref_slice %arg4[%dma_start3A_155] : memref<100000xf32, #tpu.memory_space<hbm>> -> memref<100000xf32, #tpu.memory_space<hbm>>
    tpu.enqueue_indirect_dma source(%dma_start3A_156 : memref<100000xf32, #tpu.memory_space<hbm>>) target(%dma_start3A_152 : memref<80xf32, #tpu.memory_space<vmem>>) offsets(%dma_start3A_154 : memref<80xi32, #tpu.memory_space<vmem>>) semaphore(%arg28 : memref<!tpu.dma_semaphore, #tpu.memory_space<semaphore_mem>>)
    %scan3A = arith.constant 0 : i32
    %scan3A_157 = arith.constant 10 : i32
    %scan3A_158 = arith.addi %scan3A, %scan3A_157 : i32
    %scan3A_159 = arith.constant 1 : i32
    scf.for %scan3A_271 = %scan3A to %scan3A_158 step %scan3A_159  : i32 {
      %mul3A_272 = arith.constant 1 : i32
      %mul3A_273 = arith.muli %scan3A_271, %mul3A_272 : i32
      %add3A_274 = arith.constant 0 : i32
      %add3A_275 = arith.addi %add3A_274, %mul3A_273 : i32
      %mul3A_276 = arith.constant 2 : i32
      %mul3A_277 = arith.muli %mul3A_276, %add3A_275 : i32
      %add3A_278 = arith.constant 0 : i32
      %add3A_279 = arith.addi %mul3A_277, %add3A_278 : i32
      %mul3A_280 = arith.constant 1600 : i32
      %mul3A_281 = arith.muli %add3A, %mul3A_280 : i32
      %mul3A_282 = arith.constant 80 : i32
      %mul3A_283 = arith.muli %add3A_279, %mul3A_282 : i32
      %add3A_284 = arith.addi %mul3A_281, %mul3A_283 : i32
      %dma_wait3A_285 = arith.constant 0 : i32
      %dma_wait3A_286 = arith.constant 0 : i32
      %dma_wait3A_287 = tpu.memref_slice %arg19[%dma_wait3A_285, %dma_wait3A_286] : memref<128x128xf32, #tpu.memory_space<vmem>> -> memref<80x128xf32, #tpu.memory_space<vmem>>
      %dma_wait3A_288 = arith.constant 0 : i32
      %dma_wait3A_289 = tpu.memref_slice %arg17[%dma_wait3A_288] : memref<128xi32, #tpu.memory_space<vmem>> -> memref<80xi32, #tpu.memory_space<vmem>>
      %dma_wait3A_290 = arith.constant 0 : i32
      %dma_wait3A_291 = arith.constant 0 : i32
      %dma_wait3A_292 = tpu.memref_slice %arg2[%dma_wait3A_290, %dma_wait3A_291] : memref<100000x128xf32, #tpu.memory_space<hbm>> -> memref<100000x128xf32, #tpu.memory_space<hbm>>
      tpu.wait_indirect_dma semaphore(%arg25 : memref<!tpu.dma_semaphore, #tpu.memory_space<semaphore_mem>>) src(%dma_wait3A_292 : memref<100000x128xf32, #tpu.memory_space<hbm>>) dst(%dma_wait3A_287 : memref<80x128xf32, #tpu.memory_space<vmem>>)
      %dma_start3A_293 = arith.constant 0 : i32
      %dma_start3A_294 = arith.constant 0 : i32
      %dma_start3A_295 = tpu.memref_slice %arg19[%dma_start3A_293, %dma_start3A_294] : memref<128x128xf32, #tpu.memory_space<vmem>> -> memref<80x128xf32, #tpu.memory_space<vmem>>
      %dma_start3A_296 = arith.constant 0 : i32
      %dma_start3A_297 = tpu.memref_slice %arg11[%add3A_284, %dma_start3A_296] : memref<51200x128xf32, #tpu.memory_space<hbm>> -> memref<80x128xf32, #tpu.memory_space<hbm>>
      %dma_start3A_298 = arith.constant 0 : i32
      %dma_start3A_299 = tpu.memref_slice %arg11[%add3A_284, %dma_start3A_298] : memref<51200x128xf32, #tpu.memory_space<hbm>> -> memref<80x128xf32, #tpu.memory_space<hbm>>
      %dma_start3A_300 = arith.constant 0 : i32
      %dma_start3A_301 = arith.constant 0 : i32
      %dma_start3A_302 = tpu.memref_slice %arg19[%dma_start3A_300, %dma_start3A_301] : memref<128x128xf32, #tpu.memory_space<vmem>> -> memref<80x128xf32, #tpu.memory_space<vmem>>
      tpu.enqueue_dma source(%dma_start3A_302 : memref<80x128xf32, #tpu.memory_space<vmem>>) target(%dma_start3A_299 : memref<80x128xf32, #tpu.memory_space<hbm>>) target_semaphore(%arg29 : memref<!tpu.dma_semaphore, #tpu.memory_space<semaphore_mem>>)
      %dma_wait3A_303 = arith.constant 0 : i32
      %dma_wait3A_304 = tpu.memref_slice %arg21[%dma_wait3A_303] : memref<128xf32, #tpu.memory_space<vmem>> -> memref<80xf32, #tpu.memory_space<vmem>>
      %dma_wait3A_305 = arith.constant 0 : i32
      %dma_wait3A_306 = tpu.memref_slice %arg17[%dma_wait3A_305] : memref<128xi32, #tpu.memory_space<vmem>> -> memref<80xi32, #tpu.memory_space<vmem>>
      %dma_wait3A_307 = arith.constant 0 : i32
      %dma_wait3A_308 = tpu.memref_slice %arg4[%dma_wait3A_307] : memref<100000xf32, #tpu.memory_space<hbm>> -> memref<100000xf32, #tpu.memory_space<hbm>>
      tpu.wait_indirect_dma semaphore(%arg27 : memref<!tpu.dma_semaphore, #tpu.memory_space<semaphore_mem>>) src(%dma_wait3A_308 : memref<100000xf32, #tpu.memory_space<hbm>>) dst(%dma_wait3A_304 : memref<80xf32, #tpu.memory_space<vmem>>)
      %dma_start3A_309 = arith.constant 0 : i32
      %dma_start3A_310 = tpu.memref_slice %arg21[%dma_start3A_309] : memref<128xf32, #tpu.memory_space<vmem>> -> memref<80xf32, #tpu.memory_space<vmem>>
      %dma_start3A_311 = tpu.memref_slice %arg16[%add3A_284] : memref<51200xf32, #tpu.memory_space<hbm>> -> memref<80xf32, #tpu.memory_space<hbm>>
      %dma_start3A_312 = tpu.memref_slice %arg16[%add3A_284] : memref<51200xf32, #tpu.memory_space<hbm>> -> memref<80xf32, #tpu.memory_space<hbm>>
      %dma_start3A_313 = arith.constant 0 : i32
      %dma_start3A_314 = tpu.memref_slice %arg21[%dma_start3A_313] : memref<128xf32, #tpu.memory_space<vmem>> -> memref<80xf32, #tpu.memory_space<vmem>>
      tpu.enqueue_dma source(%dma_start3A_314 : memref<80xf32, #tpu.memory_space<vmem>>) target(%dma_start3A_312 : memref<80xf32, #tpu.memory_space<hbm>>) target_semaphore(%arg31 : memref<!tpu.dma_semaphore, #tpu.memory_space<semaphore_mem>>)
      %add3A_315 = arith.constant 2 : i32
      %add3A_316 = arith.addi %add3A_279, %add3A_315 : i32
      %lt3A = arith.constant 20 : i32
      %lt3A_317 = arith.cmpi slt, %add3A_316, %lt3A : i32
      %convert_element_type3A = arith.extui %lt3A_317 : i1 to i32
      %cond3A = arith.constant 0 : i32
      %cond3A_318 = arith.cmpi ne, %convert_element_type3A, %cond3A : i32
      scf.if %cond3A_318 {
        %add3A_365 = arith.constant 2 : i32
        %add3A_366 = arith.addi %add3A_279, %add3A_365 : i32
        %mul3A_367 = arith.constant 1600 : i32
        %mul3A_368 = arith.muli %add3A, %mul3A_367 : i32
        %mul3A_369 = arith.constant 80 : i32
        %mul3A_370 = arith.muli %add3A_366, %mul3A_369 : i32
        %add3A_371 = arith.addi %mul3A_368, %mul3A_370 : i32
        %dma_wait3A_372 = arith.constant 0 : i32
        %dma_wait3A_373 = arith.constant 0 : i32
        %dma_wait3A_374 = tpu.memref_slice %arg19[%dma_wait3A_372, %dma_wait3A_373] : memref<128x128xf32, #tpu.memory_space<vmem>> -> memref<80x128xf32, #tpu.memory_space<vmem>>
        %dma_wait3A_375 = arith.constant 0 : i32
        %dma_wait3A_376 = arith.constant 0 : i32
        %dma_wait3A_377 = tpu.memref_slice %arg11[%dma_wait3A_375, %dma_wait3A_376] : memref<51200x128xf32, #tpu.memory_space<hbm>> -> memref<80x128xf32, #tpu.memory_space<hbm>>
        %dma_wait3A_378 = arith.constant 0 : i32
        %dma_wait3A_379 = arith.constant 0 : i32
        %dma_wait3A_380 = tpu.memref_slice %arg11[%dma_wait3A_378, %dma_wait3A_379] : memref<51200x128xf32, #tpu.memory_space<hbm>> -> memref<80x128xf32, #tpu.memory_space<hbm>>
        %dma_wait3A_381 = arith.constant 0 : i32
        %dma_wait3A_382 = arith.constant 0 : i32
        %dma_wait3A_383 = tpu.memref_slice %arg19[%dma_wait3A_381, %dma_wait3A_382] : memref<128x128xf32, #tpu.memory_space<vmem>> -> memref<80x128xf32, #tpu.memory_space<vmem>>
        tpu.wait_dma2 semaphore(%arg29 : memref<!tpu.dma_semaphore, #tpu.memory_space<semaphore_mem>>) src(%dma_wait3A_383 : memref<80x128xf32, #tpu.memory_space<vmem>>) dst(%dma_wait3A_380 : memref<80x128xf32, #tpu.memory_space<hbm>>)
        %dma_wait3A_384 = arith.constant 0 : i32
        %dma_wait3A_385 = tpu.memref_slice %arg21[%dma_wait3A_384] : memref<128xf32, #tpu.memory_space<vmem>> -> memref<80xf32, #tpu.memory_space<vmem>>
        %dma_wait3A_386 = arith.constant 0 : i32
        %dma_wait3A_387 = tpu.memref_slice %arg16[%dma_wait3A_386] : memref<51200xf32, #tpu.memory_space<hbm>> -> memref<80xf32, #tpu.memory_space<hbm>>
        %dma_wait3A_388 = arith.constant 0 : i32
        %dma_wait3A_389 = tpu.memref_slice %arg16[%dma_wait3A_388] : memref<51200xf32, #tpu.memory_space<hbm>> -> memref<80xf32, #tpu.memory_space<hbm>>
        %dma_wait3A_390 = arith.constant 0 : i32
        %dma_wait3A_391 = tpu.memref_slice %arg21[%dma_wait3A_390] : memref<128xf32, #tpu.memory_space<vmem>> -> memref<80xf32, #tpu.memory_space<vmem>>
        tpu.wait_dma2 semaphore(%arg31 : memref<!tpu.dma_semaphore, #tpu.memory_space<semaphore_mem>>) src(%dma_wait3A_391 : memref<80xf32, #tpu.memory_space<vmem>>) dst(%dma_wait3A_389 : memref<80xf32, #tpu.memory_space<hbm>>)
        "tpu.region"() ({
          %run_scoped3A = tpu.sem_alloc : memref<!tpu.dma_semaphore, #tpu.memory_space<semaphore_mem>>
          %dma_start3A_406 = arith.constant 0 : i32
          %dma_start3A_407 = tpu.memref_slice %arg17[%dma_start3A_406] : memref<128xi32, #tpu.memory_space<vmem>> -> memref<80xi32, #tpu.memory_space<vmem>>
          %dma_start3A_408 = tpu.memref_slice %arg8[%add3A_371] : memref<51200xi32, #tpu.memory_space<hbm>> -> memref<80xi32, #tpu.memory_space<hbm>>
          %dma_start3A_409 = arith.constant 0 : i32
          %dma_start3A_410 = tpu.memref_slice %arg17[%dma_start3A_409] : memref<128xi32, #tpu.memory_space<vmem>> -> memref<80xi32, #tpu.memory_space<vmem>>
          %dma_start3A_411 = tpu.memref_slice %arg8[%add3A_371] : memref<51200xi32, #tpu.memory_space<hbm>> -> memref<80xi32, #tpu.memory_space<hbm>>
          tpu.enqueue_dma source(%dma_start3A_411 : memref<80xi32, #tpu.memory_space<hbm>>) target(%dma_start3A_410 : memref<80xi32, #tpu.memory_space<vmem>>) target_semaphore(%run_scoped3A : memref<!tpu.dma_semaphore, #tpu.memory_space<semaphore_mem>>)
          %dma_wait3A_412 = arith.constant 0 : i32
          %dma_wait3A_413 = tpu.memref_slice %arg17[%dma_wait3A_412] : memref<128xi32, #tpu.memory_space<vmem>> -> memref<80xi32, #tpu.memory_space<vmem>>
          %dma_wait3A_414 = tpu.memref_slice %arg8[%add3A_371] : memref<51200xi32, #tpu.memory_space<hbm>> -> memref<80xi32, #tpu.memory_space<hbm>>
          %dma_wait3A_415 = arith.constant 0 : i32
          %dma_wait3A_416 = tpu.memref_slice %arg17[%dma_wait3A_415] : memref<128xi32, #tpu.memory_space<vmem>> -> memref<80xi32, #tpu.memory_space<vmem>>
          %dma_wait3A_417 = tpu.memref_slice %arg8[%add3A_371] : memref<51200xi32, #tpu.memory_space<hbm>> -> memref<80xi32, #tpu.memory_space<hbm>>
          tpu.wait_dma2 semaphore(%run_scoped3A : memref<!tpu.dma_semaphore, #tpu.memory_space<semaphore_mem>>) src(%dma_wait3A_417 : memref<80xi32, #tpu.memory_space<hbm>>) dst(%dma_wait3A_416 : memref<80xi32, #tpu.memory_space<vmem>>)
          tpu.yield
        }) : () -> ()
        %dma_start3A_392 = arith.constant 0 : i32
        %dma_start3A_393 = arith.constant 0 : i32
        %dma_start3A_394 = tpu.memref_slice %arg19[%dma_start3A_392, %dma_start3A_393] : memref<128x128xf32, #tpu.memory_space<vmem>> -> memref<80x128xf32, #tpu.memory_space<vmem>>
        %dma_start3A_395 = arith.constant 0 : i32
        %dma_start3A_396 = tpu.memref_slice %arg17[%dma_start3A_395] : memref<128xi32, #tpu.memory_space<vmem>> -> memref<80xi32, #tpu.memory_space<vmem>>
        %dma_start3A_397 = arith.constant 0 : i32
        %dma_start3A_398 = arith.constant 0 : i32
        %dma_start3A_399 = tpu.memref_slice %arg2[%dma_start3A_397, %dma_start3A_398] : memref<100000x128xf32, #tpu.memory_space<hbm>> -> memref<100000x128xf32, #tpu.memory_space<hbm>>
        tpu.enqueue_indirect_dma source(%dma_start3A_399 : memref<100000x128xf32, #tpu.memory_space<hbm>>) target(%dma_start3A_394 : memref<80x128xf32, #tpu.memory_space<vmem>>) offsets(%dma_start3A_396 : memref<80xi32, #tpu.memory_space<vmem>>) semaphore(%arg25 : memref<!tpu.dma_semaphore, #tpu.memory_space<semaphore_mem>>)
        %dma_start3A_400 = arith.constant 0 : i32
        %dma_start3A_401 = tpu.memref_slice %arg21[%dma_start3A_400] : memref<128xf32, #tpu.memory_space<vmem>> -> memref<80xf32, #tpu.memory_space<vmem>>
        %dma_start3A_402 = arith.constant 0 : i32
        %dma_start3A_403 = tpu.memref_slice %arg17[%dma_start3A_402] : memref<128xi32, #tpu.memory_space<vmem>> -> memref<80xi32, #tpu.memory_space<vmem>>
        %dma_start3A_404 = arith.constant 0 : i32
        %dma_start3A_405 = tpu.memref_slice %arg4[%dma_start3A_404] : memref<100000xf32, #tpu.memory_space<hbm>> -> memref<100000xf32, #tpu.memory_space<hbm>>
        tpu.enqueue_indirect_dma source(%dma_start3A_405 : memref<100000xf32, #tpu.memory_space<hbm>>) target(%dma_start3A_401 : memref<80xf32, #tpu.memory_space<vmem>>) offsets(%dma_start3A_403 : memref<80xi32, #tpu.memory_space<vmem>>) semaphore(%arg27 : memref<!tpu.dma_semaphore, #tpu.memory_space<semaphore_mem>>)
      } else {
      }
      %mul3A_319 = arith.constant 2 : i32
      %mul3A_320 = arith.muli %mul3A_319, %add3A_275 : i32
      %add3A_321 = arith.constant 1 : i32
      %add3A_322 = arith.addi %mul3A_320, %add3A_321 : i32
      %mul3A_323 = arith.constant 1600 : i32
      %mul3A_324 = arith.muli %add3A, %mul3A_323 : i32
      %mul3A_325 = arith.constant 80 : i32
      %mul3A_326 = arith.muli %add3A_322, %mul3A_325 : i32
      %add3A_327 = arith.addi %mul3A_324, %mul3A_326 : i32
      %dma_wait3A_328 = arith.constant 0 : i32
      %dma_wait3A_329 = arith.constant 0 : i32
      %dma_wait3A_330 = tpu.memref_slice %arg20[%dma_wait3A_328, %dma_wait3A_329] : memref<128x128xf32, #tpu.memory_space<vmem>> -> memref<80x128xf32, #tpu.memory_space<vmem>>
      %dma_wait3A_331 = arith.constant 0 : i32
      %dma_wait3A_332 = tpu.memref_slice %arg18[%dma_wait3A_331] : memref<128xi32, #tpu.memory_space<vmem>> -> memref<80xi32, #tpu.memory_space<vmem>>
      %dma_wait3A_333 = arith.constant 0 : i32
      %dma_wait3A_334 = arith.constant 0 : i32
      %dma_wait3A_335 = tpu.memref_slice %arg2[%dma_wait3A_333, %dma_wait3A_334] : memref<100000x128xf32, #tpu.memory_space<hbm>> -> memref<100000x128xf32, #tpu.memory_space<hbm>>
      tpu.wait_indirect_dma semaphore(%arg26 : memref<!tpu.dma_semaphore, #tpu.memory_space<semaphore_mem>>) src(%dma_wait3A_335 : memref<100000x128xf32, #tpu.memory_space<hbm>>) dst(%dma_wait3A_330 : memref<80x128xf32, #tpu.memory_space<vmem>>)
      %dma_start3A_336 = arith.constant 0 : i32
      %dma_start3A_337 = arith.constant 0 : i32
      %dma_start3A_338 = tpu.memref_slice %arg20[%dma_start3A_336, %dma_start3A_337] : memref<128x128xf32, #tpu.memory_space<vmem>> -> memref<80x128xf32, #tpu.memory_space<vmem>>
      %dma_start3A_339 = arith.constant 0 : i32
      %dma_start3A_340 = tpu.memref_slice %arg11[%add3A_327, %dma_start3A_339] : memref<51200x128xf32, #tpu.memory_space<hbm>> -> memref<80x128xf32, #tpu.memory_space<hbm>>
      %dma_start3A_341 = arith.constant 0 : i32
      %dma_start3A_342 = tpu.memref_slice %arg11[%add3A_327, %dma_start3A_341] : memref<51200x128xf32, #tpu.memory_space<hbm>> -> memref<80x128xf32, #tpu.memory_space<hbm>>
      %dma_start3A_343 = arith.constant 0 : i32
      %dma_start3A_344 = arith.constant 0 : i32
      %dma_start3A_345 = tpu.memref_slice %arg20[%dma_start3A_343, %dma_start3A_344] : memref<128x128xf32, #tpu.memory_space<vmem>> -> memref<80x128xf32, #tpu.memory_space<vmem>>
      tpu.enqueue_dma source(%dma_start3A_345 : memref<80x128xf32, #tpu.memory_space<vmem>>) target(%dma_start3A_342 : memref<80x128xf32, #tpu.memory_space<hbm>>) target_semaphore(%arg30 : memref<!tpu.dma_semaphore, #tpu.memory_space<semaphore_mem>>)
      %dma_wait3A_346 = arith.constant 0 : i32
      %dma_wait3A_347 = tpu.memref_slice %arg22[%dma_wait3A_346] : memref<128xf32, #tpu.memory_space<vmem>> -> memref<80xf32, #tpu.memory_space<vmem>>
      %dma_wait3A_348 = arith.constant 0 : i32
      %dma_wait3A_349 = tpu.memref_slice %arg18[%dma_wait3A_348] : memref<128xi32, #tpu.memory_space<vmem>> -> memref<80xi32, #tpu.memory_space<vmem>>
      %dma_wait3A_350 = arith.constant 0 : i32
      %dma_wait3A_351 = tpu.memref_slice %arg4[%dma_wait3A_350] : memref<100000xf32, #tpu.memory_space<hbm>> -> memref<100000xf32, #tpu.memory_space<hbm>>
      tpu.wait_indirect_dma semaphore(%arg28 : memref<!tpu.dma_semaphore, #tpu.memory_space<semaphore_mem>>) src(%dma_wait3A_351 : memref<100000xf32, #tpu.memory_space<hbm>>) dst(%dma_wait3A_347 : memref<80xf32, #tpu.memory_space<vmem>>)
      %dma_start3A_352 = arith.constant 0 : i32
      %dma_start3A_353 = tpu.memref_slice %arg22[%dma_start3A_352] : memref<128xf32, #tpu.memory_space<vmem>> -> memref<80xf32, #tpu.memory_space<vmem>>
      %dma_start3A_354 = tpu.memref_slice %arg16[%add3A_327] : memref<51200xf32, #tpu.memory_space<hbm>> -> memref<80xf32, #tpu.memory_space<hbm>>
      %dma_start3A_355 = tpu.memref_slice %arg16[%add3A_327] : memref<51200xf32, #tpu.memory_space<hbm>> -> memref<80xf32, #tpu.memory_space<hbm>>
      %dma_start3A_356 = arith.constant 0 : i32
      %dma_start3A_357 = tpu.memref_slice %arg22[%dma_start3A_356] : memref<128xf32, #tpu.memory_space<vmem>> -> memref<80xf32, #tpu.memory_space<vmem>>
      tpu.enqueue_dma source(%dma_start3A_357 : memref<80xf32, #tpu.memory_space<vmem>>) target(%dma_start3A_355 : memref<80xf32, #tpu.memory_space<hbm>>) target_semaphore(%arg32 : memref<!tpu.dma_semaphore, #tpu.memory_space<semaphore_mem>>)
      %add3A_358 = arith.constant 2 : i32
      %add3A_359 = arith.addi %add3A_322, %add3A_358 : i32
      %lt3A_360 = arith.constant 20 : i32
      %lt3A_361 = arith.cmpi slt, %add3A_359, %lt3A_360 : i32
      %convert_element_type3A_362 = arith.extui %lt3A_361 : i1 to i32
      %cond3A_363 = arith.constant 0 : i32
      %cond3A_364 = arith.cmpi ne, %convert_element_type3A_362, %cond3A_363 : i32
      scf.if %cond3A_364 {
        %add3A_365 = arith.constant 2 : i32
        %add3A_366 = arith.addi %add3A_322, %add3A_365 : i32
        %mul3A_367 = arith.constant 1600 : i32
        %mul3A_368 = arith.muli %add3A, %mul3A_367 : i32
        %mul3A_369 = arith.constant 80 : i32
        %mul3A_370 = arith.muli %add3A_366, %mul3A_369 : i32
        %add3A_371 = arith.addi %mul3A_368, %mul3A_370 : i32
        %dma_wait3A_372 = arith.constant 0 : i32
        %dma_wait3A_373 = arith.constant 0 : i32
        %dma_wait3A_374 = tpu.memref_slice %arg20[%dma_wait3A_372, %dma_wait3A_373] : memref<128x128xf32, #tpu.memory_space<vmem>> -> memref<80x128xf32, #tpu.memory_space<vmem>>
        %dma_wait3A_375 = arith.constant 0 : i32
        %dma_wait3A_376 = arith.constant 0 : i32
        %dma_wait3A_377 = tpu.memref_slice %arg11[%dma_wait3A_375, %dma_wait3A_376] : memref<51200x128xf32, #tpu.memory_space<hbm>> -> memref<80x128xf32, #tpu.memory_space<hbm>>
        %dma_wait3A_378 = arith.constant 0 : i32
        %dma_wait3A_379 = arith.constant 0 : i32
        %dma_wait3A_380 = tpu.memref_slice %arg11[%dma_wait3A_378, %dma_wait3A_379] : memref<51200x128xf32, #tpu.memory_space<hbm>> -> memref<80x128xf32, #tpu.memory_space<hbm>>
        %dma_wait3A_381 = arith.constant 0 : i32
        %dma_wait3A_382 = arith.constant 0 : i32
        %dma_wait3A_383 = tpu.memref_slice %arg20[%dma_wait3A_381, %dma_wait3A_382] : memref<128x128xf32, #tpu.memory_space<vmem>> -> memref<80x128xf32, #tpu.memory_space<vmem>>
        tpu.wait_dma2 semaphore(%arg30 : memref<!tpu.dma_semaphore, #tpu.memory_space<semaphore_mem>>) src(%dma_wait3A_383 : memref<80x128xf32, #tpu.memory_space<vmem>>) dst(%dma_wait3A_380 : memref<80x128xf32, #tpu.memory_space<hbm>>)
        %dma_wait3A_384 = arith.constant 0 : i32
        %dma_wait3A_385 = tpu.memref_slice %arg22[%dma_wait3A_384] : memref<128xf32, #tpu.memory_space<vmem>> -> memref<80xf32, #tpu.memory_space<vmem>>
        %dma_wait3A_386 = arith.constant 0 : i32
        %dma_wait3A_387 = tpu.memref_slice %arg16[%dma_wait3A_386] : memref<51200xf32, #tpu.memory_space<hbm>> -> memref<80xf32, #tpu.memory_space<hbm>>
        %dma_wait3A_388 = arith.constant 0 : i32
        %dma_wait3A_389 = tpu.memref_slice %arg16[%dma_wait3A_388] : memref<51200xf32, #tpu.memory_space<hbm>> -> memref<80xf32, #tpu.memory_space<hbm>>
        %dma_wait3A_390 = arith.constant 0 : i32
        %dma_wait3A_391 = tpu.memref_slice %arg22[%dma_wait3A_390] : memref<128xf32, #tpu.memory_space<vmem>> -> memref<80xf32, #tpu.memory_space<vmem>>
        tpu.wait_dma2 semaphore(%arg32 : memref<!tpu.dma_semaphore, #tpu.memory_space<semaphore_mem>>) src(%dma_wait3A_391 : memref<80xf32, #tpu.memory_space<vmem>>) dst(%dma_wait3A_389 : memref<80xf32, #tpu.memory_space<hbm>>)
        "tpu.region"() ({
          %run_scoped3A = tpu.sem_alloc : memref<!tpu.dma_semaphore, #tpu.memory_space<semaphore_mem>>
          %dma_start3A_406 = arith.constant 0 : i32
          %dma_start3A_407 = tpu.memref_slice %arg18[%dma_start3A_406] : memref<128xi32, #tpu.memory_space<vmem>> -> memref<80xi32, #tpu.memory_space<vmem>>
          %dma_start3A_408 = tpu.memref_slice %arg8[%add3A_371] : memref<51200xi32, #tpu.memory_space<hbm>> -> memref<80xi32, #tpu.memory_space<hbm>>
          %dma_start3A_409 = arith.constant 0 : i32
          %dma_start3A_410 = tpu.memref_slice %arg18[%dma_start3A_409] : memref<128xi32, #tpu.memory_space<vmem>> -> memref<80xi32, #tpu.memory_space<vmem>>
          %dma_start3A_411 = tpu.memref_slice %arg8[%add3A_371] : memref<51200xi32, #tpu.memory_space<hbm>> -> memref<80xi32, #tpu.memory_space<hbm>>
          tpu.enqueue_dma source(%dma_start3A_411 : memref<80xi32, #tpu.memory_space<hbm>>) target(%dma_start3A_410 : memref<80xi32, #tpu.memory_space<vmem>>) target_semaphore(%run_scoped3A : memref<!tpu.dma_semaphore, #tpu.memory_space<semaphore_mem>>)
          %dma_wait3A_412 = arith.constant 0 : i32
          %dma_wait3A_413 = tpu.memref_slice %arg18[%dma_wait3A_412] : memref<128xi32, #tpu.memory_space<vmem>> -> memref<80xi32, #tpu.memory_space<vmem>>
          %dma_wait3A_414 = tpu.memref_slice %arg8[%add3A_371] : memref<51200xi32, #tpu.memory_space<hbm>> -> memref<80xi32, #tpu.memory_space<hbm>>
          %dma_wait3A_415 = arith.constant 0 : i32
          %dma_wait3A_416 = tpu.memref_slice %arg18[%dma_wait3A_415] : memref<128xi32, #tpu.memory_space<vmem>> -> memref<80xi32, #tpu.memory_space<vmem>>
          %dma_wait3A_417 = tpu.memref_slice %arg8[%add3A_371] : memref<51200xi32, #tpu.memory_space<hbm>> -> memref<80xi32, #tpu.memory_space<hbm>>
          tpu.wait_dma2 semaphore(%run_scoped3A : memref<!tpu.dma_semaphore, #tpu.memory_space<semaphore_mem>>) src(%dma_wait3A_417 : memref<80xi32, #tpu.memory_space<hbm>>) dst(%dma_wait3A_416 : memref<80xi32, #tpu.memory_space<vmem>>)
          tpu.yield
        }) : () -> ()
        %dma_start3A_392 = arith.constant 0 : i32
        %dma_start3A_393 = arith.constant 0 : i32
        %dma_start3A_394 = tpu.memref_slice %arg20[%dma_start3A_392, %dma_start3A_393] : memref<128x128xf32, #tpu.memory_space<vmem>> -> memref<80x128xf32, #tpu.memory_space<vmem>>
        %dma_start3A_395 = arith.constant 0 : i32
        %dma_start3A_396 = tpu.memref_slice %arg18[%dma_start3A_395] : memref<128xi32, #tpu.memory_space<vmem>> -> memref<80xi32, #tpu.memory_space<vmem>>
        %dma_start3A_397 = arith.constant 0 : i32
        %dma_start3A_398 = arith.constant 0 : i32
        %dma_start3A_399 = tpu.memref_slice %arg2[%dma_start3A_397, %dma_start3A_398] : memref<100000x128xf32, #tpu.memory_space<hbm>> -> memref<100000x128xf32, #tpu.memory_space<hbm>>
        tpu.enqueue_indirect_dma source(%dma_start3A_399 : memref<100000x128xf32, #tpu.memory_space<hbm>>) target(%dma_start3A_394 : memref<80x128xf32, #tpu.memory_space<vmem>>) offsets(%dma_start3A_396 : memref<80xi32, #tpu.memory_space<vmem>>) semaphore(%arg26 : memref<!tpu.dma_semaphore, #tpu.memory_space<semaphore_mem>>)
        %dma_start3A_400 = arith.constant 0 : i32
        %dma_start3A_401 = tpu.memref_slice %arg22[%dma_start3A_400] : memref<128xf32, #tpu.memory_space<vmem>> -> memref<80xf32, #tpu.memory_space<vmem>>
        %dma_start3A_402 = arith.constant 0 : i32
        %dma_start3A_403 = tpu.memref_slice %arg18[%dma_start3A_402] : memref<128xi32, #tpu.memory_space<vmem>> -> memref<80xi32, #tpu.memory_space<vmem>>
        %dma_start3A_404 = arith.constant 0 : i32
        %dma_start3A_405 = tpu.memref_slice %arg4[%dma_start3A_404] : memref<100000xf32, #tpu.memory_space<hbm>> -> memref<100000xf32, #tpu.memory_space<hbm>>
        tpu.enqueue_indirect_dma source(%dma_start3A_405 : memref<100000xf32, #tpu.memory_space<hbm>>) target(%dma_start3A_401 : memref<80xf32, #tpu.memory_space<vmem>>) offsets(%dma_start3A_403 : memref<80xi32, #tpu.memory_space<vmem>>) semaphore(%arg28 : memref<!tpu.dma_semaphore, #tpu.memory_space<semaphore_mem>>)
      } else {
      }
    }
    %scan3A_160 = arith.constant 10 : i32
    %dma_wait3A_161 = arith.constant 0 : i32
    %dma_wait3A_162 = arith.constant 0 : i32
    %dma_wait3A_163 = tpu.memref_slice %arg19[%dma_wait3A_161, %dma_wait3A_162] : memref<128x128xf32, #tpu.memory_space<vmem>> -> memref<80x128xf32, #tpu.memory_space<vmem>>
    %dma_wait3A_164 = arith.constant 0 : i32
    %dma_wait3A_165 = arith.constant 0 : i32
    %dma_wait3A_166 = tpu.memref_slice %arg11[%dma_wait3A_164, %dma_wait3A_165] : memref<51200x128xf32, #tpu.memory_space<hbm>> -> memref<80x128xf32, #tpu.memory_space<hbm>>
    %dma_wait3A_167 = arith.constant 0 : i32
    %dma_wait3A_168 = arith.constant 0 : i32
    %dma_wait3A_169 = tpu.memref_slice %arg11[%dma_wait3A_167, %dma_wait3A_168] : memref<51200x128xf32, #tpu.memory_space<hbm>> -> memref<80x128xf32, #tpu.memory_space<hbm>>
    %dma_wait3A_170 = arith.constant 0 : i32
    %dma_wait3A_171 = arith.constant 0 : i32
    %dma_wait3A_172 = tpu.memref_slice %arg19[%dma_wait3A_170, %dma_wait3A_171] : memref<128x128xf32, #tpu.memory_space<vmem>> -> memref<80x128xf32, #tpu.memory_space<vmem>>
    tpu.wait_dma2 semaphore(%arg29 : memref<!tpu.dma_semaphore, #tpu.memory_space<semaphore_mem>>) src(%dma_wait3A_172 : memref<80x128xf32, #tpu.memory_space<vmem>>) dst(%dma_wait3A_169 : memref<80x128xf32, #tpu.memory_space<hbm>>)
    %dma_wait3A_173 = arith.constant 0 : i32
    %dma_wait3A_174 = arith.constant 0 : i32
    %dma_wait3A_175 = tpu.memref_slice %arg20[%dma_wait3A_173, %dma_wait3A_174] : memref<128x128xf32, #tpu.memory_space<vmem>> -> memref<80x128xf32, #tpu.memory_space<vmem>>
    %dma_wait3A_176 = arith.constant 0 : i32
    %dma_wait3A_177 = arith.constant 0 : i32
    %dma_wait3A_178 = tpu.memref_slice %arg11[%dma_wait3A_176, %dma_wait3A_177] : memref<51200x128xf32, #tpu.memory_space<hbm>> -> memref<80x128xf32, #tpu.memory_space<hbm>>
    %dma_wait3A_179 = arith.constant 0 : i32
    %dma_wait3A_180 = arith.constant 0 : i32
    %dma_wait3A_181 = tpu.memref_slice %arg11[%dma_wait3A_179, %dma_wait3A_180] : memref<51200x128xf32, #tpu.memory_space<hbm>> -> memref<80x128xf32, #tpu.memory_space<hbm>>
    %dma_wait3A_182 = arith.constant 0 : i32
    %dma_wait3A_183 = arith.constant 0 : i32
    %dma_wait3A_184 = tpu.memref_slice %arg20[%dma_wait3A_182, %dma_wait3A_183] : memref<128x128xf32, #tpu.memory_space<vmem>> -> memref<80x128xf32, #tpu.memory_space<vmem>>
    tpu.wait_dma2 semaphore(%arg30 : memref<!tpu.dma_semaphore, #tpu.memory_space<semaphore_mem>>) src(%dma_wait3A_184 : memref<80x128xf32, #tpu.memory_space<vmem>>) dst(%dma_wait3A_181 : memref<80x128xf32, #tpu.memory_space<hbm>>)
    %dma_wait3A_185 = arith.constant 0 : i32
    %dma_wait3A_186 = tpu.memref_slice %arg21[%dma_wait3A_185] : memref<128xf32, #tpu.memory_space<vmem>> -> memref<80xf32, #tpu.memory_space<vmem>>
    %dma_wait3A_187 = arith.constant 0 : i32
    %dma_wait3A_188 = tpu.memref_slice %arg16[%dma_wait3A_187] : memref<51200xf32, #tpu.memory_space<hbm>> -> memref<80xf32, #tpu.memory_space<hbm>>
    %dma_wait3A_189 = arith.constant 0 : i32
    %dma_wait3A_190 = tpu.memref_slice %arg16[%dma_wait3A_189] : memref<51200xf32, #tpu.memory_space<hbm>> -> memref<80xf32, #tpu.memory_space<hbm>>
    %dma_wait3A_191 = arith.constant 0 : i32
    %dma_wait3A_192 = tpu.memref_slice %arg21[%dma_wait3A_191] : memref<128xf32, #tpu.memory_space<vmem>> -> memref<80xf32, #tpu.memory_space<vmem>>
    tpu.wait_dma2 semaphore(%arg31 : memref<!tpu.dma_semaphore, #tpu.memory_space<semaphore_mem>>) src(%dma_wait3A_192 : memref<80xf32, #tpu.memory_space<vmem>>) dst(%dma_wait3A_190 : memref<80xf32, #tpu.memory_space<hbm>>)
    %dma_wait3A_193 = arith.constant 0 : i32
    %dma_wait3A_194 = tpu.memref_slice %arg22[%dma_wait3A_193] : memref<128xf32, #tpu.memory_space<vmem>> -> memref<80xf32, #tpu.memory_space<vmem>>
    %dma_wait3A_195 = arith.constant 0 : i32
    %dma_wait3A_196 = tpu.memref_slice %arg16[%dma_wait3A_195] : memref<51200xf32, #tpu.memory_space<hbm>> -> memref<80xf32, #tpu.memory_space<hbm>>
    %dma_wait3A_197 = arith.constant 0 : i32
    %dma_wait3A_198 = tpu.memref_slice %arg16[%dma_wait3A_197] : memref<51200xf32, #tpu.memory_space<hbm>> -> memref<80xf32, #tpu.memory_space<hbm>>
    %dma_wait3A_199 = arith.constant 0 : i32
    %dma_wait3A_200 = tpu.memref_slice %arg22[%dma_wait3A_199] : memref<128xf32, #tpu.memory_space<vmem>> -> memref<80xf32, #tpu.memory_space<vmem>>
    tpu.wait_dma2 semaphore(%arg32 : memref<!tpu.dma_semaphore, #tpu.memory_space<semaphore_mem>>) src(%dma_wait3A_200 : memref<80xf32, #tpu.memory_space<vmem>>) dst(%dma_wait3A_198 : memref<80xf32, #tpu.memory_space<hbm>>)
    "tpu.region"() ({
      %run_scoped3A = tpu.sem_alloc : memref<!tpu.dma_semaphore, #tpu.memory_space<semaphore_mem>>
      %dma_start3A_271 = arith.constant 0 : i32
      %dma_start3A_272 = tpu.memref_slice %arg17[%dma_start3A_271] : memref<128xi32, #tpu.memory_space<vmem>> -> memref<32xi32, #tpu.memory_space<vmem>>
      %dma_start3A_273 = tpu.memref_slice %arg7[%mul3A_2] : memref<1024xi32, #tpu.memory_space<hbm>> -> memref<32xi32, #tpu.memory_space<hbm>>
      %dma_start3A_274 = arith.constant 0 : i32
      %dma_start3A_275 = tpu.memref_slice %arg17[%dma_start3A_274] : memref<128xi32, #tpu.memory_space<vmem>> -> memref<32xi32, #tpu.memory_space<vmem>>
      %dma_start3A_276 = tpu.memref_slice %arg7[%mul3A_2] : memref<1024xi32, #tpu.memory_space<hbm>> -> memref<32xi32, #tpu.memory_space<hbm>>
      tpu.enqueue_dma source(%dma_start3A_276 : memref<32xi32, #tpu.memory_space<hbm>>) target(%dma_start3A_275 : memref<32xi32, #tpu.memory_space<vmem>>) target_semaphore(%run_scoped3A : memref<!tpu.dma_semaphore, #tpu.memory_space<semaphore_mem>>)
      %dma_wait3A_277 = arith.constant 0 : i32
      %dma_wait3A_278 = tpu.memref_slice %arg17[%dma_wait3A_277] : memref<128xi32, #tpu.memory_space<vmem>> -> memref<32xi32, #tpu.memory_space<vmem>>
      %dma_wait3A_279 = tpu.memref_slice %arg7[%mul3A_2] : memref<1024xi32, #tpu.memory_space<hbm>> -> memref<32xi32, #tpu.memory_space<hbm>>
      %dma_wait3A_280 = arith.constant 0 : i32
      %dma_wait3A_281 = tpu.memref_slice %arg17[%dma_wait3A_280] : memref<128xi32, #tpu.memory_space<vmem>> -> memref<32xi32, #tpu.memory_space<vmem>>
      %dma_wait3A_282 = tpu.memref_slice %arg7[%mul3A_2] : memref<1024xi32, #tpu.memory_space<hbm>> -> memref<32xi32, #tpu.memory_space<hbm>>
      tpu.wait_dma2 semaphore(%run_scoped3A : memref<!tpu.dma_semaphore, #tpu.memory_space<semaphore_mem>>) src(%dma_wait3A_282 : memref<32xi32, #tpu.memory_space<hbm>>) dst(%dma_wait3A_281 : memref<32xi32, #tpu.memory_space<vmem>>)
      tpu.yield
    }) : () -> ()
    "tpu.region"() ({
      %run_scoped3A = tpu.sem_alloc : memref<!tpu.dma_semaphore, #tpu.memory_space<semaphore_mem>>
      %dma_start3A_271 = arith.constant 0 : i32
      %dma_start3A_272 = arith.constant 0 : i32
      %dma_start3A_273 = tpu.memref_slice %arg24[%dma_start3A_271, %dma_start3A_272] : memref<128x128xi32, #tpu.memory_space<vmem>> -> memref<32x128xi32, #tpu.memory_space<vmem>>
      %dma_start3A_274 = arith.constant 0 : i32
      %dma_start3A_275 = tpu.memref_slice %arg17[%dma_start3A_274] : memref<128xi32, #tpu.memory_space<vmem>> -> memref<32xi32, #tpu.memory_space<vmem>>
      %dma_start3A_276 = arith.constant 0 : i32
      %dma_start3A_277 = arith.constant 0 : i32
      %dma_start3A_278 = tpu.memref_slice %arg5[%dma_start3A_276, %dma_start3A_277] : memref<100000x128xi32, #tpu.memory_space<hbm>> -> memref<100000x128xi32, #tpu.memory_space<hbm>>
      tpu.enqueue_indirect_dma source(%dma_start3A_278 : memref<100000x128xi32, #tpu.memory_space<hbm>>) target(%dma_start3A_273 : memref<32x128xi32, #tpu.memory_space<vmem>>) offsets(%dma_start3A_275 : memref<32xi32, #tpu.memory_space<vmem>>) semaphore(%run_scoped3A : memref<!tpu.dma_semaphore, #tpu.memory_space<semaphore_mem>>)
      %dma_wait3A_279 = arith.constant 0 : i32
      %dma_wait3A_280 = arith.constant 0 : i32
      %dma_wait3A_281 = tpu.memref_slice %arg24[%dma_wait3A_279, %dma_wait3A_280] : memref<128x128xi32, #tpu.memory_space<vmem>> -> memref<32x128xi32, #tpu.memory_space<vmem>>
      %dma_wait3A_282 = arith.constant 0 : i32
      %dma_wait3A_283 = tpu.memref_slice %arg17[%dma_wait3A_282] : memref<128xi32, #tpu.memory_space<vmem>> -> memref<32xi32, #tpu.memory_space<vmem>>
      %dma_wait3A_284 = arith.constant 0 : i32
      %dma_wait3A_285 = arith.constant 0 : i32
      %dma_wait3A_286 = tpu.memref_slice %arg5[%dma_wait3A_284, %dma_wait3A_285] : memref<100000x128xi32, #tpu.memory_space<hbm>> -> memref<100000x128xi32, #tpu.memory_space<hbm>>
      tpu.wait_indirect_dma semaphore(%run_scoped3A : memref<!tpu.dma_semaphore, #tpu.memory_space<semaphore_mem>>) src(%dma_wait3A_286 : memref<100000x128xi32, #tpu.memory_space<hbm>>) dst(%dma_wait3A_281 : memref<32x128xi32, #tpu.memory_space<vmem>>)
      tpu.yield
    }) : () -> ()
    %dma_start3A_201 = arith.constant 0 : i32
    %dma_start3A_202 = arith.constant 0 : i32
    %dma_start3A_203 = tpu.memref_slice %arg24[%dma_start3A_201, %dma_start3A_202] : memref<128x128xi32, #tpu.memory_space<vmem>> -> memref<32x128xi32, #tpu.memory_space<vmem>>
    %dma_start3A_204 = arith.constant 0 : i32
    %dma_start3A_205 = tpu.memref_slice %arg13[%mul3A_2, %dma_start3A_204] : memref<1024x128xi32, #tpu.memory_space<hbm>> -> memref<32x128xi32, #tpu.memory_space<hbm>>
    %dma_start3A_206 = arith.constant 0 : i32
    %dma_start3A_207 = tpu.memref_slice %arg13[%mul3A_2, %dma_start3A_206] : memref<1024x128xi32, #tpu.memory_space<hbm>> -> memref<32x128xi32, #tpu.memory_space<hbm>>
    %dma_start3A_208 = arith.constant 0 : i32
    %dma_start3A_209 = arith.constant 0 : i32
    %dma_start3A_210 = tpu.memref_slice %arg24[%dma_start3A_208, %dma_start3A_209] : memref<128x128xi32, #tpu.memory_space<vmem>> -> memref<32x128xi32, #tpu.memory_space<vmem>>
    tpu.enqueue_dma source(%dma_start3A_210 : memref<32x128xi32, #tpu.memory_space<vmem>>) target(%dma_start3A_207 : memref<32x128xi32, #tpu.memory_space<hbm>>) target_semaphore(%arg31 : memref<!tpu.dma_semaphore, #tpu.memory_space<semaphore_mem>>)
    %iota3A = tpu.iota {dimensions = array<i32: 0>} : vector<16xi32>
    %scan3A_211 = arith.constant 0 : i32
    %scan3A_212 = arith.constant 20 : i32
    %scan3A_213 = arith.addi %scan3A_211, %scan3A_212 : i32
    %scan3A_214 = arith.constant 1 : i32
    scf.for %scan3A_271 = %scan3A_211 to %scan3A_213 step %scan3A_214  : i32 {
      %mul3A_272 = arith.constant 1 : i32
      %mul3A_273 = arith.muli %scan3A_271, %mul3A_272 : i32
      %add3A_274 = arith.constant 0 : i32
      %add3A_275 = arith.addi %add3A_274, %mul3A_273 : i32
      %mul3A_276 = arith.constant 16 : i32
      %mul3A_277 = arith.muli %add3A_275, %mul3A_276 : i32
      %add3A_278 = vector.broadcast %mul3A_277 : i32 to vector<16xi32>
      %add3A_279 = arith.addi %add3A_278, %iota3A : vector<16xi32>
      %jit3A = arith.constant 10 : i32
      %div3A = vector.broadcast %jit3A : i32 to vector<16xi32>
      %div3A_280 = arith.divsi %add3A_279, %div3A : vector<16xi32>
      %sign3A = arith.constant 0 : i32
      %sign3A_281 = vector.broadcast %sign3A : i32 to vector<16xi32>
      %sign3A_282 = arith.cmpi sgt, %add3A_279, %sign3A_281 : vector<16xi32>
      %sign3A_283 = arith.extui %sign3A_282 : vector<16xi1> to vector<16xi32>
      %sign3A_284 = arith.constant 0 : i32
      %sign3A_285 = vector.broadcast %sign3A_284 : i32 to vector<16xi32>
      %sign3A_286 = arith.cmpi slt, %add3A_279, %sign3A_285 : vector<16xi32>
      %sign3A_287 = arith.extui %sign3A_286 : vector<16xi1> to vector<16xi32>
      %sign3A_288 = arith.subi %sign3A_283, %sign3A_287 : vector<16xi32>
      %sign3A_289 = arith.constant 0 : i32
      %sign3A_290 = arith.cmpi sgt, %jit3A, %sign3A_289 : i32
      %sign3A_291 = arith.extui %sign3A_290 : i1 to i32
      %sign3A_292 = arith.constant 0 : i32
      %sign3A_293 = arith.cmpi slt, %jit3A, %sign3A_292 : i32
      %sign3A_294 = arith.extui %sign3A_293 : i1 to i32
      %sign3A_295 = arith.subi %sign3A_291, %sign3A_294 : i32
      %ne3A = vector.broadcast %sign3A_295 : i32 to vector<16xi32>
      %ne3A_296 = arith.cmpi ne, %sign3A_288, %ne3A : vector<16xi32>
      %rem3A = vector.broadcast %jit3A : i32 to vector<16xi32>
      %rem3A_297 = arith.remsi %add3A_279, %rem3A : vector<16xi32>
      %ne3A_298 = arith.constant 0 : i32
      %ne3A_299 = vector.broadcast %ne3A_298 : i32 to vector<16xi32>
      %ne3A_300 = arith.cmpi ne, %rem3A_297, %ne3A_299 : vector<16xi32>
      %and3A = arith.andi %ne3A_296, %ne3A_300 : vector<16xi1>
      %sub3A = arith.constant 1 : i32
      %sub3A_301 = vector.broadcast %sub3A : i32 to vector<16xi32>
      %sub3A_302 = arith.subi %div3A_280, %sub3A_301 : vector<16xi32>
      %select_n3A = arith.select %and3A, %sub3A_302, %div3A_280 : vector<16xi1>, vector<16xi32>
      %jit3A_303 = arith.constant 10 : i32
      %eq3A = arith.constant 0 : i32
      %eq3A_304 = arith.cmpi eq, %jit3A_303, %eq3A : i32
      %jit3A_305 = arith.constant 1 : i32
      %select_n3A_306 = arith.select %eq3A_304, %jit3A_305, %jit3A_303 : i32
      %rem3A_307 = vector.broadcast %select_n3A_306 : i32 to vector<16xi32>
      %rem3A_308 = arith.remsi %add3A_279, %rem3A_307 : vector<16xi32>
      %ne3A_309 = arith.constant 0 : i32
      %ne3A_310 = vector.broadcast %ne3A_309 : i32 to vector<16xi32>
      %ne3A_311 = arith.cmpi ne, %rem3A_308, %ne3A_310 : vector<16xi32>
      %lt3A = arith.constant 0 : i32
      %lt3A_312 = vector.broadcast %lt3A : i32 to vector<16xi32>
      %lt3A_313 = arith.cmpi slt, %rem3A_308, %lt3A_312 : vector<16xi32>
      %lt3A_314 = arith.constant 0 : i32
      %lt3A_315 = arith.cmpi slt, %select_n3A_306, %lt3A_314 : i32
      %ne3A_316 = vector.broadcast %lt3A_315 : i1 to vector<16xi1>
      %ne3A_317 = vector.broadcast %ne3A_316 : vector<16xi1> to vector<16xi1>
      %ne3A_318 = arith.xori %lt3A_313, %ne3A_317 : vector<16xi1>
      %and3A_319 = arith.andi %ne3A_318, %ne3A_311 : vector<16xi1>
      %add3A_320 = vector.broadcast %select_n3A_306 : i32 to vector<16xi32>
      %add3A_321 = arith.addi %rem3A_308, %add3A_320 : vector<16xi32>
      %select_n3A_322 = arith.select %and3A_319, %add3A_321, %rem3A_308 : vector<16xi1>, vector<16xi32>
      %gather3A = tpu.vector_load_idx %arg24[%select_n3A, %select_n3A_322] : memref<128x128xi32, #tpu.memory_space<vmem>>[vector<16xi32>, vector<16xi32>], vector<16xi32>,
      %mul3A_323 = arith.constant 16 : i32
      %mul3A_324 = arith.muli %add3A_275, %mul3A_323 : i32
      %swap3A = arith.index_cast %mul3A_324 : i32 to index
      %swap3A_325 = tpu.vector_load %arg23[%swap3A] {strides = array<i32>} : memref<320xi32, #tpu.memory_space<vmem>>, vector<16xi32>,
      tpu.vector_store %arg23[%swap3A], %gather3A {strides = array<i32>} : memref<320xi32, #tpu.memory_space<vmem>>, vector<16xi32>,
    }
    %scan3A_215 = arith.constant 20 : i32
    %dma_wait3A_216 = arith.constant 0 : i32
    %dma_wait3A_217 = arith.constant 0 : i32
    %dma_wait3A_218 = tpu.memref_slice %arg24[%dma_wait3A_216, %dma_wait3A_217] : memref<128x128xi32, #tpu.memory_space<vmem>> -> memref<32x128xi32, #tpu.memory_space<vmem>>
    %dma_wait3A_219 = arith.constant 0 : i32
    %dma_wait3A_220 = tpu.memref_slice %arg13[%mul3A_2, %dma_wait3A_219] : memref<1024x128xi32, #tpu.memory_space<hbm>> -> memref<32x128xi32, #tpu.memory_space<hbm>>
    %dma_wait3A_221 = arith.constant 0 : i32
    %dma_wait3A_222 = tpu.memref_slice %arg13[%mul3A_2, %dma_wait3A_221] : memref<1024x128xi32, #tpu.memory_space<hbm>> -> memref<32x128xi32, #tpu.memory_space<hbm>>
    %dma_wait3A_223 = arith.constant 0 : i32
    %dma_wait3A_224 = arith.constant 0 : i32
    %dma_wait3A_225 = tpu.memref_slice %arg24[%dma_wait3A_223, %dma_wait3A_224] : memref<128x128xi32, #tpu.memory_space<vmem>> -> memref<32x128xi32, #tpu.memory_space<vmem>>
    tpu.wait_dma2 semaphore(%arg31 : memref<!tpu.dma_semaphore, #tpu.memory_space<semaphore_mem>>) src(%dma_wait3A_225 : memref<32x128xi32, #tpu.memory_space<vmem>>) dst(%dma_wait3A_222 : memref<32x128xi32, #tpu.memory_space<hbm>>)
    %dma_start3A_226 = arith.constant 0 : i32
    %dma_start3A_227 = arith.constant 0 : i32
    %dma_start3A_228 = tpu.memref_slice %arg19[%dma_start3A_226, %dma_start3A_227] : memref<128x128xf32, #tpu.memory_space<vmem>> -> memref<80x128xf32, #tpu.memory_space<vmem>>
    %dma_start3A_229 = arith.constant 0 : i32
    %dma_start3A_230 = tpu.memref_slice %arg23[%dma_start3A_229] : memref<320xi32, #tpu.memory_space<vmem>> -> memref<80xi32, #tpu.memory_space<vmem>>
    %dma_start3A_231 = arith.constant 0 : i32
    %dma_start3A_232 = arith.constant 0 : i32
    %dma_start3A_233 = tpu.memref_slice %arg2[%dma_start3A_231, %dma_start3A_232] : memref<100000x128xf32, #tpu.memory_space<hbm>> -> memref<100000x128xf32, #tpu.memory_space<hbm>>
    tpu.enqueue_indirect_dma source(%dma_start3A_233 : memref<100000x128xf32, #tpu.memory_space<hbm>>) target(%dma_start3A_228 : memref<80x128xf32, #tpu.memory_space<vmem>>) offsets(%dma_start3A_230 : memref<80xi32, #tpu.memory_space<vmem>>) semaphore(%arg25 : memref<!tpu.dma_semaphore, #tpu.memory_space<semaphore_mem>>)
    %dma_start3A_234 = arith.constant 0 : i32
    %dma_start3A_235 = arith.constant 0 : i32
    %dma_start3A_236 = tpu.memref_slice %arg20[%dma_start3A_234, %dma_start3A_235] : memref<128x128xf32, #tpu.memory_space<vmem>> -> memref<80x128xf32, #tpu.memory_space<vmem>>
    %dma_start3A_237 = arith.constant 80 : i32
    %dma_start3A_238 = tpu.memref_slice %arg23[%dma_start3A_237] : memref<320xi32, #tpu.memory_space<vmem>> -> memref<80xi32, #tpu.memory_space<vmem>>
    %dma_start3A_239 = arith.constant 0 : i32
    %dma_start3A_240 = arith.constant 0 : i32
    %dma_start3A_241 = tpu.memref_slice %arg2[%dma_start3A_239, %dma_start3A_240] : memref<100000x128xf32, #tpu.memory_space<hbm>> -> memref<100000x128xf32, #tpu.memory_space<hbm>>
    tpu.enqueue_indirect_dma source(%dma_start3A_241 : memref<100000x128xf32, #tpu.memory_space<hbm>>) target(%dma_start3A_236 : memref<80x128xf32, #tpu.memory_space<vmem>>) offsets(%dma_start3A_238 : memref<80xi32, #tpu.memory_space<vmem>>) semaphore(%arg26 : memref<!tpu.dma_semaphore, #tpu.memory_space<semaphore_mem>>)
    %scan3A_242 = arith.constant 0 : i32
    %scan3A_243 = arith.constant 2 : i32
    %scan3A_244 = arith.addi %scan3A_242, %scan3A_243 : i32
    %scan3A_245 = arith.constant 1 : i32
    scf.for %scan3A_271 = %scan3A_242 to %scan3A_244 step %scan3A_245  : i32 {
      %mul3A_272 = arith.constant 1 : i32
      %mul3A_273 = arith.muli %scan3A_271, %mul3A_272 : i32
      %add3A_274 = arith.constant 0 : i32
      %add3A_275 = arith.addi %add3A_274, %mul3A_273 : i32
      %mul3A_276 = arith.constant 2 : i32
      %mul3A_277 = arith.muli %mul3A_276, %add3A_275 : i32
      %add3A_278 = arith.constant 0 : i32
      %add3A_279 = arith.addi %mul3A_277, %add3A_278 : i32
      %mul3A_280 = arith.constant 320 : i32
      %mul3A_281 = arith.muli %add3A, %mul3A_280 : i32
      %mul3A_282 = arith.constant 80 : i32
      %mul3A_283 = arith.muli %add3A_279, %mul3A_282 : i32
      %add3A_284 = arith.addi %mul3A_281, %mul3A_283 : i32
      %mul3A_285 = arith.constant 80 : i32
      %mul3A_286 = arith.muli %add3A_279, %mul3A_285 : i32
      %dma_wait3A_287 = arith.constant 0 : i32
      %dma_wait3A_288 = arith.constant 0 : i32
      %dma_wait3A_289 = tpu.memref_slice %arg19[%dma_wait3A_287, %dma_wait3A_288] : memref<128x128xf32, #tpu.memory_space<vmem>> -> memref<80x128xf32, #tpu.memory_space<vmem>>
      %dma_wait3A_290 = tpu.memref_slice %arg23[%mul3A_286] : memref<320xi32, #tpu.memory_space<vmem>> -> memref<80xi32, #tpu.memory_space<vmem>>
      %dma_wait3A_291 = arith.constant 0 : i32
      %dma_wait3A_292 = arith.constant 0 : i32
      %dma_wait3A_293 = tpu.memref_slice %arg2[%dma_wait3A_291, %dma_wait3A_292] : memref<100000x128xf32, #tpu.memory_space<hbm>> -> memref<100000x128xf32, #tpu.memory_space<hbm>>
      tpu.wait_indirect_dma semaphore(%arg25 : memref<!tpu.dma_semaphore, #tpu.memory_space<semaphore_mem>>) src(%dma_wait3A_293 : memref<100000x128xf32, #tpu.memory_space<hbm>>) dst(%dma_wait3A_289 : memref<80x128xf32, #tpu.memory_space<vmem>>)
      %dma_start3A_294 = arith.constant 0 : i32
      %dma_start3A_295 = arith.constant 0 : i32
      %dma_start3A_296 = tpu.memref_slice %arg19[%dma_start3A_294, %dma_start3A_295] : memref<128x128xf32, #tpu.memory_space<vmem>> -> memref<80x128xf32, #tpu.memory_space<vmem>>
      %dma_start3A_297 = arith.constant 0 : i32
      %dma_start3A_298 = tpu.memref_slice %arg12[%add3A_284, %dma_start3A_297] : memref<10240x128xf32, #tpu.memory_space<hbm>> -> memref<80x128xf32, #tpu.memory_space<hbm>>
      %dma_start3A_299 = arith.constant 0 : i32
      %dma_start3A_300 = tpu.memref_slice %arg12[%add3A_284, %dma_start3A_299] : memref<10240x128xf32, #tpu.memory_space<hbm>> -> memref<80x128xf32, #tpu.memory_space<hbm>>
      %dma_start3A_301 = arith.constant 0 : i32
      %dma_start3A_302 = arith.constant 0 : i32
      %dma_start3A_303 = tpu.memref_slice %arg19[%dma_start3A_301, %dma_start3A_302] : memref<128x128xf32, #tpu.memory_space<vmem>> -> memref<80x128xf32, #tpu.memory_space<vmem>>
      tpu.enqueue_dma source(%dma_start3A_303 : memref<80x128xf32, #tpu.memory_space<vmem>>) target(%dma_start3A_300 : memref<80x128xf32, #tpu.memory_space<hbm>>) target_semaphore(%arg29 : memref<!tpu.dma_semaphore, #tpu.memory_space<semaphore_mem>>)
      %add3A_304 = arith.constant 2 : i32
      %add3A_305 = arith.addi %add3A_279, %add3A_304 : i32
      %lt3A = arith.constant 4 : i32
      %lt3A_306 = arith.cmpi slt, %add3A_305, %lt3A : i32
      %convert_element_type3A = arith.extui %lt3A_306 : i1 to i32
      %cond3A = arith.constant 0 : i32
      %cond3A_307 = arith.cmpi ne, %convert_element_type3A, %cond3A : i32
      scf.if %cond3A_307 {
        %add3A_343 = arith.constant 2 : i32
        %add3A_344 = arith.addi %add3A_279, %add3A_343 : i32
        %dma_wait3A_345 = arith.constant 0 : i32
        %dma_wait3A_346 = arith.constant 0 : i32
        %dma_wait3A_347 = tpu.memref_slice %arg19[%dma_wait3A_345, %dma_wait3A_346] : memref<128x128xf32, #tpu.memory_space<vmem>> -> memref<80x128xf32, #tpu.memory_space<vmem>>
        %dma_wait3A_348 = arith.constant 0 : i32
        %dma_wait3A_349 = arith.constant 0 : i32
        %dma_wait3A_350 = tpu.memref_slice %arg12[%dma_wait3A_348, %dma_wait3A_349] : memref<10240x128xf32, #tpu.memory_space<hbm>> -> memref<80x128xf32, #tpu.memory_space<hbm>>
        %dma_wait3A_351 = arith.constant 0 : i32
        %dma_wait3A_352 = arith.constant 0 : i32
        %dma_wait3A_353 = tpu.memref_slice %arg12[%dma_wait3A_351, %dma_wait3A_352] : memref<10240x128xf32, #tpu.memory_space<hbm>> -> memref<80x128xf32, #tpu.memory_space<hbm>>
        %dma_wait3A_354 = arith.constant 0 : i32
        %dma_wait3A_355 = arith.constant 0 : i32
        %dma_wait3A_356 = tpu.memref_slice %arg19[%dma_wait3A_354, %dma_wait3A_355] : memref<128x128xf32, #tpu.memory_space<vmem>> -> memref<80x128xf32, #tpu.memory_space<vmem>>
        tpu.wait_dma2 semaphore(%arg29 : memref<!tpu.dma_semaphore, #tpu.memory_space<semaphore_mem>>) src(%dma_wait3A_356 : memref<80x128xf32, #tpu.memory_space<vmem>>) dst(%dma_wait3A_353 : memref<80x128xf32, #tpu.memory_space<hbm>>)
        %mul3A_357 = arith.constant 80 : i32
        %mul3A_358 = arith.muli %add3A_344, %mul3A_357 : i32
        %dma_start3A_359 = arith.constant 0 : i32
        %dma_start3A_360 = arith.constant 0 : i32
        %dma_start3A_361 = tpu.memref_slice %arg19[%dma_start3A_359, %dma_start3A_360] : memref<128x128xf32, #tpu.memory_space<vmem>> -> memref<80x128xf32, #tpu.memory_space<vmem>>
        %dma_start3A_362 = tpu.memref_slice %arg23[%mul3A_358] : memref<320xi32, #tpu.memory_space<vmem>> -> memref<80xi32, #tpu.memory_space<vmem>>
        %dma_start3A_363 = arith.constant 0 : i32
        %dma_start3A_364 = arith.constant 0 : i32
        %dma_start3A_365 = tpu.memref_slice %arg2[%dma_start3A_363, %dma_start3A_364] : memref<100000x128xf32, #tpu.memory_space<hbm>> -> memref<100000x128xf32, #tpu.memory_space<hbm>>
        tpu.enqueue_indirect_dma source(%dma_start3A_365 : memref<100000x128xf32, #tpu.memory_space<hbm>>) target(%dma_start3A_361 : memref<80x128xf32, #tpu.memory_space<vmem>>) offsets(%dma_start3A_362 : memref<80xi32, #tpu.memory_space<vmem>>) semaphore(%arg25 : memref<!tpu.dma_semaphore, #tpu.memory_space<semaphore_mem>>)
      } else {
      }
      %mul3A_308 = arith.constant 2 : i32
      %mul3A_309 = arith.muli %mul3A_308, %add3A_275 : i32
      %add3A_310 = arith.constant 1 : i32
      %add3A_311 = arith.addi %mul3A_309, %add3A_310 : i32
      %mul3A_312 = arith.constant 320 : i32
      %mul3A_313 = arith.muli %add3A, %mul3A_312 : i32
      %mul3A_314 = arith.constant 80 : i32
      %mul3A_315 = arith.muli %add3A_311, %mul3A_314 : i32
      %add3A_316 = arith.addi %mul3A_313, %mul3A_315 : i32
      %mul3A_317 = arith.constant 80 : i32
      %mul3A_318 = arith.muli %add3A_311, %mul3A_317 : i32
      %dma_wait3A_319 = arith.constant 0 : i32
      %dma_wait3A_320 = arith.constant 0 : i32
      %dma_wait3A_321 = tpu.memref_slice %arg20[%dma_wait3A_319, %dma_wait3A_320] : memref<128x128xf32, #tpu.memory_space<vmem>> -> memref<80x128xf32, #tpu.memory_space<vmem>>
      %dma_wait3A_322 = tpu.memref_slice %arg23[%mul3A_318] : memref<320xi32, #tpu.memory_space<vmem>> -> memref<80xi32, #tpu.memory_space<vmem>>
      %dma_wait3A_323 = arith.constant 0 : i32
      %dma_wait3A_324 = arith.constant 0 : i32
      %dma_wait3A_325 = tpu.memref_slice %arg2[%dma_wait3A_323, %dma_wait3A_324] : memref<100000x128xf32, #tpu.memory_space<hbm>> -> memref<100000x128xf32, #tpu.memory_space<hbm>>
      tpu.wait_indirect_dma semaphore(%arg26 : memref<!tpu.dma_semaphore, #tpu.memory_space<semaphore_mem>>) src(%dma_wait3A_325 : memref<100000x128xf32, #tpu.memory_space<hbm>>) dst(%dma_wait3A_321 : memref<80x128xf32, #tpu.memory_space<vmem>>)
      %dma_start3A_326 = arith.constant 0 : i32
      %dma_start3A_327 = arith.constant 0 : i32
      %dma_start3A_328 = tpu.memref_slice %arg20[%dma_start3A_326, %dma_start3A_327] : memref<128x128xf32, #tpu.memory_space<vmem>> -> memref<80x128xf32, #tpu.memory_space<vmem>>
      %dma_start3A_329 = arith.constant 0 : i32
      %dma_start3A_330 = tpu.memref_slice %arg12[%add3A_316, %dma_start3A_329] : memref<10240x128xf32, #tpu.memory_space<hbm>> -> memref<80x128xf32, #tpu.memory_space<hbm>>
      %dma_start3A_331 = arith.constant 0 : i32
      %dma_start3A_332 = tpu.memref_slice %arg12[%add3A_316, %dma_start3A_331] : memref<10240x128xf32, #tpu.memory_space<hbm>> -> memref<80x128xf32, #tpu.memory_space<hbm>>
      %dma_start3A_333 = arith.constant 0 : i32
      %dma_start3A_334 = arith.constant 0 : i32
      %dma_start3A_335 = tpu.memref_slice %arg20[%dma_start3A_333, %dma_start3A_334] : memref<128x128xf32, #tpu.memory_space<vmem>> -> memref<80x128xf32, #tpu.memory_space<vmem>>
      tpu.enqueue_dma source(%dma_start3A_335 : memref<80x128xf32, #tpu.memory_space<vmem>>) target(%dma_start3A_332 : memref<80x128xf32, #tpu.memory_space<hbm>>) target_semaphore(%arg30 : memref<!tpu.dma_semaphore, #tpu.memory_space<semaphore_mem>>)
      %add3A_336 = arith.constant 2 : i32
      %add3A_337 = arith.addi %add3A_311, %add3A_336 : i32
      %lt3A_338 = arith.constant 4 : i32
      %lt3A_339 = arith.cmpi slt, %add3A_337, %lt3A_338 : i32
      %convert_element_type3A_340 = arith.extui %lt3A_339 : i1 to i32
      %cond3A_341 = arith.constant 0 : i32
      %cond3A_342 = arith.cmpi ne, %convert_element_type3A_340, %cond3A_341 : i32
      scf.if %cond3A_342 {
        %add3A_343 = arith.constant 2 : i32
        %add3A_344 = arith.addi %add3A_311, %add3A_343 : i32
        %dma_wait3A_345 = arith.constant 0 : i32
        %dma_wait3A_346 = arith.constant 0 : i32
        %dma_wait3A_347 = tpu.memref_slice %arg20[%dma_wait3A_345, %dma_wait3A_346] : memref<128x128xf32, #tpu.memory_space<vmem>> -> memref<80x128xf32, #tpu.memory_space<vmem>>
        %dma_wait3A_348 = arith.constant 0 : i32
        %dma_wait3A_349 = arith.constant 0 : i32
        %dma_wait3A_350 = tpu.memref_slice %arg12[%dma_wait3A_348, %dma_wait3A_349] : memref<10240x128xf32, #tpu.memory_space<hbm>> -> memref<80x128xf32, #tpu.memory_space<hbm>>
        %dma_wait3A_351 = arith.constant 0 : i32
        %dma_wait3A_352 = arith.constant 0 : i32
        %dma_wait3A_353 = tpu.memref_slice %arg12[%dma_wait3A_351, %dma_wait3A_352] : memref<10240x128xf32, #tpu.memory_space<hbm>> -> memref<80x128xf32, #tpu.memory_space<hbm>>
        %dma_wait3A_354 = arith.constant 0 : i32
        %dma_wait3A_355 = arith.constant 0 : i32
        %dma_wait3A_356 = tpu.memref_slice %arg20[%dma_wait3A_354, %dma_wait3A_355] : memref<128x128xf32, #tpu.memory_space<vmem>> -> memref<80x128xf32, #tpu.memory_space<vmem>>
        tpu.wait_dma2 semaphore(%arg30 : memref<!tpu.dma_semaphore, #tpu.memory_space<semaphore_mem>>) src(%dma_wait3A_356 : memref<80x128xf32, #tpu.memory_space<vmem>>) dst(%dma_wait3A_353 : memref<80x128xf32, #tpu.memory_space<hbm>>)
        %mul3A_357 = arith.constant 80 : i32
        %mul3A_358 = arith.muli %add3A_344, %mul3A_357 : i32
        %dma_start3A_359 = arith.constant 0 : i32
        %dma_start3A_360 = arith.constant 0 : i32
        %dma_start3A_361 = tpu.memref_slice %arg20[%dma_start3A_359, %dma_start3A_360] : memref<128x128xf32, #tpu.memory_space<vmem>> -> memref<80x128xf32, #tpu.memory_space<vmem>>
        %dma_start3A_362 = tpu.memref_slice %arg23[%mul3A_358] : memref<320xi32, #tpu.memory_space<vmem>> -> memref<80xi32, #tpu.memory_space<vmem>>
        %dma_start3A_363 = arith.constant 0 : i32
        %dma_start3A_364 = arith.constant 0 : i32
        %dma_start3A_365 = tpu.memref_slice %arg2[%dma_start3A_363, %dma_start3A_364] : memref<100000x128xf32, #tpu.memory_space<hbm>> -> memref<100000x128xf32, #tpu.memory_space<hbm>>
        tpu.enqueue_indirect_dma source(%dma_start3A_365 : memref<100000x128xf32, #tpu.memory_space<hbm>>) target(%dma_start3A_361 : memref<80x128xf32, #tpu.memory_space<vmem>>) offsets(%dma_start3A_362 : memref<80xi32, #tpu.memory_space<vmem>>) semaphore(%arg26 : memref<!tpu.dma_semaphore, #tpu.memory_space<semaphore_mem>>)
      } else {
      }
    }
    %scan3A_246 = arith.constant 2 : i32
    %dma_wait3A_247 = arith.constant 0 : i32
    %dma_wait3A_248 = arith.constant 0 : i32
    %dma_wait3A_249 = tpu.memref_slice %arg19[%dma_wait3A_247, %dma_wait3A_248] : memref<128x128xf32, #tpu.memory_space<vmem>> -> memref<80x128xf32, #tpu.memory_space<vmem>>
    %dma_wait3A_250 = arith.constant 0 : i32
    %dma_wait3A_251 = arith.constant 0 : i32
    %dma_wait3A_252 = tpu.memref_slice %arg12[%dma_wait3A_250, %dma_wait3A_251] : memref<10240x128xf32, #tpu.memory_space<hbm>> -> memref<80x128xf32, #tpu.memory_space<hbm>>
    %dma_wait3A_253 = arith.constant 0 : i32
    %dma_wait3A_254 = arith.constant 0 : i32
    %dma_wait3A_255 = tpu.memref_slice %arg12[%dma_wait3A_253, %dma_wait3A_254] : memref<10240x128xf32, #tpu.memory_space<hbm>> -> memref<80x128xf32, #tpu.memory_space<hbm>>
    %dma_wait3A_256 = arith.constant 0 : i32
    %dma_wait3A_257 = arith.constant 0 : i32
    %dma_wait3A_258 = tpu.memref_slice %arg19[%dma_wait3A_256, %dma_wait3A_257] : memref<128x128xf32, #tpu.memory_space<vmem>> -> memref<80x128xf32, #tpu.memory_space<vmem>>
    tpu.wait_dma2 semaphore(%arg29 : memref<!tpu.dma_semaphore, #tpu.memory_space<semaphore_mem>>) src(%dma_wait3A_258 : memref<80x128xf32, #tpu.memory_space<vmem>>) dst(%dma_wait3A_255 : memref<80x128xf32, #tpu.memory_space<hbm>>)
    %dma_wait3A_259 = arith.constant 0 : i32
    %dma_wait3A_260 = arith.constant 0 : i32
    %dma_wait3A_261 = tpu.memref_slice %arg20[%dma_wait3A_259, %dma_wait3A_260] : memref<128x128xf32, #tpu.memory_space<vmem>> -> memref<80x128xf32, #tpu.memory_space<vmem>>
    %dma_wait3A_262 = arith.constant 0 : i32
    %dma_wait3A_263 = arith.constant 0 : i32
    %dma_wait3A_264 = tpu.memref_slice %arg12[%dma_wait3A_262, %dma_wait3A_263] : memref<10240x128xf32, #tpu.memory_space<hbm>> -> memref<80x128xf32, #tpu.memory_space<hbm>>
    %dma_wait3A_265 = arith.constant 0 : i32
    %dma_wait3A_266 = arith.constant 0 : i32
    %dma_wait3A_267 = tpu.memref_slice %arg12[%dma_wait3A_265, %dma_wait3A_266] : memref<10240x128xf32, #tpu.memory_space<hbm>> -> memref<80x128xf32, #tpu.memory_space<hbm>>
    %dma_wait3A_268 = arith.constant 0 : i32
    %dma_wait3A_269 = arith.constant 0 : i32
    %dma_wait3A_270 = tpu.memref_slice %arg20[%dma_wait3A_268, %dma_wait3A_269] : memref<128x128xf32, #tpu.memory_space<vmem>> -> memref<80x128xf32, #tpu.memory_space<vmem>>
    tpu.wait_dma2 semaphore(%arg30 : memref<!tpu.dma_semaphore, #tpu.memory_space<semaphore_mem>>) src(%dma_wait3A_270 : memref<80x128xf32, #tpu.memory_space<vmem>>) dst(%dma_wait3A_267 : memref<80x128xf32, #tpu.memory_space<hbm>>)
    return
  }
}

module attributes {stable_mosaic.version = 14 : i64} {
  func.func @_loss_block(%arg0: i32, %arg1: memref<1x128x128xf32, #tpu.memory_space<vmem>>, %arg2: memref<1x128x128xf32, #tpu.memory_space<vmem>>, %arg3: memref<1x128x6400xf32, #tpu.memory_space<vmem>>, %arg4: memref<1x128x1280xf32, #tpu.memory_space<vmem>>, %arg5: memref<8x128xf32, #tpu.memory_space<vmem>>, %arg6: memref<8x128xf32, #tpu.memory_space<vmem>>, %arg7: memref<1x128x50xf32, #tpu.memory_space<vmem>>, %arg8: memref<1x128x128xi32, #tpu.memory_space<vmem>>, %arg9: memref<6400x50xf32, #tpu.memory_space<vmem>>, %arg10: memref<1280x10xf32, #tpu.memory_space<vmem>>, %arg11: memref<128x1xf32, #tpu.memory_space<vmem>>, %arg12: memref<1x1xf32, #tpu.memory_space<smem>>) attributes {dimension_semantics = [#tpu.dimension_semantics<arbitrary>], iteration_bounds = array<i64: 8>, scalar_prefetch = 0 : i64, scratch_operands = 0 : i64, tpu.core_type = #tpu.core_type<tc>, window_params = [{transform_indices = @transform_0, window_bounds = array<i64: 1, 128, 128>}, {transform_indices = @transform_1, window_bounds = array<i64: 1, 128, 128>}, {transform_indices = @transform_2, window_bounds = array<i64: 1, 128, 6400>}, {transform_indices = @transform_3, window_bounds = array<i64: 1, 128, 1280>}, {pipeline_mode = #tpu.pipeline_mode<synchronous>, transform_indices = @transform_4, window_bounds = array<i64: 8, 128>}, {pipeline_mode = #tpu.pipeline_mode<synchronous>, transform_indices = @transform_5, window_bounds = array<i64: 8, 128>}, {transform_indices = @transform_6, window_bounds = array<i64: 1, 128, 50>}, {transform_indices = @transform_7, window_bounds = array<i64: 1, 128, 128>}, {pipeline_mode = #tpu.pipeline_mode<synchronous>, transform_indices = @transform_8, window_bounds = array<i64: 6400, 50>}, {pipeline_mode = #tpu.pipeline_mode<synchronous>, transform_indices = @transform_9, window_bounds = array<i64: 1280, 10>}, {pipeline_mode = #tpu.pipeline_mode<synchronous>, transform_indices = @transform_10, window_bounds = array<i64: 128, 1>}, {transform_indices = @transform_11, window_bounds = array<i64: 1, 1>}]} {
    %get3A = arith.constant 0 : index
    %get3A_0 = arith.constant 0 : index
    %get3A_1 = arith.constant 0 : index
    %get3A_2 = vector.load %arg1[%get3A, %get3A_0, %get3A_1] : memref<1x128x128xf32, #tpu.memory_space<vmem>>, vector<1x128x128xf32>
    %get3A_3 = vector.shape_cast %get3A_2 : vector<1x128x128xf32> to vector<128x128xf32>
    %get3A_4 = arith.constant 0 : index
    %get3A_5 = arith.constant 0 : index
    %get3A_6 = arith.constant 0 : index
    %get3A_7 = vector.load %arg2[%get3A_4, %get3A_5, %get3A_6] : memref<1x128x128xf32, #tpu.memory_space<vmem>>, vector<1x128x128xf32>
    %get3A_8 = vector.shape_cast %get3A_7 : vector<1x128x128xf32> to vector<128x128xf32>
    %get3A_9 = arith.constant 0 : index
    %get3A_10 = arith.constant 0 : index
    %get3A_11 = arith.constant 0 : index
    %get3A_12 = vector.load %arg3[%get3A_9, %get3A_10, %get3A_11] : memref<1x128x6400xf32, #tpu.memory_space<vmem>>, vector<1x128x6400xf32>
    %get3A_13 = vector.shape_cast %get3A_12 : vector<1x128x6400xf32> to vector<128x6400xf32>
    %get3A_14 = arith.constant 0 : index
    %get3A_15 = arith.constant 0 : index
    %get3A_16 = arith.constant 0 : index
    %get3A_17 = vector.load %arg4[%get3A_14, %get3A_15, %get3A_16] : memref<1x128x1280xf32, #tpu.memory_space<vmem>>, vector<1x128x1280xf32>
    %get3A_18 = vector.shape_cast %get3A_17 : vector<1x128x1280xf32> to vector<128x1280xf32>
    %get3A_19 = arith.constant 0 : index
    %get3A_20 = arith.constant 0 : index
    %get3A_21 = vector.load %arg9[%get3A_19, %get3A_20] : memref<6400x50xf32, #tpu.memory_space<vmem>>, vector<6400x50xf32>
    %get3A_22 = arith.constant 0 : index
    %get3A_23 = arith.constant 0 : index
    %get3A_24 = vector.load %arg10[%get3A_22, %get3A_23] : memref<1280x10xf32, #tpu.memory_space<vmem>>, vector<1280x10xf32>
    %get3A_25 = arith.constant 0 : index
    %get3A_26 = arith.constant 0 : index
    %get3A_27 = vector.load %arg11[%get3A_25, %get3A_26] : memref<128x1xf32, #tpu.memory_space<vmem>>, vector<128x1xf32>
    %concatenate3A = tpu.concatenate %get3A_3, %get3A_3, %get3A_3, %get3A_3, %get3A_3, %get3A_3, %get3A_3, %get3A_3, %get3A_3, %get3A_3, %get3A_3, %get3A_3, %get3A_3, %get3A_3, %get3A_3, %get3A_3, %get3A_3, %get3A_3, %get3A_3, %get3A_3, %get3A_3, %get3A_3, %get3A_3, %get3A_3, %get3A_3, %get3A_3, %get3A_3, %get3A_3, %get3A_3, %get3A_3, %get3A_3, %get3A_3, %get3A_3, %get3A_3, %get3A_3, %get3A_3, %get3A_3, %get3A_3, %get3A_3, %get3A_3, %get3A_3, %get3A_3, %get3A_3, %get3A_3, %get3A_3, %get3A_3, %get3A_3, %get3A_3, %get3A_3, %get3A_3 in 1 : vector<128x128xf32>, vector<128x128xf32>, vector<128x128xf32>, vector<128x128xf32>, vector<128x128xf32>, vector<128x128xf32>, vector<128x128xf32>, vector<128x128xf32>, vector<128x128xf32>, vector<128x128xf32>, vector<128x128xf32>, vector<128x128xf32>, vector<128x128xf32>, vector<128x128xf32>, vector<128x128xf32>, vector<128x128xf32>, vector<128x128xf32>, vector<128x128xf32>, vector<128x128xf32>, vector<128x128xf32>, vector<128x128xf32>, vector<128x128xf32>, vector<128x128xf32>, vector<128x128xf32>, vector<128x128xf32>, vector<128x128xf32>, vector<128x128xf32>, vector<128x128xf32>, vector<128x128xf32>, vector<128x128xf32>, vector<128x128xf32>, vector<128x128xf32>, vector<128x128xf32>, vector<128x128xf32>, vector<128x128xf32>, vector<128x128xf32>, vector<128x128xf32>, vector<128x128xf32>, vector<128x128xf32>, vector<128x128xf32>, vector<128x128xf32>, vector<128x128xf32>, vector<128x128xf32>, vector<128x128xf32>, vector<128x128xf32>, vector<128x128xf32>, vector<128x128xf32>, vector<128x128xf32>, vector<128x128xf32>, vector<128x128xf32> -> vector<128x6400xf32>
    %concatenate3A_28 = tpu.concatenate %get3A_3, %get3A_3, %get3A_3, %get3A_3, %get3A_3, %get3A_3, %get3A_3, %get3A_3, %get3A_3, %get3A_3 in 1 : vector<128x128xf32>, vector<128x128xf32>, vector<128x128xf32>, vector<128x128xf32>, vector<128x128xf32>, vector<128x128xf32>, vector<128x128xf32>, vector<128x128xf32>, vector<128x128xf32>, vector<128x128xf32> -> vector<128x1280xf32>
    %mul3A = arith.mulf %concatenate3A, %get3A_13 : vector<128x6400xf32>
    %mul3A_29 = arith.mulf %concatenate3A_28, %get3A_18 : vector<128x1280xf32>
    %mul3A_30 = arith.mulf %get3A_3, %get3A_8 : vector<128x128xf32>
    %dot_general3A = arith.constant dense<0.000000e+00> : vector<128x50xf32>
    %dot_general3A_31 = tpu.matmul %mul3A, %get3A_21, %dot_general3A {dimension_numbers = #tpu.dot_dimension_numbers<[1], [0], [0], [1], [0, 0, 1, 1], [], []>, transpose_lhs_hint = false} : vector<128x6400xf32>, vector<6400x50xf32>, vector<128x50xf32> -> vector<128x50xf32>
    %dot_general3A_32 = arith.constant dense<0.000000e+00> : vector<128x10xf32>
    %dot_general3A_33 = tpu.matmul %mul3A_29, %get3A_24, %dot_general3A_32 {dimension_numbers = #tpu.dot_dimension_numbers<[1], [0], [0], [1], [0, 0, 1, 1], [], []>, transpose_lhs_hint = false} : vector<128x1280xf32>, vector<1280x10xf32>, vector<128x10xf32> -> vector<128x10xf32>
    %dot_general3A_34 = arith.constant dense<0.000000e+00> : vector<128x1xf32>
    %dot_general3A_35 = tpu.matmul %mul3A_30, %get3A_27, %dot_general3A_34 {dimension_numbers = #tpu.dot_dimension_numbers<[1], [0], [0], [1], [0, 0, 1, 1], [], []>, transpose_lhs_hint = false} : vector<128x128xf32>, vector<128x1xf32>, vector<128x1xf32> -> vector<128x1xf32>
    %mul3A_36 = arith.mulf %get3A_13, %get3A_13 : vector<128x6400xf32>
    %mul3A_37 = arith.mulf %get3A_18, %get3A_18 : vector<128x1280xf32>
    %mul3A_38 = arith.mulf %get3A_3, %get3A_3 : vector<128x128xf32>
    %mul3A_39 = arith.mulf %get3A_8, %get3A_8 : vector<128x128xf32>
    %add3A = arith.addf %mul3A_38, %mul3A_39 : vector<128x128xf32>
    %dot_general3A_40 = arith.constant dense<0.000000e+00> : vector<128x50xf32>
    %dot_general3A_41 = tpu.matmul %mul3A_36, %get3A_21, %dot_general3A_40 {dimension_numbers = #tpu.dot_dimension_numbers<[1], [0], [0], [1], [0, 0, 1, 1], [], []>, transpose_lhs_hint = false} : vector<128x6400xf32>, vector<6400x50xf32>, vector<128x50xf32> -> vector<128x50xf32>
    %dot_general3A_42 = arith.constant dense<0.000000e+00> : vector<128x10xf32>
    %dot_general3A_43 = tpu.matmul %mul3A_37, %get3A_24, %dot_general3A_42 {dimension_numbers = #tpu.dot_dimension_numbers<[1], [0], [0], [1], [0, 0, 1, 1], [], []>, transpose_lhs_hint = false} : vector<128x1280xf32>, vector<1280x10xf32>, vector<128x10xf32> -> vector<128x10xf32>
    %dot_general3A_44 = arith.constant dense<0.000000e+00> : vector<128x1xf32>
    %dot_general3A_45 = tpu.matmul %add3A, %get3A_27, %dot_general3A_44 {dimension_numbers = #tpu.dot_dimension_numbers<[1], [0], [0], [1], [0, 0, 1, 1], [], []>, transpose_lhs_hint = false} : vector<128x128xf32>, vector<128x1xf32>, vector<128x1xf32> -> vector<128x1xf32>
    %get3A_46 = arith.index_cast %arg0 : i32 to index
    %get3A_47 = arith.constant 0 : index
    %get3A_48 = vector.load %arg5[%get3A_46, %get3A_47] : memref<8x128xf32, #tpu.memory_space<vmem>>, vector<1x128xf32>
    %reshape3A = vector.shape_cast %get3A_48 : vector<1x128xf32> to vector<128x1xf32>
    %get3A_49 = arith.index_cast %arg0 : i32 to index
    %get3A_50 = arith.constant 0 : index
    %get3A_51 = vector.load %arg6[%get3A_49, %get3A_50] : memref<8x128xf32, #tpu.memory_space<vmem>>, vector<1x128xf32>
    %reshape3A_52 = vector.shape_cast %get3A_51 : vector<1x128xf32> to vector<128x1xf32>
    %get3A_53 = arith.constant 0 : index
    %get3A_54 = arith.constant 0 : index
    %get3A_55 = arith.constant 0 : index
    %get3A_56 = vector.load %arg7[%get3A_53, %get3A_54, %get3A_55] : memref<1x128x50xf32, #tpu.memory_space<vmem>>, vector<1x128x50xf32>
    %get3A_57 = vector.shape_cast %get3A_56 : vector<1x128x50xf32> to vector<128x50xf32>
    %get3A_58 = arith.constant 0 : index
    %get3A_59 = arith.constant 0 : index
    %get3A_60 = arith.constant 0 : index
    %get3A_61 = vector.load %arg8[%get3A_58, %get3A_59, %get3A_60] : memref<1x128x128xi32, #tpu.memory_space<vmem>>, vector<1x128x128xi32>
    %get3A_62 = vector.shape_cast %get3A_61 : vector<1x128x128xi32> to vector<128x128xi32>
    %slice3A = vector.extract_strided_slice %get3A_62 {offsets = [0, 10], sizes = [128, 10], strides = [1, 1]} : vector<128x128xi32> to vector<128x10xi32>
    %bitcast_convert_type3A = tpu.bitcast %slice3A : vector<128x10xi32> -> vector<128x10xf32>
    %mul3A_63 = arith.constant 7.500000e-01 : f32
    %mul3A_64 = vector.broadcast %mul3A_63 : f32 to vector<128x1xf32>
    %mul3A_65 = arith.mulf %mul3A_64, %reshape3A : vector<128x1xf32>
    %mul3A_66 = arith.mulf %mul3A_65, %reshape3A_52 : vector<128x1xf32>
    %add3A_67 = arith.constant 1.000000e+00 : f32
    %add3A_68 = vector.broadcast %add3A_67 : f32 to vector<128x1xf32>
    %add3A_69 = arith.addf %add3A_68, %mul3A_66 : vector<128x1xf32>
    %mul3A_70 = arith.constant 7.500000e-01 : f32
    %mul3A_71 = vector.broadcast %mul3A_70 : f32 to vector<128x1xf32>
    %mul3A_72 = arith.mulf %mul3A_71, %reshape3A : vector<128x1xf32>
    %mul3A_73 = vector.broadcast %mul3A_72 : vector<128x1xf32> to vector<128x50xf32>
    %mul3A_74 = arith.mulf %mul3A_73, %get3A_57 : vector<128x50xf32>
    %add3A_75 = arith.constant 1.000000e+00 : f32
    %add3A_76 = vector.broadcast %add3A_75 : f32 to vector<128x50xf32>
    %add3A_77 = arith.addf %add3A_76, %mul3A_74 : vector<128x50xf32>
    %max3A = arith.constant 0.000000e+00 : f32
    %max3A_78 = vector.broadcast %max3A : f32 to vector<128x1xf32>
    %max3A_79 = arith.maximumf %dot_general3A_35, %max3A_78 : vector<128x1xf32>
    %mul3A_80 = arith.constant 1.000000e+00 : f32
    %mul3A_81 = vector.broadcast %mul3A_80 : f32 to vector<128x1xf32>
    %mul3A_82 = arith.mulf %dot_general3A_35, %mul3A_81 : vector<128x1xf32>
    %sub3A = arith.subf %max3A_79, %mul3A_82 : vector<128x1xf32>
    %abs3A = math.absf %dot_general3A_35 : vector<128x1xf32>
    %neg3A = arith.constant 0.000000e+00 : f32
    %neg3A_83 = vector.broadcast %neg3A : f32 to vector<128x1xf32>
    %neg3A_84 = arith.subf %neg3A_83, %abs3A : vector<128x1xf32>
    %exp3A = math.exp %neg3A_84 : vector<128x1xf32>
    %log1p3A = math.log1p %exp3A : vector<128x1xf32>
    %add3A_85 = arith.addf %sub3A, %log1p3A : vector<128x1xf32>
    %mul3A_86 = arith.mulf %add3A_85, %add3A_69 : vector<128x1xf32>
    %reduce_sum3A = vector.shape_cast %mul3A_86 : vector<128x1xf32> to vector<1x128x1xf32>
    %reduce_sum3A_87 = arith.constant dense<0.000000e+00> : vector<1xf32>
    %reduce_sum3A_88 = vector.multi_reduction <add>, %reduce_sum3A, %reduce_sum3A_87 [1, 2] : vector<1x128x1xf32> to vector<1xf32>
    %reduce_sum3A_89 = vector.shape_cast %reduce_sum3A_88 : vector<1xf32> to vector<1x1x1xf32>
    %reduce_sum3A_90 = vector.extract %reduce_sum3A_89[0, 0, 0] : f32 from vector<1x1x1xf32>
    %max3A_91 = arith.constant 0.000000e+00 : f32
    %max3A_92 = vector.broadcast %max3A_91 : f32 to vector<128x50xf32>
    %max3A_93 = arith.maximumf %dot_general3A_31, %max3A_92 : vector<128x50xf32>
    %mul3A_94 = arith.constant 0.000000e+00 : f32
    %mul3A_95 = vector.broadcast %mul3A_94 : f32 to vector<128x50xf32>
    %mul3A_96 = arith.mulf %dot_general3A_31, %mul3A_95 : vector<128x50xf32>
    %sub3A_97 = arith.subf %max3A_93, %mul3A_96 : vector<128x50xf32>
    %abs3A_98 = math.absf %dot_general3A_31 : vector<128x50xf32>
    %neg3A_99 = arith.constant 0.000000e+00 : f32
    %neg3A_100 = vector.broadcast %neg3A_99 : f32 to vector<128x50xf32>
    %neg3A_101 = arith.subf %neg3A_100, %abs3A_98 : vector<128x50xf32>
    %exp3A_102 = math.exp %neg3A_101 : vector<128x50xf32>
    %log1p3A_103 = math.log1p %exp3A_102 : vector<128x50xf32>
    %add3A_104 = arith.addf %sub3A_97, %log1p3A_103 : vector<128x50xf32>
    %mul3A_105 = arith.mulf %add3A_104, %add3A_77 : vector<128x50xf32>
    %reduce_sum3A_106 = vector.shape_cast %mul3A_105 : vector<128x50xf32> to vector<1x128x50xf32>
    %reduce_sum3A_107 = arith.constant dense<0.000000e+00> : vector<1xf32>
    %reduce_sum3A_108 = vector.multi_reduction <add>, %reduce_sum3A_106, %reduce_sum3A_107 [1, 2] : vector<1x128x50xf32> to vector<1xf32>
    %reduce_sum3A_109 = vector.shape_cast %reduce_sum3A_108 : vector<1xf32> to vector<1x1x1xf32>
    %reduce_sum3A_110 = vector.extract %reduce_sum3A_109[0, 0, 0] : f32 from vector<1x1x1xf32>
    %min3A = arith.constant 0.000000e+00 : f32
    %min3A_111 = vector.broadcast %min3A : f32 to vector<128x10xf32>
    %min3A_112 = arith.minimumf %dot_general3A_33, %min3A_111 : vector<128x10xf32>
    %abs3A_113 = math.absf %dot_general3A_33 : vector<128x10xf32>
    %neg3A_114 = arith.constant 0.000000e+00 : f32
    %neg3A_115 = vector.broadcast %neg3A_114 : f32 to vector<128x10xf32>
    %neg3A_116 = arith.subf %neg3A_115, %abs3A_113 : vector<128x10xf32>
    %exp3A_117 = math.exp %neg3A_116 : vector<128x10xf32>
    %log1p3A_118 = math.log1p %exp3A_117 : vector<128x10xf32>
    %sub3A_119 = arith.subf %min3A_112, %log1p3A_118 : vector<128x10xf32>
    %mul3A_120 = arith.mulf %bitcast_convert_type3A, %sub3A_119 : vector<128x10xf32>
    %reduce_sum3A_121 = vector.shape_cast %mul3A_120 : vector<128x10xf32> to vector<1x128x10xf32>
    %reduce_sum3A_122 = arith.constant dense<0.000000e+00> : vector<1xf32>
    %reduce_sum3A_123 = vector.multi_reduction <add>, %reduce_sum3A_121, %reduce_sum3A_122 [1, 2] : vector<1x128x10xf32> to vector<1xf32>
    %reduce_sum3A_124 = vector.shape_cast %reduce_sum3A_123 : vector<1xf32> to vector<1x1x1xf32>
    %reduce_sum3A_125 = vector.extract %reduce_sum3A_124[0, 0, 0] : f32 from vector<1x1x1xf32>
    %reduce_sum3A_126 = vector.shape_cast %dot_general3A_41 : vector<128x50xf32> to vector<1x128x50xf32>
    %reduce_sum3A_127 = arith.constant dense<0.000000e+00> : vector<1xf32>
    %reduce_sum3A_128 = vector.multi_reduction <add>, %reduce_sum3A_126, %reduce_sum3A_127 [1, 2] : vector<1x128x50xf32> to vector<1xf32>
    %reduce_sum3A_129 = vector.shape_cast %reduce_sum3A_128 : vector<1xf32> to vector<1x1x1xf32>
    %reduce_sum3A_130 = vector.extract %reduce_sum3A_129[0, 0, 0] : f32 from vector<1x1x1xf32>
    %reduce_sum3A_131 = vector.shape_cast %dot_general3A_43 : vector<128x10xf32> to vector<1x128x10xf32>
    %reduce_sum3A_132 = arith.constant dense<0.000000e+00> : vector<1xf32>
    %reduce_sum3A_133 = vector.multi_reduction <add>, %reduce_sum3A_131, %reduce_sum3A_132 [1, 2] : vector<1x128x10xf32> to vector<1xf32>
    %reduce_sum3A_134 = vector.shape_cast %reduce_sum3A_133 : vector<1xf32> to vector<1x1x1xf32>
    %reduce_sum3A_135 = vector.extract %reduce_sum3A_134[0, 0, 0] : f32 from vector<1x1x1xf32>
    %add3A_136 = arith.addf %reduce_sum3A_130, %reduce_sum3A_135 : f32
    %reduce_sum3A_137 = vector.shape_cast %dot_general3A_45 : vector<128x1xf32> to vector<1x128x1xf32>
    %reduce_sum3A_138 = arith.constant dense<0.000000e+00> : vector<1xf32>
    %reduce_sum3A_139 = vector.multi_reduction <add>, %reduce_sum3A_137, %reduce_sum3A_138 [1, 2] : vector<1x128x1xf32> to vector<1xf32>
    %reduce_sum3A_140 = vector.shape_cast %reduce_sum3A_139 : vector<1xf32> to vector<1x1x1xf32>
    %reduce_sum3A_141 = vector.extract %reduce_sum3A_140[0, 0, 0] : f32 from vector<1x1x1xf32>
    %add3A_142 = arith.addf %add3A_136, %reduce_sum3A_141 : f32
    %div3A = arith.constant 4.096000e+03 : f32
    %div3A_143 = arith.divf %reduce_sum3A_90, %div3A : f32
    %mul3A_144 = arith.constant 0.00146484375 : f32
    %mul3A_145 = arith.mulf %mul3A_144, %reduce_sum3A_110 : f32
    %add3A_146 = arith.addf %div3A_143, %mul3A_145 : f32
    %mul3A_147 = arith.constant 1.500000e+00 : f32
    %mul3A_148 = arith.mulf %mul3A_147, %reduce_sum3A_125 : f32
    %sub3A_149 = arith.subf %add3A_146, %mul3A_148 : f32
    %mul3A_150 = arith.constant 5.000000e-05 : f32
    %mul3A_151 = arith.mulf %mul3A_150, %add3A_142 : f32
    %add3A_152 = arith.addf %sub3A_149, %mul3A_151 : f32
    %eq3A = arith.constant 0 : i32
    %eq3A_153 = arith.cmpi eq, %arg0, %eq3A : i32
    %convert_element_type3A = arith.extui %eq3A_153 : i1 to i32
    %cond3A = arith.constant 0 : i32
    %cond3A_154 = arith.cmpi ne, %convert_element_type3A, %cond3A : i32
    scf.if %cond3A_154 {
      %swap3A_161 = arith.constant 0.000000e+00 : f32
      %swap3A_162 = arith.constant 0 : index
      %swap3A_163 = arith.constant 0 : index
      %swap3A_164 = memref.load %arg12[%swap3A_162, %swap3A_163] : memref<1x1xf32, #tpu.memory_space<smem>>
      memref.store %swap3A_161, %arg12[%swap3A_162, %swap3A_163] : memref<1x1xf32, #tpu.memory_space<smem>>
    } else {
    }
    %get3A_155 = arith.constant 0 : index
    %get3A_156 = arith.constant 0 : index
    %get3A_157 = memref.load %arg12[%get3A_155, %get3A_156] : memref<1x1xf32, #tpu.memory_space<smem>>
    %add3A_158 = arith.addf %get3A_157, %add3A_152 : f32
    %swap3A = arith.constant 0 : index
    %swap3A_159 = arith.constant 0 : index
    %swap3A_160 = memref.load %arg12[%swap3A, %swap3A_159] : memref<1x1xf32, #tpu.memory_space<smem>>
    memref.store %add3A_158, %arg12[%swap3A, %swap3A_159] : memref<1x1xf32, #tpu.memory_space<smem>>
    return
  }
  func.func @transform_0(%arg0: i32) -> (i32, i32, i32) {
    %c0_i32 = arith.constant 0 : i32
    %c0_i32_0 = arith.constant 0 : i32
    %c0_i32_1 = arith.constant 0 : i32
    return %arg0, %c0_i32, %c0_i32_0 : i32, i32, i32
  }
  func.func @transform_1(%arg0: i32) -> (i32, i32, i32) {
    %c0_i32 = arith.constant 0 : i32
    %c0_i32_0 = arith.constant 0 : i32
    %c0_i32_1 = arith.constant 0 : i32
    return %arg0, %c0_i32, %c0_i32_0 : i32, i32, i32
  }
  func.func @transform_2(%arg0: i32) -> (i32, i32, i32) {
    %c0_i32 = arith.constant 0 : i32
    %c0_i32_0 = arith.constant 0 : i32
    %c0_i32_1 = arith.constant 0 : i32
    return %arg0, %c0_i32, %c0_i32_0 : i32, i32, i32
  }
  func.func @transform_3(%arg0: i32) -> (i32, i32, i32) {
    %c0_i32 = arith.constant 0 : i32
    %c0_i32_0 = arith.constant 0 : i32
    %c0_i32_1 = arith.constant 0 : i32
    return %arg0, %c0_i32, %c0_i32_0 : i32, i32, i32
  }
  func.func @transform_4(%arg0: i32) -> (i32, i32) {
    %c0_i32 = arith.constant 0 : i32
    %c0_i32_0 = arith.constant 0 : i32
    %c0_i32_1 = arith.constant 0 : i32
    return %c0_i32, %c0_i32_0 : i32, i32
  }
  func.func @transform_5(%arg0: i32) -> (i32, i32) {
    %c0_i32 = arith.constant 0 : i32
    %c0_i32_0 = arith.constant 0 : i32
    %c0_i32_1 = arith.constant 0 : i32
    return %c0_i32, %c0_i32_0 : i32, i32
  }
  func.func @transform_6(%arg0: i32) -> (i32, i32, i32) {
    %c0_i32 = arith.constant 0 : i32
    %c0_i32_0 = arith.constant 0 : i32
    %c0_i32_1 = arith.constant 0 : i32
    return %arg0, %c0_i32, %c0_i32_0 : i32, i32, i32
  }
  func.func @transform_7(%arg0: i32) -> (i32, i32, i32) {
    %c0_i32 = arith.constant 0 : i32
    %c0_i32_0 = arith.constant 0 : i32
    %c0_i32_1 = arith.constant 0 : i32
    return %arg0, %c0_i32, %c0_i32_0 : i32, i32, i32
  }
  func.func @transform_8(%arg0: i32) -> (i32, i32) {
    %c0_i32 = arith.constant 0 : i32
    %c0_i32_0 = arith.constant 0 : i32
    %c0_i32_1 = arith.constant 0 : i32
    return %c0_i32, %c0_i32_0 : i32, i32
  }
  func.func @transform_9(%arg0: i32) -> (i32, i32) {
    %c0_i32 = arith.constant 0 : i32
    %c0_i32_0 = arith.constant 0 : i32
    %c0_i32_1 = arith.constant 0 : i32
    return %c0_i32, %c0_i32_0 : i32, i32
  }
  func.func @transform_10(%arg0: i32) -> (i32, i32) {
    %c0_i32 = arith.constant 0 : i32
    %c0_i32_0 = arith.constant 0 : i32
    %c0_i32_1 = arith.constant 0 : i32
    return %c0_i32, %c0_i32_0 : i32, i32
  }
  func.func @transform_11(%arg0: i32) -> (i32, i32) {
    %c0_i32 = arith.constant 0 : i32
    %c0_i32_0 = arith.constant 0 : i32
    %c0_i32_1 = arith.constant 0 : i32
    return %c0_i32, %c0_i32_0 : i32, i32
  }
}

</mosaic_0001>

<sc_bundles>
// kernel: kernel.10.cloned.1.call-start
scs
__scs_entry_jumppad:
0x0: {  	(pc) =	sbr.rel $0x88, $3  }
0x1: {  	(tag) =	ssettag $0x0;
	lr =	simm.s32 $0x1  }
0x2: {  	[smem:$0x3F99] =	sst lr;
	_ =	strace $0xD0000000  }
0x3: {  	_ = 	snop  }
0x4: {  	_ = 	snop  }
0x5: {  	_ = 	snop  }
0x6: {  	_ = 	snop  }
0x7: {  	_ = 	snop  }
__scs_overlays_trampoline_lowered:
0x8: {  	[smem:$0x3FA8] =	sst s0  }
0x9: {  	[smem:$0x3FA9] =	sst s1  }
0xa: {  	[smem:$0x3FAA] =	sst s2  }
0xb: {  	[smem:$0x3FAB] =	sst s3  }
0xc: {  	[smem:$0x3FAC] =	sst s4  }
0xd: {  	[smem:$0x3FAD] =	sst s5  }
0xe: {  	[smem:$0x3FAE] =	sst s6  }
0xf: {  	[smem:$0x3FAF] =	sst s7  }
0x10: {  	[smem:$0x3FB0] =	sst s8  }
0x11: {  	[smem:$0x3FB1] =	sst s9;
	s0 =	simm.s32 @!p0 $0x0  }
0x12: {  	s1 =	sld [smem:$0x3F97];
	s0 =	simm.s32 @p0 $0x1  }
0x13: {  	[smem:$0x3FB2] =	sst s0;
	s0 =	simm.s32 @!p1 $0x0  }
0x14: {  	s2 =	sld [smem:$0x3F96];
	s0 =	simm.s32 @p1 $0x1  }
0x15: {  	[smem:$0x3FB3] =	sst s0;
	s0 =	simm.s32 @!p2 $0x0  }
0x16: {  	s3 =	sld [smem:$0x3FDB];
	s0 =	simm.s32 @p2 $0x1  }
0x17: {  	s4 =	simm.s32 $0x1BF5;
	[smem:$0x3FB5] =	sst s0  }
0x18: {  	s0 =	sld [smem:$0x3F98];
	_ =	swait.ge [sflag:s4], $0x0  }
0x19: {  	s7 =	sld [smem:$0x3F99]  }
0x1a: {  	s8 =	sadd.s32 $0xFFFFE003, lr  }
0x1b: {  	s9 =	sadd.s32 $0xFFFFFEF7, lr;
	s5 =	simm.s32 $0xFFFFFFFF;
	p2 =	slt.u32 s8, $0xFFFFF086  }
0x1c: {  	p1 =	slt.u32 s9, $0xF7A;
	s5 =	simm.s32 @!p2 $0x0  }
0x1d: {  	s5 =	simm.s32 @p1 $0x1;
	p0 =	seq.s32 s7, s2  }
0x1e: {  	s7 =	smul.u32 @!p0 $0xF7A, s2;
	p2 =	seq.s32 @!p0 s5, $0x0  }
0x1f: {  	s9 =	smul.u32 $0xF7A, s1;
	s8 =	simm.s32 @!p0 $0x1BF5;
	p2 =	por !p2, p0  }
0x20: {  	[sflag:s8] =	ssyncset.s32 @!p0 $0xFFFFF086;
	s6 =	sadd.s32 @!p0 s3, s7;
	s7 =	simm.s32 @!p0 $0x108  }
0x21: {  	s3 =	sadd.s32 s3, s9;
	s6 =	sadd.s32 @!p0 $0x88, s6;
	s7 =	simm.s32 @p2 $0x1082  }
0x22: {  	[simem:s7], [sflag:s8] =	dma.local @!p0 [hbm:s6], $0xF7A  }
0x23: {  	s9 =	sor.u32 $0xD0000000, s2;
	s6 =	simm.s32 $0x108;
	_ =	swait.ge @!p0 [sflag:s8], $0x0  }
0x24: {  	s3 =	sadd.s32 $0x88, s3;
	s6 =	simm.s32 @!p1 $0x1082;
	[sflag:s4] =	ssyncset.s32 $0xFFFFF086  }
0x25: {  	[simem:s6], [sflag:s4] =	dma.local [hbm:s3], $0xF7A  }
0x26: {  	[smem:$0x3F99] =	sst s1;
	(tag) =	ssettag s2;
	_ =	strace s9  }
0x27: {  	s1 =	sld [smem:$0x3FA9]  }
0x28: {  	s2 =	sld [smem:$0x3FAA]  }
0x29: {  	s4 =	sld [smem:$0x3FAC]  }
0x2a: {  	p0 =	seq.s32 s5, $0x0;
	s5 =	sld [smem:$0x3FAD]  }
0x2b: {  	s6 =	sld [smem:$0x3FAE]  }
0x2c: {  	s7 =	sld [smem:$0x3FAF]  }
0x2d: {  	s3 =	simm.s32 $0x108;
	s8 =	sld [smem:$0x3FB0]  }
0x2e: {  	s3 =	simm.s32 @!p0 $0x1082;
	s9 =	sld [smem:$0x3FB1]  }
0x2f: {  	lr =	sadd.s32 s0, s3;
	s0 =	sld [smem:$0x3FA8]  }
0x30: {  	s3 =	sld [smem:$0x3FAB]  }
0x31: {  	[smem:$0x3FB4] =	sst s10  }
0x32: {  	s10 =	sld [smem:$0x3FB2];
	_ =	sdelay $0x3  }
0x33: {  	p0 =	seq.s32 s10, $0x1;
	s10 =	sld [smem:$0x3FB4];
	_ =	sdelay $0x3  }
0x34: {  	[smem:$0x3FB4] =	sst s10  }
0x35: {  	s10 =	sld [smem:$0x3FB3];
	_ =	sdelay $0x3  }
0x36: {  	p1 =	seq.s32 s10, $0x1;
	s10 =	sld [smem:$0x3FB4];
	_ =	sdelay $0x3  }
0x37: {  	[smem:$0x3FB4] =	sst s10  }
0x38: {  	s10 =	sld [smem:$0x3FB5]  }
0x39: {  	_ = 	snop;
	(pc) =	sbr.ind lr, $3  }
0x3a: {  	_ = 	snop  }
0x3b: {  	_ = 	snop  }
0x3c: {  	p2 =	seq.s32 s10, $0x1;
	s10 =	sld [smem:$0x3FB4]  }
0x3d: {  	_ =	shalt  }
0x3e: {  	_ =	shalt  }
0x3f: {  	_ =	shalt  }
0x40: {  	_ =	shalt  }
0x41: {  	_ =	shalt  }
0x42: {  	_ =	shalt  }
0x43: {  	_ =	shalt  }
0x44: {  	_ =	shalt  }
0x45: {  	_ =	shalt  }
0x46: {  	_ =	shalt  }
0x47: {  	_ =	shalt  }
0x48: {  	_ =	shalt  }
0x49: {  	_ =	shalt  }
0x4a: {  	_ =	shalt  }
0x4b: {  	_ =	shalt  }
0x4c: {  	_ =	shalt  }
0x4d: {  	_ =	shalt  }
0x4e: {  	_ =	shalt  }
0x4f: {  	_ =	shalt  }
0x50: {  	_ =	shalt  }
0x51: {  	_ =	shalt  }
0x52: {  	_ =	shalt  }
0x53: {  	_ =	shalt  }
0x54: {  	_ =	shalt  }
0x55: {  	_ =	shalt  }
0x56: {  	_ =	shalt  }
0x57: {  	_ =	shalt  }
0x58: {  	_ =	shalt  }
0x59: {  	_ =	shalt  }
0x5a: {  	_ =	shalt  }
0x5b: {  	_ =	shalt  }
0x5c: {  	_ =	shalt  }
0x5d: {  	_ =	shalt  }
0x5e: {  	_ =	shalt  }
0x5f: {  	_ =	shalt  }
0x60: {  	_ =	shalt  }
0x61: {  	_ =	shalt  }
0x62: {  	_ =	shalt  }
0x63: {  	_ =	shalt  }
0x64: {  	_ =	shalt  }
0x65: {  	_ =	shalt  }
0x66: {  	_ =	shalt  }
0x67: {  	_ =	shalt  }
0x68: {  	_ =	shalt  }
0x69: {  	_ =	shalt  }
0x6a: {  	_ =	shalt  }
0x6b: {  	_ =	shalt  }
0x6c: {  	_ =	shalt  }
0x6d: {  	_ =	shalt  }
0x6e: {  	_ =	shalt  }
0x6f: {  	_ =	shalt  }
0x70: {  	_ =	shalt  }
0x71: {  	_ =	shalt  }
0x72: {  	_ =	shalt  }
0x73: {  	_ =	shalt  }
0x74: {  	_ =	shalt  }
0x75: {  	_ =	shalt  }
0x76: {  	_ =	shalt  }
0x77: {  	_ =	shalt  }
0x78: {  	_ =	shalt  }
0x79: {  	_ =	shalt  }
0x7a: {  	_ =	shalt  }
0x7b: {  	_ =	shalt  }
0x7c: {  	_ =	shalt  }
0x7d: {  	_ =	shalt  }
0x7e: {  	_ =	shalt  }
0x7f: {  	_ =	shalt  }
0x80: {  	_ =	shalt  }
0x81: {  	_ =	shalt  }
0x82: {  	_ =	shalt  }
0x83: {  	_ =	shalt  }
0x84: {  	_ =	shalt  }
0x85: {  	_ =	shalt  }
0x86: {  	_ =	shalt  }
0x87: {  	_ =	shalt  }
.Lfunc_end0:
.L_simem_size_0:
called_computation_lowered:
.L_overlay_start_0:
0x88: {  	s2 =	sld [smem:$0x3FD9]  }
0x89: {  	s3 =	sld [smem:$0x3FFE];
	_ =	sdelay $0x1  }
0x8a: {  	s1 =	srdreg.scid  }
0x8b: {  	s0 =	sand.u32 $0x1, s1  }
0x8c: {  	s17 =	sshll.u32 s0, $0xA;
	s2 =	sadd.s32 s3, s2  }
0x8d: {  	s2 =	sadd.s32 s2, s17  }
0x8e: {  	[smem:$0x3FC0] =	sst s2  }
0x8f: {  	_ = 	snop  }
0x90: {  	s18 =	sld [smem:$0x3FC9]  }
0x91: {  	s4 =	sld [smem:$0x3FC8]  }
0x92: {  	s5 =	sld [smem:$0x3FC7];
	(tm) =	ssettm $0x1  }
0x93: {  	s19 =	sld [smem:$0x3FFB];
	_ =	sdelay $0x3  }
0x94: {  	_ =	strace s19  }
0x95: {  	s2 =	sld [smem:$0x3FFC];
	_ =	sdelay $0x3  }
0x96: {  	_ =	strace s2  }
0x97: {  	s2 =	sld [smem:$0x3FFD];
	_ =	sdelay $0x3  }
0x98: {  	_ =	strace s2  }
0x99: {  	_ =	strace $0x8FFFFFFF  }
0x9a: {  	s20 =	sld [smem:$0x3FDB];
	_ =	sdelay $0x1  }
0x9b: {  	s6 =	simm.s32 $_scs_section_size  }
0x9c: {  	s7 =	simm.s32 $_size__tile_overlayer_lowered;
	s8 =	simm.s32 $_tile_overlayer_lowered  }
0x9d: {  	s9 =	simm.s32 $0x1BFF;
	s21 =	sshll.u32 s8, $0x1;
	s6 =	sadd.s32 s6, s20  }
0x9e: {  	s22 =	simm.s32 $0x0;
	s7 =	sshll.u32 s7, $0x1;
	s8 =	sadd.s32 s21, s6  }
0x9f: {  	[timem:s22], [sflag:s9] =	dma.local [hbm:s8], s7  }
0xa0: {  	_ =	swait.ge [sflag:s9], s7  }
0xa1: {  	s7 =	ssub.s32 $0x0, s7;
	[sflag:s9] =	ssyncset.done $0x0  }
0xa2: {  	[sflag:s9] =	ssyncadd.s32 s7;
	_ =	sdelay $0x1  }
0xa3: {  	s23 =	simm.s32 $0x1B8B  }
0xa4: {  	_ =	swait.ge [sflag:s23], $0x1  }
0xa5: {  	[sflag:s23] =	ssyncset.done $0x0  }
0xa6: {  	[sflag:s23] =	ssyncadd.s32 $0xFFFFFFFF  }
0xa7: {  	s7 =	sld [smem:$0x0]  }
0xa8: {  	s8 =	sand.u32 $0xFFFFFFFE, s1  }
0xa9: {  	p0 =	sne.s32 s1, s8  }
0xaa: {  	s8 =	sshll.u32 @p0 s8, $0xE  }
0xab: {  	s8 =	sadd.s32 @p0 $0x11B8D, s8;
	s9 =	sshll.u32 @p0 s7, $0x11  }
0xac: {  	s8 =	sor.u32 @p0 s9, s8  }
0xad: {  	[sflag:s8] =	ssyncadd.remote.s32 @p0 $0x1;
	_ =	sdelay $0x1  }
0xae: {  	s8 =	simm.s32 @p0 $0x1B8D  }
0xaf: {  	_ =	swait.eq @p0 [sflag:s8], $0x1  }
0xb0: {  	[sflag:s8] =	ssyncadd.s32 @p0 $0xFFFFFFFF  }
0xb1: {  	s9 =	sshll.u32 @!p0 s1, $0xE  }
0xb2: {  	s9 =	sor.u32 @!p0 $0x4000, s9;
	s8 =	simm.s32 @!p0 $0x1B8D  }
0xb3: {  	s7 =	sshll.u32 @!p0 s7, $0x11;
	s9 =	sadd.s32 @!p0 $0x11B8D, s9;
	_ =	swait.eq @!p0 [sflag:s8], $0x1  }
0xb4: {  	s7 =	sor.u32 @!p0 s7, s9;
	[sflag:s8] =	ssyncadd.s32 @!p0 $0xFFFFFFFF  }
0xb5: {  	s25 =	simm.s32 $0x1B8E;
	s24 =	sld [smem:$0x3FFE];
	[sflag:s7] =	ssyncadd.remote.s32 @!p0 $0x1  }
0xb6: {  	s26 =	simm.s32 $execute0_lowered;
	[smem:$0x3FD2] =	sst s25  }
0xb7: {  	s8 =	sshll.u32 s26, $0x1;
	_ =	strace $0x8000004F;
	[dreg:$0x1] =	wrdreg $0xFFFFFFFF  }
0xb8: {  	s28 =	simm.s32 $_size_execute0_lowered;
	s6 =	sadd.s32 s6, s8;
	[dreg:$0x0] =	wrdreg $0x0  }
0xb9: {  	s8 =	sshll.u32 s28, $0x1;
	[dreg:$0x2] =	wrdreg s6  }
0xba: {  	[dreg:$0x3] =	wrdreg s8  }
0xbb: {  	[dreg:$0x4] =	wrdreg $0xC0  }
0xbc: {  	_ =	task [dreg:s22], $0x5FFFF  }
0xbd: {  	[dreg:$0x1] =	wrdreg $0xFFFFFFFF  }
0xbe: {  	[dreg:$0x0] =	wrdreg $0x60  }
0xbf: {  	[dreg:$0x2] =	wrdreg s18  }
0xc0: {  	[dreg:$0x3] =	wrdreg s4  }
0xc1: {  	[dreg:$0x4] =	wrdreg s5  }
0xc2: {  	[dreg:$0x5] =	wrdreg s24  }
0xc3: {  	[dreg:$0x6] =	wrdreg $0x9  }
0xc4: {  	_ =	task.clear_ibuf [dreg:s22], $0x7FFFF;
	_ =	strace $0x9000004F  }
0xc5: {  	s29 =	simm.s32 $0x9;
	_ =	strace $0x80000051  }
0xc6: {  	_ =	swait.ge [sflag:s29], $0x1  }
0xc7: {  	[sflag:s29] =	ssyncadd.s32 $0xFFFFFFFF  }
0xc8: {  	_ =	strace $0x90000051  }
0xc9: {  	_ =	sfence  }
0xca: {  	s30 =	sld [smem:$0x0];
	_ =	sdelay $0x2  }
0xcb: {  	s31 =	sshll.u32 s1, $0xD;
	s1 =	sshrl.u32 s1, $0x2  }
0xcc: {  	s4 =	sand.u32 $0x4000, s31;
	s1 =	sadd.s32 s1, s30  }
0xcd: {  	s0 =	sor.u32 s4, s0;
	s1 =	sshll.u32 s1, $0x11  }
0xce: {  	s0 =	sor.u32 s1, s0  }
0xcf: {  	s0 =	sadd.s32 $0x8F2B, s0  }
0xd0: {  	[sflag:s0] =	ssyncadd.remote.s32 $0x1  }
0xd1: {  	_ =	sfence.sel $0xFFFF  }
0xd2: {  	[dreg:$0x0] =	wrdreg $0xFFFFFFFF;
	(pc) =	sbr.abs _section_cstart, $3  }
0xd3: {  	[dreg:$0x1] =	wrdreg $0xFFFFFFFF  }
0xd4: {  	_ =	task.clear_ibuf [dreg:s22], $0x2FFFF;
	_ =	strace $0x9FFFFFFF  }
0xd5: {  	(tm) =	ssettm $0x7FFFFFFF  }
tec
execute0_lowered:
.L_overlay_start_1:
0x0: {  	(tag) =	ssettag $0x1  }
0x1: {  	s1 =	rddreg [dreg:$0x0]  }
0x2: {  	s4 =	rddreg [dreg:$0x2]  }
0x3: {  	s0 =	rddreg [dreg:$0x3];
	s13 =	stileid.u32  }
0x4: {  	s2 =	srdreg.scid;
	s5 =	simm.s32 $0x0;
	s28 =	simm.s32 $0x9  }
0x5: {  	s29 =	simm.s32 $0x20;
	s30 =	simm.s32 $0x100;
	s31 =	simm.s32 $0x8100  }
0x6: {  	s2 =	sand.u32 $0x1, s2;
	s3 =	sshll.u32 s13, $0x1;
	s6 =	smul.u32 $0xC800, s13  }
0x7: {  	[smem:$0x7FF] =	sst s5;
	s7 =	sadd.s32 $0x193200, s0;
	s13 =	smul.u32 $0xC80, s13  }
0x8: {  	s3 =	sor.u32 s2, s3;
	_ =	strace $0x80000050;
	s14 =	smul.u32 $0x640, s2  }
0x9: {  	[dreg:$0x5] =	wrdreg s7;
	s11 =	ssub.s32 $0x2, s2;
	s2 =	smul.u32 $0x6400, s2  }
0xa: {  	s7 =	sadd.s32 $0x170400, s0;
	s8 =	smul.u32 $0x1400, s3;
	s6 =	sadd.s32 s6, s0  }
0xb: {  	s17 =	sshll.u32 s3, $0x9;
	s18 =	sshll.u32 s3, $0x2;
	s19 =	sshrl.u32 s11, $0x1  }
0xc: {  	s3 =	smul.u32 $0x640, s3;
	s10 =	sadd.s32 s17, s0;
	s12 =	sadd.s32 s18, s0  }
0xd: {  	s11 =	ssub.s32 s11, s19;
	s14 =	sadd.s32 s14, s13;
	s2 =	sadd.s32 s2, s6  }
0xe: {  	s6 =	simm.s32 $0x1;
	s13 =	simm.s32 $0x6;
	s20 =	sadd.s32 $0x192E00, s12  }
0xf: {  	s9 =	sadd.s32 s8, s0;
	s21 =	sadd.s32 $0x193000, s12;
	[dreg:$0x6] =	wrdreg s20  }
0x10: {  	s0 =	sadd.s32 $0x171E00, s0;
	s22 =	sadd.s32 $0x173800, s10;
	[dreg:$0x7] =	wrdreg s21  }
0x11: {  	s23 =	sadd.s32 $0x17F800, s12;
	s3 =	sshrl.u32 s3, $0x3;
	[dreg:$0x8] =	wrdreg s22  }
0x12: {  	s24 =	sadd.s32 $0x177800, s10;
	s25 =	sadd.s32 $0x17FA00, s12;
	[dreg:$0x9] =	wrdreg s23  }
0x13: {  	s10 =	sadd.s32 $0x17B800, s10;
	s12 =	smax.u32 s11, $0x1;
	[dreg:$0xa] =	wrdreg s24  }
0x14: {  	s16 =	sadd.s32 $0x50, s14;
	s18 =	sadd.s32 $0xF0, s14;
	[dreg:$0xb] =	wrdreg s25  }
0x15: {  	s11 =	simm.s32 $0x4;
	s26 =	sadd.s32 s7, s3;
	[dreg:$0xd] =	wrdreg s10  }
0x16: {  	[dreg:$0xe] =	wrdreg s12;
	s15 =	sadd.s32 $0x571C00, s9;
	s17 =	sadd.s32 $0x572100, s9  }
0x17: {  	s10 =	sshrl.u32 s16, $0x3;
	s20 =	sshrl.u32 s14, $0x3;
	s21 =	sadd.s32 $0x572600, s9  }
0x18: {  	s22 =	sshrl.u32 s18, $0x3;
	s23 =	sadd.s32 $0x572B00, s9;
	[dreg:$0xf] =	wrdreg s15  }
0x19: {  	s24 =	sadd.s32 $0x4AA100, s2;
	s25 =	sadd.s32 $0xA0, s14;
	[dreg:$0x10] =	wrdreg s17  }
0x1a: {  	s2 =	simm.s32 $0x4100;
	s3 =	simm.s32 $0x8180;
	[dreg:$0x11] =	wrdreg s21  }
0x1b: {  	s9 =	simm.s32 $0x3;
	s12 =	simm.s32 $0x5;
	[dreg:$0x12] =	wrdreg s23  }
0x1c: {  	s16 =	simm.s32 $0x8;
	s18 =	simm.s32 $0x8380;
	[dreg:$0x13] =	wrdreg s24  }
0x1d: {  	s14 =	simm.s32 $0x0;
	s19 =	sadd.s32 s10, s0;
	[dreg:$0x14] =	wrdreg s25  }
0x1e: {  	s20 =	sadd.s32 s20, s0;
	s23 =	sadd.s32 s22, s7;
	[dreg:$0xc] =	wrdreg s26  }
0x1f: {  	s26 =	sadd.s32 $0xA, s26;
	s0 =	simm.s32 $0x80;
	s10 =	simm.s32 $0x2  }
0x20: {  	v0 =	vlaneseq.u32;
	v1 =	vimm.s32 $0x0;
	s15 =	simm.s32 $0x7;
	s17 =	simm.s32 $0x50;
	[dreg:$0x15] =	wrdreg s26  }
.LBB2_1:
0x21: {  	s8 =	rddreg [dreg:$0x7]  }
0x22: {  	[tilespmem:s5], [sflag:$0x9] =	stream.linear.gather [hbm4b:s8+s5], $0x20, $0x38;
	[tilespmem:$0xC380] =	vst v63  }
0x23: {  	_ =	swait.ge [sflag:s28], $0x20  }
0x24: {  	[sflag:s28] =	ssyncset.done $0x0  }
0x25: {  	[sflag:s28] =	ssyncadd.s32 $0xFFFFFFE0  }
0x26: {  	[tilespmem:s30], [sflag:$0x1] =	stream.indirect.gather [hbm4b:s1+s29], $0x80, s5, s29, $0xb8;
	[tilespmem:$0xC380] =	vst v63  }
0x27: {  	s24 =	rddreg [dreg:$0x1]  }
0x28: {  	[tilespmem:s31], [sflag:$0x3] =	stream.indirect.gather [hbm4b:s24+s29], $0x1, s5, s29, $0xb8;
	[tilespmem:$0xC380] =	vst v63  }
0x29: {  	s25 =	rddreg [dreg:$0x6]  }
0x2a: {  	[tilespmem:s0], [sflag:$0x9] =	stream.linear.gather [hbm4b:s25+s5], $0x20, $0x38;
	[tilespmem:$0xC380] =	vst v63  }
0x2b: {  	_ =	swait.ge [sflag:s28], $0x20  }
0x2c: {  	[sflag:s28] =	ssyncset.done $0x0  }
0x2d: {  	[sflag:s28] =	ssyncadd.s32 $0xFFFFFFE0  }
0x2e: {  	[tilespmem:s2], [sflag:$0x2] =	stream.indirect.gather [hbm4b:s1+s29], $0x80, s0, s29, $0xb8;
	[tilespmem:$0xC380] =	vst v63  }
0x2f: {  	_ = 	snop  }
0x30: {  	[tilespmem:s3], [sflag:$0x4] =	stream.indirect.gather [hbm4b:s4+s29], $0x1, s0, s29, $0xb8;
	[tilespmem:$0xC380] =	vst v63  }
0x31: {  	_ =	swait.ge [sflag:s6], $0x1000  }
0x32: {  	[sflag:s6] =	ssyncset.done $0x0  }
0x33: {  	s26 =	rddreg [dreg:$0x8];
	[sflag:s6] =	ssyncadd.s32 $0xFFFFF000  }
0x34: {  	[hbm4b:s26+s5] =	stream.linear.scatter [tilespmem:s30], [sflag:$0x5], $0x1000, $0x38;
	[tilespmem:$0xC380] =	vst v63  }
0x35: {  	_ =	swait.ge [sflag:s9], $0x20  }
0x36: {  	[sflag:s9] =	ssyncset.done $0x0  }
0x37: {  	s21 =	rddreg [dreg:$0x9];
	[sflag:s9] =	ssyncadd.s32 $0xFFFFFFE0  }
0x38: {  	[hbm4b:s21+s5] =	stream.linear.scatter [tilespmem:s31], [sflag:$0x7], $0x20, $0x38;
	[tilespmem:$0xC380] =	vst v63  }
0x39: {  	_ =	swait.ge [sflag:s10], $0x1000  }
0x3a: {  	[sflag:s10] =	ssyncset.done $0x0  }
0x3b: {  	s22 =	rddreg [dreg:$0xa];
	[sflag:s10] =	ssyncadd.s32 $0xFFFFF000  }
0x3c: {  	[hbm4b:s22+s5] =	stream.linear.scatter [tilespmem:s2], [sflag:$0x6], $0x1000, $0x38;
	[tilespmem:$0xC380] =	vst v63  }
0x3d: {  	_ =	swait.ge [sflag:s11], $0x20  }
0x3e: {  	[sflag:s11] =	ssyncset.done $0x0  }
0x3f: {  	s24 =	rddreg [dreg:$0xb];
	[sflag:s11] =	ssyncadd.s32 $0xFFFFFFE0  }
0x40: {  	[hbm4b:s24+s5] =	stream.linear.scatter [tilespmem:s3], [sflag:$0x8], $0x20, $0x38;
	[tilespmem:$0xC380] =	vst v63  }
0x41: {  	_ =	swait.ge [sflag:s12], $0x1000  }
0x42: {  	[sflag:s12] =	ssyncset.done $0x0  }
0x43: {  	[sflag:s12] =	ssyncadd.s32 $0xFFFFF000  }
0x44: {  	_ =	swait.ge [sflag:s13], $0x1000  }
0x45: {  	[sflag:s13] =	ssyncset.done $0x0  }
0x46: {  	[sflag:s13] =	ssyncadd.s32 $0xFFFFF000  }
0x47: {  	_ =	swait.ge [sflag:s15], $0x20  }
0x48: {  	[sflag:s15] =	ssyncset.done $0x0  }
0x49: {  	[sflag:s15] =	ssyncadd.s32 $0xFFFFFFE0  }
0x4a: {  	_ =	swait.ge [sflag:s16], $0x20  }
0x4b: {  	[sflag:s16] =	ssyncset.done $0x0  }
0x4c: {  	s25 =	rddreg [dreg:$0xc];
	[sflag:s16] =	ssyncadd.s32 $0xFFFFFFE0  }
0x4d: {  	[tilespmem:s5], [sflag:$0x9] =	stream.linear.gather [hbm4b:s25+s5], $0x50, $0x38;
	[tilespmem:$0xC380] =	vst v63  }
0x4e: {  	_ =	swait.ge [sflag:s28], $0x50  }
0x4f: {  	[sflag:s28] =	ssyncset.done $0x0  }
0x50: {  	[sflag:s28] =	ssyncadd.s32 $0xFFFFFFB0  }
0x51: {  	[tilespmem:s30], [sflag:$0x1] =	stream.indirect.gather [hbm4b:s1+s17], $0x80, s5, s17, $0xb8;
	[tilespmem:$0xC380] =	vst v63  }
0x52: {  	_ = 	snop  }
0x53: {  	[tilespmem:s31], [sflag:$0x3] =	stream.indirect.gather [hbm4b:s4+s17], $0x1, s5, s17, $0xb8;
	[tilespmem:$0xC380] =	vst v63  }
0x54: {  	s26 =	rddreg [dreg:$0x15]  }
0x55: {  	[tilespmem:s0], [sflag:$0x9] =	stream.linear.gather [hbm4b:s26+s5], $0x50, $0x38;
	[tilespmem:$0xC380] =	vst v63  }
0x56: {  	_ =	swait.ge [sflag:s28], $0x50  }
0x57: {  	[sflag:s28] =	ssyncset.done $0x0  }
0x58: {  	s25 =	rddreg [dreg:$0x14];
	[sflag:s28] =	ssyncadd.s32 $0xFFFFFFB0  }
0x59: {  	[tilespmem:s2], [sflag:$0x2] =	stream.indirect.gather [hbm4b:s1+s17], $0x80, s0, s17, $0xb8;
	[tilespmem:$0xC380] =	vst v63  }
0x5a: {  	s26 =	simm.s32 $0x0;
	s24 =	rddreg [dreg:$0x13]  }
0x5b: {  	[tilespmem:s3], [sflag:$0x4] =	stream.indirect.gather [hbm4b:s4+s17], $0x1, s0, s17, $0xb8;
	[tilespmem:$0xC380] =	vst v63  }
.LBB2_2:
0x5c: {  	_ =	swait.ge [sflag:s6], $0x2800  }
0x5d: {  	[sflag:s6] =	ssyncset.done $0x0  }
0x5e: {  	s22 =	sadd.s32 $0xFFFFFB00, s24;
	[sflag:s6] =	ssyncadd.s32 $0xFFFFD800  }
0x5f: {  	[hbm4b:s22+s5] =	stream.linear.scatter [tilespmem:s30], [sflag:$0x5], $0x2800, $0x38;
	[tilespmem:$0xC380] =	vst v63  }
0x60: {  	_ =	swait.ge [sflag:s9], $0x50  }
0x61: {  	p0 =	seq.s32 s26, $0xB4;
	[sflag:s9] =	ssyncset.done $0x0  }
0x62: {  	s21 =	sadd.s32 s26, s20;
	s22 =	simm.s32 @!p0 $0x5;
	[sflag:s9] =	ssyncadd.s32 $0xFFFFFFB0  }
0x63: {  	[hbm4b:s21+s5] =	stream.linear.scatter [tilespmem:s31], [sflag:$0x7], $0x50, $0x38;
	[tilespmem:$0xC380] =	vst v63  }
0x64: {  	_ =	swait.ge @!p0 [sflag:s22], $0x2800  }
0x65: {  	[sflag:s22] =	ssyncset.done @!p0 $0x0  }
0x66: {  	[sflag:s22] =	ssyncadd.s32 @!p0 $0xFFFFD800;
	s22 =	simm.s32 @!p0 $0x7  }
0x67: {  	_ =	swait.ge @!p0 [sflag:s22], $0x50  }
0x68: {  	s21 =	sshrl.u32 @!p0 s25, $0x3;
	[sflag:s22] =	ssyncset.done @!p0 $0x0  }
0x69: {  	s21 =	sadd.s32 @!p0 s7, s21;
	[sflag:s22] =	ssyncadd.s32 @!p0 $0xFFFFFFB0;
	s22 =	simm.s32 @!p0 $0x0  }
0x6a: {  	[tilespmem:s22], [sflag:$0x9] =	stream.linear.gather @!p0 [hbm4b:s21+s22], $0x50, $0x38;
	[tilespmem:$0xC380] =	vst v63  }
0x6b: {  	s21 =	simm.s32 @!p0 $0x9  }
0x6c: {  	_ =	swait.ge @!p0 [sflag:s21], $0x50  }
0x6d: {  	[sflag:s21] =	ssyncset.done @!p0 $0x0  }
0x6e: {  	s8 =	simm.s32 @!p0 $0x100;
	[sflag:s21] =	ssyncadd.s32 @!p0 $0xFFFFFFB0;
	s21 =	simm.s32 @!p0 $0x50  }
0x6f: {  	[tilespmem:s8], [sflag:$0x1] =	stream.indirect.gather @!p0 [hbm4b:s1+s21], $0x80, s22, s21, $0xb8;
	[tilespmem:$0xC380] =	vst v63  }
0x70: {  	s8 =	simm.s32 @!p0 $0x8100  }
0x71: {  	[tilespmem:s8], [sflag:$0x3] =	stream.indirect.gather @!p0 [hbm4b:s4+s21], $0x1, s22, s21, $0xb8;
	[tilespmem:$0xC380] =	vst v63  }
0x72: {  	_ =	swait.ge [sflag:s10], $0x2800  }
0x73: {  	[sflag:s10] =	ssyncset.done $0x0  }
0x74: {  	[sflag:s10] =	ssyncadd.s32 $0xFFFFD800  }
0x75: {  	[hbm4b:s24+s5] =	stream.linear.scatter [tilespmem:s2], [sflag:$0x6], $0x2800, $0x38;
	[tilespmem:$0xC380] =	vst v63  }
.Ltmp0:
0x76: {  	_ = 	snop;
	(pc) =	sbr.rel @p0 .LBB2_4-.Ltmp0, $4  }
0x77: {  	_ =	swait.ge [sflag:s11], $0x50  }
0x78: {  	[sflag:s11] =	ssyncset.done $0x0  }
0x79: {  	s22 =	sadd.s32 s26, s19;
	[sflag:s11] =	ssyncadd.s32 $0xFFFFFFB0  }
0x7a: {  	[hbm4b:s22+s5] =	stream.linear.scatter [tilespmem:s3], [sflag:$0x8], $0x50, $0x38;
	[tilespmem:$0xC380] =	vst v63  }
0x7b: {  	_ =	swait.ge [sflag:s13], $0x2800  }
0x7c: {  	[sflag:s13] =	ssyncset.done $0x0  }
0x7d: {  	[sflag:s13] =	ssyncadd.s32 $0xFFFFD800  }
0x7e: {  	_ =	swait.ge [sflag:s16], $0x50  }
0x7f: {  	[sflag:s16] =	ssyncset.done $0x0  }
0x80: {  	s8 =	sadd.s32 s26, s23;
	[sflag:s16] =	ssyncadd.s32 $0xFFFFFFB0  }
0x81: {  	[tilespmem:s0], [sflag:$0x9] =	stream.linear.gather [hbm4b:s8+s5], $0x50, $0x38;
	[tilespmem:$0xC380] =	vst v63  }
0x82: {  	_ =	swait.ge [sflag:s28], $0x50  }
.Ltmp1:
0x83: {  	[sflag:s28] =	ssyncset.done $0x0;
	(pc) =	sbr.rel .LBB2_2-.Ltmp1, $4  }
0x84: {  	[sflag:s28] =	ssyncadd.s32 $0xFFFFFFB0  }
0x85: {  	[tilespmem:s2], [sflag:$0x2] =	stream.indirect.gather [hbm4b:s1+s17], $0x80, s0, s17, $0xb8;
	[tilespmem:$0xC380] =	vst v63  }
0x86: {  	s26 =	sadd.s32 $0x14, s26;
	s24 =	sadd.s32 $0xA00, s24;
	s25 =	sadd.s32 $0xA0, s25  }
0x87: {  	[tilespmem:s3], [sflag:$0x4] =	stream.indirect.gather [hbm4b:s4+s17], $0x1, s0, s17, $0xb8;
	[tilespmem:$0xC380] =	vst v63  }
.LBB2_4:
0x88: {  	_ =	swait.ge [sflag:s12], $0x2800  }
0x89: {  	[sflag:s12] =	ssyncset.done $0x0  }
0x8a: {  	s8 =	simm.s32 $0x0;
	[sflag:s12] =	ssyncadd.s32 $0xFFFFD800  }
0x8b: {  	v2 =	vor.u32 s8, v0;
	_ =	swait.ge [sflag:s13], $0x2800  }
0x8c: {  	v3 =	vmulhi.u32 $0xCCCCCCCD, v2;
	[sflag:s13] =	ssyncset.done $0x0  }
0x8d: {  	[sflag:s13] =	ssyncadd.s32 $0xFFFFD800  }
0x8e: {  	v3 =	vshrl.u32 v3, $0x3;
	_ =	swait.ge [sflag:s15], $0x50  }
0x8f: {  	v4 =	vmul.u32 $0xFFFFFFF6, v3;
	[sflag:s15] =	ssyncset.done $0x0  }
0x90: {  	s21 =	simm.s32 $0x10;
	[sflag:s15] =	ssyncadd.s32 $0xFFFFFFB0  }
0x91: {  	v5 =	vmov s8;
	v2 =	vadd.s32 v2, v4;
	v4 =	vor.u32 s21, v0;
	_ =	swait.ge [sflag:s16], $0x50  }
0x92: {  	vm0 =	veq.s32 v5, v0;
	vm1 =	vne.s32 v2, $0x0;
	v5 =	vmulhi.u32 $0xCCCCCCCD, v4;
	[sflag:s16] =	ssyncset.done $0x0  }
0x93: {  	vm0 =	vmand vm0, vm1;
	s22 =	rddreg [dreg:$0x6];
	[sflag:s16] =	ssyncadd.s32 $0xFFFFFFB0  }
0x94: {  	v6 =	vsel vm0, $0xFFFFFFFF, v1;
	v5 =	vshrl.u32 v5, $0x3;
	[tilespmem:s8], [sflag:$0x9] =	stream.linear.gather [hbm4b:s22+s8], $0x20, $0x38;
	[tilespmem:$0xC380] =	vst v63  }
0x95: {  	v7 =	vmov s21;
	v3 =	vadd.s32 v6, v3;
	v6 =	vmul.u32 $0xFFFFFFF6, v5;
	_ =	swait.ge [sflag:s28], $0x20  }
0x96: {  	vm0 =	veq.s32 v7, v0;
	s22 =	simm.s32 $0x20;
	[sflag:s28] =	ssyncset.done $0x0  }
0x97: {  	v3 =	vshll.u32 v3, $0x7;
	v4 =	vadd.s32 v4, v6;
	v6 =	vor.u32 s22, v0;
	s25 =	rddreg [dreg:$0x5];
	[sflag:s28] =	ssyncadd.s32 $0xFFFFFFE0  }
0x98: {  	v2 =	vor.u32 v2, v3;
	vm1 =	vne.s32 v4, $0x0;
	v7 =	vmulhi.u32 $0xCCCCCCCD, v6;
	[tilespmem:s18], [sflag:$0x9] =	stream.indirect.gather [hbm4b:s25+s29], $0x80, s8, s29, $0xb8;
	[tilespmem:$0xC380] =	vst v63  }
0x99: {  	vm0 =	vmand vm0, vm1;
	_ =	swait.ge [sflag:s28], $0x1000  }
0x9a: {  	v3 =	vsel vm0, $0xFFFFFFFF, v1;
	v7 =	vshrl.u32 v7, $0x3;
	[sflag:s28] =	ssyncset.done $0x0  }
0x9b: {  	s26 =	simm.s32 $0x30;
	v8 =	vmov s22;
	v3 =	vadd.s32 v3, v5;
	v5 =	vmul.u32 $0xFFFFFFF6, v7;
	s24 =	rddreg [dreg:$0xd];
	[sflag:s28] =	ssyncadd.s32 $0xFFFFF000  }
0x9c: {  	vm0 =	veq.s32 v8, v0;
	[hbm4b:s24+s8] =	stream.linear.scatter [tilespmem:s18], [sflag:$0x7], $0x1000, $0x38;
	[tilespmem:$0xC380] =	vst v63  }
0x9d: {  	v3 =	vshll.u32 v3, $0x7;
	v5 =	vadd.s32 v6, v5;
	v6 =	vor.u32 s26, v0;
	v9 =	vld.idx.msk [tilespmem:v2+s18+$0x0], $0xffff  }
0x9e: {  	v3 =	vor.u32 v4, v3;
	vm1 =	vne.s32 v5, $0x0;
	v2 =	vmulhi.u32 $0xCCCCCCCD, v6  }
0x9f: {  	vm0 =	vmand vm0, vm1  }
0xa0: {  	v4 =	vsel vm0, $0xFFFFFFFF, v1;
	v2 =	vshrl.u32 v2, $0x3  }
0xa1: {  	s25 =	simm.s32 $0x8200;
	v4 =	vadd.s32 v4, v7;
	v7 =	vmul.u32 $0xFFFFFFF6, v2  }
0xa2: {  	v4 =	vshll.u32 v4, $0x7;
	[tilespmem:s25+$0x0] =	vst v9  }
0xa3: {  	v5 =	vor.u32 v5, v4;
	v4 =	vadd.s32 v6, v7;
	v6 =	vld.idx.msk [tilespmem:v3+s18+$0x0], $0xffff;
	_ =	sdelay $0x1  }
0xa4: {  	v8 =	vmov s26;
	s24 =	simm.s32 $0x40  }
0xa5: {  	s26 =	simm.s32 $0x50;
	vm0 =	veq.s32 v8, v0;
	v3 =	vor.u32 s24, v0;
	vm1 =	vne.s32 v4, $0x0  }
.LBB2_5:
0xa6: {  	p0 =	sne.s32 s26, $0x130;
	v7 =	vmulhi.u32 $0xCCCCCCCD, v3;
	vm0 =	vmand vm0, vm1;
	s25 =	sadd.s32 $0x10, s25  }
0xa7: {  	v8 =	vsel vm0, $0xFFFFFFFF, v1;
	[tilespmem:s25+$0x0] =	vst v6  }
.Ltmp2:
0xa8: {  	v8 =	vadd.s32 v8, v2;
	v2 =	vshrl.u32 v7, $0x3;
	v6 =	vld.idx.msk [tilespmem:v5+s18+$0x0], $0xffff;
	(pc) =	sbr.rel @p0 .LBB2_5-.Ltmp2, $4  }
0xa9: {  	v7 =	vmul.u32 $0xFFFFFFF6, v2;
	v5 =	vshll.u32 v8, $0x7  }
0xaa: {  	v5 =	vor.u32 v4, v5  }
0xab: {  	v8 =	vmov s24;
	s24 =	smov.u32 s26;
	v4 =	vadd.s32 v3, v7  }
0xac: {  	s26 =	sadd.s32 $0x10, s26;
	vm0 =	veq.s32 v8, v0;
	v3 =	vor.u32 s24, v0;
	vm1 =	vne.s32 v4, $0x0  }
0xad: {  	v7 =	vmulhi.u32 $0xCCCCCCCD, v3  }
0xae: {  	vm0 =	vmand vm0, vm1  }
0xaf: {  	s8 =	sadd.s32 $0x10, s25;
	v8 =	vsel vm0, $0xFFFFFFFF, v1;
	v7 =	vshrl.u32 v7, $0x3  }
0xb0: {  	[tilespmem:s8+$0x0] =	vst v6;
	v2 =	vadd.s32 v8, v2;
	v61 =	vmul.u32 $0xFFFFFFF6, v7  }
0xb1: {  	v5 =	vld.idx.msk [tilespmem:v5+s18+$0x0], $0xffff;
	v2 =	vshll.u32 v2, $0x7  }
0xb2: {  	v62 =	vmov s24;
	v2 =	vor.u32 v4, v2;
	v3 =	vadd.s32 v3, v61  }
0xb3: {  	vm14 =	veq.s32 v62, v0;
	vm15 =	vne.s32 v3, $0x0  }
0xb4: {  	vm0 =	vmand vm14, vm15  }
0xb5: {  	s8 =	sadd.s32 $0x10, s8;
	v63 =	vsel vm0, $0xFFFFFFFF, v1  }
0xb6: {  	[tilespmem:s8+$0x0] =	vst v5;
	v4 =	vadd.s32 v63, v7  }
0xb7: {  	v2 =	vld.idx.msk [tilespmem:v2+s18+$0x0], $0xffff;
	v4 =	vshll.u32 v4, $0x7  }
0xb8: {  	v3 =	vor.u32 v3, v4;
	_ =	sdelay $0x2  }
0xb9: {  	s8 =	sadd.s32 $0x10, s8  }
0xba: {  	[tilespmem:s8+$0x0] =	vst v2  }
0xbb: {  	v2 =	vld.idx.msk [tilespmem:v3+s18+$0x0], $0xffff;
	_ =	sdelay $0x3  }
0xbc: {  	s8 =	sadd.s32 $0x10, s8  }
0xbd: {  	[tilespmem:s8+$0x0] =	vst v2  }
0xbe: {  	_ =	swait.ge [sflag:s15], $0x1000  }
0xbf: {  	[sflag:s15] =	ssyncset.done $0x0  }
0xc0: {  	s22 =	simm.s32 $0x8200;
	[sflag:s15] =	ssyncadd.s32 $0xFFFFF000  }
0xc1: {  	[tilespmem:s30], [sflag:$0x1] =	stream.indirect.gather [hbm4b:s1+s17], $0x80, s22, s17, $0xb8;
	[tilespmem:$0xC380] =	vst v63  }
0xc2: {  	s24 =	simm.s32 $0x8250  }
0xc3: {  	[tilespmem:s2], [sflag:$0x2] =	stream.indirect.gather [hbm4b:s1+s17], $0x80, s24, s17, $0xb8;
	[tilespmem:$0xC380] =	vst v63  }
0xc4: {  	_ =	swait.ge [sflag:s6], $0x2800  }
0xc5: {  	[sflag:s6] =	ssyncset.done $0x0  }
0xc6: {  	s25 =	rddreg [dreg:$0xf];
	[sflag:s6] =	ssyncadd.s32 $0xFFFFD800  }
0xc7: {  	[hbm4b:s25+s5] =	stream.linear.scatter [tilespmem:s30], [sflag:$0x5], $0x2800, $0x38;
	[tilespmem:$0xC380] =	vst v63  }
0xc8: {  	_ =	swait.ge [sflag:s12], $0x2800  }
0xc9: {  	[sflag:s12] =	ssyncset.done $0x0  }
0xca: {  	s26 =	simm.s32 $0x82A0;
	[sflag:s12] =	ssyncadd.s32 $0xFFFFD800  }
0xcb: {  	[tilespmem:s30], [sflag:$0x1] =	stream.indirect.gather [hbm4b:s1+s17], $0x80, s26, s17, $0xb8;
	[tilespmem:$0xC380] =	vst v63  }
0xcc: {  	_ =	swait.ge [sflag:s10], $0x2800  }
0xcd: {  	[sflag:s10] =	ssyncset.done $0x0  }
0xce: {  	s21 =	rddreg [dreg:$0x10];
	[sflag:s10] =	ssyncadd.s32 $0xFFFFD800  }
0xcf: {  	[hbm4b:s21+s5] =	stream.linear.scatter [tilespmem:s2], [sflag:$0x6], $0x2800, $0x38;
	[tilespmem:$0xC380] =	vst v63  }
0xd0: {  	_ =	swait.ge [sflag:s13], $0x2800  }
0xd1: {  	[sflag:s13] =	ssyncset.done $0x0  }
0xd2: {  	s22 =	simm.s32 $0x82F0;
	[sflag:s13] =	ssyncadd.s32 $0xFFFFD800  }
0xd3: {  	[tilespmem:s2], [sflag:$0x2] =	stream.indirect.gather [hbm4b:s1+s17], $0x80, s22, s17, $0xb8;
	[tilespmem:$0xC380] =	vst v63  }
0xd4: {  	_ =	swait.ge [sflag:s6], $0x2800  }
0xd5: {  	[sflag:s6] =	ssyncset.done $0x0  }
0xd6: {  	s24 =	rddreg [dreg:$0x11];
	[sflag:s6] =	ssyncadd.s32 $0xFFFFD800  }
0xd7: {  	[hbm4b:s24+s5] =	stream.linear.scatter [tilespmem:s30], [sflag:$0x5], $0x2800, $0x38;
	[tilespmem:$0xC380] =	vst v63  }
0xd8: {  	_ =	swait.ge [sflag:s10], $0x2800  }
0xd9: {  	[sflag:s10] =	ssyncset.done $0x0  }
0xda: {  	s25 =	rddreg [dreg:$0x12];
	[sflag:s10] =	ssyncadd.s32 $0xFFFFD800  }
0xdb: {  	[hbm4b:s25+s5] =	stream.linear.scatter [tilespmem:s2], [sflag:$0x6], $0x2800, $0x38;
	[tilespmem:$0xC380] =	vst v63  }
0xdc: {  	_ =	swait.ge [sflag:s12], $0x2800  }
0xdd: {  	[sflag:s12] =	ssyncset.done $0x0  }
0xde: {  	[sflag:s12] =	ssyncadd.s32 $0xFFFFD800  }
0xdf: {  	_ =	swait.ge [sflag:s13], $0x2800  }
0xe0: {  	s14 =	sadd.s32 $0x1, s14;
	s26 =	rddreg [dreg:$0xe]  }
0xe1: {  	p0 =	sne.s32 s14, s26  }
.Ltmp3:
0xe2: {  	_ = 	snop;
	(pc) =	sbr.rel @p0 .LBB2_1-.Ltmp3, $3  }
0xe3: {  	_ =	sdelay $0x1  }
0xe4: {  	[sflag:s13] =	ssyncset.done $0x0  }
0xe5: {  	[sflag:s13] =	ssyncadd.s32 $0xFFFFD800  }
0xe6: {  	_ =	sfence.sel $0x180000  }
0xe7: {  	[bflag:$0x0] =	sbarrier.arrive $0xFFFF  }
0xe8: {  	_ =	strace $0x90000050  }
0xe9: {  	s0 =	stileid.u32;
	[bflag:$0x2] =	sbarrier.arrive $0xFFFF  }
0xea: {  	p0 =	sne.s32 s0, $0x0;
	s0 =	rddreg [dreg:$0x4]  }
0xeb: {  	s0 =	sadd.s32 @!p0 $0x100000, s0  }
0xec: {  	[sflag:s0] =	ssyncadd.tile.s32 @!p0 $0x1;
	_ =	shalt  }
.Lfunc_end2:
_tile_overlayer_lowered:
.L_overlay_start_2:
0xed: {  	(tag) =	ssettag $0x2  }
0xee: {  	s0 =	rddreg [dreg:$0x0];
	s2 =	stileid.u32  }
0xef: {  	s1 =	rddreg [dreg:$0x1];
	p0 =	sne.s32 s2, $0x0  }
0xf0: {  	s3 =	rddreg [dreg:$0x2];
	[bflag:$0x3] =	sbarrier.arrive $0xFFFF;
	s2 =	simm.s32 @!p0 $0x1C09  }
0xf1: {  	[timem:s3], [sflag:s2] =	dma.local @!p0 [hbm:s0], s1  }
0xf2: {  	s0 =	simm.s32 @!p0 $0x9  }
0xf3: {  	_ =	swait.ge @!p0 [sflag:s0], s1  }
0xf4: {  	s1 =	ssub.s32 @!p0 $0x0, s1;
	[sflag:s0] =	ssyncset.done @!p0 $0x0  }
0xf5: {  	[sflag:s0] =	ssyncadd.s32 @!p0 s1  }
0xf6: {  	[bflag:$0x3] =	sbarrier.arrive $0xFFFF  }
0xf7: {  	_ =	shalt  }

// kernel: kernel.13.cloned.1.call-start
scs
__scs_entry_jumppad:
0x0: {  	(pc) =	sbr.rel $0x88, $3  }
0x1: {  	(tag) =	ssettag $0x0;
	lr =	simm.s32 $0x1  }
0x2: {  	[smem:$0x3F99] =	sst lr;
	_ =	strace $0xD0000000  }
0x3: {  	_ = 	snop  }
0x4: {  	_ = 	snop  }
0x5: {  	_ = 	snop  }
0x6: {  	_ = 	snop  }
0x7: {  	_ = 	snop  }
__scs_overlays_trampoline_lowered:
0x8: {  	[smem:$0x3FA8] =	sst s0  }
0x9: {  	[smem:$0x3FA9] =	sst s1  }
0xa: {  	[smem:$0x3FAA] =	sst s2  }
0xb: {  	[smem:$0x3FAB] =	sst s3  }
0xc: {  	[smem:$0x3FAC] =	sst s4  }
0xd: {  	[smem:$0x3FAD] =	sst s5  }
0xe: {  	[smem:$0x3FAE] =	sst s6  }
0xf: {  	[smem:$0x3FAF] =	sst s7  }
0x10: {  	[smem:$0x3FB0] =	sst s8  }
0x11: {  	[smem:$0x3FB1] =	sst s9;
	s0 =	simm.s32 @!p0 $0x0  }
0x12: {  	s1 =	sld [smem:$0x3F97];
	s0 =	simm.s32 @p0 $0x1  }
0x13: {  	[smem:$0x3FB2] =	sst s0;
	s0 =	simm.s32 @!p1 $0x0  }
0x14: {  	s2 =	sld [smem:$0x3F96];
	s0 =	simm.s32 @p1 $0x1  }
0x15: {  	[smem:$0x3FB3] =	sst s0;
	s0 =	simm.s32 @!p2 $0x0  }
0x16: {  	s3 =	sld [smem:$0x3FDB];
	s0 =	simm.s32 @p2 $0x1  }
0x17: {  	s4 =	simm.s32 $0x1BF5;
	[smem:$0x3FB5] =	sst s0  }
0x18: {  	s0 =	sld [smem:$0x3F98];
	_ =	swait.ge [sflag:s4], $0x0  }
0x19: {  	s7 =	sld [smem:$0x3F99]  }
0x1a: {  	s8 =	sadd.s32 $0xFFFFE003, lr  }
0x1b: {  	s9 =	sadd.s32 $0xFFFFFEF7, lr;
	s5 =	simm.s32 $0xFFFFFFFF;
	p2 =	slt.u32 s8, $0xFFFFF086  }
0x1c: {  	p1 =	slt.u32 s9, $0xF7A;
	s5 =	simm.s32 @!p2 $0x0  }
0x1d: {  	s5 =	simm.s32 @p1 $0x1;
	p0 =	seq.s32 s7, s2  }
0x1e: {  	s7 =	smul.u32 @!p0 $0xF7A, s2;
	p2 =	seq.s32 @!p0 s5, $0x0  }
0x1f: {  	s9 =	smul.u32 $0xF7A, s1;
	s8 =	simm.s32 @!p0 $0x1BF5;
	p2 =	por !p2, p0  }
0x20: {  	[sflag:s8] =	ssyncset.s32 @!p0 $0xFFFFF086;
	s6 =	sadd.s32 @!p0 s3, s7;
	s7 =	simm.s32 @!p0 $0x108  }
0x21: {  	s3 =	sadd.s32 s3, s9;
	s6 =	sadd.s32 @!p0 $0x88, s6;
	s7 =	simm.s32 @p2 $0x1082  }
0x22: {  	[simem:s7], [sflag:s8] =	dma.local @!p0 [hbm:s6], $0xF7A  }
0x23: {  	s9 =	sor.u32 $0xD0000000, s2;
	s6 =	simm.s32 $0x108;
	_ =	swait.ge @!p0 [sflag:s8], $0x0  }
0x24: {  	s3 =	sadd.s32 $0x88, s3;
	s6 =	simm.s32 @!p1 $0x1082;
	[sflag:s4] =	ssyncset.s32 $0xFFFFF086  }
0x25: {  	[simem:s6], [sflag:s4] =	dma.local [hbm:s3], $0xF7A  }
0x26: {  	[smem:$0x3F99] =	sst s1;
	(tag) =	ssettag s2;
	_ =	strace s9  }
0x27: {  	s1 =	sld [smem:$0x3FA9]  }
0x28: {  	s2 =	sld [smem:$0x3FAA]  }
0x29: {  	s4 =	sld [smem:$0x3FAC]  }
0x2a: {  	p0 =	seq.s32 s5, $0x0;
	s5 =	sld [smem:$0x3FAD]  }
0x2b: {  	s6 =	sld [smem:$0x3FAE]  }
0x2c: {  	s7 =	sld [smem:$0x3FAF]  }
0x2d: {  	s3 =	simm.s32 $0x108;
	s8 =	sld [smem:$0x3FB0]  }
0x2e: {  	s3 =	simm.s32 @!p0 $0x1082;
	s9 =	sld [smem:$0x3FB1]  }
0x2f: {  	lr =	sadd.s32 s0, s3;
	s0 =	sld [smem:$0x3FA8]  }
0x30: {  	s3 =	sld [smem:$0x3FAB]  }
0x31: {  	[smem:$0x3FB4] =	sst s10  }
0x32: {  	s10 =	sld [smem:$0x3FB2];
	_ =	sdelay $0x3  }
0x33: {  	p0 =	seq.s32 s10, $0x1;
	s10 =	sld [smem:$0x3FB4];
	_ =	sdelay $0x3  }
0x34: {  	[smem:$0x3FB4] =	sst s10  }
0x35: {  	s10 =	sld [smem:$0x3FB3];
	_ =	sdelay $0x3  }
0x36: {  	p1 =	seq.s32 s10, $0x1;
	s10 =	sld [smem:$0x3FB4];
	_ =	sdelay $0x3  }
0x37: {  	[smem:$0x3FB4] =	sst s10  }
0x38: {  	s10 =	sld [smem:$0x3FB5]  }
0x39: {  	_ = 	snop;
	(pc) =	sbr.ind lr, $3  }
0x3a: {  	_ = 	snop  }
0x3b: {  	_ = 	snop  }
0x3c: {  	p2 =	seq.s32 s10, $0x1;
	s10 =	sld [smem:$0x3FB4]  }
0x3d: {  	_ =	shalt  }
0x3e: {  	_ =	shalt  }
0x3f: {  	_ =	shalt  }
0x40: {  	_ =	shalt  }
0x41: {  	_ =	shalt  }
0x42: {  	_ =	shalt  }
0x43: {  	_ =	shalt  }
0x44: {  	_ =	shalt  }
0x45: {  	_ =	shalt  }
0x46: {  	_ =	shalt  }
0x47: {  	_ =	shalt  }
0x48: {  	_ =	shalt  }
0x49: {  	_ =	shalt  }
0x4a: {  	_ =	shalt  }
0x4b: {  	_ =	shalt  }
0x4c: {  	_ =	shalt  }
0x4d: {  	_ =	shalt  }
0x4e: {  	_ =	shalt  }
0x4f: {  	_ =	shalt  }
0x50: {  	_ =	shalt  }
0x51: {  	_ =	shalt  }
0x52: {  	_ =	shalt  }
0x53: {  	_ =	shalt  }
0x54: {  	_ =	shalt  }
0x55: {  	_ =	shalt  }
0x56: {  	_ =	shalt  }
0x57: {  	_ =	shalt  }
0x58: {  	_ =	shalt  }
0x59: {  	_ =	shalt  }
0x5a: {  	_ =	shalt  }
0x5b: {  	_ =	shalt  }
0x5c: {  	_ =	shalt  }
0x5d: {  	_ =	shalt  }
0x5e: {  	_ =	shalt  }
0x5f: {  	_ =	shalt  }
0x60: {  	_ =	shalt  }
0x61: {  	_ =	shalt  }
0x62: {  	_ =	shalt  }
0x63: {  	_ =	shalt  }
0x64: {  	_ =	shalt  }
0x65: {  	_ =	shalt  }
0x66: {  	_ =	shalt  }
0x67: {  	_ =	shalt  }
0x68: {  	_ =	shalt  }
0x69: {  	_ =	shalt  }
0x6a: {  	_ =	shalt  }
0x6b: {  	_ =	shalt  }
0x6c: {  	_ =	shalt  }
0x6d: {  	_ =	shalt  }
0x6e: {  	_ =	shalt  }
0x6f: {  	_ =	shalt  }
0x70: {  	_ =	shalt  }
0x71: {  	_ =	shalt  }
0x72: {  	_ =	shalt  }
0x73: {  	_ =	shalt  }
0x74: {  	_ =	shalt  }
0x75: {  	_ =	shalt  }
0x76: {  	_ =	shalt  }
0x77: {  	_ =	shalt  }
0x78: {  	_ =	shalt  }
0x79: {  	_ =	shalt  }
0x7a: {  	_ =	shalt  }
0x7b: {  	_ =	shalt  }
0x7c: {  	_ =	shalt  }
0x7d: {  	_ =	shalt  }
0x7e: {  	_ =	shalt  }
0x7f: {  	_ =	shalt  }
0x80: {  	_ =	shalt  }
0x81: {  	_ =	shalt  }
0x82: {  	_ =	shalt  }
0x83: {  	_ =	shalt  }
0x84: {  	_ =	shalt  }
0x85: {  	_ =	shalt  }
0x86: {  	_ =	shalt  }
0x87: {  	_ =	shalt  }
.Lfunc_end0:
.L_simem_size_0:
called_computation.1_lowered:
.L_overlay_start_0:
0x88: {  	s2 =	sld [smem:$0x3FD9]  }
0x89: {  	s3 =	sld [smem:$0x3FFE];
	_ =	sdelay $0x1  }
0x8a: {  	s1 =	srdreg.scid  }
0x8b: {  	s0 =	sand.u32 $0x1, s1  }
0x8c: {  	s17 =	sshll.u32 s0, $0xA;
	s2 =	sadd.s32 s3, s2  }
0x8d: {  	s2 =	sadd.s32 s2, s17  }
0x8e: {  	[smem:$0x3FC0] =	sst s2  }
0x8f: {  	_ = 	snop  }
0x90: {  	s18 =	sld [smem:$0x3FC9]  }
0x91: {  	s4 =	sld [smem:$0x3FC8]  }
0x92: {  	s5 =	sld [smem:$0x3FC7];
	(tm) =	ssettm $0x1  }
0x93: {  	s19 =	sld [smem:$0x3FFB];
	_ =	sdelay $0x3  }
0x94: {  	_ =	strace s19  }
0x95: {  	s2 =	sld [smem:$0x3FFC];
	_ =	sdelay $0x3  }
0x96: {  	_ =	strace s2  }
0x97: {  	s2 =	sld [smem:$0x3FFD];
	_ =	sdelay $0x3  }
0x98: {  	_ =	strace s2  }
0x99: {  	_ =	strace $0x8FFFFFFF  }
0x9a: {  	s20 =	sld [smem:$0x3FDB];
	_ =	sdelay $0x1  }
0x9b: {  	s6 =	simm.s32 $_scs_section_size  }
0x9c: {  	s7 =	simm.s32 $_size__tile_overlayer_lowered;
	s8 =	simm.s32 $_tile_overlayer_lowered  }
0x9d: {  	s9 =	simm.s32 $0x1BFF;
	s21 =	sshll.u32 s8, $0x1;
	s6 =	sadd.s32 s6, s20  }
0x9e: {  	s22 =	simm.s32 $0x0;
	s7 =	sshll.u32 s7, $0x1;
	s8 =	sadd.s32 s21, s6  }
0x9f: {  	[timem:s22], [sflag:s9] =	dma.local [hbm:s8], s7  }
0xa0: {  	_ =	swait.ge [sflag:s9], s7  }
0xa1: {  	s7 =	ssub.s32 $0x0, s7;
	[sflag:s9] =	ssyncset.done $0x0  }
0xa2: {  	[sflag:s9] =	ssyncadd.s32 s7;
	_ =	sdelay $0x1  }
0xa3: {  	s23 =	simm.s32 $0x1B8B  }
0xa4: {  	_ =	swait.ge [sflag:s23], $0x1  }
0xa5: {  	[sflag:s23] =	ssyncset.done $0x0  }
0xa6: {  	[sflag:s23] =	ssyncadd.s32 $0xFFFFFFFF  }
0xa7: {  	s7 =	sld [smem:$0x0]  }
0xa8: {  	s8 =	sand.u32 $0xFFFFFFFE, s1  }
0xa9: {  	p0 =	sne.s32 s1, s8  }
0xaa: {  	s8 =	sshll.u32 @p0 s8, $0xE  }
0xab: {  	s8 =	sadd.s32 @p0 $0x11B8D, s8;
	s9 =	sshll.u32 @p0 s7, $0x11  }
0xac: {  	s8 =	sor.u32 @p0 s9, s8  }
0xad: {  	[sflag:s8] =	ssyncadd.remote.s32 @p0 $0x1;
	_ =	sdelay $0x1  }
0xae: {  	s8 =	simm.s32 @p0 $0x1B8D  }
0xaf: {  	_ =	swait.eq @p0 [sflag:s8], $0x1  }
0xb0: {  	[sflag:s8] =	ssyncadd.s32 @p0 $0xFFFFFFFF  }
0xb1: {  	s9 =	sshll.u32 @!p0 s1, $0xE  }
0xb2: {  	s9 =	sor.u32 @!p0 $0x4000, s9;
	s8 =	simm.s32 @!p0 $0x1B8D  }
0xb3: {  	s7 =	sshll.u32 @!p0 s7, $0x11;
	s9 =	sadd.s32 @!p0 $0x11B8D, s9;
	_ =	swait.eq @!p0 [sflag:s8], $0x1  }
0xb4: {  	s7 =	sor.u32 @!p0 s7, s9;
	[sflag:s8] =	ssyncadd.s32 @!p0 $0xFFFFFFFF  }
0xb5: {  	s25 =	simm.s32 $0x1B8E;
	s24 =	sld [smem:$0x3FFE];
	[sflag:s7] =	ssyncadd.remote.s32 @!p0 $0x1  }
0xb6: {  	s26 =	simm.s32 $execute0_lowered;
	[smem:$0x3FD2] =	sst s25  }
0xb7: {  	s8 =	sshll.u32 s26, $0x1;
	_ =	strace $0x8000004C;
	[dreg:$0x1] =	wrdreg $0xFFFFFFFF  }
0xb8: {  	s28 =	simm.s32 $_size_execute0_lowered;
	s6 =	sadd.s32 s6, s8;
	[dreg:$0x0] =	wrdreg $0x0  }
0xb9: {  	s8 =	sshll.u32 s28, $0x1;
	[dreg:$0x2] =	wrdreg s6  }
0xba: {  	[dreg:$0x3] =	wrdreg s8  }
0xbb: {  	[dreg:$0x4] =	wrdreg $0xC0  }
0xbc: {  	_ =	task [dreg:s22], $0x5FFFF  }
0xbd: {  	[dreg:$0x1] =	wrdreg $0xFFFFFFFF  }
0xbe: {  	[dreg:$0x0] =	wrdreg $0x60  }
0xbf: {  	[dreg:$0x2] =	wrdreg s18  }
0xc0: {  	[dreg:$0x3] =	wrdreg s4  }
0xc1: {  	[dreg:$0x4] =	wrdreg s5  }
0xc2: {  	[dreg:$0x5] =	wrdreg s24  }
0xc3: {  	[dreg:$0x6] =	wrdreg $0xA  }
0xc4: {  	_ =	task.clear_ibuf [dreg:s22], $0x7FFFF;
	_ =	strace $0x9000004C  }
0xc5: {  	s29 =	simm.s32 $0xA;
	_ =	strace $0x8000004E  }
0xc6: {  	_ =	swait.ge [sflag:s29], $0x1  }
0xc7: {  	[sflag:s29] =	ssyncadd.s32 $0xFFFFFFFF  }
0xc8: {  	_ =	strace $0x9000004E  }
0xc9: {  	_ =	sfence  }
0xca: {  	s30 =	sld [smem:$0x0];
	_ =	sdelay $0x2  }
0xcb: {  	s31 =	sshll.u32 s1, $0xD;
	s1 =	sshrl.u32 s1, $0x2  }
0xcc: {  	s4 =	sand.u32 $0x4000, s31;
	s1 =	sadd.s32 s1, s30  }
0xcd: {  	s0 =	sor.u32 s4, s0;
	s1 =	sshll.u32 s1, $0x11  }
0xce: {  	s0 =	sor.u32 s1, s0  }
0xcf: {  	s0 =	sadd.s32 $0x8F2B, s0  }
0xd0: {  	[sflag:s0] =	ssyncadd.remote.s32 $0x1  }
0xd1: {  	_ =	sfence.sel $0xFFFF  }
0xd2: {  	[dreg:$0x0] =	wrdreg $0xFFFFFFFF;
	(pc) =	sbr.abs _section_cstart, $3  }
0xd3: {  	[dreg:$0x1] =	wrdreg $0xFFFFFFFF  }
0xd4: {  	_ =	task.clear_ibuf [dreg:s22], $0x2FFFF;
	_ =	strace $0x9FFFFFFF  }
0xd5: {  	(tm) =	ssettm $0x7FFFFFFF  }
tec
execute0_lowered:
.L_overlay_start_1:
0x0: {  	(tag) =	ssettag $0x1  }
0x1: {  	s1 =	rddreg [dreg:$0x0]  }
0x2: {  	s4 =	rddreg [dreg:$0x2]  }
0x3: {  	s0 =	rddreg [dreg:$0x3];
	s13 =	stileid.u32  }
0x4: {  	s2 =	srdreg.scid;
	s5 =	simm.s32 $0x0;
	s28 =	simm.s32 $0x9  }
0x5: {  	s29 =	simm.s32 $0x20;
	s30 =	simm.s32 $0x100;
	s31 =	simm.s32 $0x8100  }
0x6: {  	s2 =	sand.u32 $0x1, s2;
	s3 =	sshll.u32 s13, $0x1;
	s6 =	smul.u32 $0xC800, s13  }
0x7: {  	[smem:$0x7FF] =	sst s5;
	s7 =	sadd.s32 $0x193200, s0;
	s13 =	smul.u32 $0xC80, s13  }
0x8: {  	s3 =	sor.u32 s2, s3;
	_ =	strace $0x8000004D;
	s14 =	smul.u32 $0x640, s2  }
0x9: {  	[dreg:$0x5] =	wrdreg s7;
	s11 =	ssub.s32 $0x2, s2;
	s2 =	smul.u32 $0x6400, s2  }
0xa: {  	s7 =	sadd.s32 $0x190800, s0;
	s8 =	smul.u32 $0x1400, s3;
	s6 =	sadd.s32 s6, s0  }
0xb: {  	s9 =	sshll.u32 s3, $0x9;
	s18 =	sshll.u32 s3, $0x2;
	s19 =	sshrl.u32 s11, $0x1  }
0xc: {  	s3 =	smul.u32 $0x640, s3;
	s10 =	sadd.s32 s9, s0;
	s12 =	sadd.s32 s18, s0  }
0xd: {  	s11 =	ssub.s32 s11, s19;
	s14 =	sadd.s32 s14, s13;
	s2 =	sadd.s32 s2, s6  }
0xe: {  	s6 =	simm.s32 $0x1;
	s13 =	simm.s32 $0x6;
	s20 =	sadd.s32 $0x192C00, s12  }
0xf: {  	s8 =	sadd.s32 s8, s0;
	s21 =	sadd.s32 $0x192A00, s12;
	[dreg:$0x6] =	wrdreg s20  }
0x10: {  	s0 =	sadd.s32 $0x162600, s0;
	s22 =	sadd.s32 $0x164000, s10;
	[dreg:$0x7] =	wrdreg s21  }
0x11: {  	s23 =	sadd.s32 $0x170000, s12;
	s3 =	sshrl.u32 s3, $0x3;
	[dreg:$0x8] =	wrdreg s22  }
0x12: {  	s24 =	sadd.s32 $0x168000, s10;
	s25 =	sadd.s32 $0x170200, s12;
	[dreg:$0x9] =	wrdreg s23  }
0x13: {  	s10 =	sadd.s32 $0x16C000, s10;
	s12 =	smax.u32 s11, $0x1;
	[dreg:$0xa] =	wrdreg s24  }
0x14: {  	s16 =	sadd.s32 $0x50, s14;
	s18 =	sadd.s32 $0xF0, s14;
	[dreg:$0xb] =	wrdreg s25  }
0x15: {  	s11 =	simm.s32 $0x4;
	s26 =	sadd.s32 s7, s3;
	[dreg:$0xd] =	wrdreg s10  }
0x16: {  	[dreg:$0xe] =	wrdreg s12;
	s15 =	sadd.s32 $0x13A600, s8;
	s17 =	sadd.s32 $0x13AB00, s8  }
0x17: {  	s10 =	sshrl.u32 s16, $0x3;
	s20 =	sshrl.u32 s14, $0x3;
	s21 =	sadd.s32 $0x13B000, s8  }
0x18: {  	s22 =	sshrl.u32 s18, $0x3;
	s23 =	sadd.s32 $0x13B500, s8;
	[dreg:$0xf] =	wrdreg s15  }
0x19: {  	s24 =	sadd.s32 $0x3E2100, s2;
	s25 =	sadd.s32 $0xA0, s14;
	[dreg:$0x10] =	wrdreg s17  }
0x1a: {  	s2 =	simm.s32 $0x4100;
	s3 =	simm.s32 $0x8180;
	[dreg:$0x11] =	wrdreg s21  }
0x1b: {  	s8 =	simm.s32 $0x3;
	s12 =	simm.s32 $0x5;
	[dreg:$0x12] =	wrdreg s23  }
0x1c: {  	s16 =	simm.s32 $0x8;
	s18 =	simm.s32 $0x8380;
	[dreg:$0x13] =	wrdreg s24  }
0x1d: {  	s14 =	simm.s32 $0x0;
	s19 =	sadd.s32 s10, s0;
	[dreg:$0x14] =	wrdreg s25  }
0x1e: {  	s20 =	sadd.s32 s20, s0;
	s23 =	sadd.s32 s22, s7;
	[dreg:$0xc] =	wrdreg s26  }
0x1f: {  	s26 =	sadd.s32 $0xA, s26;
	s0 =	simm.s32 $0x80;
	s10 =	simm.s32 $0x2  }
0x20: {  	v0 =	vlaneseq.u32;
	v1 =	vimm.s32 $0x0;
	s15 =	simm.s32 $0x7;
	s17 =	simm.s32 $0x50;
	[dreg:$0x15] =	wrdreg s26  }
.LBB2_1:
0x21: {  	s9 =	rddreg [dreg:$0x6]  }
0x22: {  	[tilespmem:s5], [sflag:$0x9] =	stream.linear.gather [hbm4b:s9+s5], $0x20, $0x38;
	[tilespmem:$0xC380] =	vst v63  }
0x23: {  	_ =	swait.ge [sflag:s28], $0x20  }
0x24: {  	[sflag:s28] =	ssyncset.done $0x0  }
0x25: {  	[sflag:s28] =	ssyncadd.s32 $0xFFFFFFE0  }
0x26: {  	[tilespmem:s30], [sflag:$0x1] =	stream.indirect.gather [hbm4b:s1+s29], $0x80, s5, s29, $0xb8;
	[tilespmem:$0xC380] =	vst v63  }
0x27: {  	s24 =	rddreg [dreg:$0x1]  }
0x28: {  	[tilespmem:s31], [sflag:$0x3] =	stream.indirect.gather [hbm4b:s24+s29], $0x1, s5, s29, $0xb8;
	[tilespmem:$0xC380] =	vst v63  }
0x29: {  	s25 =	rddreg [dreg:$0x7]  }
0x2a: {  	[tilespmem:s0], [sflag:$0x9] =	stream.linear.gather [hbm4b:s25+s5], $0x20, $0x38;
	[tilespmem:$0xC380] =	vst v63  }
0x2b: {  	_ =	swait.ge [sflag:s28], $0x20  }
0x2c: {  	[sflag:s28] =	ssyncset.done $0x0  }
0x2d: {  	[sflag:s28] =	ssyncadd.s32 $0xFFFFFFE0  }
0x2e: {  	[tilespmem:s2], [sflag:$0x2] =	stream.indirect.gather [hbm4b:s1+s29], $0x80, s0, s29, $0xb8;
	[tilespmem:$0xC380] =	vst v63  }
0x2f: {  	_ = 	snop  }
0x30: {  	[tilespmem:s3], [sflag:$0x4] =	stream.indirect.gather [hbm4b:s4+s29], $0x1, s0, s29, $0xb8;
	[tilespmem:$0xC380] =	vst v63  }
0x31: {  	_ =	swait.ge [sflag:s6], $0x1000  }
0x32: {  	[sflag:s6] =	ssyncset.done $0x0  }
0x33: {  	s26 =	rddreg [dreg:$0x8];
	[sflag:s6] =	ssyncadd.s32 $0xFFFFF000  }
0x34: {  	[hbm4b:s26+s5] =	stream.linear.scatter [tilespmem:s30], [sflag:$0x5], $0x1000, $0x38;
	[tilespmem:$0xC380] =	vst v63  }
0x35: {  	_ =	swait.ge [sflag:s8], $0x20  }
0x36: {  	[sflag:s8] =	ssyncset.done $0x0  }
0x37: {  	s21 =	rddreg [dreg:$0x9];
	[sflag:s8] =	ssyncadd.s32 $0xFFFFFFE0  }
0x38: {  	[hbm4b:s21+s5] =	stream.linear.scatter [tilespmem:s31], [sflag:$0x7], $0x20, $0x38;
	[tilespmem:$0xC380] =	vst v63  }
0x39: {  	_ =	swait.ge [sflag:s10], $0x1000  }
0x3a: {  	[sflag:s10] =	ssyncset.done $0x0  }
0x3b: {  	s22 =	rddreg [dreg:$0xa];
	[sflag:s10] =	ssyncadd.s32 $0xFFFFF000  }
0x3c: {  	[hbm4b:s22+s5] =	stream.linear.scatter [tilespmem:s2], [sflag:$0x6], $0x1000, $0x38;
	[tilespmem:$0xC380] =	vst v63  }
0x3d: {  	_ =	swait.ge [sflag:s11], $0x20  }
0x3e: {  	[sflag:s11] =	ssyncset.done $0x0  }
0x3f: {  	s24 =	rddreg [dreg:$0xb];
	[sflag:s11] =	ssyncadd.s32 $0xFFFFFFE0  }
0x40: {  	[hbm4b:s24+s5] =	stream.linear.scatter [tilespmem:s3], [sflag:$0x8], $0x20, $0x38;
	[tilespmem:$0xC380] =	vst v63  }
0x41: {  	_ =	swait.ge [sflag:s12], $0x1000  }
0x42: {  	[sflag:s12] =	ssyncset.done $0x0  }
0x43: {  	[sflag:s12] =	ssyncadd.s32 $0xFFFFF000  }
0x44: {  	_ =	swait.ge [sflag:s13], $0x1000  }
0x45: {  	[sflag:s13] =	ssyncset.done $0x0  }
0x46: {  	[sflag:s13] =	ssyncadd.s32 $0xFFFFF000  }
0x47: {  	_ =	swait.ge [sflag:s15], $0x20  }
0x48: {  	[sflag:s15] =	ssyncset.done $0x0  }
0x49: {  	[sflag:s15] =	ssyncadd.s32 $0xFFFFFFE0  }
0x4a: {  	_ =	swait.ge [sflag:s16], $0x20  }
0x4b: {  	[sflag:s16] =	ssyncset.done $0x0  }
0x4c: {  	s25 =	rddreg [dreg:$0xc];
	[sflag:s16] =	ssyncadd.s32 $0xFFFFFFE0  }
0x4d: {  	[tilespmem:s5], [sflag:$0x9] =	stream.linear.gather [hbm4b:s25+s5], $0x50, $0x38;
	[tilespmem:$0xC380] =	vst v63  }
0x4e: {  	_ =	swait.ge [sflag:s28], $0x50  }
0x4f: {  	[sflag:s28] =	ssyncset.done $0x0  }
0x50: {  	[sflag:s28] =	ssyncadd.s32 $0xFFFFFFB0  }
0x51: {  	[tilespmem:s30], [sflag:$0x1] =	stream.indirect.gather [hbm4b:s1+s17], $0x80, s5, s17, $0xb8;
	[tilespmem:$0xC380] =	vst v63  }
0x52: {  	_ = 	snop  }
0x53: {  	[tilespmem:s31], [sflag:$0x3] =	stream.indirect.gather [hbm4b:s4+s17], $0x1, s5, s17, $0xb8;
	[tilespmem:$0xC380] =	vst v63  }
0x54: {  	s26 =	rddreg [dreg:$0x15]  }
0x55: {  	[tilespmem:s0], [sflag:$0x9] =	stream.linear.gather [hbm4b:s26+s5], $0x50, $0x38;
	[tilespmem:$0xC380] =	vst v63  }
0x56: {  	_ =	swait.ge [sflag:s28], $0x50  }
0x57: {  	[sflag:s28] =	ssyncset.done $0x0  }
0x58: {  	s25 =	rddreg [dreg:$0x14];
	[sflag:s28] =	ssyncadd.s32 $0xFFFFFFB0  }
0x59: {  	[tilespmem:s2], [sflag:$0x2] =	stream.indirect.gather [hbm4b:s1+s17], $0x80, s0, s17, $0xb8;
	[tilespmem:$0xC380] =	vst v63  }
0x5a: {  	s26 =	simm.s32 $0x0;
	s24 =	rddreg [dreg:$0x13]  }
0x5b: {  	[tilespmem:s3], [sflag:$0x4] =	stream.indirect.gather [hbm4b:s4+s17], $0x1, s0, s17, $0xb8;
	[tilespmem:$0xC380] =	vst v63  }
.LBB2_2:
0x5c: {  	_ =	swait.ge [sflag:s6], $0x2800  }
0x5d: {  	[sflag:s6] =	ssyncset.done $0x0  }
0x5e: {  	s22 =	sadd.s32 $0xFFFFFB00, s24;
	[sflag:s6] =	ssyncadd.s32 $0xFFFFD800  }
0x5f: {  	[hbm4b:s22+s5] =	stream.linear.scatter [tilespmem:s30], [sflag:$0x5], $0x2800, $0x38;
	[tilespmem:$0xC380] =	vst v63  }
0x60: {  	_ =	swait.ge [sflag:s8], $0x50  }
0x61: {  	p0 =	seq.s32 s26, $0xB4;
	[sflag:s8] =	ssyncset.done $0x0  }
0x62: {  	s21 =	sadd.s32 s26, s20;
	s22 =	simm.s32 @!p0 $0x5;
	[sflag:s8] =	ssyncadd.s32 $0xFFFFFFB0  }
0x63: {  	[hbm4b:s21+s5] =	stream.linear.scatter [tilespmem:s31], [sflag:$0x7], $0x50, $0x38;
	[tilespmem:$0xC380] =	vst v63  }
0x64: {  	_ =	swait.ge @!p0 [sflag:s22], $0x2800  }
0x65: {  	[sflag:s22] =	ssyncset.done @!p0 $0x0  }
0x66: {  	[sflag:s22] =	ssyncadd.s32 @!p0 $0xFFFFD800;
	s22 =	simm.s32 @!p0 $0x7  }
0x67: {  	_ =	swait.ge @!p0 [sflag:s22], $0x50  }
0x68: {  	s21 =	sshrl.u32 @!p0 s25, $0x3;
	[sflag:s22] =	ssyncset.done @!p0 $0x0  }
0x69: {  	s21 =	sadd.s32 @!p0 s7, s21;
	[sflag:s22] =	ssyncadd.s32 @!p0 $0xFFFFFFB0;
	s22 =	simm.s32 @!p0 $0x0  }
0x6a: {  	[tilespmem:s22], [sflag:$0x9] =	stream.linear.gather @!p0 [hbm4b:s21+s22], $0x50, $0x38;
	[tilespmem:$0xC380] =	vst v63  }
0x6b: {  	s21 =	simm.s32 @!p0 $0x9  }
0x6c: {  	_ =	swait.ge @!p0 [sflag:s21], $0x50  }
0x6d: {  	[sflag:s21] =	ssyncset.done @!p0 $0x0  }
0x6e: {  	s9 =	simm.s32 @!p0 $0x100;
	[sflag:s21] =	ssyncadd.s32 @!p0 $0xFFFFFFB0;
	s21 =	simm.s32 @!p0 $0x50  }
0x6f: {  	[tilespmem:s9], [sflag:$0x1] =	stream.indirect.gather @!p0 [hbm4b:s1+s21], $0x80, s22, s21, $0xb8;
	[tilespmem:$0xC380] =	vst v63  }
0x70: {  	s9 =	simm.s32 @!p0 $0x8100  }
0x71: {  	[tilespmem:s9], [sflag:$0x3] =	stream.indirect.gather @!p0 [hbm4b:s4+s21], $0x1, s22, s21, $0xb8;
	[tilespmem:$0xC380] =	vst v63  }
0x72: {  	_ =	swait.ge [sflag:s10], $0x2800  }
0x73: {  	[sflag:s10] =	ssyncset.done $0x0  }
0x74: {  	[sflag:s10] =	ssyncadd.s32 $0xFFFFD800  }
0x75: {  	[hbm4b:s24+s5] =	stream.linear.scatter [tilespmem:s2], [sflag:$0x6], $0x2800, $0x38;
	[tilespmem:$0xC380] =	vst v63  }
.Ltmp0:
0x76: {  	_ = 	snop;
	(pc) =	sbr.rel @p0 .LBB2_4-.Ltmp0, $4  }
0x77: {  	_ =	swait.ge [sflag:s11], $0x50  }
0x78: {  	[sflag:s11] =	ssyncset.done $0x0  }
0x79: {  	s22 =	sadd.s32 s26, s19;
	[sflag:s11] =	ssyncadd.s32 $0xFFFFFFB0  }
0x7a: {  	[hbm4b:s22+s5] =	stream.linear.scatter [tilespmem:s3], [sflag:$0x8], $0x50, $0x38;
	[tilespmem:$0xC380] =	vst v63  }
0x7b: {  	_ =	swait.ge [sflag:s13], $0x2800  }
0x7c: {  	[sflag:s13] =	ssyncset.done $0x0  }
0x7d: {  	[sflag:s13] =	ssyncadd.s32 $0xFFFFD800  }
0x7e: {  	_ =	swait.ge [sflag:s16], $0x50  }
0x7f: {  	[sflag:s16] =	ssyncset.done $0x0  }
0x80: {  	s9 =	sadd.s32 s26, s23;
	[sflag:s16] =	ssyncadd.s32 $0xFFFFFFB0  }
0x81: {  	[tilespmem:s0], [sflag:$0x9] =	stream.linear.gather [hbm4b:s9+s5], $0x50, $0x38;
	[tilespmem:$0xC380] =	vst v63  }
0x82: {  	_ =	swait.ge [sflag:s28], $0x50  }
.Ltmp1:
0x83: {  	[sflag:s28] =	ssyncset.done $0x0;
	(pc) =	sbr.rel .LBB2_2-.Ltmp1, $4  }
0x84: {  	[sflag:s28] =	ssyncadd.s32 $0xFFFFFFB0  }
0x85: {  	[tilespmem:s2], [sflag:$0x2] =	stream.indirect.gather [hbm4b:s1+s17], $0x80, s0, s17, $0xb8;
	[tilespmem:$0xC380] =	vst v63  }
0x86: {  	s26 =	sadd.s32 $0x14, s26;
	s24 =	sadd.s32 $0xA00, s24;
	s25 =	sadd.s32 $0xA0, s25  }
0x87: {  	[tilespmem:s3], [sflag:$0x4] =	stream.indirect.gather [hbm4b:s4+s17], $0x1, s0, s17, $0xb8;
	[tilespmem:$0xC380] =	vst v63  }
.LBB2_4:
0x88: {  	_ =	swait.ge [sflag:s12], $0x2800  }
0x89: {  	[sflag:s12] =	ssyncset.done $0x0  }
0x8a: {  	s9 =	simm.s32 $0x0;
	[sflag:s12] =	ssyncadd.s32 $0xFFFFD800  }
0x8b: {  	v2 =	vor.u32 s9, v0;
	_ =	swait.ge [sflag:s13], $0x2800  }
0x8c: {  	v3 =	vmulhi.u32 $0xCCCCCCCD, v2;
	[sflag:s13] =	ssyncset.done $0x0  }
0x8d: {  	[sflag:s13] =	ssyncadd.s32 $0xFFFFD800  }
0x8e: {  	v3 =	vshrl.u32 v3, $0x3;
	_ =	swait.ge [sflag:s15], $0x50  }
0x8f: {  	v4 =	vmul.u32 $0xFFFFFFF6, v3;
	[sflag:s15] =	ssyncset.done $0x0  }
0x90: {  	s21 =	simm.s32 $0x10;
	[sflag:s15] =	ssyncadd.s32 $0xFFFFFFB0  }
0x91: {  	v5 =	vmov s9;
	v2 =	vadd.s32 v2, v4;
	v4 =	vor.u32 s21, v0;
	_ =	swait.ge [sflag:s16], $0x50  }
0x92: {  	vm0 =	veq.s32 v5, v0;
	vm1 =	vne.s32 v2, $0x0;
	v5 =	vmulhi.u32 $0xCCCCCCCD, v4;
	[sflag:s16] =	ssyncset.done $0x0  }
0x93: {  	vm0 =	vmand vm0, vm1;
	s22 =	rddreg [dreg:$0x7];
	[sflag:s16] =	ssyncadd.s32 $0xFFFFFFB0  }
0x94: {  	v6 =	vsel vm0, $0xFFFFFFFF, v1;
	v5 =	vshrl.u32 v5, $0x3;
	[tilespmem:s9], [sflag:$0x9] =	stream.linear.gather [hbm4b:s22+s9], $0x20, $0x38;
	[tilespmem:$0xC380] =	vst v63  }
0x95: {  	v7 =	vmov s21;
	v3 =	vadd.s32 v6, v3;
	v6 =	vmul.u32 $0xFFFFFFF6, v5;
	_ =	swait.ge [sflag:s28], $0x20  }
0x96: {  	vm0 =	veq.s32 v7, v0;
	s22 =	simm.s32 $0x20;
	[sflag:s28] =	ssyncset.done $0x0  }
0x97: {  	v3 =	vshll.u32 v3, $0x7;
	v4 =	vadd.s32 v4, v6;
	v6 =	vor.u32 s22, v0;
	s25 =	rddreg [dreg:$0x5];
	[sflag:s28] =	ssyncadd.s32 $0xFFFFFFE0  }
0x98: {  	v2 =	vor.u32 v2, v3;
	vm1 =	vne.s32 v4, $0x0;
	v7 =	vmulhi.u32 $0xCCCCCCCD, v6;
	[tilespmem:s18], [sflag:$0x9] =	stream.indirect.gather [hbm4b:s25+s29], $0x80, s9, s29, $0xb8;
	[tilespmem:$0xC380] =	vst v63  }
0x99: {  	vm0 =	vmand vm0, vm1;
	_ =	swait.ge [sflag:s28], $0x1000  }
0x9a: {  	v3 =	vsel vm0, $0xFFFFFFFF, v1;
	v7 =	vshrl.u32 v7, $0x3;
	[sflag:s28] =	ssyncset.done $0x0  }
0x9b: {  	s26 =	simm.s32 $0x30;
	v8 =	vmov s22;
	v3 =	vadd.s32 v3, v5;
	v5 =	vmul.u32 $0xFFFFFFF6, v7;
	s24 =	rddreg [dreg:$0xd];
	[sflag:s28] =	ssyncadd.s32 $0xFFFFF000  }
0x9c: {  	vm0 =	veq.s32 v8, v0;
	[hbm4b:s24+s9] =	stream.linear.scatter [tilespmem:s18], [sflag:$0x7], $0x1000, $0x38;
	[tilespmem:$0xC380] =	vst v63  }
0x9d: {  	v3 =	vshll.u32 v3, $0x7;
	v5 =	vadd.s32 v6, v5;
	v6 =	vor.u32 s26, v0;
	v9 =	vld.idx.msk [tilespmem:v2+s18+$0x0], $0xffff  }
0x9e: {  	v3 =	vor.u32 v4, v3;
	vm1 =	vne.s32 v5, $0x0;
	v2 =	vmulhi.u32 $0xCCCCCCCD, v6  }
0x9f: {  	vm0 =	vmand vm0, vm1  }
0xa0: {  	v4 =	vsel vm0, $0xFFFFFFFF, v1;
	v2 =	vshrl.u32 v2, $0x3  }
0xa1: {  	s25 =	simm.s32 $0x8200;
	v4 =	vadd.s32 v4, v7;
	v7 =	vmul.u32 $0xFFFFFFF6, v2  }
0xa2: {  	v4 =	vshll.u32 v4, $0x7;
	[tilespmem:s25+$0x0] =	vst v9  }
0xa3: {  	v5 =	vor.u32 v5, v4;
	v4 =	vadd.s32 v6, v7;
	v6 =	vld.idx.msk [tilespmem:v3+s18+$0x0], $0xffff;
	_ =	sdelay $0x1  }
0xa4: {  	v8 =	vmov s26;
	s24 =	simm.s32 $0x40  }
0xa5: {  	s26 =	simm.s32 $0x50;
	vm0 =	veq.s32 v8, v0;
	v3 =	vor.u32 s24, v0;
	vm1 =	vne.s32 v4, $0x0  }
.LBB2_5:
0xa6: {  	p0 =	sne.s32 s26, $0x130;
	v7 =	vmulhi.u32 $0xCCCCCCCD, v3;
	vm0 =	vmand vm0, vm1;
	s25 =	sadd.s32 $0x10, s25  }
0xa7: {  	v8 =	vsel vm0, $0xFFFFFFFF, v1;
	[tilespmem:s25+$0x0] =	vst v6  }
.Ltmp2:
0xa8: {  	v8 =	vadd.s32 v8, v2;
	v2 =	vshrl.u32 v7, $0x3;
	v6 =	vld.idx.msk [tilespmem:v5+s18+$0x0], $0xffff;
	(pc) =	sbr.rel @p0 .LBB2_5-.Ltmp2, $4  }
0xa9: {  	v7 =	vmul.u32 $0xFFFFFFF6, v2;
	v5 =	vshll.u32 v8, $0x7  }
0xaa: {  	v5 =	vor.u32 v4, v5  }
0xab: {  	v8 =	vmov s24;
	s24 =	smov.u32 s26;
	v4 =	vadd.s32 v3, v7  }
0xac: {  	s26 =	sadd.s32 $0x10, s26;
	vm0 =	veq.s32 v8, v0;
	v3 =	vor.u32 s24, v0;
	vm1 =	vne.s32 v4, $0x0  }
0xad: {  	v7 =	vmulhi.u32 $0xCCCCCCCD, v3  }
0xae: {  	vm0 =	vmand vm0, vm1  }
0xaf: {  	s9 =	sadd.s32 $0x10, s25;
	v8 =	vsel vm0, $0xFFFFFFFF, v1;
	v7 =	vshrl.u32 v7, $0x3  }
0xb0: {  	[tilespmem:s9+$0x0] =	vst v6;
	v2 =	vadd.s32 v8, v2;
	v61 =	vmul.u32 $0xFFFFFFF6, v7  }
0xb1: {  	v5 =	vld.idx.msk [tilespmem:v5+s18+$0x0], $0xffff;
	v2 =	vshll.u32 v2, $0x7  }
0xb2: {  	v62 =	vmov s24;
	v2 =	vor.u32 v4, v2;
	v3 =	vadd.s32 v3, v61  }
0xb3: {  	vm14 =	veq.s32 v62, v0;
	vm15 =	vne.s32 v3, $0x0  }
0xb4: {  	vm0 =	vmand vm14, vm15  }
0xb5: {  	s9 =	sadd.s32 $0x10, s9;
	v63 =	vsel vm0, $0xFFFFFFFF, v1  }
0xb6: {  	[tilespmem:s9+$0x0] =	vst v5;
	v4 =	vadd.s32 v63, v7  }
0xb7: {  	v2 =	vld.idx.msk [tilespmem:v2+s18+$0x0], $0xffff;
	v4 =	vshll.u32 v4, $0x7  }
0xb8: {  	v3 =	vor.u32 v3, v4;
	_ =	sdelay $0x2  }
0xb9: {  	s9 =	sadd.s32 $0x10, s9  }
0xba: {  	[tilespmem:s9+$0x0] =	vst v2  }
0xbb: {  	v2 =	vld.idx.msk [tilespmem:v3+s18+$0x0], $0xffff;
	_ =	sdelay $0x3  }
0xbc: {  	s9 =	sadd.s32 $0x10, s9  }
0xbd: {  	[tilespmem:s9+$0x0] =	vst v2  }
0xbe: {  	_ =	swait.ge [sflag:s15], $0x1000  }
0xbf: {  	[sflag:s15] =	ssyncset.done $0x0  }
0xc0: {  	s22 =	simm.s32 $0x8200;
	[sflag:s15] =	ssyncadd.s32 $0xFFFFF000  }
0xc1: {  	[tilespmem:s30], [sflag:$0x1] =	stream.indirect.gather [hbm4b:s1+s17], $0x80, s22, s17, $0xb8;
	[tilespmem:$0xC380] =	vst v63  }
0xc2: {  	s24 =	simm.s32 $0x8250  }
0xc3: {  	[tilespmem:s2], [sflag:$0x2] =	stream.indirect.gather [hbm4b:s1+s17], $0x80, s24, s17, $0xb8;
	[tilespmem:$0xC380] =	vst v63  }
0xc4: {  	_ =	swait.ge [sflag:s6], $0x2800  }
0xc5: {  	[sflag:s6] =	ssyncset.done $0x0  }
0xc6: {  	s25 =	rddreg [dreg:$0xf];
	[sflag:s6] =	ssyncadd.s32 $0xFFFFD800  }
0xc7: {  	[hbm4b:s25+s5] =	stream.linear.scatter [tilespmem:s30], [sflag:$0x5], $0x2800, $0x38;
	[tilespmem:$0xC380] =	vst v63  }
0xc8: {  	_ =	swait.ge [sflag:s12], $0x2800  }
0xc9: {  	[sflag:s12] =	ssyncset.done $0x0  }
0xca: {  	s26 =	simm.s32 $0x82A0;
	[sflag:s12] =	ssyncadd.s32 $0xFFFFD800  }
0xcb: {  	[tilespmem:s30], [sflag:$0x1] =	stream.indirect.gather [hbm4b:s1+s17], $0x80, s26, s17, $0xb8;
	[tilespmem:$0xC380] =	vst v63  }
0xcc: {  	_ =	swait.ge [sflag:s10], $0x2800  }
0xcd: {  	[sflag:s10] =	ssyncset.done $0x0  }
0xce: {  	s21 =	rddreg [dreg:$0x10];
	[sflag:s10] =	ssyncadd.s32 $0xFFFFD800  }
0xcf: {  	[hbm4b:s21+s5] =	stream.linear.scatter [tilespmem:s2], [sflag:$0x6], $0x2800, $0x38;
	[tilespmem:$0xC380] =	vst v63  }
0xd0: {  	_ =	swait.ge [sflag:s13], $0x2800  }
0xd1: {  	[sflag:s13] =	ssyncset.done $0x0  }
0xd2: {  	s22 =	simm.s32 $0x82F0;
	[sflag:s13] =	ssyncadd.s32 $0xFFFFD800  }
0xd3: {  	[tilespmem:s2], [sflag:$0x2] =	stream.indirect.gather [hbm4b:s1+s17], $0x80, s22, s17, $0xb8;
	[tilespmem:$0xC380] =	vst v63  }
0xd4: {  	_ =	swait.ge [sflag:s6], $0x2800  }
0xd5: {  	[sflag:s6] =	ssyncset.done $0x0  }
0xd6: {  	s24 =	rddreg [dreg:$0x11];
	[sflag:s6] =	ssyncadd.s32 $0xFFFFD800  }
0xd7: {  	[hbm4b:s24+s5] =	stream.linear.scatter [tilespmem:s30], [sflag:$0x5], $0x2800, $0x38;
	[tilespmem:$0xC380] =	vst v63  }
0xd8: {  	_ =	swait.ge [sflag:s10], $0x2800  }
0xd9: {  	[sflag:s10] =	ssyncset.done $0x0  }
0xda: {  	s25 =	rddreg [dreg:$0x12];
	[sflag:s10] =	ssyncadd.s32 $0xFFFFD800  }
0xdb: {  	[hbm4b:s25+s5] =	stream.linear.scatter [tilespmem:s2], [sflag:$0x6], $0x2800, $0x38;
	[tilespmem:$0xC380] =	vst v63  }
0xdc: {  	_ =	swait.ge [sflag:s12], $0x2800  }
0xdd: {  	[sflag:s12] =	ssyncset.done $0x0  }
0xde: {  	[sflag:s12] =	ssyncadd.s32 $0xFFFFD800  }
0xdf: {  	_ =	swait.ge [sflag:s13], $0x2800  }
0xe0: {  	s14 =	sadd.s32 $0x1, s14;
	s26 =	rddreg [dreg:$0xe]  }
0xe1: {  	p0 =	sne.s32 s14, s26  }
.Ltmp3:
0xe2: {  	_ = 	snop;
	(pc) =	sbr.rel @p0 .LBB2_1-.Ltmp3, $3  }
0xe3: {  	_ =	sdelay $0x1  }
0xe4: {  	[sflag:s13] =	ssyncset.done $0x0  }
0xe5: {  	[sflag:s13] =	ssyncadd.s32 $0xFFFFD800  }
0xe6: {  	_ =	sfence.sel $0x180000  }
0xe7: {  	[bflag:$0x0] =	sbarrier.arrive $0xFFFF  }
0xe8: {  	_ =	strace $0x9000004D  }
0xe9: {  	s0 =	stileid.u32;
	[bflag:$0x2] =	sbarrier.arrive $0xFFFF  }
0xea: {  	p0 =	sne.s32 s0, $0x0;
	s0 =	rddreg [dreg:$0x4]  }
0xeb: {  	s0 =	sadd.s32 @!p0 $0x100000, s0  }
0xec: {  	[sflag:s0] =	ssyncadd.tile.s32 @!p0 $0x1;
	_ =	shalt  }
.Lfunc_end2:
_tile_overlayer_lowered:
.L_overlay_start_2:
0xed: {  	(tag) =	ssettag $0x2  }
0xee: {  	s0 =	rddreg [dreg:$0x0];
	s2 =	stileid.u32  }
0xef: {  	s1 =	rddreg [dreg:$0x1];
	p0 =	sne.s32 s2, $0x0  }
0xf0: {  	s3 =	rddreg [dreg:$0x2];
	[bflag:$0x3] =	sbarrier.arrive $0xFFFF;
	s2 =	simm.s32 @!p0 $0x1C09  }
0xf1: {  	[timem:s3], [sflag:s2] =	dma.local @!p0 [hbm:s0], s1  }
0xf2: {  	s0 =	simm.s32 @!p0 $0x9  }
0xf3: {  	_ =	swait.ge @!p0 [sflag:s0], s1  }
0xf4: {  	s1 =	ssub.s32 @!p0 $0x0, s1;
	[sflag:s0] =	ssyncset.done @!p0 $0x0  }
0xf5: {  	[sflag:s0] =	ssyncadd.s32 @!p0 s1  }
0xf6: {  	[bflag:$0x3] =	sbarrier.arrive $0xFFFF  }
0xf7: {  	_ =	shalt  }

// kernel: kernel.16.cloned.1.call-start
scs
__scs_entry_jumppad:
0x0: {  	(pc) =	sbr.rel $0x88, $3  }
0x1: {  	(tag) =	ssettag $0x0;
	lr =	simm.s32 $0x1  }
0x2: {  	[smem:$0x3F99] =	sst lr;
	_ =	strace $0xD0000000  }
0x3: {  	_ = 	snop  }
0x4: {  	_ = 	snop  }
0x5: {  	_ = 	snop  }
0x6: {  	_ = 	snop  }
0x7: {  	_ = 	snop  }
__scs_overlays_trampoline_lowered:
0x8: {  	[smem:$0x3FA8] =	sst s0  }
0x9: {  	[smem:$0x3FA9] =	sst s1  }
0xa: {  	[smem:$0x3FAA] =	sst s2  }
0xb: {  	[smem:$0x3FAB] =	sst s3  }
0xc: {  	[smem:$0x3FAC] =	sst s4  }
0xd: {  	[smem:$0x3FAD] =	sst s5  }
0xe: {  	[smem:$0x3FAE] =	sst s6  }
0xf: {  	[smem:$0x3FAF] =	sst s7  }
0x10: {  	[smem:$0x3FB0] =	sst s8  }
0x11: {  	[smem:$0x3FB1] =	sst s9;
	s0 =	simm.s32 @!p0 $0x0  }
0x12: {  	s1 =	sld [smem:$0x3F97];
	s0 =	simm.s32 @p0 $0x1  }
0x13: {  	[smem:$0x3FB2] =	sst s0;
	s0 =	simm.s32 @!p1 $0x0  }
0x14: {  	s2 =	sld [smem:$0x3F96];
	s0 =	simm.s32 @p1 $0x1  }
0x15: {  	[smem:$0x3FB3] =	sst s0;
	s0 =	simm.s32 @!p2 $0x0  }
0x16: {  	s3 =	sld [smem:$0x3FDB];
	s0 =	simm.s32 @p2 $0x1  }
0x17: {  	s4 =	simm.s32 $0x1BF5;
	[smem:$0x3FB5] =	sst s0  }
0x18: {  	s0 =	sld [smem:$0x3F98];
	_ =	swait.ge [sflag:s4], $0x0  }
0x19: {  	s7 =	sld [smem:$0x3F99]  }
0x1a: {  	s8 =	sadd.s32 $0xFFFFE003, lr  }
0x1b: {  	s9 =	sadd.s32 $0xFFFFFEF7, lr;
	s5 =	simm.s32 $0xFFFFFFFF;
	p2 =	slt.u32 s8, $0xFFFFF086  }
0x1c: {  	p1 =	slt.u32 s9, $0xF7A;
	s5 =	simm.s32 @!p2 $0x0  }
0x1d: {  	s5 =	simm.s32 @p1 $0x1;
	p0 =	seq.s32 s7, s2  }
0x1e: {  	s7 =	smul.u32 @!p0 $0xF7A, s2;
	p2 =	seq.s32 @!p0 s5, $0x0  }
0x1f: {  	s9 =	smul.u32 $0xF7A, s1;
	s8 =	simm.s32 @!p0 $0x1BF5;
	p2 =	por !p2, p0  }
0x20: {  	[sflag:s8] =	ssyncset.s32 @!p0 $0xFFFFF086;
	s6 =	sadd.s32 @!p0 s3, s7;
	s7 =	simm.s32 @!p0 $0x108  }
0x21: {  	s3 =	sadd.s32 s3, s9;
	s6 =	sadd.s32 @!p0 $0x88, s6;
	s7 =	simm.s32 @p2 $0x1082  }
0x22: {  	[simem:s7], [sflag:s8] =	dma.local @!p0 [hbm:s6], $0xF7A  }
0x23: {  	s9 =	sor.u32 $0xD0000000, s2;
	s6 =	simm.s32 $0x108;
	_ =	swait.ge @!p0 [sflag:s8], $0x0  }
0x24: {  	s3 =	sadd.s32 $0x88, s3;
	s6 =	simm.s32 @!p1 $0x1082;
	[sflag:s4] =	ssyncset.s32 $0xFFFFF086  }
0x25: {  	[simem:s6], [sflag:s4] =	dma.local [hbm:s3], $0xF7A  }
0x26: {  	[smem:$0x3F99] =	sst s1;
	(tag) =	ssettag s2;
	_ =	strace s9  }
0x27: {  	s1 =	sld [smem:$0x3FA9]  }
0x28: {  	s2 =	sld [smem:$0x3FAA]  }
0x29: {  	s4 =	sld [smem:$0x3FAC]  }
0x2a: {  	p0 =	seq.s32 s5, $0x0;
	s5 =	sld [smem:$0x3FAD]  }
0x2b: {  	s6 =	sld [smem:$0x3FAE]  }
0x2c: {  	s7 =	sld [smem:$0x3FAF]  }
0x2d: {  	s3 =	simm.s32 $0x108;
	s8 =	sld [smem:$0x3FB0]  }
0x2e: {  	s3 =	simm.s32 @!p0 $0x1082;
	s9 =	sld [smem:$0x3FB1]  }
0x2f: {  	lr =	sadd.s32 s0, s3;
	s0 =	sld [smem:$0x3FA8]  }
0x30: {  	s3 =	sld [smem:$0x3FAB]  }
0x31: {  	[smem:$0x3FB4] =	sst s10  }
0x32: {  	s10 =	sld [smem:$0x3FB2];
	_ =	sdelay $0x3  }
0x33: {  	p0 =	seq.s32 s10, $0x1;
	s10 =	sld [smem:$0x3FB4];
	_ =	sdelay $0x3  }
0x34: {  	[smem:$0x3FB4] =	sst s10  }
0x35: {  	s10 =	sld [smem:$0x3FB3];
	_ =	sdelay $0x3  }
0x36: {  	p1 =	seq.s32 s10, $0x1;
	s10 =	sld [smem:$0x3FB4];
	_ =	sdelay $0x3  }
0x37: {  	[smem:$0x3FB4] =	sst s10  }
0x38: {  	s10 =	sld [smem:$0x3FB5]  }
0x39: {  	_ = 	snop;
	(pc) =	sbr.ind lr, $3  }
0x3a: {  	_ = 	snop  }
0x3b: {  	_ = 	snop  }
0x3c: {  	p2 =	seq.s32 s10, $0x1;
	s10 =	sld [smem:$0x3FB4]  }
0x3d: {  	_ =	shalt  }
0x3e: {  	_ =	shalt  }
0x3f: {  	_ =	shalt  }
0x40: {  	_ =	shalt  }
0x41: {  	_ =	shalt  }
0x42: {  	_ =	shalt  }
0x43: {  	_ =	shalt  }
0x44: {  	_ =	shalt  }
0x45: {  	_ =	shalt  }
0x46: {  	_ =	shalt  }
0x47: {  	_ =	shalt  }
0x48: {  	_ =	shalt  }
0x49: {  	_ =	shalt  }
0x4a: {  	_ =	shalt  }
0x4b: {  	_ =	shalt  }
0x4c: {  	_ =	shalt  }
0x4d: {  	_ =	shalt  }
0x4e: {  	_ =	shalt  }
0x4f: {  	_ =	shalt  }
0x50: {  	_ =	shalt  }
0x51: {  	_ =	shalt  }
0x52: {  	_ =	shalt  }
0x53: {  	_ =	shalt  }
0x54: {  	_ =	shalt  }
0x55: {  	_ =	shalt  }
0x56: {  	_ =	shalt  }
0x57: {  	_ =	shalt  }
0x58: {  	_ =	shalt  }
0x59: {  	_ =	shalt  }
0x5a: {  	_ =	shalt  }
0x5b: {  	_ =	shalt  }
0x5c: {  	_ =	shalt  }
0x5d: {  	_ =	shalt  }
0x5e: {  	_ =	shalt  }
0x5f: {  	_ =	shalt  }
0x60: {  	_ =	shalt  }
0x61: {  	_ =	shalt  }
0x62: {  	_ =	shalt  }
0x63: {  	_ =	shalt  }
0x64: {  	_ =	shalt  }
0x65: {  	_ =	shalt  }
0x66: {  	_ =	shalt  }
0x67: {  	_ =	shalt  }
0x68: {  	_ =	shalt  }
0x69: {  	_ =	shalt  }
0x6a: {  	_ =	shalt  }
0x6b: {  	_ =	shalt  }
0x6c: {  	_ =	shalt  }
0x6d: {  	_ =	shalt  }
0x6e: {  	_ =	shalt  }
0x6f: {  	_ =	shalt  }
0x70: {  	_ =	shalt  }
0x71: {  	_ =	shalt  }
0x72: {  	_ =	shalt  }
0x73: {  	_ =	shalt  }
0x74: {  	_ =	shalt  }
0x75: {  	_ =	shalt  }
0x76: {  	_ =	shalt  }
0x77: {  	_ =	shalt  }
0x78: {  	_ =	shalt  }
0x79: {  	_ =	shalt  }
0x7a: {  	_ =	shalt  }
0x7b: {  	_ =	shalt  }
0x7c: {  	_ =	shalt  }
0x7d: {  	_ =	shalt  }
0x7e: {  	_ =	shalt  }
0x7f: {  	_ =	shalt  }
0x80: {  	_ =	shalt  }
0x81: {  	_ =	shalt  }
0x82: {  	_ =	shalt  }
0x83: {  	_ =	shalt  }
0x84: {  	_ =	shalt  }
0x85: {  	_ =	shalt  }
0x86: {  	_ =	shalt  }
0x87: {  	_ =	shalt  }
.Lfunc_end0:
.L_simem_size_0:
called_computation.2_lowered:
.L_overlay_start_0:
0x88: {  	s2 =	sld [smem:$0x3FD9]  }
0x89: {  	s3 =	sld [smem:$0x3FFE];
	_ =	sdelay $0x1  }
0x8a: {  	s1 =	srdreg.scid  }
0x8b: {  	s0 =	sand.u32 $0x1, s1  }
0x8c: {  	s17 =	sshll.u32 s0, $0xA;
	s2 =	sadd.s32 s3, s2  }
0x8d: {  	s2 =	sadd.s32 s2, s17  }
0x8e: {  	[smem:$0x3FC0] =	sst s2  }
0x8f: {  	_ = 	snop  }
0x90: {  	s18 =	sld [smem:$0x3FC9]  }
0x91: {  	s4 =	sld [smem:$0x3FC8]  }
0x92: {  	s5 =	sld [smem:$0x3FC7];
	(tm) =	ssettm $0x1  }
0x93: {  	s19 =	sld [smem:$0x3FFB];
	_ =	sdelay $0x3  }
0x94: {  	_ =	strace s19  }
0x95: {  	s2 =	sld [smem:$0x3FFC];
	_ =	sdelay $0x3  }
0x96: {  	_ =	strace s2  }
0x97: {  	s2 =	sld [smem:$0x3FFD];
	_ =	sdelay $0x3  }
0x98: {  	_ =	strace s2  }
0x99: {  	_ =	strace $0x8FFFFFFF  }
0x9a: {  	s20 =	sld [smem:$0x3FDB];
	_ =	sdelay $0x1  }
0x9b: {  	s6 =	simm.s32 $_scs_section_size  }
0x9c: {  	s7 =	simm.s32 $_size__tile_overlayer_lowered;
	s8 =	simm.s32 $_tile_overlayer_lowered  }
0x9d: {  	s9 =	simm.s32 $0x1BFF;
	s21 =	sshll.u32 s8, $0x1;
	s6 =	sadd.s32 s6, s20  }
0x9e: {  	s22 =	simm.s32 $0x0;
	s7 =	sshll.u32 s7, $0x1;
	s8 =	sadd.s32 s21, s6  }
0x9f: {  	[timem:s22], [sflag:s9] =	dma.local [hbm:s8], s7  }
0xa0: {  	_ =	swait.ge [sflag:s9], s7  }
0xa1: {  	s7 =	ssub.s32 $0x0, s7;
	[sflag:s9] =	ssyncset.done $0x0  }
0xa2: {  	[sflag:s9] =	ssyncadd.s32 s7;
	_ =	sdelay $0x1  }
0xa3: {  	s23 =	simm.s32 $0x1B8B  }
0xa4: {  	_ =	swait.ge [sflag:s23], $0x1  }
0xa5: {  	[sflag:s23] =	ssyncset.done $0x0  }
0xa6: {  	[sflag:s23] =	ssyncadd.s32 $0xFFFFFFFF  }
0xa7: {  	s7 =	sld [smem:$0x0]  }
0xa8: {  	s8 =	sand.u32 $0xFFFFFFFE, s1  }
0xa9: {  	p0 =	sne.s32 s1, s8  }
0xaa: {  	s8 =	sshll.u32 @p0 s8, $0xE  }
0xab: {  	s8 =	sadd.s32 @p0 $0x11B8D, s8;
	s9 =	sshll.u32 @p0 s7, $0x11  }
0xac: {  	s8 =	sor.u32 @p0 s9, s8  }
0xad: {  	[sflag:s8] =	ssyncadd.remote.s32 @p0 $0x1;
	_ =	sdelay $0x1  }
0xae: {  	s8 =	simm.s32 @p0 $0x1B8D  }
0xaf: {  	_ =	swait.eq @p0 [sflag:s8], $0x1  }
0xb0: {  	[sflag:s8] =	ssyncadd.s32 @p0 $0xFFFFFFFF  }
0xb1: {  	s9 =	sshll.u32 @!p0 s1, $0xE  }
0xb2: {  	s9 =	sor.u32 @!p0 $0x4000, s9;
	s8 =	simm.s32 @!p0 $0x1B8D  }
0xb3: {  	s7 =	sshll.u32 @!p0 s7, $0x11;
	s9 =	sadd.s32 @!p0 $0x11B8D, s9;
	_ =	swait.eq @!p0 [sflag:s8], $0x1  }
0xb4: {  	s7 =	sor.u32 @!p0 s7, s9;
	[sflag:s8] =	ssyncadd.s32 @!p0 $0xFFFFFFFF  }
0xb5: {  	s25 =	simm.s32 $0x1B8E;
	s24 =	sld [smem:$0x3FFE];
	[sflag:s7] =	ssyncadd.remote.s32 @!p0 $0x1  }
0xb6: {  	s26 =	simm.s32 $execute0_lowered;
	[smem:$0x3FD2] =	sst s25  }
0xb7: {  	s8 =	sshll.u32 s26, $0x1;
	_ =	strace $0x80000049;
	[dreg:$0x1] =	wrdreg $0xFFFFFFFF  }
0xb8: {  	s28 =	simm.s32 $_size_execute0_lowered;
	s6 =	sadd.s32 s6, s8;
	[dreg:$0x0] =	wrdreg $0x0  }
0xb9: {  	s8 =	sshll.u32 s28, $0x1;
	[dreg:$0x2] =	wrdreg s6  }
0xba: {  	[dreg:$0x3] =	wrdreg s8  }
0xbb: {  	[dreg:$0x4] =	wrdreg $0xC0  }
0xbc: {  	_ =	task [dreg:s22], $0x5FFFF  }
0xbd: {  	[dreg:$0x1] =	wrdreg $0xFFFFFFFF  }
0xbe: {  	[dreg:$0x0] =	wrdreg $0x60  }
0xbf: {  	[dreg:$0x2] =	wrdreg s18  }
0xc0: {  	[dreg:$0x3] =	wrdreg s4  }
0xc1: {  	[dreg:$0x4] =	wrdreg s5  }
0xc2: {  	[dreg:$0x5] =	wrdreg s24  }
0xc3: {  	[dreg:$0x6] =	wrdreg $0xB  }
0xc4: {  	_ =	task.clear_ibuf [dreg:s22], $0x7FFFF;
	_ =	strace $0x90000049  }
0xc5: {  	s29 =	simm.s32 $0xB;
	_ =	strace $0x8000004B  }
0xc6: {  	_ =	swait.ge [sflag:s29], $0x1  }
0xc7: {  	[sflag:s29] =	ssyncadd.s32 $0xFFFFFFFF  }
0xc8: {  	_ =	strace $0x9000004B  }
0xc9: {  	_ =	sfence  }
0xca: {  	s30 =	sld [smem:$0x0];
	_ =	sdelay $0x2  }
0xcb: {  	s31 =	sshll.u32 s1, $0xD;
	s1 =	sshrl.u32 s1, $0x2  }
0xcc: {  	s4 =	sand.u32 $0x4000, s31;
	s1 =	sadd.s32 s1, s30  }
0xcd: {  	s0 =	sor.u32 s4, s0;
	s1 =	sshll.u32 s1, $0x11  }
0xce: {  	s0 =	sor.u32 s1, s0  }
0xcf: {  	s0 =	sadd.s32 $0x8F2B, s0  }
0xd0: {  	[sflag:s0] =	ssyncadd.remote.s32 $0x1  }
0xd1: {  	_ =	sfence.sel $0xFFFF  }
0xd2: {  	[dreg:$0x0] =	wrdreg $0xFFFFFFFF;
	(pc) =	sbr.abs _section_cstart, $3  }
0xd3: {  	[dreg:$0x1] =	wrdreg $0xFFFFFFFF  }
0xd4: {  	_ =	task.clear_ibuf [dreg:s22], $0x2FFFF;
	_ =	strace $0x9FFFFFFF  }
0xd5: {  	(tm) =	ssettm $0x7FFFFFFF  }
tec
execute0_lowered:
.L_overlay_start_1:
0x0: {  	(tag) =	ssettag $0x1  }
0x1: {  	s1 =	rddreg [dreg:$0x0]  }
0x2: {  	s3 =	rddreg [dreg:$0x2]  }
0x3: {  	s0 =	rddreg [dreg:$0x3];
	s5 =	simm.s32 $0x0  }
0x4: {  	s14 =	stileid.u32;
	s2 =	srdreg.scid;
	s28 =	simm.s32 $0x9  }
0x5: {  	s29 =	simm.s32 $0x20;
	s30 =	simm.s32 $0x100;
	s31 =	simm.s32 $0x8100  }
0x6: {  	[smem:$0x7FF] =	sst s5;
	s6 =	sadd.s32 $0x193200, s0;
	s17 =	smul.u32 $0xC800, s14  }
0x7: {  	s2 =	sand.u32 $0x1, s2;
	s7 =	sadd.s32 $0x18EE00, s0;
	s21 =	smul.u32 $0xC80, s14  }
0x8: {  	s4 =	sshll.u32 s14, $0x1;
	_ =	strace $0x8000004A;
	s23 =	smul.u32 $0x640, s2  }
0x9: {  	s4 =	sor.u32 s2, s4;
	s12 =	ssub.s32 $0x2, s2;
	s2 =	smul.u32 $0x6400, s2  }
0xa: {  	[dreg:$0x5] =	wrdreg s6;
	s8 =	smul.u32 $0x1400, s4;
	s6 =	sadd.s32 s17, s0  }
0xb: {  	s9 =	sshll.u32 s4, $0x9;
	s10 =	sshll.u32 s4, $0x2;
	s13 =	sshrl.u32 s12, $0x1  }
0xc: {  	s4 =	smul.u32 $0x640, s4;
	s11 =	sadd.s32 s9, s0;
	s10 =	sadd.s32 s10, s0  }
0xd: {  	s12 =	ssub.s32 s12, s13;
	s14 =	sadd.s32 s23, s21;
	s18 =	sadd.s32 $0x192800, s10  }
0xe: {  	s2 =	sadd.s32 s2, s6;
	s19 =	sadd.s32 $0x192600, s10;
	[dreg:$0x6] =	wrdreg s18  }
0xf: {  	s6 =	simm.s32 $0x1;
	s20 =	sadd.s32 $0x12E200, s11;
	[dreg:$0x7] =	wrdreg s19  }
0x10: {  	s13 =	simm.s32 $0x6;
	s22 =	sadd.s32 $0x13A200, s10;
	[dreg:$0x8] =	wrdreg s20  }
0x11: {  	s8 =	sadd.s32 s8, s0;
	s24 =	sadd.s32 $0x132200, s11;
	[dreg:$0x9] =	wrdreg s22  }
0x12: {  	s0 =	sadd.s32 $0x12C800, s0;
	s25 =	sadd.s32 $0x13A400, s10;
	[dreg:$0xa] =	wrdreg s24  }
0x13: {  	s4 =	sshrl.u32 s4, $0x3;
	s11 =	sadd.s32 $0x136200, s11;
	[dreg:$0xb] =	wrdreg s25  }
0x14: {  	s12 =	smax.u32 s12, $0x1;
	s16 =	sadd.s32 $0x50, s14;
	[dreg:$0xd] =	wrdreg s11  }
0x15: {  	s26 =	sadd.s32 s7, s4;
	[dreg:$0xe] =	wrdreg s12;
	s15 =	sadd.s32 $0x104800, s8  }
0x16: {  	s17 =	sadd.s32 $0x104D00, s8;
	s18 =	sadd.s32 $0xF0, s14;
	s10 =	sshrl.u32 s16, $0x3  }
0x17: {  	s20 =	sshrl.u32 s14, $0x3;
	s21 =	sadd.s32 $0x105200, s8;
	s23 =	sadd.s32 $0x105700, s8  }
0x18: {  	s24 =	sadd.s32 $0x31A100, s2;
	s25 =	sadd.s32 $0xA0, s14;
	[dreg:$0xf] =	wrdreg s15  }
0x19: {  	s4 =	simm.s32 $0x4100;
	s2 =	simm.s32 $0x8180;
	[dreg:$0x10] =	wrdreg s17  }
0x1a: {  	s8 =	simm.s32 $0x3;
	s11 =	simm.s32 $0x4;
	[dreg:$0x11] =	wrdreg s21  }
0x1b: {  	s12 =	simm.s32 $0x5;
	s16 =	simm.s32 $0x8;
	[dreg:$0x12] =	wrdreg s23  }
0x1c: {  	s14 =	simm.s32 $0x0;
	s19 =	sadd.s32 s10, s0;
	[dreg:$0x13] =	wrdreg s24  }
0x1d: {  	s20 =	sadd.s32 s20, s0;
	s22 =	sshrl.u32 s18, $0x3;
	[dreg:$0x14] =	wrdreg s25  }
0x1e: {  	[dreg:$0xc] =	wrdreg s26;
	s26 =	sadd.s32 $0xA, s26;
	s0 =	simm.s32 $0x80  }
0x1f: {  	s10 =	simm.s32 $0x2;
	s15 =	simm.s32 $0x7;
	s17 =	simm.s32 $0x50  }
0x20: {  	v0 =	vlaneseq.u32;
	v1 =	vimm.s32 $0x0;
	s18 =	simm.s32 $0x8380;
	s23 =	sadd.s32 s22, s7;
	[dreg:$0x15] =	wrdreg s26  }
.LBB2_1:
0x21: {  	s9 =	rddreg [dreg:$0x6]  }
0x22: {  	[tilespmem:s5], [sflag:$0x9] =	stream.linear.gather [hbm4b:s9+s5], $0x20, $0x38;
	[tilespmem:$0xC380] =	vst v63  }
0x23: {  	_ =	swait.ge [sflag:s28], $0x20  }
0x24: {  	[sflag:s28] =	ssyncset.done $0x0  }
0x25: {  	[sflag:s28] =	ssyncadd.s32 $0xFFFFFFE0  }
0x26: {  	[tilespmem:s30], [sflag:$0x1] =	stream.indirect.gather [hbm4b:s1+s29], $0x80, s5, s29, $0xb8;
	[tilespmem:$0xC380] =	vst v63  }
0x27: {  	s24 =	rddreg [dreg:$0x1]  }
0x28: {  	[tilespmem:s31], [sflag:$0x3] =	stream.indirect.gather [hbm4b:s24+s29], $0x1, s5, s29, $0xb8;
	[tilespmem:$0xC380] =	vst v63  }
0x29: {  	s25 =	rddreg [dreg:$0x7]  }
0x2a: {  	[tilespmem:s0], [sflag:$0x9] =	stream.linear.gather [hbm4b:s25+s5], $0x20, $0x38;
	[tilespmem:$0xC380] =	vst v63  }
0x2b: {  	_ =	swait.ge [sflag:s28], $0x20  }
0x2c: {  	[sflag:s28] =	ssyncset.done $0x0  }
0x2d: {  	[sflag:s28] =	ssyncadd.s32 $0xFFFFFFE0  }
0x2e: {  	[tilespmem:s4], [sflag:$0x2] =	stream.indirect.gather [hbm4b:s1+s29], $0x80, s0, s29, $0xb8;
	[tilespmem:$0xC380] =	vst v63  }
0x2f: {  	_ = 	snop  }
0x30: {  	[tilespmem:s2], [sflag:$0x4] =	stream.indirect.gather [hbm4b:s3+s29], $0x1, s0, s29, $0xb8;
	[tilespmem:$0xC380] =	vst v63  }
0x31: {  	_ =	swait.ge [sflag:s6], $0x1000  }
0x32: {  	[sflag:s6] =	ssyncset.done $0x0  }
0x33: {  	s26 =	rddreg [dreg:$0x8];
	[sflag:s6] =	ssyncadd.s32 $0xFFFFF000  }
0x34: {  	[hbm4b:s26+s5] =	stream.linear.scatter [tilespmem:s30], [sflag:$0x5], $0x1000, $0x38;
	[tilespmem:$0xC380] =	vst v63  }
0x35: {  	_ =	swait.ge [sflag:s8], $0x20  }
0x36: {  	[sflag:s8] =	ssyncset.done $0x0  }
0x37: {  	s21 =	rddreg [dreg:$0x9];
	[sflag:s8] =	ssyncadd.s32 $0xFFFFFFE0  }
0x38: {  	[hbm4b:s21+s5] =	stream.linear.scatter [tilespmem:s31], [sflag:$0x7], $0x20, $0x38;
	[tilespmem:$0xC380] =	vst v63  }
0x39: {  	_ =	swait.ge [sflag:s10], $0x1000  }
0x3a: {  	[sflag:s10] =	ssyncset.done $0x0  }
0x3b: {  	s22 =	rddreg [dreg:$0xa];
	[sflag:s10] =	ssyncadd.s32 $0xFFFFF000  }
0x3c: {  	[hbm4b:s22+s5] =	stream.linear.scatter [tilespmem:s4], [sflag:$0x6], $0x1000, $0x38;
	[tilespmem:$0xC380] =	vst v63  }
0x3d: {  	_ =	swait.ge [sflag:s11], $0x20  }
0x3e: {  	[sflag:s11] =	ssyncset.done $0x0  }
0x3f: {  	s24 =	rddreg [dreg:$0xb];
	[sflag:s11] =	ssyncadd.s32 $0xFFFFFFE0  }
0x40: {  	[hbm4b:s24+s5] =	stream.linear.scatter [tilespmem:s2], [sflag:$0x8], $0x20, $0x38;
	[tilespmem:$0xC380] =	vst v63  }
0x41: {  	_ =	swait.ge [sflag:s12], $0x1000  }
0x42: {  	[sflag:s12] =	ssyncset.done $0x0  }
0x43: {  	[sflag:s12] =	ssyncadd.s32 $0xFFFFF000  }
0x44: {  	_ =	swait.ge [sflag:s13], $0x1000  }
0x45: {  	[sflag:s13] =	ssyncset.done $0x0  }
0x46: {  	[sflag:s13] =	ssyncadd.s32 $0xFFFFF000  }
0x47: {  	_ =	swait.ge [sflag:s15], $0x20  }
0x48: {  	[sflag:s15] =	ssyncset.done $0x0  }
0x49: {  	[sflag:s15] =	ssyncadd.s32 $0xFFFFFFE0  }
0x4a: {  	_ =	swait.ge [sflag:s16], $0x20  }
0x4b: {  	[sflag:s16] =	ssyncset.done $0x0  }
0x4c: {  	s25 =	rddreg [dreg:$0xc];
	[sflag:s16] =	ssyncadd.s32 $0xFFFFFFE0  }
0x4d: {  	[tilespmem:s5], [sflag:$0x9] =	stream.linear.gather [hbm4b:s25+s5], $0x50, $0x38;
	[tilespmem:$0xC380] =	vst v63  }
0x4e: {  	_ =	swait.ge [sflag:s28], $0x50  }
0x4f: {  	[sflag:s28] =	ssyncset.done $0x0  }
0x50: {  	[sflag:s28] =	ssyncadd.s32 $0xFFFFFFB0  }
0x51: {  	[tilespmem:s30], [sflag:$0x1] =	stream.indirect.gather [hbm4b:s1+s17], $0x80, s5, s17, $0xb8;
	[tilespmem:$0xC380] =	vst v63  }
0x52: {  	_ = 	snop  }
0x53: {  	[tilespmem:s31], [sflag:$0x3] =	stream.indirect.gather [hbm4b:s3+s17], $0x1, s5, s17, $0xb8;
	[tilespmem:$0xC380] =	vst v63  }
0x54: {  	s26 =	rddreg [dreg:$0x15]  }
0x55: {  	[tilespmem:s0], [sflag:$0x9] =	stream.linear.gather [hbm4b:s26+s5], $0x50, $0x38;
	[tilespmem:$0xC380] =	vst v63  }
0x56: {  	_ =	swait.ge [sflag:s28], $0x50  }
0x57: {  	[sflag:s28] =	ssyncset.done $0x0  }
0x58: {  	s25 =	rddreg [dreg:$0x14];
	[sflag:s28] =	ssyncadd.s32 $0xFFFFFFB0  }
0x59: {  	[tilespmem:s4], [sflag:$0x2] =	stream.indirect.gather [hbm4b:s1+s17], $0x80, s0, s17, $0xb8;
	[tilespmem:$0xC380] =	vst v63  }
0x5a: {  	s26 =	simm.s32 $0x0;
	s24 =	rddreg [dreg:$0x13]  }
0x5b: {  	[tilespmem:s2], [sflag:$0x4] =	stream.indirect.gather [hbm4b:s3+s17], $0x1, s0, s17, $0xb8;
	[tilespmem:$0xC380] =	vst v63  }
.LBB2_2:
0x5c: {  	_ =	swait.ge [sflag:s6], $0x2800  }
0x5d: {  	[sflag:s6] =	ssyncset.done $0x0  }
0x5e: {  	s22 =	sadd.s32 $0xFFFFFB00, s24;
	[sflag:s6] =	ssyncadd.s32 $0xFFFFD800  }
0x5f: {  	[hbm4b:s22+s5] =	stream.linear.scatter [tilespmem:s30], [sflag:$0x5], $0x2800, $0x38;
	[tilespmem:$0xC380] =	vst v63  }
0x60: {  	_ =	swait.ge [sflag:s8], $0x50  }
0x61: {  	p0 =	seq.s32 s26, $0xB4;
	[sflag:s8] =	ssyncset.done $0x0  }
0x62: {  	s21 =	sadd.s32 s26, s20;
	s22 =	simm.s32 @!p0 $0x5;
	[sflag:s8] =	ssyncadd.s32 $0xFFFFFFB0  }
0x63: {  	[hbm4b:s21+s5] =	stream.linear.scatter [tilespmem:s31], [sflag:$0x7], $0x50, $0x38;
	[tilespmem:$0xC380] =	vst v63  }
0x64: {  	_ =	swait.ge @!p0 [sflag:s22], $0x2800  }
0x65: {  	[sflag:s22] =	ssyncset.done @!p0 $0x0  }
0x66: {  	[sflag:s22] =	ssyncadd.s32 @!p0 $0xFFFFD800;
	s22 =	simm.s32 @!p0 $0x7  }
0x67: {  	_ =	swait.ge @!p0 [sflag:s22], $0x50  }
0x68: {  	s21 =	sshrl.u32 @!p0 s25, $0x3;
	[sflag:s22] =	ssyncset.done @!p0 $0x0  }
0x69: {  	s21 =	sadd.s32 @!p0 s7, s21;
	[sflag:s22] =	ssyncadd.s32 @!p0 $0xFFFFFFB0;
	s22 =	simm.s32 @!p0 $0x0  }
0x6a: {  	[tilespmem:s22], [sflag:$0x9] =	stream.linear.gather @!p0 [hbm4b:s21+s22], $0x50, $0x38;
	[tilespmem:$0xC380] =	vst v63  }
0x6b: {  	s21 =	simm.s32 @!p0 $0x9  }
0x6c: {  	_ =	swait.ge @!p0 [sflag:s21], $0x50  }
0x6d: {  	[sflag:s21] =	ssyncset.done @!p0 $0x0  }
0x6e: {  	s9 =	simm.s32 @!p0 $0x100;
	[sflag:s21] =	ssyncadd.s32 @!p0 $0xFFFFFFB0;
	s21 =	simm.s32 @!p0 $0x50  }
0x6f: {  	[tilespmem:s9], [sflag:$0x1] =	stream.indirect.gather @!p0 [hbm4b:s1+s21], $0x80, s22, s21, $0xb8;
	[tilespmem:$0xC380] =	vst v63  }
0x70: {  	s9 =	simm.s32 @!p0 $0x8100  }
0x71: {  	[tilespmem:s9], [sflag:$0x3] =	stream.indirect.gather @!p0 [hbm4b:s3+s21], $0x1, s22, s21, $0xb8;
	[tilespmem:$0xC380] =	vst v63  }
0x72: {  	_ =	swait.ge [sflag:s10], $0x2800  }
0x73: {  	[sflag:s10] =	ssyncset.done $0x0  }
0x74: {  	[sflag:s10] =	ssyncadd.s32 $0xFFFFD800  }
0x75: {  	[hbm4b:s24+s5] =	stream.linear.scatter [tilespmem:s4], [sflag:$0x6], $0x2800, $0x38;
	[tilespmem:$0xC380] =	vst v63  }
.Ltmp0:
0x76: {  	_ = 	snop;
	(pc) =	sbr.rel @p0 .LBB2_4-.Ltmp0, $4  }
0x77: {  	_ =	swait.ge [sflag:s11], $0x50  }
0x78: {  	[sflag:s11] =	ssyncset.done $0x0  }
0x79: {  	s22 =	sadd.s32 s26, s19;
	[sflag:s11] =	ssyncadd.s32 $0xFFFFFFB0  }
0x7a: {  	[hbm4b:s22+s5] =	stream.linear.scatter [tilespmem:s2], [sflag:$0x8], $0x50, $0x38;
	[tilespmem:$0xC380] =	vst v63  }
0x7b: {  	_ =	swait.ge [sflag:s13], $0x2800  }
0x7c: {  	[sflag:s13] =	ssyncset.done $0x0  }
0x7d: {  	[sflag:s13] =	ssyncadd.s32 $0xFFFFD800  }
0x7e: {  	_ =	swait.ge [sflag:s16], $0x50  }
0x7f: {  	[sflag:s16] =	ssyncset.done $0x0  }
0x80: {  	s9 =	sadd.s32 s26, s23;
	[sflag:s16] =	ssyncadd.s32 $0xFFFFFFB0  }
0x81: {  	[tilespmem:s0], [sflag:$0x9] =	stream.linear.gather [hbm4b:s9+s5], $0x50, $0x38;
	[tilespmem:$0xC380] =	vst v63  }
0x82: {  	_ =	swait.ge [sflag:s28], $0x50  }
.Ltmp1:
0x83: {  	[sflag:s28] =	ssyncset.done $0x0;
	(pc) =	sbr.rel .LBB2_2-.Ltmp1, $4  }
0x84: {  	[sflag:s28] =	ssyncadd.s32 $0xFFFFFFB0  }
0x85: {  	[tilespmem:s4], [sflag:$0x2] =	stream.indirect.gather [hbm4b:s1+s17], $0x80, s0, s17, $0xb8;
	[tilespmem:$0xC380] =	vst v63  }
0x86: {  	s26 =	sadd.s32 $0x14, s26;
	s24 =	sadd.s32 $0xA00, s24;
	s25 =	sadd.s32 $0xA0, s25  }
0x87: {  	[tilespmem:s2], [sflag:$0x4] =	stream.indirect.gather [hbm4b:s3+s17], $0x1, s0, s17, $0xb8;
	[tilespmem:$0xC380] =	vst v63  }
.LBB2_4:
0x88: {  	_ =	swait.ge [sflag:s12], $0x2800  }
0x89: {  	[sflag:s12] =	ssyncset.done $0x0  }
0x8a: {  	s9 =	simm.s32 $0x0;
	[sflag:s12] =	ssyncadd.s32 $0xFFFFD800  }
0x8b: {  	v2 =	vor.u32 s9, v0;
	_ =	swait.ge [sflag:s13], $0x2800  }
0x8c: {  	v3 =	vmulhi.u32 $0xCCCCCCCD, v2;
	[sflag:s13] =	ssyncset.done $0x0  }
0x8d: {  	[sflag:s13] =	ssyncadd.s32 $0xFFFFD800  }
0x8e: {  	v3 =	vshrl.u32 v3, $0x3;
	_ =	swait.ge [sflag:s15], $0x50  }
0x8f: {  	v4 =	vmul.u32 $0xFFFFFFF6, v3;
	[sflag:s15] =	ssyncset.done $0x0  }
0x90: {  	s21 =	simm.s32 $0x10;
	[sflag:s15] =	ssyncadd.s32 $0xFFFFFFB0  }
0x91: {  	v5 =	vmov s9;
	v2 =	vadd.s32 v2, v4;
	v4 =	vor.u32 s21, v0;
	_ =	swait.ge [sflag:s16], $0x50  }
0x92: {  	vm0 =	veq.s32 v5, v0;
	vm1 =	vne.s32 v2, $0x0;
	v5 =	vmulhi.u32 $0xCCCCCCCD, v4;
	[sflag:s16] =	ssyncset.done $0x0  }
0x93: {  	vm0 =	vmand vm0, vm1;
	s22 =	rddreg [dreg:$0x7];
	[sflag:s16] =	ssyncadd.s32 $0xFFFFFFB0  }
0x94: {  	v6 =	vsel vm0, $0xFFFFFFFF, v1;
	v5 =	vshrl.u32 v5, $0x3;
	[tilespmem:s9], [sflag:$0x9] =	stream.linear.gather [hbm4b:s22+s9], $0x20, $0x38;
	[tilespmem:$0xC380] =	vst v63  }
0x95: {  	v7 =	vmov s21;
	v3 =	vadd.s32 v6, v3;
	v6 =	vmul.u32 $0xFFFFFFF6, v5;
	_ =	swait.ge [sflag:s28], $0x20  }
0x96: {  	vm0 =	veq.s32 v7, v0;
	s22 =	simm.s32 $0x20;
	[sflag:s28] =	ssyncset.done $0x0  }
0x97: {  	v3 =	vshll.u32 v3, $0x7;
	v4 =	vadd.s32 v4, v6;
	v6 =	vor.u32 s22, v0;
	s25 =	rddreg [dreg:$0x5];
	[sflag:s28] =	ssyncadd.s32 $0xFFFFFFE0  }
0x98: {  	v2 =	vor.u32 v2, v3;
	vm1 =	vne.s32 v4, $0x0;
	v7 =	vmulhi.u32 $0xCCCCCCCD, v6;
	[tilespmem:s18], [sflag:$0x9] =	stream.indirect.gather [hbm4b:s25+s29], $0x80, s9, s29, $0xb8;
	[tilespmem:$0xC380] =	vst v63  }
0x99: {  	vm0 =	vmand vm0, vm1;
	_ =	swait.ge [sflag:s28], $0x1000  }
0x9a: {  	v3 =	vsel vm0, $0xFFFFFFFF, v1;
	v7 =	vshrl.u32 v7, $0x3;
	[sflag:s28] =	ssyncset.done $0x0  }
0x9b: {  	s26 =	simm.s32 $0x30;
	v8 =	vmov s22;
	v3 =	vadd.s32 v3, v5;
	v5 =	vmul.u32 $0xFFFFFFF6, v7;
	s24 =	rddreg [dreg:$0xd];
	[sflag:s28] =	ssyncadd.s32 $0xFFFFF000  }
0x9c: {  	vm0 =	veq.s32 v8, v0;
	[hbm4b:s24+s9] =	stream.linear.scatter [tilespmem:s18], [sflag:$0x7], $0x1000, $0x38;
	[tilespmem:$0xC380] =	vst v63  }
0x9d: {  	v3 =	vshll.u32 v3, $0x7;
	v5 =	vadd.s32 v6, v5;
	v6 =	vor.u32 s26, v0;
	v9 =	vld.idx.msk [tilespmem:v2+s18+$0x0], $0xffff  }
0x9e: {  	v3 =	vor.u32 v4, v3;
	vm1 =	vne.s32 v5, $0x0;
	v2 =	vmulhi.u32 $0xCCCCCCCD, v6  }
0x9f: {  	vm0 =	vmand vm0, vm1  }
0xa0: {  	v4 =	vsel vm0, $0xFFFFFFFF, v1;
	v2 =	vshrl.u32 v2, $0x3  }
0xa1: {  	s25 =	simm.s32 $0x8200;
	v4 =	vadd.s32 v4, v7;
	v7 =	vmul.u32 $0xFFFFFFF6, v2  }
0xa2: {  	v4 =	vshll.u32 v4, $0x7;
	[tilespmem:s25+$0x0] =	vst v9  }
0xa3: {  	v5 =	vor.u32 v5, v4;
	v4 =	vadd.s32 v6, v7;
	v6 =	vld.idx.msk [tilespmem:v3+s18+$0x0], $0xffff;
	_ =	sdelay $0x1  }
0xa4: {  	v8 =	vmov s26;
	s24 =	simm.s32 $0x40  }
0xa5: {  	s26 =	simm.s32 $0x50;
	vm0 =	veq.s32 v8, v0;
	v3 =	vor.u32 s24, v0;
	vm1 =	vne.s32 v4, $0x0  }
.LBB2_5:
0xa6: {  	p0 =	sne.s32 s26, $0x130;
	v7 =	vmulhi.u32 $0xCCCCCCCD, v3;
	vm0 =	vmand vm0, vm1;
	s25 =	sadd.s32 $0x10, s25  }
0xa7: {  	v8 =	vsel vm0, $0xFFFFFFFF, v1;
	[tilespmem:s25+$0x0] =	vst v6  }
.Ltmp2:
0xa8: {  	v8 =	vadd.s32 v8, v2;
	v2 =	vshrl.u32 v7, $0x3;
	v6 =	vld.idx.msk [tilespmem:v5+s18+$0x0], $0xffff;
	(pc) =	sbr.rel @p0 .LBB2_5-.Ltmp2, $4  }
0xa9: {  	v7 =	vmul.u32 $0xFFFFFFF6, v2;
	v5 =	vshll.u32 v8, $0x7  }
0xaa: {  	v5 =	vor.u32 v4, v5  }
0xab: {  	v8 =	vmov s24;
	s24 =	smov.u32 s26;
	v4 =	vadd.s32 v3, v7  }
0xac: {  	s26 =	sadd.s32 $0x10, s26;
	vm0 =	veq.s32 v8, v0;
	v3 =	vor.u32 s24, v0;
	vm1 =	vne.s32 v4, $0x0  }
0xad: {  	v7 =	vmulhi.u32 $0xCCCCCCCD, v3  }
0xae: {  	vm0 =	vmand vm0, vm1  }
0xaf: {  	s9 =	sadd.s32 $0x10, s25;
	v8 =	vsel vm0, $0xFFFFFFFF, v1;
	v7 =	vshrl.u32 v7, $0x3  }
0xb0: {  	[tilespmem:s9+$0x0] =	vst v6;
	v2 =	vadd.s32 v8, v2;
	v61 =	vmul.u32 $0xFFFFFFF6, v7  }
0xb1: {  	v5 =	vld.idx.msk [tilespmem:v5+s18+$0x0], $0xffff;
	v2 =	vshll.u32 v2, $0x7  }
0xb2: {  	v62 =	vmov s24;
	v2 =	vor.u32 v4, v2;
	v3 =	vadd.s32 v3, v61  }
0xb3: {  	vm14 =	veq.s32 v62, v0;
	vm15 =	vne.s32 v3, $0x0  }
0xb4: {  	vm0 =	vmand vm14, vm15  }
0xb5: {  	s9 =	sadd.s32 $0x10, s9;
	v63 =	vsel vm0, $0xFFFFFFFF, v1  }
0xb6: {  	[tilespmem:s9+$0x0] =	vst v5;
	v4 =	vadd.s32 v63, v7  }
0xb7: {  	v2 =	vld.idx.msk [tilespmem:v2+s18+$0x0], $0xffff;
	v4 =	vshll.u32 v4, $0x7  }
0xb8: {  	v3 =	vor.u32 v3, v4;
	_ =	sdelay $0x2  }
0xb9: {  	s9 =	sadd.s32 $0x10, s9  }
0xba: {  	[tilespmem:s9+$0x0] =	vst v2  }
0xbb: {  	v2 =	vld.idx.msk [tilespmem:v3+s18+$0x0], $0xffff;
	_ =	sdelay $0x3  }
0xbc: {  	s9 =	sadd.s32 $0x10, s9  }
0xbd: {  	[tilespmem:s9+$0x0] =	vst v2  }
0xbe: {  	_ =	swait.ge [sflag:s15], $0x1000  }
0xbf: {  	[sflag:s15] =	ssyncset.done $0x0  }
0xc0: {  	s22 =	simm.s32 $0x8200;
	[sflag:s15] =	ssyncadd.s32 $0xFFFFF000  }
0xc1: {  	[tilespmem:s30], [sflag:$0x1] =	stream.indirect.gather [hbm4b:s1+s17], $0x80, s22, s17, $0xb8;
	[tilespmem:$0xC380] =	vst v63  }
0xc2: {  	s24 =	simm.s32 $0x8250  }
0xc3: {  	[tilespmem:s4], [sflag:$0x2] =	stream.indirect.gather [hbm4b:s1+s17], $0x80, s24, s17, $0xb8;
	[tilespmem:$0xC380] =	vst v63  }
0xc4: {  	_ =	swait.ge [sflag:s6], $0x2800  }
0xc5: {  	[sflag:s6] =	ssyncset.done $0x0  }
0xc6: {  	s25 =	rddreg [dreg:$0xf];
	[sflag:s6] =	ssyncadd.s32 $0xFFFFD800  }
0xc7: {  	[hbm4b:s25+s5] =	stream.linear.scatter [tilespmem:s30], [sflag:$0x5], $0x2800, $0x38;
	[tilespmem:$0xC380] =	vst v63  }
0xc8: {  	_ =	swait.ge [sflag:s12], $0x2800  }
0xc9: {  	[sflag:s12] =	ssyncset.done $0x0  }
0xca: {  	s26 =	simm.s32 $0x82A0;
	[sflag:s12] =	ssyncadd.s32 $0xFFFFD800  }
0xcb: {  	[tilespmem:s30], [sflag:$0x1] =	stream.indirect.gather [hbm4b:s1+s17], $0x80, s26, s17, $0xb8;
	[tilespmem:$0xC380] =	vst v63  }
0xcc: {  	_ =	swait.ge [sflag:s10], $0x2800  }
0xcd: {  	[sflag:s10] =	ssyncset.done $0x0  }
0xce: {  	s21 =	rddreg [dreg:$0x10];
	[sflag:s10] =	ssyncadd.s32 $0xFFFFD800  }
0xcf: {  	[hbm4b:s21+s5] =	stream.linear.scatter [tilespmem:s4], [sflag:$0x6], $0x2800, $0x38;
	[tilespmem:$0xC380] =	vst v63  }
0xd0: {  	_ =	swait.ge [sflag:s13], $0x2800  }
0xd1: {  	[sflag:s13] =	ssyncset.done $0x0  }
0xd2: {  	s22 =	simm.s32 $0x82F0;
	[sflag:s13] =	ssyncadd.s32 $0xFFFFD800  }
0xd3: {  	[tilespmem:s4], [sflag:$0x2] =	stream.indirect.gather [hbm4b:s1+s17], $0x80, s22, s17, $0xb8;
	[tilespmem:$0xC380] =	vst v63  }
0xd4: {  	_ =	swait.ge [sflag:s6], $0x2800  }
0xd5: {  	[sflag:s6] =	ssyncset.done $0x0  }
0xd6: {  	s24 =	rddreg [dreg:$0x11];
	[sflag:s6] =	ssyncadd.s32 $0xFFFFD800  }
0xd7: {  	[hbm4b:s24+s5] =	stream.linear.scatter [tilespmem:s30], [sflag:$0x5], $0x2800, $0x38;
	[tilespmem:$0xC380] =	vst v63  }
0xd8: {  	_ =	swait.ge [sflag:s10], $0x2800  }
0xd9: {  	[sflag:s10] =	ssyncset.done $0x0  }
0xda: {  	s25 =	rddreg [dreg:$0x12];
	[sflag:s10] =	ssyncadd.s32 $0xFFFFD800  }
0xdb: {  	[hbm4b:s25+s5] =	stream.linear.scatter [tilespmem:s4], [sflag:$0x6], $0x2800, $0x38;
	[tilespmem:$0xC380] =	vst v63  }
0xdc: {  	_ =	swait.ge [sflag:s12], $0x2800  }
0xdd: {  	[sflag:s12] =	ssyncset.done $0x0  }
0xde: {  	[sflag:s12] =	ssyncadd.s32 $0xFFFFD800  }
0xdf: {  	_ =	swait.ge [sflag:s13], $0x2800  }
0xe0: {  	s14 =	sadd.s32 $0x1, s14;
	s26 =	rddreg [dreg:$0xe]  }
0xe1: {  	p0 =	sne.s32 s14, s26  }
.Ltmp3:
0xe2: {  	_ = 	snop;
	(pc) =	sbr.rel @p0 .LBB2_1-.Ltmp3, $3  }
0xe3: {  	_ =	sdelay $0x1  }
0xe4: {  	[sflag:s13] =	ssyncset.done $0x0  }
0xe5: {  	[sflag:s13] =	ssyncadd.s32 $0xFFFFD800  }
0xe6: {  	_ =	sfence.sel $0x180000  }
0xe7: {  	[bflag:$0x0] =	sbarrier.arrive $0xFFFF  }
0xe8: {  	_ =	strace $0x9000004A  }
0xe9: {  	s0 =	stileid.u32;
	[bflag:$0x2] =	sbarrier.arrive $0xFFFF  }
0xea: {  	p0 =	sne.s32 s0, $0x0;
	s0 =	rddreg [dreg:$0x4]  }
0xeb: {  	s0 =	sadd.s32 @!p0 $0x100000, s0  }
0xec: {  	[sflag:s0] =	ssyncadd.tile.s32 @!p0 $0x1;
	_ =	shalt  }
.Lfunc_end2:
_tile_overlayer_lowered:
.L_overlay_start_2:
0xed: {  	(tag) =	ssettag $0x2  }
0xee: {  	s0 =	rddreg [dreg:$0x0];
	s2 =	stileid.u32  }
0xef: {  	s1 =	rddreg [dreg:$0x1];
	p0 =	sne.s32 s2, $0x0  }
0xf0: {  	s3 =	rddreg [dreg:$0x2];
	[bflag:$0x3] =	sbarrier.arrive $0xFFFF;
	s2 =	simm.s32 @!p0 $0x1C09  }
0xf1: {  	[timem:s3], [sflag:s2] =	dma.local @!p0 [hbm:s0], s1  }
0xf2: {  	s0 =	simm.s32 @!p0 $0x9  }
0xf3: {  	_ =	swait.ge @!p0 [sflag:s0], s1  }
0xf4: {  	s1 =	ssub.s32 @!p0 $0x0, s1;
	[sflag:s0] =	ssyncset.done @!p0 $0x0  }
0xf5: {  	[sflag:s0] =	ssyncadd.s32 @!p0 s1  }
0xf6: {  	[bflag:$0x3] =	sbarrier.arrive $0xFFFF  }
0xf7: {  	_ =	shalt  }

// kernel: kernel.19.cloned.1.call-start
scs
__scs_entry_jumppad:
0x0: {  	(pc) =	sbr.rel $0x88, $3  }
0x1: {  	(tag) =	ssettag $0x0;
	lr =	simm.s32 $0x1  }
0x2: {  	[smem:$0x3F99] =	sst lr;
	_ =	strace $0xD0000000  }
0x3: {  	_ = 	snop  }
0x4: {  	_ = 	snop  }
0x5: {  	_ = 	snop  }
0x6: {  	_ = 	snop  }
0x7: {  	_ = 	snop  }
__scs_overlays_trampoline_lowered:
0x8: {  	[smem:$0x3FA8] =	sst s0  }
0x9: {  	[smem:$0x3FA9] =	sst s1  }
0xa: {  	[smem:$0x3FAA] =	sst s2  }
0xb: {  	[smem:$0x3FAB] =	sst s3  }
0xc: {  	[smem:$0x3FAC] =	sst s4  }
0xd: {  	[smem:$0x3FAD] =	sst s5  }
0xe: {  	[smem:$0x3FAE] =	sst s6  }
0xf: {  	[smem:$0x3FAF] =	sst s7  }
0x10: {  	[smem:$0x3FB0] =	sst s8  }
0x11: {  	[smem:$0x3FB1] =	sst s9;
	s0 =	simm.s32 @!p0 $0x0  }
0x12: {  	s1 =	sld [smem:$0x3F97];
	s0 =	simm.s32 @p0 $0x1  }
0x13: {  	[smem:$0x3FB2] =	sst s0;
	s0 =	simm.s32 @!p1 $0x0  }
0x14: {  	s2 =	sld [smem:$0x3F96];
	s0 =	simm.s32 @p1 $0x1  }
0x15: {  	[smem:$0x3FB3] =	sst s0;
	s0 =	simm.s32 @!p2 $0x0  }
0x16: {  	s3 =	sld [smem:$0x3FDB];
	s0 =	simm.s32 @p2 $0x1  }
0x17: {  	s4 =	simm.s32 $0x1BF5;
	[smem:$0x3FB5] =	sst s0  }
0x18: {  	s0 =	sld [smem:$0x3F98];
	_ =	swait.ge [sflag:s4], $0x0  }
0x19: {  	s7 =	sld [smem:$0x3F99]  }
0x1a: {  	s8 =	sadd.s32 $0xFFFFE003, lr  }
0x1b: {  	s9 =	sadd.s32 $0xFFFFFEF7, lr;
	s5 =	simm.s32 $0xFFFFFFFF;
	p2 =	slt.u32 s8, $0xFFFFF086  }
0x1c: {  	p1 =	slt.u32 s9, $0xF7A;
	s5 =	simm.s32 @!p2 $0x0  }
0x1d: {  	s5 =	simm.s32 @p1 $0x1;
	p0 =	seq.s32 s7, s2  }
0x1e: {  	s7 =	smul.u32 @!p0 $0xF7A, s2;
	p2 =	seq.s32 @!p0 s5, $0x0  }
0x1f: {  	s9 =	smul.u32 $0xF7A, s1;
	s8 =	simm.s32 @!p0 $0x1BF5;
	p2 =	por !p2, p0  }
0x20: {  	[sflag:s8] =	ssyncset.s32 @!p0 $0xFFFFF086;
	s6 =	sadd.s32 @!p0 s3, s7;
	s7 =	simm.s32 @!p0 $0x108  }
0x21: {  	s3 =	sadd.s32 s3, s9;
	s6 =	sadd.s32 @!p0 $0x88, s6;
	s7 =	simm.s32 @p2 $0x1082  }
0x22: {  	[simem:s7], [sflag:s8] =	dma.local @!p0 [hbm:s6], $0xF7A  }
0x23: {  	s9 =	sor.u32 $0xD0000000, s2;
	s6 =	simm.s32 $0x108;
	_ =	swait.ge @!p0 [sflag:s8], $0x0  }
0x24: {  	s3 =	sadd.s32 $0x88, s3;
	s6 =	simm.s32 @!p1 $0x1082;
	[sflag:s4] =	ssyncset.s32 $0xFFFFF086  }
0x25: {  	[simem:s6], [sflag:s4] =	dma.local [hbm:s3], $0xF7A  }
0x26: {  	[smem:$0x3F99] =	sst s1;
	(tag) =	ssettag s2;
	_ =	strace s9  }
0x27: {  	s1 =	sld [smem:$0x3FA9]  }
0x28: {  	s2 =	sld [smem:$0x3FAA]  }
0x29: {  	s4 =	sld [smem:$0x3FAC]  }
0x2a: {  	p0 =	seq.s32 s5, $0x0;
	s5 =	sld [smem:$0x3FAD]  }
0x2b: {  	s6 =	sld [smem:$0x3FAE]  }
0x2c: {  	s7 =	sld [smem:$0x3FAF]  }
0x2d: {  	s3 =	simm.s32 $0x108;
	s8 =	sld [smem:$0x3FB0]  }
0x2e: {  	s3 =	simm.s32 @!p0 $0x1082;
	s9 =	sld [smem:$0x3FB1]  }
0x2f: {  	lr =	sadd.s32 s0, s3;
	s0 =	sld [smem:$0x3FA8]  }
0x30: {  	s3 =	sld [smem:$0x3FAB]  }
0x31: {  	[smem:$0x3FB4] =	sst s10  }
0x32: {  	s10 =	sld [smem:$0x3FB2];
	_ =	sdelay $0x3  }
0x33: {  	p0 =	seq.s32 s10, $0x1;
	s10 =	sld [smem:$0x3FB4];
	_ =	sdelay $0x3  }
0x34: {  	[smem:$0x3FB4] =	sst s10  }
0x35: {  	s10 =	sld [smem:$0x3FB3];
	_ =	sdelay $0x3  }
0x36: {  	p1 =	seq.s32 s10, $0x1;
	s10 =	sld [smem:$0x3FB4];
	_ =	sdelay $0x3  }
0x37: {  	[smem:$0x3FB4] =	sst s10  }
0x38: {  	s10 =	sld [smem:$0x3FB5]  }
0x39: {  	_ = 	snop;
	(pc) =	sbr.ind lr, $3  }
0x3a: {  	_ = 	snop  }
0x3b: {  	_ = 	snop  }
0x3c: {  	p2 =	seq.s32 s10, $0x1;
	s10 =	sld [smem:$0x3FB4]  }
0x3d: {  	_ =	shalt  }
0x3e: {  	_ =	shalt  }
0x3f: {  	_ =	shalt  }
0x40: {  	_ =	shalt  }
0x41: {  	_ =	shalt  }
0x42: {  	_ =	shalt  }
0x43: {  	_ =	shalt  }
0x44: {  	_ =	shalt  }
0x45: {  	_ =	shalt  }
0x46: {  	_ =	shalt  }
0x47: {  	_ =	shalt  }
0x48: {  	_ =	shalt  }
0x49: {  	_ =	shalt  }
0x4a: {  	_ =	shalt  }
0x4b: {  	_ =	shalt  }
0x4c: {  	_ =	shalt  }
0x4d: {  	_ =	shalt  }
0x4e: {  	_ =	shalt  }
0x4f: {  	_ =	shalt  }
0x50: {  	_ =	shalt  }
0x51: {  	_ =	shalt  }
0x52: {  	_ =	shalt  }
0x53: {  	_ =	shalt  }
0x54: {  	_ =	shalt  }
0x55: {  	_ =	shalt  }
0x56: {  	_ =	shalt  }
0x57: {  	_ =	shalt  }
0x58: {  	_ =	shalt  }
0x59: {  	_ =	shalt  }
0x5a: {  	_ =	shalt  }
0x5b: {  	_ =	shalt  }
0x5c: {  	_ =	shalt  }
0x5d: {  	_ =	shalt  }
0x5e: {  	_ =	shalt  }
0x5f: {  	_ =	shalt  }
0x60: {  	_ =	shalt  }
0x61: {  	_ =	shalt  }
0x62: {  	_ =	shalt  }
0x63: {  	_ =	shalt  }
0x64: {  	_ =	shalt  }
0x65: {  	_ =	shalt  }
0x66: {  	_ =	shalt  }
0x67: {  	_ =	shalt  }
0x68: {  	_ =	shalt  }
0x69: {  	_ =	shalt  }
0x6a: {  	_ =	shalt  }
0x6b: {  	_ =	shalt  }
0x6c: {  	_ =	shalt  }
0x6d: {  	_ =	shalt  }
0x6e: {  	_ =	shalt  }
0x6f: {  	_ =	shalt  }
0x70: {  	_ =	shalt  }
0x71: {  	_ =	shalt  }
0x72: {  	_ =	shalt  }
0x73: {  	_ =	shalt  }
0x74: {  	_ =	shalt  }
0x75: {  	_ =	shalt  }
0x76: {  	_ =	shalt  }
0x77: {  	_ =	shalt  }
0x78: {  	_ =	shalt  }
0x79: {  	_ =	shalt  }
0x7a: {  	_ =	shalt  }
0x7b: {  	_ =	shalt  }
0x7c: {  	_ =	shalt  }
0x7d: {  	_ =	shalt  }
0x7e: {  	_ =	shalt  }
0x7f: {  	_ =	shalt  }
0x80: {  	_ =	shalt  }
0x81: {  	_ =	shalt  }
0x82: {  	_ =	shalt  }
0x83: {  	_ =	shalt  }
0x84: {  	_ =	shalt  }
0x85: {  	_ =	shalt  }
0x86: {  	_ =	shalt  }
0x87: {  	_ =	shalt  }
.Lfunc_end0:
.L_simem_size_0:
called_computation.3_lowered:
.L_overlay_start_0:
0x88: {  	s2 =	sld [smem:$0x3FD9]  }
0x89: {  	s3 =	sld [smem:$0x3FFE];
	_ =	sdelay $0x1  }
0x8a: {  	s1 =	srdreg.scid  }
0x8b: {  	s0 =	sand.u32 $0x1, s1  }
0x8c: {  	s17 =	sshll.u32 s0, $0xA;
	s2 =	sadd.s32 s3, s2  }
0x8d: {  	s2 =	sadd.s32 s2, s17  }
0x8e: {  	[smem:$0x3FC0] =	sst s2  }
0x8f: {  	_ = 	snop  }
0x90: {  	s2 =	sld [smem:$0x3FC9]  }
0x91: {  	s18 =	sld [smem:$0x3FC8]  }
0x92: {  	s4 =	sld [smem:$0x3FC7];
	(tm) =	ssettm $0x1  }
0x93: {  	s5 =	sld [smem:$0x3FFB];
	_ =	sdelay $0x3  }
0x94: {  	_ =	strace s5  }
0x95: {  	s5 =	sld [smem:$0x3FFC];
	_ =	sdelay $0x3  }
0x96: {  	_ =	strace s5  }
0x97: {  	s5 =	sld [smem:$0x3FFD];
	_ =	sdelay $0x3  }
0x98: {  	_ =	strace s5  }
0x99: {  	_ =	strace $0x8FFFFFFF  }
0x9a: {  	s19 =	sld [smem:$0x3FDB];
	_ =	sdelay $0x1  }
0x9b: {  	s6 =	simm.s32 $_scs_section_size  }
0x9c: {  	s7 =	simm.s32 $_size__tile_overlayer_lowered;
	s8 =	simm.s32 $_tile_overlayer_lowered  }
0x9d: {  	s22 =	simm.s32 $0x1BFF;
	s21 =	sshll.u32 s8, $0x1;
	s5 =	sadd.s32 s6, s19  }
0x9e: {  	s9 =	simm.s32 $0x0;
	s20 =	sshll.u32 s7, $0x1;
	s7 =	sadd.s32 s21, s5  }
0x9f: {  	[timem:s9], [sflag:s22] =	dma.local [hbm:s7], s20  }
0xa0: {  	_ =	swait.ge [sflag:s22], s20  }
0xa1: {  	s6 =	ssub.s32 $0x0, s20;
	[sflag:s22] =	ssyncset.done $0x0  }
0xa2: {  	[sflag:s22] =	ssyncadd.s32 s6;
	_ =	sdelay $0x1  }
0xa3: {  	s23 =	simm.s32 $0x1B8B  }
0xa4: {  	_ =	swait.ge [sflag:s23], $0x1  }
0xa5: {  	[sflag:s23] =	ssyncset.done $0x0  }
0xa6: {  	s25 =	simm.s32 $0x1B8E;
	s24 =	sld [smem:$0x3FFE];
	[sflag:s23] =	ssyncadd.s32 $0xFFFFFFFF  }
0xa7: {  	s26 =	simm.s32 $execute0_lowered;
	[smem:$0x3FD2] =	sst s25  }
0xa8: {  	s7 =	sshll.u32 s26, $0x1;
	_ =	strace $0x80000046;
	[dreg:$0x1] =	wrdreg $0xFFFFFFFF  }
0xa9: {  	s28 =	simm.s32 $_size_execute0_lowered;
	s5 =	sadd.s32 s5, s7;
	[dreg:$0x0] =	wrdreg $0x0  }
0xaa: {  	s7 =	sshll.u32 s28, $0x1;
	[dreg:$0x2] =	wrdreg s5  }
0xab: {  	[dreg:$0x3] =	wrdreg s7  }
0xac: {  	[dreg:$0x4] =	wrdreg $0xC0  }
0xad: {  	_ =	task [dreg:s9], $0x5FFFF  }
0xae: {  	[dreg:$0x1] =	wrdreg $0xFFFFFFFF  }
0xaf: {  	[dreg:$0x0] =	wrdreg $0x60  }
0xb0: {  	[dreg:$0x2] =	wrdreg s2  }
0xb1: {  	[dreg:$0x3] =	wrdreg s18  }
0xb2: {  	[dreg:$0x4] =	wrdreg s4  }
0xb3: {  	[dreg:$0x5] =	wrdreg s24  }
0xb4: {  	[dreg:$0x6] =	wrdreg $0xC  }
0xb5: {  	_ =	task.clear_ibuf [dreg:s9], $0x7FFFF;
	_ =	strace $0x90000046  }
0xb6: {  	s29 =	simm.s32 $0xC;
	_ =	strace $0x80000048  }
0xb7: {  	_ =	swait.ge [sflag:s29], $0x1  }
0xb8: {  	[sflag:s29] =	ssyncadd.s32 $0xFFFFFFFF  }
0xb9: {  	_ =	strace $0x90000048  }
0xba: {  	_ =	sfence  }
0xbb: {  	s30 =	sld [smem:$0x0];
	_ =	sdelay $0x2  }
0xbc: {  	s31 =	sshll.u32 s1, $0xD;
	s1 =	sshrl.u32 s1, $0x2  }
0xbd: {  	s3 =	sand.u32 $0x4000, s31;
	s1 =	sadd.s32 s1, s30  }
0xbe: {  	s0 =	sor.u32 s3, s0;
	s1 =	sshll.u32 s1, $0x11  }
0xbf: {  	s0 =	sor.u32 s1, s0  }
0xc0: {  	s0 =	sadd.s32 $0x8F2B, s0  }
0xc1: {  	[sflag:s0] =	ssyncadd.remote.s32 $0x1  }
0xc2: {  	_ =	sfence.sel $0xFFFF  }
0xc3: {  	[dreg:$0x0] =	wrdreg $0xFFFFFFFF;
	(pc) =	sbr.abs _section_cstart, $3  }
0xc4: {  	[dreg:$0x1] =	wrdreg $0xFFFFFFFF  }
0xc5: {  	_ =	task.clear_ibuf [dreg:s9], $0x2FFFF;
	_ =	strace $0x9FFFFFFF  }
0xc6: {  	(tm) =	ssettm $0x7FFFFFFF  }
0xc7: {  	_ =	shalt  }
tec
execute0_lowered:
.L_overlay_start_1:
0x0: {  	(tag) =	ssettag $0x1  }
0x1: {  	s1 =	rddreg [dreg:$0x0]  }
0x2: {  	s4 =	rddreg [dreg:$0x2]  }
0x3: {  	s0 =	rddreg [dreg:$0x3];
	s13 =	stileid.u32  }
0x4: {  	s2 =	srdreg.scid;
	s5 =	simm.s32 $0x0;
	s28 =	simm.s32 $0x9  }
0x5: {  	s29 =	simm.s32 $0x20;
	s30 =	simm.s32 $0x100;
	s31 =	simm.s32 $0x8100  }
0x6: {  	s2 =	sand.u32 $0x1, s2;
	s3 =	sshll.u32 s13, $0x1;
	s6 =	smul.u32 $0xC800, s13  }
0x7: {  	[smem:$0x7FF] =	sst s5;
	s7 =	sadd.s32 $0x193200, s0;
	s13 =	smul.u32 $0xC80, s13  }
0x8: {  	s3 =	sor.u32 s2, s3;
	_ =	strace $0x80000047;
	s14 =	smul.u32 $0x640, s2  }
0x9: {  	[dreg:$0x5] =	wrdreg s7;
	s11 =	ssub.s32 $0x2, s2;
	s2 =	smul.u32 $0x6400, s2  }
0xa: {  	s7 =	sadd.s32 $0x18D400, s0;
	s8 =	smul.u32 $0x1400, s3;
	s6 =	sadd.s32 s6, s0  }
0xb: {  	s9 =	sshll.u32 s3, $0x9;
	s18 =	sshll.u32 s3, $0x2;
	s19 =	sshrl.u32 s11, $0x1  }
0xc: {  	s3 =	smul.u32 $0x640, s3;
	s10 =	sadd.s32 s9, s0;
	s12 =	sadd.s32 s18, s0  }
0xd: {  	s11 =	ssub.s32 s11, s19;
	s14 =	sadd.s32 s14, s13;
	s2 =	sadd.s32 s2, s6  }
0xe: {  	s6 =	simm.s32 $0x1;
	s13 =	simm.s32 $0x6;
	s20 =	sadd.s32 $0x192400, s12  }
0xf: {  	s8 =	sadd.s32 s8, s0;
	s21 =	sadd.s32 $0x192200, s12;
	[dreg:$0x6] =	wrdreg s20  }
0x10: {  	s0 =	sadd.s32 $0xF6A00, s0;
	s22 =	sadd.s32 $0xF8400, s10;
	[dreg:$0x7] =	wrdreg s21  }
0x11: {  	s23 =	sadd.s32 $0x104400, s12;
	s3 =	sshrl.u32 s3, $0x3;
	[dreg:$0x8] =	wrdreg s22  }
0x12: {  	s24 =	sadd.s32 $0xFC400, s10;
	s25 =	sadd.s32 $0x104600, s12;
	[dreg:$0x9] =	wrdreg s23  }
0x13: {  	s10 =	sadd.s32 $0x100400, s10;
	s12 =	smax.u32 s11, $0x1;
	[dreg:$0xa] =	wrdreg s24  }
0x14: {  	s16 =	sadd.s32 $0x50, s14;
	s18 =	sadd.s32 $0xF0, s14;
	[dreg:$0xb] =	wrdreg s25  }
0x15: {  	s11 =	simm.s32 $0x4;
	s26 =	sadd.s32 s7, s3;
	[dreg:$0xd] =	wrdreg s10  }
0x16: {  	[dreg:$0xe] =	wrdreg s12;
	s15 =	sadd.s32 $0xCEA00, s8;
	s17 =	sadd.s32 $0xCEF00, s8  }
0x17: {  	s10 =	sshrl.u32 s16, $0x3;
	s20 =	sshrl.u32 s14, $0x3;
	s21 =	sadd.s32 $0xCF400, s8  }
0x18: {  	s22 =	sshrl.u32 s18, $0x3;
	s23 =	sadd.s32 $0xCF900, s8;
	[dreg:$0xf] =	wrdreg s15  }
0x19: {  	s24 =	sadd.s32 $0x6F00, s2;
	s25 =	sadd.s32 $0xA0, s14;
	[dreg:$0x10] =	wrdreg s17  }
0x1a: {  	s2 =	simm.s32 $0x4100;
	s3 =	simm.s32 $0x8180;
	[dreg:$0x11] =	wrdreg s21  }
0x1b: {  	s8 =	simm.s32 $0x3;
	s12 =	simm.s32 $0x5;
	[dreg:$0x12] =	wrdreg s23  }
0x1c: {  	s16 =	simm.s32 $0x8;
	s18 =	simm.s32 $0x8380;
	[dreg:$0x13] =	wrdreg s24  }
0x1d: {  	s14 =	simm.s32 $0x0;
	s19 =	sadd.s32 s10, s0;
	[dreg:$0x14] =	wrdreg s25  }
0x1e: {  	s20 =	sadd.s32 s20, s0;
	s23 =	sadd.s32 s22, s7;
	[dreg:$0xc] =	wrdreg s26  }
0x1f: {  	s26 =	sadd.s32 $0xA, s26;
	s0 =	simm.s32 $0x80;
	s10 =	simm.s32 $0x2  }
0x20: {  	v0 =	vlaneseq.u32;
	v1 =	vimm.s32 $0x0;
	s15 =	simm.s32 $0x7;
	s17 =	simm.s32 $0x50;
	[dreg:$0x15] =	wrdreg s26  }
.LBB2_1:
0x21: {  	s9 =	rddreg [dreg:$0x6]  }
0x22: {  	[tilespmem:s5], [sflag:$0x9] =	stream.linear.gather [hbm4b:s9+s5], $0x20, $0x38;
	[tilespmem:$0xC380] =	vst v63  }
0x23: {  	_ =	swait.ge [sflag:s28], $0x20  }
0x24: {  	[sflag:s28] =	ssyncset.done $0x0  }
0x25: {  	[sflag:s28] =	ssyncadd.s32 $0xFFFFFFE0  }
0x26: {  	[tilespmem:s30], [sflag:$0x1] =	stream.indirect.gather [hbm4b:s1+s29], $0x80, s5, s29, $0xb8;
	[tilespmem:$0xC380] =	vst v63  }
0x27: {  	s24 =	rddreg [dreg:$0x1]  }
0x28: {  	[tilespmem:s31], [sflag:$0x3] =	stream.indirect.gather [hbm4b:s24+s29], $0x1, s5, s29, $0xb8;
	[tilespmem:$0xC380] =	vst v63  }
0x29: {  	s25 =	rddreg [dreg:$0x7]  }
0x2a: {  	[tilespmem:s0], [sflag:$0x9] =	stream.linear.gather [hbm4b:s25+s5], $0x20, $0x38;
	[tilespmem:$0xC380] =	vst v63  }
0x2b: {  	_ =	swait.ge [sflag:s28], $0x20  }
0x2c: {  	[sflag:s28] =	ssyncset.done $0x0  }
0x2d: {  	[sflag:s28] =	ssyncadd.s32 $0xFFFFFFE0  }
0x2e: {  	[tilespmem:s2], [sflag:$0x2] =	stream.indirect.gather [hbm4b:s1+s29], $0x80, s0, s29, $0xb8;
	[tilespmem:$0xC380] =	vst v63  }
0x2f: {  	_ = 	snop  }
0x30: {  	[tilespmem:s3], [sflag:$0x4] =	stream.indirect.gather [hbm4b:s4+s29], $0x1, s0, s29, $0xb8;
	[tilespmem:$0xC380] =	vst v63  }
0x31: {  	_ =	swait.ge [sflag:s6], $0x1000  }
0x32: {  	[sflag:s6] =	ssyncset.done $0x0  }
0x33: {  	s26 =	rddreg [dreg:$0x8];
	[sflag:s6] =	ssyncadd.s32 $0xFFFFF000  }
0x34: {  	[hbm4b:s26+s5] =	stream.linear.scatter [tilespmem:s30], [sflag:$0x5], $0x1000, $0x38;
	[tilespmem:$0xC380] =	vst v63  }
0x35: {  	_ =	swait.ge [sflag:s8], $0x20  }
0x36: {  	[sflag:s8] =	ssyncset.done $0x0  }
0x37: {  	s21 =	rddreg [dreg:$0x9];
	[sflag:s8] =	ssyncadd.s32 $0xFFFFFFE0  }
0x38: {  	[hbm4b:s21+s5] =	stream.linear.scatter [tilespmem:s31], [sflag:$0x7], $0x20, $0x38;
	[tilespmem:$0xC380] =	vst v63  }
0x39: {  	_ =	swait.ge [sflag:s10], $0x1000  }
0x3a: {  	[sflag:s10] =	ssyncset.done $0x0  }
0x3b: {  	s22 =	rddreg [dreg:$0xa];
	[sflag:s10] =	ssyncadd.s32 $0xFFFFF000  }
0x3c: {  	[hbm4b:s22+s5] =	stream.linear.scatter [tilespmem:s2], [sflag:$0x6], $0x1000, $0x38;
	[tilespmem:$0xC380] =	vst v63  }
0x3d: {  	_ =	swait.ge [sflag:s11], $0x20  }
0x3e: {  	[sflag:s11] =	ssyncset.done $0x0  }
0x3f: {  	s24 =	rddreg [dreg:$0xb];
	[sflag:s11] =	ssyncadd.s32 $0xFFFFFFE0  }
0x40: {  	[hbm4b:s24+s5] =	stream.linear.scatter [tilespmem:s3], [sflag:$0x8], $0x20, $0x38;
	[tilespmem:$0xC380] =	vst v63  }
0x41: {  	_ =	swait.ge [sflag:s12], $0x1000  }
0x42: {  	[sflag:s12] =	ssyncset.done $0x0  }
0x43: {  	[sflag:s12] =	ssyncadd.s32 $0xFFFFF000  }
0x44: {  	_ =	swait.ge [sflag:s13], $0x1000  }
0x45: {  	[sflag:s13] =	ssyncset.done $0x0  }
0x46: {  	[sflag:s13] =	ssyncadd.s32 $0xFFFFF000  }
0x47: {  	_ =	swait.ge [sflag:s15], $0x20  }
0x48: {  	[sflag:s15] =	ssyncset.done $0x0  }
0x49: {  	[sflag:s15] =	ssyncadd.s32 $0xFFFFFFE0  }
0x4a: {  	_ =	swait.ge [sflag:s16], $0x20  }
0x4b: {  	[sflag:s16] =	ssyncset.done $0x0  }
0x4c: {  	s25 =	rddreg [dreg:$0xc];
	[sflag:s16] =	ssyncadd.s32 $0xFFFFFFE0  }
0x4d: {  	[tilespmem:s5], [sflag:$0x9] =	stream.linear.gather [hbm4b:s25+s5], $0x50, $0x38;
	[tilespmem:$0xC380] =	vst v63  }
0x4e: {  	_ =	swait.ge [sflag:s28], $0x50  }
0x4f: {  	[sflag:s28] =	ssyncset.done $0x0  }
0x50: {  	[sflag:s28] =	ssyncadd.s32 $0xFFFFFFB0  }
0x51: {  	[tilespmem:s30], [sflag:$0x1] =	stream.indirect.gather [hbm4b:s1+s17], $0x80, s5, s17, $0xb8;
	[tilespmem:$0xC380] =	vst v63  }
0x52: {  	_ = 	snop  }
0x53: {  	[tilespmem:s31], [sflag:$0x3] =	stream.indirect.gather [hbm4b:s4+s17], $0x1, s5, s17, $0xb8;
	[tilespmem:$0xC380] =	vst v63  }
0x54: {  	s26 =	rddreg [dreg:$0x15]  }
0x55: {  	[tilespmem:s0], [sflag:$0x9] =	stream.linear.gather [hbm4b:s26+s5], $0x50, $0x38;
	[tilespmem:$0xC380] =	vst v63  }
0x56: {  	_ =	swait.ge [sflag:s28], $0x50  }
0x57: {  	[sflag:s28] =	ssyncset.done $0x0  }
0x58: {  	s25 =	rddreg [dreg:$0x14];
	[sflag:s28] =	ssyncadd.s32 $0xFFFFFFB0  }
0x59: {  	[tilespmem:s2], [sflag:$0x2] =	stream.indirect.gather [hbm4b:s1+s17], $0x80, s0, s17, $0xb8;
	[tilespmem:$0xC380] =	vst v63  }
0x5a: {  	s26 =	simm.s32 $0x0;
	s24 =	rddreg [dreg:$0x13]  }
0x5b: {  	[tilespmem:s3], [sflag:$0x4] =	stream.indirect.gather [hbm4b:s4+s17], $0x1, s0, s17, $0xb8;
	[tilespmem:$0xC380] =	vst v63  }
.LBB2_2:
0x5c: {  	_ =	swait.ge [sflag:s6], $0x2800  }
0x5d: {  	[sflag:s6] =	ssyncset.done $0x0  }
0x5e: {  	s22 =	sadd.s32 $0xFFFFFB00, s24;
	[sflag:s6] =	ssyncadd.s32 $0xFFFFD800  }
0x5f: {  	[hbm4b:s22+s5] =	stream.linear.scatter [tilespmem:s30], [sflag:$0x5], $0x2800, $0x38;
	[tilespmem:$0xC380] =	vst v63  }
0x60: {  	_ =	swait.ge [sflag:s8], $0x50  }
0x61: {  	p0 =	seq.s32 s26, $0xB4;
	[sflag:s8] =	ssyncset.done $0x0  }
0x62: {  	s21 =	sadd.s32 s26, s20;
	s22 =	simm.s32 @!p0 $0x5;
	[sflag:s8] =	ssyncadd.s32 $0xFFFFFFB0  }
0x63: {  	[hbm4b:s21+s5] =	stream.linear.scatter [tilespmem:s31], [sflag:$0x7], $0x50, $0x38;
	[tilespmem:$0xC380] =	vst v63  }
0x64: {  	_ =	swait.ge @!p0 [sflag:s22], $0x2800  }
0x65: {  	[sflag:s22] =	ssyncset.done @!p0 $0x0  }
0x66: {  	[sflag:s22] =	ssyncadd.s32 @!p0 $0xFFFFD800;
	s22 =	simm.s32 @!p0 $0x7  }
0x67: {  	_ =	swait.ge @!p0 [sflag:s22], $0x50  }
0x68: {  	s21 =	sshrl.u32 @!p0 s25, $0x3;
	[sflag:s22] =	ssyncset.done @!p0 $0x0  }
0x69: {  	s21 =	sadd.s32 @!p0 s7, s21;
	[sflag:s22] =	ssyncadd.s32 @!p0 $0xFFFFFFB0;
	s22 =	simm.s32 @!p0 $0x0  }
0x6a: {  	[tilespmem:s22], [sflag:$0x9] =	stream.linear.gather @!p0 [hbm4b:s21+s22], $0x50, $0x38;
	[tilespmem:$0xC380] =	vst v63  }
0x6b: {  	s21 =	simm.s32 @!p0 $0x9  }
0x6c: {  	_ =	swait.ge @!p0 [sflag:s21], $0x50  }
0x6d: {  	[sflag:s21] =	ssyncset.done @!p0 $0x0  }
0x6e: {  	s9 =	simm.s32 @!p0 $0x100;
	[sflag:s21] =	ssyncadd.s32 @!p0 $0xFFFFFFB0;
	s21 =	simm.s32 @!p0 $0x50  }
0x6f: {  	[tilespmem:s9], [sflag:$0x1] =	stream.indirect.gather @!p0 [hbm4b:s1+s21], $0x80, s22, s21, $0xb8;
	[tilespmem:$0xC380] =	vst v63  }
0x70: {  	s9 =	simm.s32 @!p0 $0x8100  }
0x71: {  	[tilespmem:s9], [sflag:$0x3] =	stream.indirect.gather @!p0 [hbm4b:s4+s21], $0x1, s22, s21, $0xb8;
	[tilespmem:$0xC380] =	vst v63  }
0x72: {  	_ =	swait.ge [sflag:s10], $0x2800  }
0x73: {  	[sflag:s10] =	ssyncset.done $0x0  }
0x74: {  	[sflag:s10] =	ssyncadd.s32 $0xFFFFD800  }
0x75: {  	[hbm4b:s24+s5] =	stream.linear.scatter [tilespmem:s2], [sflag:$0x6], $0x2800, $0x38;
	[tilespmem:$0xC380] =	vst v63  }
.Ltmp0:
0x76: {  	_ = 	snop;
	(pc) =	sbr.rel @p0 .LBB2_4-.Ltmp0, $4  }
0x77: {  	_ =	swait.ge [sflag:s11], $0x50  }
0x78: {  	[sflag:s11] =	ssyncset.done $0x0  }
0x79: {  	s22 =	sadd.s32 s26, s19;
	[sflag:s11] =	ssyncadd.s32 $0xFFFFFFB0  }
0x7a: {  	[hbm4b:s22+s5] =	stream.linear.scatter [tilespmem:s3], [sflag:$0x8], $0x50, $0x38;
	[tilespmem:$0xC380] =	vst v63  }
0x7b: {  	_ =	swait.ge [sflag:s13], $0x2800  }
0x7c: {  	[sflag:s13] =	ssyncset.done $0x0  }
0x7d: {  	[sflag:s13] =	ssyncadd.s32 $0xFFFFD800  }
0x7e: {  	_ =	swait.ge [sflag:s16], $0x50  }
0x7f: {  	[sflag:s16] =	ssyncset.done $0x0  }
0x80: {  	s9 =	sadd.s32 s26, s23;
	[sflag:s16] =	ssyncadd.s32 $0xFFFFFFB0  }
0x81: {  	[tilespmem:s0], [sflag:$0x9] =	stream.linear.gather [hbm4b:s9+s5], $0x50, $0x38;
	[tilespmem:$0xC380] =	vst v63  }
0x82: {  	_ =	swait.ge [sflag:s28], $0x50  }
.Ltmp1:
0x83: {  	[sflag:s28] =	ssyncset.done $0x0;
	(pc) =	sbr.rel .LBB2_2-.Ltmp1, $4  }
0x84: {  	[sflag:s28] =	ssyncadd.s32 $0xFFFFFFB0  }
0x85: {  	[tilespmem:s2], [sflag:$0x2] =	stream.indirect.gather [hbm4b:s1+s17], $0x80, s0, s17, $0xb8;
	[tilespmem:$0xC380] =	vst v63  }
0x86: {  	s26 =	sadd.s32 $0x14, s26;
	s24 =	sadd.s32 $0xA00, s24;
	s25 =	sadd.s32 $0xA0, s25  }
0x87: {  	[tilespmem:s3], [sflag:$0x4] =	stream.indirect.gather [hbm4b:s4+s17], $0x1, s0, s17, $0xb8;
	[tilespmem:$0xC380] =	vst v63  }
.LBB2_4:
0x88: {  	_ =	swait.ge [sflag:s12], $0x2800  }
0x89: {  	[sflag:s12] =	ssyncset.done $0x0  }
0x8a: {  	s9 =	simm.s32 $0x0;
	[sflag:s12] =	ssyncadd.s32 $0xFFFFD800  }
0x8b: {  	v2 =	vor.u32 s9, v0;
	_ =	swait.ge [sflag:s13], $0x2800  }
0x8c: {  	v3 =	vmulhi.u32 $0xCCCCCCCD, v2;
	[sflag:s13] =	ssyncset.done $0x0  }
0x8d: {  	[sflag:s13] =	ssyncadd.s32 $0xFFFFD800  }
0x8e: {  	v3 =	vshrl.u32 v3, $0x3;
	_ =	swait.ge [sflag:s15], $0x50  }
0x8f: {  	v4 =	vmul.u32 $0xFFFFFFF6, v3;
	[sflag:s15] =	ssyncset.done $0x0  }
0x90: {  	s21 =	simm.s32 $0x10;
	[sflag:s15] =	ssyncadd.s32 $0xFFFFFFB0  }
0x91: {  	v5 =	vmov s9;
	v2 =	vadd.s32 v2, v4;
	v4 =	vor.u32 s21, v0;
	_ =	swait.ge [sflag:s16], $0x50  }
0x92: {  	vm0 =	veq.s32 v5, v0;
	vm1 =	vne.s32 v2, $0x0;
	v5 =	vmulhi.u32 $0xCCCCCCCD, v4;
	[sflag:s16] =	ssyncset.done $0x0  }
0x93: {  	vm0 =	vmand vm0, vm1;
	s22 =	rddreg [dreg:$0x7];
	[sflag:s16] =	ssyncadd.s32 $0xFFFFFFB0  }
0x94: {  	v6 =	vsel vm0, $0xFFFFFFFF, v1;
	v5 =	vshrl.u32 v5, $0x3;
	[tilespmem:s9], [sflag:$0x9] =	stream.linear.gather [hbm4b:s22+s9], $0x20, $0x38;
	[tilespmem:$0xC380] =	vst v63  }
0x95: {  	v7 =	vmov s21;
	v3 =	vadd.s32 v6, v3;
	v6 =	vmul.u32 $0xFFFFFFF6, v5;
	_ =	swait.ge [sflag:s28], $0x20  }
0x96: {  	vm0 =	veq.s32 v7, v0;
	s22 =	simm.s32 $0x20;
	[sflag:s28] =	ssyncset.done $0x0  }
0x97: {  	v3 =	vshll.u32 v3, $0x7;
	v4 =	vadd.s32 v4, v6;
	v6 =	vor.u32 s22, v0;
	s25 =	rddreg [dreg:$0x5];
	[sflag:s28] =	ssyncadd.s32 $0xFFFFFFE0  }
0x98: {  	v2 =	vor.u32 v2, v3;
	vm1 =	vne.s32 v4, $0x0;
	v7 =	vmulhi.u32 $0xCCCCCCCD, v6;
	[tilespmem:s18], [sflag:$0x9] =	stream.indirect.gather [hbm4b:s25+s29], $0x80, s9, s29, $0xb8;
	[tilespmem:$0xC380] =	vst v63  }
0x99: {  	vm0 =	vmand vm0, vm1;
	_ =	swait.ge [sflag:s28], $0x1000  }
0x9a: {  	v3 =	vsel vm0, $0xFFFFFFFF, v1;
	v7 =	vshrl.u32 v7, $0x3;
	[sflag:s28] =	ssyncset.done $0x0  }
0x9b: {  	s26 =	simm.s32 $0x30;
	v8 =	vmov s22;
	v3 =	vadd.s32 v3, v5;
	v5 =	vmul.u32 $0xFFFFFFF6, v7;
	s24 =	rddreg [dreg:$0xd];
	[sflag:s28] =	ssyncadd.s32 $0xFFFFF000  }
0x9c: {  	vm0 =	veq.s32 v8, v0;
	[hbm4b:s24+s9] =	stream.linear.scatter [tilespmem:s18], [sflag:$0x7], $0x1000, $0x38;
	[tilespmem:$0xC380] =	vst v63  }
0x9d: {  	v3 =	vshll.u32 v3, $0x7;
	v5 =	vadd.s32 v6, v5;
	v6 =	vor.u32 s26, v0;
	v9 =	vld.idx.msk [tilespmem:v2+s18+$0x0], $0xffff  }
0x9e: {  	v3 =	vor.u32 v4, v3;
	vm1 =	vne.s32 v5, $0x0;
	v2 =	vmulhi.u32 $0xCCCCCCCD, v6  }
0x9f: {  	vm0 =	vmand vm0, vm1  }
0xa0: {  	v4 =	vsel vm0, $0xFFFFFFFF, v1;
	v2 =	vshrl.u32 v2, $0x3  }
0xa1: {  	s25 =	simm.s32 $0x8200;
	v4 =	vadd.s32 v4, v7;
	v7 =	vmul.u32 $0xFFFFFFF6, v2  }
0xa2: {  	v4 =	vshll.u32 v4, $0x7;
	[tilespmem:s25+$0x0] =	vst v9  }
0xa3: {  	v5 =	vor.u32 v5, v4;
	v4 =	vadd.s32 v6, v7;
	v6 =	vld.idx.msk [tilespmem:v3+s18+$0x0], $0xffff;
	_ =	sdelay $0x1  }
0xa4: {  	v8 =	vmov s26;
	s24 =	simm.s32 $0x40  }
0xa5: {  	s26 =	simm.s32 $0x50;
	vm0 =	veq.s32 v8, v0;
	v3 =	vor.u32 s24, v0;
	vm1 =	vne.s32 v4, $0x0  }
.LBB2_5:
0xa6: {  	p0 =	sne.s32 s26, $0x130;
	v7 =	vmulhi.u32 $0xCCCCCCCD, v3;
	vm0 =	vmand vm0, vm1;
	s25 =	sadd.s32 $0x10, s25  }
0xa7: {  	v8 =	vsel vm0, $0xFFFFFFFF, v1;
	[tilespmem:s25+$0x0] =	vst v6  }
.Ltmp2:
0xa8: {  	v8 =	vadd.s32 v8, v2;
	v2 =	vshrl.u32 v7, $0x3;
	v6 =	vld.idx.msk [tilespmem:v5+s18+$0x0], $0xffff;
	(pc) =	sbr.rel @p0 .LBB2_5-.Ltmp2, $4  }
0xa9: {  	v7 =	vmul.u32 $0xFFFFFFF6, v2;
	v5 =	vshll.u32 v8, $0x7  }
0xaa: {  	v5 =	vor.u32 v4, v5  }
0xab: {  	v8 =	vmov s24;
	s24 =	smov.u32 s26;
	v4 =	vadd.s32 v3, v7  }
0xac: {  	s26 =	sadd.s32 $0x10, s26;
	vm0 =	veq.s32 v8, v0;
	v3 =	vor.u32 s24, v0;
	vm1 =	vne.s32 v4, $0x0  }
0xad: {  	v7 =	vmulhi.u32 $0xCCCCCCCD, v3  }
0xae: {  	vm0 =	vmand vm0, vm1  }
0xaf: {  	s9 =	sadd.s32 $0x10, s25;
	v8 =	vsel vm0, $0xFFFFFFFF, v1;
	v7 =	vshrl.u32 v7, $0x3  }
0xb0: {  	[tilespmem:s9+$0x0] =	vst v6;
	v2 =	vadd.s32 v8, v2;
	v61 =	vmul.u32 $0xFFFFFFF6, v7  }
0xb1: {  	v5 =	vld.idx.msk [tilespmem:v5+s18+$0x0], $0xffff;
	v2 =	vshll.u32 v2, $0x7  }
0xb2: {  	v62 =	vmov s24;
	v2 =	vor.u32 v4, v2;
	v3 =	vadd.s32 v3, v61  }
0xb3: {  	vm14 =	veq.s32 v62, v0;
	vm15 =	vne.s32 v3, $0x0  }
0xb4: {  	vm0 =	vmand vm14, vm15  }
0xb5: {  	s9 =	sadd.s32 $0x10, s9;
	v63 =	vsel vm0, $0xFFFFFFFF, v1  }
0xb6: {  	[tilespmem:s9+$0x0] =	vst v5;
	v4 =	vadd.s32 v63, v7  }
0xb7: {  	v2 =	vld.idx.msk [tilespmem:v2+s18+$0x0], $0xffff;
	v4 =	vshll.u32 v4, $0x7  }
0xb8: {  	v3 =	vor.u32 v3, v4;
	_ =	sdelay $0x2  }
0xb9: {  	s9 =	sadd.s32 $0x10, s9  }
0xba: {  	[tilespmem:s9+$0x0] =	vst v2  }
0xbb: {  	v2 =	vld.idx.msk [tilespmem:v3+s18+$0x0], $0xffff;
	_ =	sdelay $0x3  }
0xbc: {  	s9 =	sadd.s32 $0x10, s9  }
0xbd: {  	[tilespmem:s9+$0x0] =	vst v2  }
0xbe: {  	_ =	swait.ge [sflag:s15], $0x1000  }
0xbf: {  	[sflag:s15] =	ssyncset.done $0x0  }
0xc0: {  	s22 =	simm.s32 $0x8200;
	[sflag:s15] =	ssyncadd.s32 $0xFFFFF000  }
0xc1: {  	[tilespmem:s30], [sflag:$0x1] =	stream.indirect.gather [hbm4b:s1+s17], $0x80, s22, s17, $0xb8;
	[tilespmem:$0xC380] =	vst v63  }
0xc2: {  	s24 =	simm.s32 $0x8250  }
0xc3: {  	[tilespmem:s2], [sflag:$0x2] =	stream.indirect.gather [hbm4b:s1+s17], $0x80, s24, s17, $0xb8;
	[tilespmem:$0xC380] =	vst v63  }
0xc4: {  	_ =	swait.ge [sflag:s6], $0x2800  }
0xc5: {  	[sflag:s6] =	ssyncset.done $0x0  }
0xc6: {  	s25 =	rddreg [dreg:$0xf];
	[sflag:s6] =	ssyncadd.s32 $0xFFFFD800  }
0xc7: {  	[hbm4b:s25+s5] =	stream.linear.scatter [tilespmem:s30], [sflag:$0x5], $0x2800, $0x38;
	[tilespmem:$0xC380] =	vst v63  }
0xc8: {  	_ =	swait.ge [sflag:s12], $0x2800  }
0xc9: {  	[sflag:s12] =	ssyncset.done $0x0  }
0xca: {  	s26 =	simm.s32 $0x82A0;
	[sflag:s12] =	ssyncadd.s32 $0xFFFFD800  }
0xcb: {  	[tilespmem:s30], [sflag:$0x1] =	stream.indirect.gather [hbm4b:s1+s17], $0x80, s26, s17, $0xb8;
	[tilespmem:$0xC380] =	vst v63  }
0xcc: {  	_ =	swait.ge [sflag:s10], $0x2800  }
0xcd: {  	[sflag:s10] =	ssyncset.done $0x0  }
0xce: {  	s21 =	rddreg [dreg:$0x10];
	[sflag:s10] =	ssyncadd.s32 $0xFFFFD800  }
0xcf: {  	[hbm4b:s21+s5] =	stream.linear.scatter [tilespmem:s2], [sflag:$0x6], $0x2800, $0x38;
	[tilespmem:$0xC380] =	vst v63  }
0xd0: {  	_ =	swait.ge [sflag:s13], $0x2800  }
0xd1: {  	[sflag:s13] =	ssyncset.done $0x0  }
0xd2: {  	s22 =	simm.s32 $0x82F0;
	[sflag:s13] =	ssyncadd.s32 $0xFFFFD800  }
0xd3: {  	[tilespmem:s2], [sflag:$0x2] =	stream.indirect.gather [hbm4b:s1+s17], $0x80, s22, s17, $0xb8;
	[tilespmem:$0xC380] =	vst v63  }
0xd4: {  	_ =	swait.ge [sflag:s6], $0x2800  }
0xd5: {  	[sflag:s6] =	ssyncset.done $0x0  }
0xd6: {  	s24 =	rddreg [dreg:$0x11];
	[sflag:s6] =	ssyncadd.s32 $0xFFFFD800  }
0xd7: {  	[hbm4b:s24+s5] =	stream.linear.scatter [tilespmem:s30], [sflag:$0x5], $0x2800, $0x38;
	[tilespmem:$0xC380] =	vst v63  }
0xd8: {  	_ =	swait.ge [sflag:s10], $0x2800  }
0xd9: {  	[sflag:s10] =	ssyncset.done $0x0  }
0xda: {  	s25 =	rddreg [dreg:$0x12];
	[sflag:s10] =	ssyncadd.s32 $0xFFFFD800  }
0xdb: {  	[hbm4b:s25+s5] =	stream.linear.scatter [tilespmem:s2], [sflag:$0x6], $0x2800, $0x38;
	[tilespmem:$0xC380] =	vst v63  }
0xdc: {  	_ =	swait.ge [sflag:s12], $0x2800  }
0xdd: {  	[sflag:s12] =	ssyncset.done $0x0  }
0xde: {  	[sflag:s12] =	ssyncadd.s32 $0xFFFFD800  }
0xdf: {  	_ =	swait.ge [sflag:s13], $0x2800  }
0xe0: {  	s14 =	sadd.s32 $0x1, s14;
	s26 =	rddreg [dreg:$0xe]  }
0xe1: {  	p0 =	sne.s32 s14, s26  }
.Ltmp3:
0xe2: {  	_ = 	snop;
	(pc) =	sbr.rel @p0 .LBB2_1-.Ltmp3, $3  }
0xe3: {  	_ =	sdelay $0x1  }
0xe4: {  	[sflag:s13] =	ssyncset.done $0x0  }
0xe5: {  	[sflag:s13] =	ssyncadd.s32 $0xFFFFD800  }
0xe6: {  	_ =	sfence.sel $0x180000  }
0xe7: {  	[bflag:$0x0] =	sbarrier.arrive $0xFFFF  }
0xe8: {  	_ =	strace $0x90000047  }
0xe9: {  	s0 =	stileid.u32;
	[bflag:$0x2] =	sbarrier.arrive $0xFFFF  }
0xea: {  	p0 =	sne.s32 s0, $0x0;
	s0 =	rddreg [dreg:$0x4]  }
0xeb: {  	s0 =	sadd.s32 @!p0 $0x100000, s0  }
0xec: {  	[sflag:s0] =	ssyncadd.tile.s32 @!p0 $0x1;
	_ =	shalt  }
.Lfunc_end2:
_tile_overlayer_lowered:
.L_overlay_start_2:
0xed: {  	(tag) =	ssettag $0x2  }
0xee: {  	s0 =	rddreg [dreg:$0x0];
	s2 =	stileid.u32  }
0xef: {  	s1 =	rddreg [dreg:$0x1];
	p0 =	sne.s32 s2, $0x0  }
0xf0: {  	s3 =	rddreg [dreg:$0x2];
	[bflag:$0x3] =	sbarrier.arrive $0xFFFF;
	s2 =	simm.s32 @!p0 $0x1C09  }
0xf1: {  	[timem:s3], [sflag:s2] =	dma.local @!p0 [hbm:s0], s1  }
0xf2: {  	s0 =	simm.s32 @!p0 $0x9  }
0xf3: {  	_ =	swait.ge @!p0 [sflag:s0], s1  }
0xf4: {  	s1 =	ssub.s32 @!p0 $0x0, s1;
	[sflag:s0] =	ssyncset.done @!p0 $0x0  }
0xf5: {  	[sflag:s0] =	ssyncadd.s32 @!p0 s1  }
0xf6: {  	[bflag:$0x3] =	sbarrier.arrive $0xFFFF  }
0xf7: {  	_ =	shalt  }

</sc_bundles>
